<compile_context>
chip_gen: v7x
topology: tpu7x:2x2x1
jax: 0.10.2.dev20260603
libtpu: 0.0.44.dev20260713+nightly
codegen_flags: <defaults>
</compile_context>

<pallas_src>
import jax
import jax.numpy as jnp
from jax import lax
from jax.experimental import pallas as pl
from jax.experimental.pallas import tpu as pltpu
from jax.experimental.pallas import tpu_sc as plsc

_NC, _NS, _L = 2, 16, 16
_NW = _NC * _NS
_B, _N = 128, 32768
_RPW = _B // _NW
_NCH = _N // _L
_G = 8
_NG = _NCH // _G
_P1U = 4
_PRE = 8
_NEWTON = 12
_CAP = 8192
_NEG = -3.0e38


def _sc_body(x_hbm, o_hbm, row_a, row_b, out_v, cand_v, pos_a, pos_b,
             gm_v, gid_v, sem_in, sem_out):
    wid = lax.axis_index("s") * _NC + lax.axis_index("c")
    zeros_f = jnp.zeros((_L,), jnp.float32)
    ones_i = jnp.ones((_L,), jnp.int32)
    zeros_i = jnp.zeros((_L,), jnp.int32)
    iota = lax.iota(jnp.int32, _L)
    lane15 = iota == (_L - 1)
    row_bufs = [row_a, row_b]
    pos_bufs = [pos_a, pos_b]

    def zf(i, c):
        for u in range(16):
            out_v[pl.ds((i * 16 + u) * _L, _L)] = zeros_f
        return c

    lax.fori_loop(0, _NCH // 16, zf, 0)

    row0 = wid * _RPW
    pltpu.make_async_copy(x_hbm.at[row0], row_bufs[0], sem_in).start()

    ncand_prev = None
    for r in range(_RPW):
        row = wid * _RPW + r
        row_v = row_bufs[r % 2]
        pos_v = pos_bufs[r % 2]
        pltpu.make_async_copy(x_hbm.at[row], row_v, sem_in).wait()
        if r + 1 < _RPW:
            pltpu.make_async_copy(x_hbm.at[row + 1], row_bufs[(r + 1) % 2],
                                  sem_in).start()

        @plsc.parallel_loop(0, _NG, 1, unroll=_P1U,
                            carry=jnp.full((_L,), _NEG, jnp.float32))
        def acc(g, a):
            base = g * (_G * _L)
            v = [row_v[pl.ds(base + c * _L, _L)] for c in range(_G)]
            m01 = jnp.maximum(v[0], v[1])
            m23 = jnp.maximum(v[2], v[3])
            m45 = jnp.maximum(v[4], v[5])
            m67 = jnp.maximum(v[6], v[7])
            gm = jnp.maximum(jnp.maximum(m01, m23),
                             jnp.maximum(m45, m67))
            plsc.store_scatter(gm_v, [jnp.full((_L,), g, jnp.int32)],
                               plsc.cummax(gm), mask=lane15)
            return jnp.maximum(a, gm)

        m = jnp.max(acc)
        lo_v = jnp.full((_L,), m - 1.0, jnp.float32)

        def pre_newton(_, tau_v):
            def stat(j, carry):
                s_v, k_v = carry
                c = gm_v[pl.ds(j * _L, _L)]
                a = c > tau_v
                return (s_v + jnp.where(a, c, 0.0),
                        k_v + jnp.where(a, 1.0, 0.0))

            s_v, k_v = lax.fori_loop(0, _NG // _L, stat, (zeros_f, zeros_f))
            s_spl = jnp.full((_L,), jnp.sum(s_v), jnp.float32)
            k_spl = jnp.full((_L,), jnp.sum(k_v), jnp.float32)
            return (s_spl - 1.0) / k_spl

        lo_v = lax.fori_loop(0, _PRE, pre_newton, lo_v)

        def p1b(j, goff):
            gs = gm_v[pl.ds(j * _L, _L)]
            msk = gs > lo_v
            pos = goff + plsc.cumsum(jnp.where(msk, ones_i, zeros_i)) - 1
            plsc.store_scatter(gid_v, [pos], j * _L + iota, mask=msk)
            return goff + plsc.all_reduce_population_count(msk)

        goff = lax.fori_loop(0, _NG // _L, p1b, zeros_i)
        ngrp = jnp.max(goff)

        def p2(j, off):
            g = gid_v[pl.ds(j, _L)][0]
            base = g * (_G * _L)
            for u in range(_G):
                ofs = base + u * _L
                v = row_v[pl.ds(ofs, _L)]
                msk = v > lo_v
                pos = off + plsc.cumsum(jnp.where(msk, ones_i, zeros_i)) - 1
                st = jnp.logical_and(msk, pos < _CAP)
                plsc.store_scatter(cand_v, [pos], v, mask=st)
                plsc.store_scatter(pos_v, [pos], ofs + iota, mask=st)
                off = off + plsc.all_reduce_population_count(msk)
            return off

        off = lax.fori_loop(0, ngrp, p2, zeros_i)
        k_total = jnp.minimum(jnp.max(off), _CAP)

        pad_idx = jnp.minimum(off + iota, _CAP + _L - 1)
        plsc.store_scatter(cand_v, [pad_idx],
                           jnp.full((_L,), _NEG, jnp.float32))
        plsc.store_scatter(pos_v, [pad_idx], zeros_i)

        ncand = lax.shift_right_logical(k_total + (_L - 1), 4)

        def newton(_, tau_v):
            def stat(j, carry):
                s_v, k_v = carry
                c = cand_v[pl.ds(j * _L, _L)]
                a = c > tau_v
                return (s_v + jnp.where(a, c, 0.0),
                        k_v + jnp.where(a, 1.0, 0.0))

            s_v, k_v = lax.fori_loop(0, ncand, stat, (zeros_f, zeros_f))
            s_spl = jnp.full((_L,), jnp.sum(s_v), jnp.float32)
            k_spl = jnp.full((_L,), jnp.sum(k_v), jnp.float32)
            return (s_spl - 1.0) / k_spl

        tau_v = lax.fori_loop(0, _NEWTON, newton, lo_v)

        if r > 0:
            pltpu.make_async_copy(out_v, o_hbm.at[row - 1], sem_out).wait()
            pos_prev = pos_bufs[(r - 1) % 2]

            def zs(j, c):
                p = pos_prev[pl.ds(j * _L, _L)]
                plsc.store_scatter(out_v, [p], zeros_f)
                return c

            lax.fori_loop(0, ncand_prev, zs, 0)

        def p3(j, c):
            cv = cand_v[pl.ds(j * _L, _L)]
            p = pos_v[pl.ds(j * _L, _L)]
            plsc.store_scatter(out_v, [p], jnp.maximum(cv - tau_v, 0.0),
                               mask=cv > tau_v)
            return c

        lax.fori_loop(0, ncand, p3, 0)

        pltpu.make_async_copy(out_v, o_hbm.at[row], sem_out).start()
        ncand_prev = ncand

    pltpu.make_async_copy(out_v, o_hbm.at[wid * _RPW + _RPW - 1],
                          sem_out).wait()


def kernel(x):
    mesh = plsc.VectorSubcoreMesh(core_axis_name="c", subcore_axis_name="s",
                                  num_cores=_NC, num_subcores=_NS)
    f = pl.kernel(
        _sc_body,
        out_type=jax.ShapeDtypeStruct((_B, _N), jnp.float32),
        mesh=mesh,
        scratch_types=[
            pltpu.VMEM((_N,), jnp.float32),
            pltpu.VMEM((_N,), jnp.float32),
            pltpu.VMEM((_N,), jnp.float32),
            pltpu.VMEM((_CAP + _L,), jnp.float32),
            pltpu.VMEM((_CAP + _L,), jnp.int32),
            pltpu.VMEM((_CAP + _L,), jnp.int32),
            pltpu.VMEM((_NG,), jnp.float32),
            pltpu.VMEM((_NG + _L,), jnp.int32),
            pltpu.SemaphoreType.DMA,
            pltpu.SemaphoreType.DMA,
        ],
        compiler_params=pltpu.CompilerParams(needs_layout_passes=False),
    )
    return f(x)

# --- scband reference (transcript-rebuilt; emitter-appended) ---
"""Pipeline reference for scband-sparsemax-89043261981286 (READ-ONLY COPY).

The authoritative reference and input builder live on the scoring server;
editing this copy changes nothing except your own understanding.
"""

import jax, jax.numpy as jnp
import numpy as np


def _project_simplex_row(v, z=1.0):
    n = v.shape[0]
    v_sorted = -jnp.sort(-v)  # descending sort
    cssv = jnp.cumsum(v_sorted) - z
    ind = jnp.arange(1, n + 1, dtype=v.dtype)
    cond = (v_sorted - cssv / ind) > 0
    rho = jnp.sum(cond).astype(jnp.int32)
    tau = jnp.take(cssv, rho - 1) / rho.astype(v.dtype)
    return jnp.maximum(v - tau, 0.0)


def setup_inputs(seed: int = 0) -> dict:
    key = jax.random.key(seed)
    x = jax.random.normal(key, (128, 32768), dtype=jnp.float32)
    return {"x": x}


def reference(x):
    # Sparsemax: batched projection of each row onto the probability simplex.
    return jax.vmap(_project_simplex_row)(x)

if __name__ == "__main__":
    import jax
    _d = setup_inputs()
    print(jax.jit(kernel)(*tuple(_d.values())))

</pallas_src>

<mosaic_0001>
#map = affine_map<(d0, d1) -> (0, 0)>
module attributes {stable_mosaic.version = 14 : i64} {
  func.func @_sc_body(%arg0: i32, %arg1: i32, %arg2: memref<128x32768xf32, #tpu.memory_space<hbm>>, %arg3: memref<128x32768xf32, #tpu.memory_space<hbm>>, %arg4: memref<32768xf32, #tpu.memory_space<vmem>>, %arg5: memref<32768xf32, #tpu.memory_space<vmem>>, %arg6: memref<32768xf32, #tpu.memory_space<vmem>>, %arg7: memref<8208xf32, #tpu.memory_space<vmem>>, %arg8: memref<8208xi32, #tpu.memory_space<vmem>>, %arg9: memref<8208xi32, #tpu.memory_space<vmem>>, %arg10: memref<256xf32, #tpu.memory_space<vmem>>, %arg11: memref<272xi32, #tpu.memory_space<vmem>>, %arg12: memref<!tpu.dma_semaphore, #tpu.memory_space<semaphore_mem>>, %arg13: memref<!tpu.dma_semaphore, #tpu.memory_space<semaphore_mem>>) attributes {dimension_semantics = [#tpu.dimension_semantics<core_parallel>, #tpu.dimension_semantics<subcore_parallel>], iteration_bounds = array<i64: 2, 16>, scalar_prefetch = 0 : i64, scratch_operands = 10 : i64, tpu.core_type = #tpu.core_type<sc_vector_subcore>, window_params = [{transform_indices = #map}, {transform_indices = #map}]} {
    %mul3A = arith.constant 2 : i32
    %mul3A_0 = arith.muli %arg1, %mul3A : i32
    %add3A = arith.addi %mul3A_0, %arg0 : i32
    %broadcast_in_dim3A = arith.constant 0.000000e+00 : f32
    %broadcast_in_dim3A_1 = vector.broadcast %broadcast_in_dim3A : f32 to vector<16xf32>
    %broadcast_in_dim3A_2 = arith.constant 1 : i32
    %broadcast_in_dim3A_3 = vector.broadcast %broadcast_in_dim3A_2 : i32 to vector<16xi32>
    %broadcast_in_dim3A_4 = arith.constant 0 : i32
    %broadcast_in_dim3A_5 = vector.broadcast %broadcast_in_dim3A_4 : i32 to vector<16xi32>
    %iota3A = tpu.iota {dimensions = array<i32: 0>} : vector<16xi32>
    %eq3A = arith.constant 15 : i32
    %eq3A_6 = vector.broadcast %eq3A : i32 to vector<16xi32>
    %eq3A_7 = arith.cmpi eq, %iota3A, %eq3A_6 : vector<16xi32>
    %scan3A = arith.constant 0 : i32
    %scan3A_8 = arith.constant 0 : i32
    %scan3A_9 = arith.constant 128 : i32
    %scan3A_10 = arith.addi %scan3A_8, %scan3A_9 : i32
    %scan3A_11 = arith.constant 1 : i32
    scf.for %scan3A_487 = %scan3A_8 to %scan3A_10 step %scan3A_11  : i32 {
      %mul3A_488 = arith.constant 16 : i32
      %mul3A_489 = arith.muli %scan3A_487, %mul3A_488 : i32
      %add3A_490 = arith.constant 0 : i32
      %add3A_491 = arith.addi %mul3A_489, %add3A_490 : i32
      %mul3A_492 = arith.constant 16 : i32
      %mul3A_493 = arith.muli %add3A_491, %mul3A_492 : i32
      %swap3A = arith.index_cast %mul3A_493 : i32 to index
      %swap3A_494 = tpu.vector_load %arg6[%swap3A] {strides = array<i32>} : memref<32768xf32, #tpu.memory_space<vmem>>, vector<16xf32>,
      tpu.vector_store %arg6[%swap3A], %broadcast_in_dim3A_1 {strides = array<i32>} : memref<32768xf32, #tpu.memory_space<vmem>>, vector<16xf32>,
      %mul3A_495 = arith.constant 16 : i32
      %mul3A_496 = arith.muli %scan3A_487, %mul3A_495 : i32
      %add3A_497 = arith.constant 1 : i32
      %add3A_498 = arith.addi %mul3A_496, %add3A_497 : i32
      %mul3A_499 = arith.constant 16 : i32
      %mul3A_500 = arith.muli %add3A_498, %mul3A_499 : i32
      %swap3A_501 = arith.index_cast %mul3A_500 : i32 to index
      %swap3A_502 = tpu.vector_load %arg6[%swap3A_501] {strides = array<i32>} : memref<32768xf32, #tpu.memory_space<vmem>>, vector<16xf32>,
      tpu.vector_store %arg6[%swap3A_501], %broadcast_in_dim3A_1 {strides = array<i32>} : memref<32768xf32, #tpu.memory_space<vmem>>, vector<16xf32>,
      %mul3A_503 = arith.constant 16 : i32
      %mul3A_504 = arith.muli %scan3A_487, %mul3A_503 : i32
      %add3A_505 = arith.constant 2 : i32
      %add3A_506 = arith.addi %mul3A_504, %add3A_505 : i32
      %mul3A_507 = arith.constant 16 : i32
      %mul3A_508 = arith.muli %add3A_506, %mul3A_507 : i32
      %swap3A_509 = arith.index_cast %mul3A_508 : i32 to index
      %swap3A_510 = tpu.vector_load %arg6[%swap3A_509] {strides = array<i32>} : memref<32768xf32, #tpu.memory_space<vmem>>, vector<16xf32>,
      tpu.vector_store %arg6[%swap3A_509], %broadcast_in_dim3A_1 {strides = array<i32>} : memref<32768xf32, #tpu.memory_space<vmem>>, vector<16xf32>,
      %mul3A_511 = arith.constant 16 : i32
      %mul3A_512 = arith.muli %scan3A_487, %mul3A_511 : i32
      %add3A_513 = arith.constant 3 : i32
      %add3A_514 = arith.addi %mul3A_512, %add3A_513 : i32
      %mul3A_515 = arith.constant 16 : i32
      %mul3A_516 = arith.muli %add3A_514, %mul3A_515 : i32
      %swap3A_517 = arith.index_cast %mul3A_516 : i32 to index
      %swap3A_518 = tpu.vector_load %arg6[%swap3A_517] {strides = array<i32>} : memref<32768xf32, #tpu.memory_space<vmem>>, vector<16xf32>,
      tpu.vector_store %arg6[%swap3A_517], %broadcast_in_dim3A_1 {strides = array<i32>} : memref<32768xf32, #tpu.memory_space<vmem>>, vector<16xf32>,
      %mul3A_519 = arith.constant 16 : i32
      %mul3A_520 = arith.muli %scan3A_487, %mul3A_519 : i32
      %add3A_521 = arith.constant 4 : i32
      %add3A_522 = arith.addi %mul3A_520, %add3A_521 : i32
      %mul3A_523 = arith.constant 16 : i32
      %mul3A_524 = arith.muli %add3A_522, %mul3A_523 : i32
      %swap3A_525 = arith.index_cast %mul3A_524 : i32 to index
      %swap3A_526 = tpu.vector_load %arg6[%swap3A_525] {strides = array<i32>} : memref<32768xf32, #tpu.memory_space<vmem>>, vector<16xf32>,
      tpu.vector_store %arg6[%swap3A_525], %broadcast_in_dim3A_1 {strides = array<i32>} : memref<32768xf32, #tpu.memory_space<vmem>>, vector<16xf32>,
      %mul3A_527 = arith.constant 16 : i32
      %mul3A_528 = arith.muli %scan3A_487, %mul3A_527 : i32
      %add3A_529 = arith.constant 5 : i32
      %add3A_530 = arith.addi %mul3A_528, %add3A_529 : i32
      %mul3A_531 = arith.constant 16 : i32
      %mul3A_532 = arith.muli %add3A_530, %mul3A_531 : i32
      %swap3A_533 = arith.index_cast %mul3A_532 : i32 to index
      %swap3A_534 = tpu.vector_load %arg6[%swap3A_533] {strides = array<i32>} : memref<32768xf32, #tpu.memory_space<vmem>>, vector<16xf32>,
      tpu.vector_store %arg6[%swap3A_533], %broadcast_in_dim3A_1 {strides = array<i32>} : memref<32768xf32, #tpu.memory_space<vmem>>, vector<16xf32>,
      %mul3A_535 = arith.constant 16 : i32
      %mul3A_536 = arith.muli %scan3A_487, %mul3A_535 : i32
      %add3A_537 = arith.constant 6 : i32
      %add3A_538 = arith.addi %mul3A_536, %add3A_537 : i32
      %mul3A_539 = arith.constant 16 : i32
      %mul3A_540 = arith.muli %add3A_538, %mul3A_539 : i32
      %swap3A_541 = arith.index_cast %mul3A_540 : i32 to index
      %swap3A_542 = tpu.vector_load %arg6[%swap3A_541] {strides = array<i32>} : memref<32768xf32, #tpu.memory_space<vmem>>, vector<16xf32>,
      tpu.vector_store %arg6[%swap3A_541], %broadcast_in_dim3A_1 {strides = array<i32>} : memref<32768xf32, #tpu.memory_space<vmem>>, vector<16xf32>,
      %mul3A_543 = arith.constant 16 : i32
      %mul3A_544 = arith.muli %scan3A_487, %mul3A_543 : i32
      %add3A_545 = arith.constant 7 : i32
      %add3A_546 = arith.addi %mul3A_544, %add3A_545 : i32
      %mul3A_547 = arith.constant 16 : i32
      %mul3A_548 = arith.muli %add3A_546, %mul3A_547 : i32
      %swap3A_549 = arith.index_cast %mul3A_548 : i32 to index
      %swap3A_550 = tpu.vector_load %arg6[%swap3A_549] {strides = array<i32>} : memref<32768xf32, #tpu.memory_space<vmem>>, vector<16xf32>,
      tpu.vector_store %arg6[%swap3A_549], %broadcast_in_dim3A_1 {strides = array<i32>} : memref<32768xf32, #tpu.memory_space<vmem>>, vector<16xf32>,
      %mul3A_551 = arith.constant 16 : i32
      %mul3A_552 = arith.muli %scan3A_487, %mul3A_551 : i32
      %add3A_553 = arith.constant 8 : i32
      %add3A_554 = arith.addi %mul3A_552, %add3A_553 : i32
      %mul3A_555 = arith.constant 16 : i32
      %mul3A_556 = arith.muli %add3A_554, %mul3A_555 : i32
      %swap3A_557 = arith.index_cast %mul3A_556 : i32 to index
      %swap3A_558 = tpu.vector_load %arg6[%swap3A_557] {strides = array<i32>} : memref<32768xf32, #tpu.memory_space<vmem>>, vector<16xf32>,
      tpu.vector_store %arg6[%swap3A_557], %broadcast_in_dim3A_1 {strides = array<i32>} : memref<32768xf32, #tpu.memory_space<vmem>>, vector<16xf32>,
      %mul3A_559 = arith.constant 16 : i32
      %mul3A_560 = arith.muli %scan3A_487, %mul3A_559 : i32
      %add3A_561 = arith.constant 9 : i32
      %add3A_562 = arith.addi %mul3A_560, %add3A_561 : i32
      %mul3A_563 = arith.constant 16 : i32
      %mul3A_564 = arith.muli %add3A_562, %mul3A_563 : i32
      %swap3A_565 = arith.index_cast %mul3A_564 : i32 to index
      %swap3A_566 = tpu.vector_load %arg6[%swap3A_565] {strides = array<i32>} : memref<32768xf32, #tpu.memory_space<vmem>>, vector<16xf32>,
      tpu.vector_store %arg6[%swap3A_565], %broadcast_in_dim3A_1 {strides = array<i32>} : memref<32768xf32, #tpu.memory_space<vmem>>, vector<16xf32>,
      %mul3A_567 = arith.constant 16 : i32
      %mul3A_568 = arith.muli %scan3A_487, %mul3A_567 : i32
      %add3A_569 = arith.constant 10 : i32
      %add3A_570 = arith.addi %mul3A_568, %add3A_569 : i32
      %mul3A_571 = arith.constant 16 : i32
      %mul3A_572 = arith.muli %add3A_570, %mul3A_571 : i32
      %swap3A_573 = arith.index_cast %mul3A_572 : i32 to index
      %swap3A_574 = tpu.vector_load %arg6[%swap3A_573] {strides = array<i32>} : memref<32768xf32, #tpu.memory_space<vmem>>, vector<16xf32>,
      tpu.vector_store %arg6[%swap3A_573], %broadcast_in_dim3A_1 {strides = array<i32>} : memref<32768xf32, #tpu.memory_space<vmem>>, vector<16xf32>,
      %mul3A_575 = arith.constant 16 : i32
      %mul3A_576 = arith.muli %scan3A_487, %mul3A_575 : i32
      %add3A_577 = arith.constant 11 : i32
      %add3A_578 = arith.addi %mul3A_576, %add3A_577 : i32
      %mul3A_579 = arith.constant 16 : i32
      %mul3A_580 = arith.muli %add3A_578, %mul3A_579 : i32
      %swap3A_581 = arith.index_cast %mul3A_580 : i32 to index
      %swap3A_582 = tpu.vector_load %arg6[%swap3A_581] {strides = array<i32>} : memref<32768xf32, #tpu.memory_space<vmem>>, vector<16xf32>,
      tpu.vector_store %arg6[%swap3A_581], %broadcast_in_dim3A_1 {strides = array<i32>} : memref<32768xf32, #tpu.memory_space<vmem>>, vector<16xf32>,
      %mul3A_583 = arith.constant 16 : i32
      %mul3A_584 = arith.muli %scan3A_487, %mul3A_583 : i32
      %add3A_585 = arith.constant 12 : i32
      %add3A_586 = arith.addi %mul3A_584, %add3A_585 : i32
      %mul3A_587 = arith.constant 16 : i32
      %mul3A_588 = arith.muli %add3A_586, %mul3A_587 : i32
      %swap3A_589 = arith.index_cast %mul3A_588 : i32 to index
      %swap3A_590 = tpu.vector_load %arg6[%swap3A_589] {strides = array<i32>} : memref<32768xf32, #tpu.memory_space<vmem>>, vector<16xf32>,
      tpu.vector_store %arg6[%swap3A_589], %broadcast_in_dim3A_1 {strides = array<i32>} : memref<32768xf32, #tpu.memory_space<vmem>>, vector<16xf32>,
      %mul3A_591 = arith.constant 16 : i32
      %mul3A_592 = arith.muli %scan3A_487, %mul3A_591 : i32
      %add3A_593 = arith.constant 13 : i32
      %add3A_594 = arith.addi %mul3A_592, %add3A_593 : i32
      %mul3A_595 = arith.constant 16 : i32
      %mul3A_596 = arith.muli %add3A_594, %mul3A_595 : i32
      %swap3A_597 = arith.index_cast %mul3A_596 : i32 to index
      %swap3A_598 = tpu.vector_load %arg6[%swap3A_597] {strides = array<i32>} : memref<32768xf32, #tpu.memory_space<vmem>>, vector<16xf32>,
      tpu.vector_store %arg6[%swap3A_597], %broadcast_in_dim3A_1 {strides = array<i32>} : memref<32768xf32, #tpu.memory_space<vmem>>, vector<16xf32>,
      %mul3A_599 = arith.constant 16 : i32
      %mul3A_600 = arith.muli %scan3A_487, %mul3A_599 : i32
      %add3A_601 = arith.constant 14 : i32
      %add3A_602 = arith.addi %mul3A_600, %add3A_601 : i32
      %mul3A_603 = arith.constant 16 : i32
      %mul3A_604 = arith.muli %add3A_602, %mul3A_603 : i32
      %swap3A_605 = arith.index_cast %mul3A_604 : i32 to index
      %swap3A_606 = tpu.vector_load %arg6[%swap3A_605] {strides = array<i32>} : memref<32768xf32, #tpu.memory_space<vmem>>, vector<16xf32>,
      tpu.vector_store %arg6[%swap3A_605], %broadcast_in_dim3A_1 {strides = array<i32>} : memref<32768xf32, #tpu.memory_space<vmem>>, vector<16xf32>,
      %mul3A_607 = arith.constant 16 : i32
      %mul3A_608 = arith.muli %scan3A_487, %mul3A_607 : i32
      %add3A_609 = arith.constant 15 : i32
      %add3A_610 = arith.addi %mul3A_608, %add3A_609 : i32
      %mul3A_611 = arith.constant 16 : i32
      %mul3A_612 = arith.muli %add3A_610, %mul3A_611 : i32
      %swap3A_613 = arith.index_cast %mul3A_612 : i32 to index
      %swap3A_614 = tpu.vector_load %arg6[%swap3A_613] {strides = array<i32>} : memref<32768xf32, #tpu.memory_space<vmem>>, vector<16xf32>,
      tpu.vector_store %arg6[%swap3A_613], %broadcast_in_dim3A_1 {strides = array<i32>} : memref<32768xf32, #tpu.memory_space<vmem>>, vector<16xf32>,
    }
    %scan3A_12 = arith.constant 128 : i32
    %mul3A_13 = arith.constant 4 : i32
    %mul3A_14 = arith.muli %add3A, %mul3A_13 : i32
    %dma_start3A = arith.constant 0 : i32
    %dma_start3A_15 = tpu.memref_slice %arg2[%mul3A_14, %dma_start3A] : memref<128x32768xf32, #tpu.memory_space<hbm>> -> memref<1x32768xf32, #tpu.memory_space<hbm>>
    %dma_start3A_16 = tpu.memref_squeeze %dma_start3A_15 : memref<1x32768xf32, #tpu.memory_space<hbm>> -> memref<32768xf32, #tpu.memory_space<hbm>>
    %dma_start3A_17 = arith.constant 0 : i32
    %dma_start3A_18 = tpu.memref_slice %arg2[%mul3A_14, %dma_start3A_17] : memref<128x32768xf32, #tpu.memory_space<hbm>> -> memref<1x32768xf32, #tpu.memory_space<hbm>>
    %dma_start3A_19 = tpu.memref_squeeze %dma_start3A_18 : memref<1x32768xf32, #tpu.memory_space<hbm>> -> memref<32768xf32, #tpu.memory_space<hbm>>
    tpu.enqueue_dma source(%dma_start3A_19 : memref<32768xf32, #tpu.memory_space<hbm>>) target(%arg4 : memref<32768xf32, #tpu.memory_space<vmem>>) target_semaphore(%arg12 : memref<!tpu.dma_semaphore, #tpu.memory_space<semaphore_mem>>)
    %mul3A_20 = arith.constant 4 : i32
    %mul3A_21 = arith.muli %add3A, %mul3A_20 : i32
    %add3A_22 = arith.constant 0 : i32
    %add3A_23 = arith.addi %mul3A_21, %add3A_22 : i32
    %dma_wait3A = arith.constant 0 : i32
    %dma_wait3A_24 = tpu.memref_slice %arg2[%add3A_23, %dma_wait3A] : memref<128x32768xf32, #tpu.memory_space<hbm>> -> memref<1x32768xf32, #tpu.memory_space<hbm>>
    %dma_wait3A_25 = tpu.memref_squeeze %dma_wait3A_24 : memref<1x32768xf32, #tpu.memory_space<hbm>> -> memref<32768xf32, #tpu.memory_space<hbm>>
    %dma_wait3A_26 = arith.constant 0 : i32
    %dma_wait3A_27 = tpu.memref_slice %arg2[%add3A_23, %dma_wait3A_26] : memref<128x32768xf32, #tpu.memory_space<hbm>> -> memref<1x32768xf32, #tpu.memory_space<hbm>>
    %dma_wait3A_28 = tpu.memref_squeeze %dma_wait3A_27 : memref<1x32768xf32, #tpu.memory_space<hbm>> -> memref<32768xf32, #tpu.memory_space<hbm>>
    tpu.wait_dma2 semaphore(%arg12 : memref<!tpu.dma_semaphore, #tpu.memory_space<semaphore_mem>>) src(%dma_wait3A_28 : memref<32768xf32, #tpu.memory_space<hbm>>) dst(%arg4 : memref<32768xf32, #tpu.memory_space<vmem>>)
    %add3A_29 = arith.constant 1 : i32
    %add3A_30 = arith.addi %add3A_23, %add3A_29 : i32
    %dma_start3A_31 = arith.constant 0 : i32
    %dma_start3A_32 = tpu.memref_slice %arg2[%add3A_30, %dma_start3A_31] : memref<128x32768xf32, #tpu.memory_space<hbm>> -> memref<1x32768xf32, #tpu.memory_space<hbm>>
    %dma_start3A_33 = tpu.memref_squeeze %dma_start3A_32 : memref<1x32768xf32, #tpu.memory_space<hbm>> -> memref<32768xf32, #tpu.memory_space<hbm>>
    %dma_start3A_34 = arith.constant 0 : i32
    %dma_start3A_35 = tpu.memref_slice %arg2[%add3A_30, %dma_start3A_34] : memref<128x32768xf32, #tpu.memory_space<hbm>> -> memref<1x32768xf32, #tpu.memory_space<hbm>>
    %dma_start3A_36 = tpu.memref_squeeze %dma_start3A_35 : memref<1x32768xf32, #tpu.memory_space<hbm>> -> memref<32768xf32, #tpu.memory_space<hbm>>
    tpu.enqueue_dma source(%dma_start3A_36 : memref<32768xf32, #tpu.memory_space<hbm>>) target(%arg5 : memref<32768xf32, #tpu.memory_space<vmem>>) target_semaphore(%arg12 : memref<!tpu.dma_semaphore, #tpu.memory_space<semaphore_mem>>)
    %broadcast_in_dim3A_37 = arith.constant -3.000000e+38 : f32
    %broadcast_in_dim3A_38 = vector.broadcast %broadcast_in_dim3A_37 : f32 to vector<16xf32>
    %parallel_loop3A = arith.constant 0 : i32
    %parallel_loop3A_39 = arith.constant 256 : i32
    %parallel_loop3A_40 = arith.constant 1 : i32
    %parallel_loop3A_41 = scf.for %parallel_loop3A_487 = %parallel_loop3A to %parallel_loop3A_39 step %parallel_loop3A_40 iter_args(%parallel_loop3A_488 = %broadcast_in_dim3A_38) -> (vector<16xf32>)  : i32 {
      %parallel_loop3A_489 = arith.constant 128 : i32
      %parallel_loop3A_490 = arith.muli %parallel_loop3A_487, %parallel_loop3A_489 : i32
      %parallel_loop3A_491 = arith.constant 0 : i32
      %parallel_loop3A_492 = arith.addi %parallel_loop3A_490, %parallel_loop3A_491 : i32
      %parallel_loop3A_493 = arith.index_cast %parallel_loop3A_492 : i32 to index
      %parallel_loop3A_494 = tpu.vector_load %arg4[%parallel_loop3A_493] {strides = array<i32>} : memref<32768xf32, #tpu.memory_space<vmem>>, vector<16xf32>,
      %parallel_loop3A_495 = arith.constant 16 : i32
      %parallel_loop3A_496 = arith.addi %parallel_loop3A_490, %parallel_loop3A_495 : i32
      %parallel_loop3A_497 = arith.index_cast %parallel_loop3A_496 : i32 to index
      %parallel_loop3A_498 = tpu.vector_load %arg4[%parallel_loop3A_497] {strides = array<i32>} : memref<32768xf32, #tpu.memory_space<vmem>>, vector<16xf32>,
      %parallel_loop3A_499 = arith.constant 32 : i32
      %parallel_loop3A_500 = arith.addi %parallel_loop3A_490, %parallel_loop3A_499 : i32
      %parallel_loop3A_501 = arith.index_cast %parallel_loop3A_500 : i32 to index
      %parallel_loop3A_502 = tpu.vector_load %arg4[%parallel_loop3A_501] {strides = array<i32>} : memref<32768xf32, #tpu.memory_space<vmem>>, vector<16xf32>,
      %parallel_loop3A_503 = arith.constant 48 : i32
      %parallel_loop3A_504 = arith.addi %parallel_loop3A_490, %parallel_loop3A_503 : i32
      %parallel_loop3A_505 = arith.index_cast %parallel_loop3A_504 : i32 to index
      %parallel_loop3A_506 = tpu.vector_load %arg4[%parallel_loop3A_505] {strides = array<i32>} : memref<32768xf32, #tpu.memory_space<vmem>>, vector<16xf32>,
      %parallel_loop3A_507 = arith.constant 64 : i32
      %parallel_loop3A_508 = arith.addi %parallel_loop3A_490, %parallel_loop3A_507 : i32
      %parallel_loop3A_509 = arith.index_cast %parallel_loop3A_508 : i32 to index
      %parallel_loop3A_510 = tpu.vector_load %arg4[%parallel_loop3A_509] {strides = array<i32>} : memref<32768xf32, #tpu.memory_space<vmem>>, vector<16xf32>,
      %parallel_loop3A_511 = arith.constant 80 : i32
      %parallel_loop3A_512 = arith.addi %parallel_loop3A_490, %parallel_loop3A_511 : i32
      %parallel_loop3A_513 = arith.index_cast %parallel_loop3A_512 : i32 to index
      %parallel_loop3A_514 = tpu.vector_load %arg4[%parallel_loop3A_513] {strides = array<i32>} : memref<32768xf32, #tpu.memory_space<vmem>>, vector<16xf32>,
      %parallel_loop3A_515 = arith.constant 96 : i32
      %parallel_loop3A_516 = arith.addi %parallel_loop3A_490, %parallel_loop3A_515 : i32
      %parallel_loop3A_517 = arith.index_cast %parallel_loop3A_516 : i32 to index
      %parallel_loop3A_518 = tpu.vector_load %arg4[%parallel_loop3A_517] {strides = array<i32>} : memref<32768xf32, #tpu.memory_space<vmem>>, vector<16xf32>,
      %parallel_loop3A_519 = arith.constant 112 : i32
      %parallel_loop3A_520 = arith.addi %parallel_loop3A_490, %parallel_loop3A_519 : i32
      %parallel_loop3A_521 = arith.index_cast %parallel_loop3A_520 : i32 to index
      %parallel_loop3A_522 = tpu.vector_load %arg4[%parallel_loop3A_521] {strides = array<i32>} : memref<32768xf32, #tpu.memory_space<vmem>>, vector<16xf32>,
      %parallel_loop3A_523 = arith.maximumf %parallel_loop3A_494, %parallel_loop3A_498 : vector<16xf32>
      %parallel_loop3A_524 = arith.maximumf %parallel_loop3A_502, %parallel_loop3A_506 : vector<16xf32>
      %parallel_loop3A_525 = arith.maximumf %parallel_loop3A_510, %parallel_loop3A_514 : vector<16xf32>
      %parallel_loop3A_526 = arith.maximumf %parallel_loop3A_518, %parallel_loop3A_522 : vector<16xf32>
      %parallel_loop3A_527 = arith.maximumf %parallel_loop3A_523, %parallel_loop3A_524 : vector<16xf32>
      %parallel_loop3A_528 = arith.maximumf %parallel_loop3A_525, %parallel_loop3A_526 : vector<16xf32>
      %parallel_loop3A_529 = arith.maximumf %parallel_loop3A_527, %parallel_loop3A_528 : vector<16xf32>
      %parallel_loop3A_530 = vector.broadcast %parallel_loop3A_487 : i32 to vector<16xi32>
      %parallel_loop3A_531 = arith.constant true
      %parallel_loop3A_532 = vector.broadcast %parallel_loop3A_531 : i1 to vector<16xi1>
      %parallel_loop3A_533 = tpu.scan <max>, %parallel_loop3A_529 masked %parallel_loop3A_532 : vector<16xf32>, vector<16xi1> -> vector<16xf32>
      tpu.vector_store_idx %arg10[%parallel_loop3A_530], %parallel_loop3A_533 masked %eq3A_7 : memref<256xf32, #tpu.memory_space<vmem>>[vector<16xi32>], vector<16xf32>, vector<16xi1>
      %parallel_loop3A_534 = arith.maximumf %parallel_loop3A_488, %parallel_loop3A_529 : vector<16xf32>
      scf.yield %parallel_loop3A_534 : vector<16xf32>
    } {sc.loop_unroll_factor = 4 : i64, sc.parallel_access}
    %reduce_max3A = arith.constant true
    %reduce_max3A_42 = vector.broadcast %reduce_max3A : i1 to vector<16xi1>
    %reduce_max3A_43 = tpu.scan <max>, %parallel_loop3A_41 masked %reduce_max3A_42 : vector<16xf32>, vector<16xi1> -> vector<16xf32>
    %reduce_max3A_44 = vector.extract %reduce_max3A_43[15] : f32 from vector<16xf32>
    %sub3A = arith.constant 1.000000e+00 : f32
    %sub3A_45 = arith.subf %reduce_max3A_44, %sub3A : f32
    %broadcast_in_dim3A_46 = vector.broadcast %sub3A_45 : f32 to vector<16xf32>
    %scan3A_47 = arith.constant 0 : i32
    %scan3A_48 = arith.constant 8 : i32
    %scan3A_49 = arith.addi %scan3A_47, %scan3A_48 : i32
    %scan3A_50 = arith.constant 1 : i32
    %scan3A_51 = scf.for %scan3A_487 = %scan3A_47 to %scan3A_49 step %scan3A_50 iter_args(%scan3A_488 = %broadcast_in_dim3A_46) -> (vector<16xf32>)  : i32 {
      %scan3A_489 = arith.constant 0 : i32
      %scan3A_490 = arith.constant 16 : i32
      %scan3A_491 = arith.addi %scan3A_489, %scan3A_490 : i32
      %scan3A_492 = arith.constant 1 : i32
      %scan3A_493:2 = scf.for %scan3A_507 = %scan3A_489 to %scan3A_491 step %scan3A_492 iter_args(%scan3A_508 = %broadcast_in_dim3A_1, %scan3A_509 = %broadcast_in_dim3A_1) -> (vector<16xf32>, vector<16xf32>)  : i32 {
        %mul3A_510 = arith.constant 16 : i32
        %mul3A_511 = arith.muli %scan3A_507, %mul3A_510 : i32
        %get3A = arith.index_cast %mul3A_511 : i32 to index
        %get3A_512 = tpu.vector_load %arg10[%get3A] {strides = array<i32>} : memref<256xf32, #tpu.memory_space<vmem>>, vector<16xf32>,
        %gt3A = arith.cmpf ogt, %get3A_512, %scan3A_488 : vector<16xf32>
        %jit3A = arith.constant 0.000000e+00 : f32
        %broadcast_in_dim3A_513 = vector.broadcast %jit3A : f32 to vector<16xf32>
        %select_n3A = arith.select %gt3A, %get3A_512, %broadcast_in_dim3A_513 : vector<16xi1>, vector<16xf32>
        %add3A_514 = arith.addf %scan3A_508, %select_n3A : vector<16xf32>
        %jit3A_515 = arith.constant 1.000000e+00 : f32
        %jit3A_516 = arith.constant 0.000000e+00 : f32
        %broadcast_in_dim3A_517 = vector.broadcast %jit3A_515 : f32 to vector<16xf32>
        %broadcast_in_dim3A_518 = vector.broadcast %jit3A_516 : f32 to vector<16xf32>
        %select_n3A_519 = arith.select %gt3A, %broadcast_in_dim3A_517, %broadcast_in_dim3A_518 : vector<16xi1>, vector<16xf32>
        %add3A_520 = arith.addf %scan3A_509, %select_n3A_519 : vector<16xf32>
        scf.yield %add3A_514, %add3A_520 : vector<16xf32>, vector<16xf32>
      }
      %scan3A_494 = arith.constant 16 : i32
      %reduce_sum3A = arith.constant true
      %reduce_sum3A_495 = vector.broadcast %reduce_sum3A : i1 to vector<16xi1>
      %reduce_sum3A_496 = tpu.scan <sum>, %scan3A_493#0 masked %reduce_sum3A_495 : vector<16xf32>, vector<16xi1> -> vector<16xf32>
      %reduce_sum3A_497 = vector.extract %reduce_sum3A_496[15] : f32 from vector<16xf32>
      %broadcast_in_dim3A_498 = vector.broadcast %reduce_sum3A_497 : f32 to vector<16xf32>
      %reduce_sum3A_499 = arith.constant true
      %reduce_sum3A_500 = vector.broadcast %reduce_sum3A_499 : i1 to vector<16xi1>
      %reduce_sum3A_501 = tpu.scan <sum>, %scan3A_493#1 masked %reduce_sum3A_500 : vector<16xf32>, vector<16xi1> -> vector<16xf32>
      %reduce_sum3A_502 = vector.extract %reduce_sum3A_501[15] : f32 from vector<16xf32>
      %broadcast_in_dim3A_503 = vector.broadcast %reduce_sum3A_502 : f32 to vector<16xf32>
      %sub3A_504 = arith.constant 1.000000e+00 : f32
      %sub3A_505 = vector.broadcast %sub3A_504 : f32 to vector<16xf32>
      %sub3A_506 = arith.subf %broadcast_in_dim3A_498, %sub3A_505 : vector<16xf32>
      %div3A = arith.divf %sub3A_506, %broadcast_in_dim3A_503 : vector<16xf32>
      scf.yield %div3A : vector<16xf32>
    }
    %scan3A_52 = arith.constant 8 : i32
    %scan3A_53 = arith.constant 0 : i32
    %scan3A_54 = arith.constant 16 : i32
    %scan3A_55 = arith.addi %scan3A_53, %scan3A_54 : i32
    %scan3A_56 = arith.constant 1 : i32
    %scan3A_57 = scf.for %scan3A_487 = %scan3A_53 to %scan3A_55 step %scan3A_56 iter_args(%scan3A_488 = %broadcast_in_dim3A_5) -> (vector<16xi32>)  : i32 {
      %mul3A_489 = arith.constant 16 : i32
      %mul3A_490 = arith.muli %scan3A_487, %mul3A_489 : i32
      %get3A = arith.index_cast %mul3A_490 : i32 to index
      %get3A_491 = tpu.vector_load %arg10[%get3A] {strides = array<i32>} : memref<256xf32, #tpu.memory_space<vmem>>, vector<16xf32>,
      %gt3A = arith.cmpf ogt, %get3A_491, %scan3A_51 : vector<16xf32>
      %select_n3A = arith.select %gt3A, %broadcast_in_dim3A_3, %broadcast_in_dim3A_5 : vector<16xi1>, vector<16xi32>
      %broadcast_in_dim3A_492 = arith.constant true
      %broadcast_in_dim3A_493 = vector.broadcast %broadcast_in_dim3A_492 : i1 to vector<16xi1>
      %masked_cumsum3A = tpu.scan <sum>, %select_n3A masked %broadcast_in_dim3A_493 : vector<16xi32>, vector<16xi1> -> vector<16xi32>
      %add3A_494 = arith.addi %scan3A_488, %masked_cumsum3A : vector<16xi32>
      %sub3A_495 = arith.constant 1 : i32
      %sub3A_496 = vector.broadcast %sub3A_495 : i32 to vector<16xi32>
      %sub3A_497 = arith.subi %add3A_494, %sub3A_496 : vector<16xi32>
      %mul3A_498 = arith.constant 16 : i32
      %mul3A_499 = arith.muli %scan3A_487, %mul3A_498 : i32
      %add3A_500 = vector.broadcast %mul3A_499 : i32 to vector<16xi32>
      %add3A_501 = arith.addi %add3A_500, %iota3A : vector<16xi32>
      tpu.vector_store_idx %arg11[%sub3A_497], %add3A_501 masked %gt3A : memref<272xi32, #tpu.memory_space<vmem>>[vector<16xi32>], vector<16xi32>, vector<16xi1>
      %all_reduce_population_count3A = tpu.all_reduce %gt3A {dim = 0 : i64, kind = #tpu.reduction_kind<sum>} : vector<16xi1> -> vector<16xi32>
      %add3A_502 = arith.addi %scan3A_488, %all_reduce_population_count3A : vector<16xi32>
      scf.yield %add3A_502 : vector<16xi32>
    }
    %scan3A_58 = arith.constant 16 : i32
    %reduce_max3A_59 = arith.constant true
    %reduce_max3A_60 = vector.broadcast %reduce_max3A_59 : i1 to vector<16xi1>
    %reduce_max3A_61 = arith.constant -2147483648 : i32
    %reduce_max3A_62 = vector.broadcast %reduce_max3A_61 : i32 to vector<16xi32>
    %reduce_max3A_63 = arith.xori %scan3A_57, %reduce_max3A_62 : vector<16xi32>
    %reduce_max3A_64 = tpu.scan <max>, %reduce_max3A_63 masked %reduce_max3A_60 : vector<16xi32>, vector<16xi1> -> vector<16xi32>
    %reduce_max3A_65 = arith.xori %reduce_max3A_64, %reduce_max3A_62 : vector<16xi32>
    %reduce_max3A_66 = vector.extract %reduce_max3A_65[15] : i32 from vector<16xi32>
    %while3A = arith.constant 0 : i32
    %while3A_67 = arith.subi %reduce_max3A_66, %while3A : i32
    %while3A_68 = arith.addi %while3A, %while3A_67 : i32
    %while3A_69 = arith.constant 1 : i32
    %while3A_70 = arith.divsi %while3A_67, %while3A_69 : i32
    %while3A_71 = arith.muli %while3A_70, %while3A_69 : i32
    %while3A_72 = arith.addi %while3A, %while3A_71 : i32
    %while3A_73 = arith.constant 1 : i32
    %while3A_74 = scf.for %while3A_487 = %while3A to %while3A_72 step %while3A_73 iter_args(%while3A_488 = %broadcast_in_dim3A_5) -> (vector<16xi32>)  : i32 {
      %get3A = arith.index_cast %while3A_487 : i32 to index
      %get3A_489 = tpu.vector_load %arg11[%get3A] {strides = array<i32>} : memref<272xi32, #tpu.memory_space<vmem>>, vector<16xi32>,
      %slice3A = vector.extract_strided_slice %get3A_489 {offsets = [0], sizes = [1], strides = [1]} : vector<16xi32> to vector<1xi32>
      %squeeze3A = vector.extract %slice3A[0] : i32 from vector<1xi32>
      %mul3A_490 = arith.constant 128 : i32
      %mul3A_491 = arith.muli %squeeze3A, %mul3A_490 : i32
      %add3A_492 = arith.constant 0 : i32
      %add3A_493 = arith.addi %mul3A_491, %add3A_492 : i32
      %get3A_494 = arith.index_cast %add3A_493 : i32 to index
      %get3A_495 = tpu.vector_load %arg4[%get3A_494] {strides = array<i32>} : memref<32768xf32, #tpu.memory_space<vmem>>, vector<16xf32>,
      %gt3A = arith.cmpf ogt, %get3A_495, %scan3A_51 : vector<16xf32>
      %select_n3A = arith.select %gt3A, %broadcast_in_dim3A_3, %broadcast_in_dim3A_5 : vector<16xi1>, vector<16xi32>
      %broadcast_in_dim3A_496 = arith.constant true
      %broadcast_in_dim3A_497 = vector.broadcast %broadcast_in_dim3A_496 : i1 to vector<16xi1>
      %masked_cumsum3A = tpu.scan <sum>, %select_n3A masked %broadcast_in_dim3A_497 : vector<16xi32>, vector<16xi1> -> vector<16xi32>
      %add3A_498 = arith.addi %while3A_488, %masked_cumsum3A : vector<16xi32>
      %sub3A_499 = arith.constant 1 : i32
      %sub3A_500 = vector.broadcast %sub3A_499 : i32 to vector<16xi32>
      %sub3A_501 = arith.subi %add3A_498, %sub3A_500 : vector<16xi32>
      %lt3A = arith.constant 8192 : i32
      %lt3A_502 = vector.broadcast %lt3A : i32 to vector<16xi32>
      %lt3A_503 = arith.cmpi slt, %sub3A_501, %lt3A_502 : vector<16xi32>
      %and3A = arith.andi %gt3A, %lt3A_503 : vector<16xi1>
      tpu.vector_store_idx %arg7[%sub3A_501], %get3A_495 masked %and3A : memref<8208xf32, #tpu.memory_space<vmem>>[vector<16xi32>], vector<16xf32>, vector<16xi1>
      %add3A_504 = vector.broadcast %add3A_493 : i32 to vector<16xi32>
      %add3A_505 = arith.addi %add3A_504, %iota3A : vector<16xi32>
      tpu.vector_store_idx %arg8[%sub3A_501], %add3A_505 masked %and3A : memref<8208xi32, #tpu.memory_space<vmem>>[vector<16xi32>], vector<16xi32>, vector<16xi1>
      %all_reduce_population_count3A = tpu.all_reduce %gt3A {dim = 0 : i64, kind = #tpu.reduction_kind<sum>} : vector<16xi1> -> vector<16xi32>
      %add3A_506 = arith.addi %while3A_488, %all_reduce_population_count3A : vector<16xi32>
      %add3A_507 = arith.constant 16 : i32
      %add3A_508 = arith.addi %mul3A_491, %add3A_507 : i32
      %get3A_509 = arith.index_cast %add3A_508 : i32 to index
      %get3A_510 = tpu.vector_load %arg4[%get3A_509] {strides = array<i32>} : memref<32768xf32, #tpu.memory_space<vmem>>, vector<16xf32>,
      %gt3A_511 = arith.cmpf ogt, %get3A_510, %scan3A_51 : vector<16xf32>
      %select_n3A_512 = arith.select %gt3A_511, %broadcast_in_dim3A_3, %broadcast_in_dim3A_5 : vector<16xi1>, vector<16xi32>
      %broadcast_in_dim3A_513 = arith.constant true
      %broadcast_in_dim3A_514 = vector.broadcast %broadcast_in_dim3A_513 : i1 to vector<16xi1>
      %masked_cumsum3A_515 = tpu.scan <sum>, %select_n3A_512 masked %broadcast_in_dim3A_514 : vector<16xi32>, vector<16xi1> -> vector<16xi32>
      %add3A_516 = arith.addi %add3A_506, %masked_cumsum3A_515 : vector<16xi32>
      %sub3A_517 = arith.constant 1 : i32
      %sub3A_518 = vector.broadcast %sub3A_517 : i32 to vector<16xi32>
      %sub3A_519 = arith.subi %add3A_516, %sub3A_518 : vector<16xi32>
      %lt3A_520 = arith.constant 8192 : i32
      %lt3A_521 = vector.broadcast %lt3A_520 : i32 to vector<16xi32>
      %lt3A_522 = arith.cmpi slt, %sub3A_519, %lt3A_521 : vector<16xi32>
      %and3A_523 = arith.andi %gt3A_511, %lt3A_522 : vector<16xi1>
      tpu.vector_store_idx %arg7[%sub3A_519], %get3A_510 masked %and3A_523 : memref<8208xf32, #tpu.memory_space<vmem>>[vector<16xi32>], vector<16xf32>, vector<16xi1>
      %add3A_524 = vector.broadcast %add3A_508 : i32 to vector<16xi32>
      %add3A_525 = arith.addi %add3A_524, %iota3A : vector<16xi32>
      tpu.vector_store_idx %arg8[%sub3A_519], %add3A_525 masked %and3A_523 : memref<8208xi32, #tpu.memory_space<vmem>>[vector<16xi32>], vector<16xi32>, vector<16xi1>
      %all_reduce_population_count3A_526 = tpu.all_reduce %gt3A_511 {dim = 0 : i64, kind = #tpu.reduction_kind<sum>} : vector<16xi1> -> vector<16xi32>
      %add3A_527 = arith.addi %add3A_506, %all_reduce_population_count3A_526 : vector<16xi32>
      %add3A_528 = arith.constant 32 : i32
      %add3A_529 = arith.addi %mul3A_491, %add3A_528 : i32
      %get3A_530 = arith.index_cast %add3A_529 : i32 to index
      %get3A_531 = tpu.vector_load %arg4[%get3A_530] {strides = array<i32>} : memref<32768xf32, #tpu.memory_space<vmem>>, vector<16xf32>,
      %gt3A_532 = arith.cmpf ogt, %get3A_531, %scan3A_51 : vector<16xf32>
      %select_n3A_533 = arith.select %gt3A_532, %broadcast_in_dim3A_3, %broadcast_in_dim3A_5 : vector<16xi1>, vector<16xi32>
      %broadcast_in_dim3A_534 = arith.constant true
      %broadcast_in_dim3A_535 = vector.broadcast %broadcast_in_dim3A_534 : i1 to vector<16xi1>
      %masked_cumsum3A_536 = tpu.scan <sum>, %select_n3A_533 masked %broadcast_in_dim3A_535 : vector<16xi32>, vector<16xi1> -> vector<16xi32>
      %add3A_537 = arith.addi %add3A_527, %masked_cumsum3A_536 : vector<16xi32>
      %sub3A_538 = arith.constant 1 : i32
      %sub3A_539 = vector.broadcast %sub3A_538 : i32 to vector<16xi32>
      %sub3A_540 = arith.subi %add3A_537, %sub3A_539 : vector<16xi32>
      %lt3A_541 = arith.constant 8192 : i32
      %lt3A_542 = vector.broadcast %lt3A_541 : i32 to vector<16xi32>
      %lt3A_543 = arith.cmpi slt, %sub3A_540, %lt3A_542 : vector<16xi32>
      %and3A_544 = arith.andi %gt3A_532, %lt3A_543 : vector<16xi1>
      tpu.vector_store_idx %arg7[%sub3A_540], %get3A_531 masked %and3A_544 : memref<8208xf32, #tpu.memory_space<vmem>>[vector<16xi32>], vector<16xf32>, vector<16xi1>
      %add3A_545 = vector.broadcast %add3A_529 : i32 to vector<16xi32>
      %add3A_546 = arith.addi %add3A_545, %iota3A : vector<16xi32>
      tpu.vector_store_idx %arg8[%sub3A_540], %add3A_546 masked %and3A_544 : memref<8208xi32, #tpu.memory_space<vmem>>[vector<16xi32>], vector<16xi32>, vector<16xi1>
      %all_reduce_population_count3A_547 = tpu.all_reduce %gt3A_532 {dim = 0 : i64, kind = #tpu.reduction_kind<sum>} : vector<16xi1> -> vector<16xi32>
      %add3A_548 = arith.addi %add3A_527, %all_reduce_population_count3A_547 : vector<16xi32>
      %add3A_549 = arith.constant 48 : i32
      %add3A_550 = arith.addi %mul3A_491, %add3A_549 : i32
      %get3A_551 = arith.index_cast %add3A_550 : i32 to index
      %get3A_552 = tpu.vector_load %arg4[%get3A_551] {strides = array<i32>} : memref<32768xf32, #tpu.memory_space<vmem>>, vector<16xf32>,
      %gt3A_553 = arith.cmpf ogt, %get3A_552, %scan3A_51 : vector<16xf32>
      %select_n3A_554 = arith.select %gt3A_553, %broadcast_in_dim3A_3, %broadcast_in_dim3A_5 : vector<16xi1>, vector<16xi32>
      %broadcast_in_dim3A_555 = arith.constant true
      %broadcast_in_dim3A_556 = vector.broadcast %broadcast_in_dim3A_555 : i1 to vector<16xi1>
      %masked_cumsum3A_557 = tpu.scan <sum>, %select_n3A_554 masked %broadcast_in_dim3A_556 : vector<16xi32>, vector<16xi1> -> vector<16xi32>
      %add3A_558 = arith.addi %add3A_548, %masked_cumsum3A_557 : vector<16xi32>
      %sub3A_559 = arith.constant 1 : i32
      %sub3A_560 = vector.broadcast %sub3A_559 : i32 to vector<16xi32>
      %sub3A_561 = arith.subi %add3A_558, %sub3A_560 : vector<16xi32>
      %lt3A_562 = arith.constant 8192 : i32
      %lt3A_563 = vector.broadcast %lt3A_562 : i32 to vector<16xi32>
      %lt3A_564 = arith.cmpi slt, %sub3A_561, %lt3A_563 : vector<16xi32>
      %and3A_565 = arith.andi %gt3A_553, %lt3A_564 : vector<16xi1>
      tpu.vector_store_idx %arg7[%sub3A_561], %get3A_552 masked %and3A_565 : memref<8208xf32, #tpu.memory_space<vmem>>[vector<16xi32>], vector<16xf32>, vector<16xi1>
      %add3A_566 = vector.broadcast %add3A_550 : i32 to vector<16xi32>
      %add3A_567 = arith.addi %add3A_566, %iota3A : vector<16xi32>
      tpu.vector_store_idx %arg8[%sub3A_561], %add3A_567 masked %and3A_565 : memref<8208xi32, #tpu.memory_space<vmem>>[vector<16xi32>], vector<16xi32>, vector<16xi1>
      %all_reduce_population_count3A_568 = tpu.all_reduce %gt3A_553 {dim = 0 : i64, kind = #tpu.reduction_kind<sum>} : vector<16xi1> -> vector<16xi32>
      %add3A_569 = arith.addi %add3A_548, %all_reduce_population_count3A_568 : vector<16xi32>
      %add3A_570 = arith.constant 64 : i32
      %add3A_571 = arith.addi %mul3A_491, %add3A_570 : i32
      %get3A_572 = arith.index_cast %add3A_571 : i32 to index
      %get3A_573 = tpu.vector_load %arg4[%get3A_572] {strides = array<i32>} : memref<32768xf32, #tpu.memory_space<vmem>>, vector<16xf32>,
      %gt3A_574 = arith.cmpf ogt, %get3A_573, %scan3A_51 : vector<16xf32>
      %select_n3A_575 = arith.select %gt3A_574, %broadcast_in_dim3A_3, %broadcast_in_dim3A_5 : vector<16xi1>, vector<16xi32>
      %broadcast_in_dim3A_576 = arith.constant true
      %broadcast_in_dim3A_577 = vector.broadcast %broadcast_in_dim3A_576 : i1 to vector<16xi1>
      %masked_cumsum3A_578 = tpu.scan <sum>, %select_n3A_575 masked %broadcast_in_dim3A_577 : vector<16xi32>, vector<16xi1> -> vector<16xi32>
      %add3A_579 = arith.addi %add3A_569, %masked_cumsum3A_578 : vector<16xi32>
      %sub3A_580 = arith.constant 1 : i32
      %sub3A_581 = vector.broadcast %sub3A_580 : i32 to vector<16xi32>
      %sub3A_582 = arith.subi %add3A_579, %sub3A_581 : vector<16xi32>
      %lt3A_583 = arith.constant 8192 : i32
      %lt3A_584 = vector.broadcast %lt3A_583 : i32 to vector<16xi32>
      %lt3A_585 = arith.cmpi slt, %sub3A_582, %lt3A_584 : vector<16xi32>
      %and3A_586 = arith.andi %gt3A_574, %lt3A_585 : vector<16xi1>
      tpu.vector_store_idx %arg7[%sub3A_582], %get3A_573 masked %and3A_586 : memref<8208xf32, #tpu.memory_space<vmem>>[vector<16xi32>], vector<16xf32>, vector<16xi1>
      %add3A_587 = vector.broadcast %add3A_571 : i32 to vector<16xi32>
      %add3A_588 = arith.addi %add3A_587, %iota3A : vector<16xi32>
      tpu.vector_store_idx %arg8[%sub3A_582], %add3A_588 masked %and3A_586 : memref<8208xi32, #tpu.memory_space<vmem>>[vector<16xi32>], vector<16xi32>, vector<16xi1>
      %all_reduce_population_count3A_589 = tpu.all_reduce %gt3A_574 {dim = 0 : i64, kind = #tpu.reduction_kind<sum>} : vector<16xi1> -> vector<16xi32>
      %add3A_590 = arith.addi %add3A_569, %all_reduce_population_count3A_589 : vector<16xi32>
      %add3A_591 = arith.constant 80 : i32
      %add3A_592 = arith.addi %mul3A_491, %add3A_591 : i32
      %get3A_593 = arith.index_cast %add3A_592 : i32 to index
      %get3A_594 = tpu.vector_load %arg4[%get3A_593] {strides = array<i32>} : memref<32768xf32, #tpu.memory_space<vmem>>, vector<16xf32>,
      %gt3A_595 = arith.cmpf ogt, %get3A_594, %scan3A_51 : vector<16xf32>
      %select_n3A_596 = arith.select %gt3A_595, %broadcast_in_dim3A_3, %broadcast_in_dim3A_5 : vector<16xi1>, vector<16xi32>
      %broadcast_in_dim3A_597 = arith.constant true
      %broadcast_in_dim3A_598 = vector.broadcast %broadcast_in_dim3A_597 : i1 to vector<16xi1>
      %masked_cumsum3A_599 = tpu.scan <sum>, %select_n3A_596 masked %broadcast_in_dim3A_598 : vector<16xi32>, vector<16xi1> -> vector<16xi32>
      %add3A_600 = arith.addi %add3A_590, %masked_cumsum3A_599 : vector<16xi32>
      %sub3A_601 = arith.constant 1 : i32
      %sub3A_602 = vector.broadcast %sub3A_601 : i32 to vector<16xi32>
      %sub3A_603 = arith.subi %add3A_600, %sub3A_602 : vector<16xi32>
      %lt3A_604 = arith.constant 8192 : i32
      %lt3A_605 = vector.broadcast %lt3A_604 : i32 to vector<16xi32>
      %lt3A_606 = arith.cmpi slt, %sub3A_603, %lt3A_605 : vector<16xi32>
      %and3A_607 = arith.andi %gt3A_595, %lt3A_606 : vector<16xi1>
      tpu.vector_store_idx %arg7[%sub3A_603], %get3A_594 masked %and3A_607 : memref<8208xf32, #tpu.memory_space<vmem>>[vector<16xi32>], vector<16xf32>, vector<16xi1>
      %add3A_608 = vector.broadcast %add3A_592 : i32 to vector<16xi32>
      %add3A_609 = arith.addi %add3A_608, %iota3A : vector<16xi32>
      tpu.vector_store_idx %arg8[%sub3A_603], %add3A_609 masked %and3A_607 : memref<8208xi32, #tpu.memory_space<vmem>>[vector<16xi32>], vector<16xi32>, vector<16xi1>
      %all_reduce_population_count3A_610 = tpu.all_reduce %gt3A_595 {dim = 0 : i64, kind = #tpu.reduction_kind<sum>} : vector<16xi1> -> vector<16xi32>
      %add3A_611 = arith.addi %add3A_590, %all_reduce_population_count3A_610 : vector<16xi32>
      %add3A_612 = arith.constant 96 : i32
      %add3A_613 = arith.addi %mul3A_491, %add3A_612 : i32
      %get3A_614 = arith.index_cast %add3A_613 : i32 to index
      %get3A_615 = tpu.vector_load %arg4[%get3A_614] {strides = array<i32>} : memref<32768xf32, #tpu.memory_space<vmem>>, vector<16xf32>,
      %gt3A_616 = arith.cmpf ogt, %get3A_615, %scan3A_51 : vector<16xf32>
      %select_n3A_617 = arith.select %gt3A_616, %broadcast_in_dim3A_3, %broadcast_in_dim3A_5 : vector<16xi1>, vector<16xi32>
      %broadcast_in_dim3A_618 = arith.constant true
      %broadcast_in_dim3A_619 = vector.broadcast %broadcast_in_dim3A_618 : i1 to vector<16xi1>
      %masked_cumsum3A_620 = tpu.scan <sum>, %select_n3A_617 masked %broadcast_in_dim3A_619 : vector<16xi32>, vector<16xi1> -> vector<16xi32>
      %add3A_621 = arith.addi %add3A_611, %masked_cumsum3A_620 : vector<16xi32>
      %sub3A_622 = arith.constant 1 : i32
      %sub3A_623 = vector.broadcast %sub3A_622 : i32 to vector<16xi32>
      %sub3A_624 = arith.subi %add3A_621, %sub3A_623 : vector<16xi32>
      %lt3A_625 = arith.constant 8192 : i32
      %lt3A_626 = vector.broadcast %lt3A_625 : i32 to vector<16xi32>
      %lt3A_627 = arith.cmpi slt, %sub3A_624, %lt3A_626 : vector<16xi32>
      %and3A_628 = arith.andi %gt3A_616, %lt3A_627 : vector<16xi1>
      tpu.vector_store_idx %arg7[%sub3A_624], %get3A_615 masked %and3A_628 : memref<8208xf32, #tpu.memory_space<vmem>>[vector<16xi32>], vector<16xf32>, vector<16xi1>
      %add3A_629 = vector.broadcast %add3A_613 : i32 to vector<16xi32>
      %add3A_630 = arith.addi %add3A_629, %iota3A : vector<16xi32>
      tpu.vector_store_idx %arg8[%sub3A_624], %add3A_630 masked %and3A_628 : memref<8208xi32, #tpu.memory_space<vmem>>[vector<16xi32>], vector<16xi32>, vector<16xi1>
      %all_reduce_population_count3A_631 = tpu.all_reduce %gt3A_616 {dim = 0 : i64, kind = #tpu.reduction_kind<sum>} : vector<16xi1> -> vector<16xi32>
      %add3A_632 = arith.addi %add3A_611, %all_reduce_population_count3A_631 : vector<16xi32>
      %add3A_633 = arith.constant 112 : i32
      %add3A_634 = arith.addi %mul3A_491, %add3A_633 : i32
      %get3A_635 = arith.index_cast %add3A_634 : i32 to index
      %get3A_636 = tpu.vector_load %arg4[%get3A_635] {strides = array<i32>} : memref<32768xf32, #tpu.memory_space<vmem>>, vector<16xf32>,
      %gt3A_637 = arith.cmpf ogt, %get3A_636, %scan3A_51 : vector<16xf32>
      %select_n3A_638 = arith.select %gt3A_637, %broadcast_in_dim3A_3, %broadcast_in_dim3A_5 : vector<16xi1>, vector<16xi32>
      %broadcast_in_dim3A_639 = arith.constant true
      %broadcast_in_dim3A_640 = vector.broadcast %broadcast_in_dim3A_639 : i1 to vector<16xi1>
      %masked_cumsum3A_641 = tpu.scan <sum>, %select_n3A_638 masked %broadcast_in_dim3A_640 : vector<16xi32>, vector<16xi1> -> vector<16xi32>
      %add3A_642 = arith.addi %add3A_632, %masked_cumsum3A_641 : vector<16xi32>
      %sub3A_643 = arith.constant 1 : i32
      %sub3A_644 = vector.broadcast %sub3A_643 : i32 to vector<16xi32>
      %sub3A_645 = arith.subi %add3A_642, %sub3A_644 : vector<16xi32>
      %lt3A_646 = arith.constant 8192 : i32
      %lt3A_647 = vector.broadcast %lt3A_646 : i32 to vector<16xi32>
      %lt3A_648 = arith.cmpi slt, %sub3A_645, %lt3A_647 : vector<16xi32>
      %and3A_649 = arith.andi %gt3A_637, %lt3A_648 : vector<16xi1>
      tpu.vector_store_idx %arg7[%sub3A_645], %get3A_636 masked %and3A_649 : memref<8208xf32, #tpu.memory_space<vmem>>[vector<16xi32>], vector<16xf32>, vector<16xi1>
      %add3A_650 = vector.broadcast %add3A_634 : i32 to vector<16xi32>
      %add3A_651 = arith.addi %add3A_650, %iota3A : vector<16xi32>
      tpu.vector_store_idx %arg8[%sub3A_645], %add3A_651 masked %and3A_649 : memref<8208xi32, #tpu.memory_space<vmem>>[vector<16xi32>], vector<16xi32>, vector<16xi1>
      %all_reduce_population_count3A_652 = tpu.all_reduce %gt3A_637 {dim = 0 : i64, kind = #tpu.reduction_kind<sum>} : vector<16xi1> -> vector<16xi32>
      %add3A_653 = arith.addi %add3A_632, %all_reduce_population_count3A_652 : vector<16xi32>
      scf.yield %add3A_653 : vector<16xi32>
    }
    %while3A_75 = arith.constant 1 : i32
    %while3A_76 = scf.for %while3A_487 = %while3A_72 to %while3A_68 step %while3A_75 iter_args(%while3A_488 = %while3A_74) -> (vector<16xi32>)  : i32 {
      %get3A = arith.index_cast %while3A_487 : i32 to index
      %get3A_489 = tpu.vector_load %arg11[%get3A] {strides = array<i32>} : memref<272xi32, #tpu.memory_space<vmem>>, vector<16xi32>,
      %slice3A = vector.extract_strided_slice %get3A_489 {offsets = [0], sizes = [1], strides = [1]} : vector<16xi32> to vector<1xi32>
      %squeeze3A = vector.extract %slice3A[0] : i32 from vector<1xi32>
      %mul3A_490 = arith.constant 128 : i32
      %mul3A_491 = arith.muli %squeeze3A, %mul3A_490 : i32
      %add3A_492 = arith.constant 0 : i32
      %add3A_493 = arith.addi %mul3A_491, %add3A_492 : i32
      %get3A_494 = arith.index_cast %add3A_493 : i32 to index
      %get3A_495 = tpu.vector_load %arg4[%get3A_494] {strides = array<i32>} : memref<32768xf32, #tpu.memory_space<vmem>>, vector<16xf32>,
      %gt3A = arith.cmpf ogt, %get3A_495, %scan3A_51 : vector<16xf32>
      %select_n3A = arith.select %gt3A, %broadcast_in_dim3A_3, %broadcast_in_dim3A_5 : vector<16xi1>, vector<16xi32>
      %broadcast_in_dim3A_496 = arith.constant true
      %broadcast_in_dim3A_497 = vector.broadcast %broadcast_in_dim3A_496 : i1 to vector<16xi1>
      %masked_cumsum3A = tpu.scan <sum>, %select_n3A masked %broadcast_in_dim3A_497 : vector<16xi32>, vector<16xi1> -> vector<16xi32>
      %add3A_498 = arith.addi %while3A_488, %masked_cumsum3A : vector<16xi32>
      %sub3A_499 = arith.constant 1 : i32
      %sub3A_500 = vector.broadcast %sub3A_499 : i32 to vector<16xi32>
      %sub3A_501 = arith.subi %add3A_498, %sub3A_500 : vector<16xi32>
      %lt3A = arith.constant 8192 : i32
      %lt3A_502 = vector.broadcast %lt3A : i32 to vector<16xi32>
      %lt3A_503 = arith.cmpi slt, %sub3A_501, %lt3A_502 : vector<16xi32>
      %and3A = arith.andi %gt3A, %lt3A_503 : vector<16xi1>
      tpu.vector_store_idx %arg7[%sub3A_501], %get3A_495 masked %and3A : memref<8208xf32, #tpu.memory_space<vmem>>[vector<16xi32>], vector<16xf32>, vector<16xi1>
      %add3A_504 = vector.broadcast %add3A_493 : i32 to vector<16xi32>
      %add3A_505 = arith.addi %add3A_504, %iota3A : vector<16xi32>
      tpu.vector_store_idx %arg8[%sub3A_501], %add3A_505 masked %and3A : memref<8208xi32, #tpu.memory_space<vmem>>[vector<16xi32>], vector<16xi32>, vector<16xi1>
      %all_reduce_population_count3A = tpu.all_reduce %gt3A {dim = 0 : i64, kind = #tpu.reduction_kind<sum>} : vector<16xi1> -> vector<16xi32>
      %add3A_506 = arith.addi %while3A_488, %all_reduce_population_count3A : vector<16xi32>
      %add3A_507 = arith.constant 16 : i32
      %add3A_508 = arith.addi %mul3A_491, %add3A_507 : i32
      %get3A_509 = arith.index_cast %add3A_508 : i32 to index
      %get3A_510 = tpu.vector_load %arg4[%get3A_509] {strides = array<i32>} : memref<32768xf32, #tpu.memory_space<vmem>>, vector<16xf32>,
      %gt3A_511 = arith.cmpf ogt, %get3A_510, %scan3A_51 : vector<16xf32>
      %select_n3A_512 = arith.select %gt3A_511, %broadcast_in_dim3A_3, %broadcast_in_dim3A_5 : vector<16xi1>, vector<16xi32>
      %broadcast_in_dim3A_513 = arith.constant true
      %broadcast_in_dim3A_514 = vector.broadcast %broadcast_in_dim3A_513 : i1 to vector<16xi1>
      %masked_cumsum3A_515 = tpu.scan <sum>, %select_n3A_512 masked %broadcast_in_dim3A_514 : vector<16xi32>, vector<16xi1> -> vector<16xi32>
      %add3A_516 = arith.addi %add3A_506, %masked_cumsum3A_515 : vector<16xi32>
      %sub3A_517 = arith.constant 1 : i32
      %sub3A_518 = vector.broadcast %sub3A_517 : i32 to vector<16xi32>
      %sub3A_519 = arith.subi %add3A_516, %sub3A_518 : vector<16xi32>
      %lt3A_520 = arith.constant 8192 : i32
      %lt3A_521 = vector.broadcast %lt3A_520 : i32 to vector<16xi32>
      %lt3A_522 = arith.cmpi slt, %sub3A_519, %lt3A_521 : vector<16xi32>
      %and3A_523 = arith.andi %gt3A_511, %lt3A_522 : vector<16xi1>
      tpu.vector_store_idx %arg7[%sub3A_519], %get3A_510 masked %and3A_523 : memref<8208xf32, #tpu.memory_space<vmem>>[vector<16xi32>], vector<16xf32>, vector<16xi1>
      %add3A_524 = vector.broadcast %add3A_508 : i32 to vector<16xi32>
      %add3A_525 = arith.addi %add3A_524, %iota3A : vector<16xi32>
      tpu.vector_store_idx %arg8[%sub3A_519], %add3A_525 masked %and3A_523 : memref<8208xi32, #tpu.memory_space<vmem>>[vector<16xi32>], vector<16xi32>, vector<16xi1>
      %all_reduce_population_count3A_526 = tpu.all_reduce %gt3A_511 {dim = 0 : i64, kind = #tpu.reduction_kind<sum>} : vector<16xi1> -> vector<16xi32>
      %add3A_527 = arith.addi %add3A_506, %all_reduce_population_count3A_526 : vector<16xi32>
      %add3A_528 = arith.constant 32 : i32
      %add3A_529 = arith.addi %mul3A_491, %add3A_528 : i32
      %get3A_530 = arith.index_cast %add3A_529 : i32 to index
      %get3A_531 = tpu.vector_load %arg4[%get3A_530] {strides = array<i32>} : memref<32768xf32, #tpu.memory_space<vmem>>, vector<16xf32>,
      %gt3A_532 = arith.cmpf ogt, %get3A_531, %scan3A_51 : vector<16xf32>
      %select_n3A_533 = arith.select %gt3A_532, %broadcast_in_dim3A_3, %broadcast_in_dim3A_5 : vector<16xi1>, vector<16xi32>
      %broadcast_in_dim3A_534 = arith.constant true
      %broadcast_in_dim3A_535 = vector.broadcast %broadcast_in_dim3A_534 : i1 to vector<16xi1>
      %masked_cumsum3A_536 = tpu.scan <sum>, %select_n3A_533 masked %broadcast_in_dim3A_535 : vector<16xi32>, vector<16xi1> -> vector<16xi32>
      %add3A_537 = arith.addi %add3A_527, %masked_cumsum3A_536 : vector<16xi32>
      %sub3A_538 = arith.constant 1 : i32
      %sub3A_539 = vector.broadcast %sub3A_538 : i32 to vector<16xi32>
      %sub3A_540 = arith.subi %add3A_537, %sub3A_539 : vector<16xi32>
      %lt3A_541 = arith.constant 8192 : i32
      %lt3A_542 = vector.broadcast %lt3A_541 : i32 to vector<16xi32>
      %lt3A_543 = arith.cmpi slt, %sub3A_540, %lt3A_542 : vector<16xi32>
      %and3A_544 = arith.andi %gt3A_532, %lt3A_543 : vector<16xi1>
      tpu.vector_store_idx %arg7[%sub3A_540], %get3A_531 masked %and3A_544 : memref<8208xf32, #tpu.memory_space<vmem>>[vector<16xi32>], vector<16xf32>, vector<16xi1>
      %add3A_545 = vector.broadcast %add3A_529 : i32 to vector<16xi32>
      %add3A_546 = arith.addi %add3A_545, %iota3A : vector<16xi32>
      tpu.vector_store_idx %arg8[%sub3A_540], %add3A_546 masked %and3A_544 : memref<8208xi32, #tpu.memory_space<vmem>>[vector<16xi32>], vector<16xi32>, vector<16xi1>
      %all_reduce_population_count3A_547 = tpu.all_reduce %gt3A_532 {dim = 0 : i64, kind = #tpu.reduction_kind<sum>} : vector<16xi1> -> vector<16xi32>
      %add3A_548 = arith.addi %add3A_527, %all_reduce_population_count3A_547 : vector<16xi32>
      %add3A_549 = arith.constant 48 : i32
      %add3A_550 = arith.addi %mul3A_491, %add3A_549 : i32
      %get3A_551 = arith.index_cast %add3A_550 : i32 to index
      %get3A_552 = tpu.vector_load %arg4[%get3A_551] {strides = array<i32>} : memref<32768xf32, #tpu.memory_space<vmem>>, vector<16xf32>,
      %gt3A_553 = arith.cmpf ogt, %get3A_552, %scan3A_51 : vector<16xf32>
      %select_n3A_554 = arith.select %gt3A_553, %broadcast_in_dim3A_3, %broadcast_in_dim3A_5 : vector<16xi1>, vector<16xi32>
      %broadcast_in_dim3A_555 = arith.constant true
      %broadcast_in_dim3A_556 = vector.broadcast %broadcast_in_dim3A_555 : i1 to vector<16xi1>
      %masked_cumsum3A_557 = tpu.scan <sum>, %select_n3A_554 masked %broadcast_in_dim3A_556 : vector<16xi32>, vector<16xi1> -> vector<16xi32>
      %add3A_558 = arith.addi %add3A_548, %masked_cumsum3A_557 : vector<16xi32>
      %sub3A_559 = arith.constant 1 : i32
      %sub3A_560 = vector.broadcast %sub3A_559 : i32 to vector<16xi32>
      %sub3A_561 = arith.subi %add3A_558, %sub3A_560 : vector<16xi32>
      %lt3A_562 = arith.constant 8192 : i32
      %lt3A_563 = vector.broadcast %lt3A_562 : i32 to vector<16xi32>
      %lt3A_564 = arith.cmpi slt, %sub3A_561, %lt3A_563 : vector<16xi32>
      %and3A_565 = arith.andi %gt3A_553, %lt3A_564 : vector<16xi1>
      tpu.vector_store_idx %arg7[%sub3A_561], %get3A_552 masked %and3A_565 : memref<8208xf32, #tpu.memory_space<vmem>>[vector<16xi32>], vector<16xf32>, vector<16xi1>
      %add3A_566 = vector.broadcast %add3A_550 : i32 to vector<16xi32>
      %add3A_567 = arith.addi %add3A_566, %iota3A : vector<16xi32>
      tpu.vector_store_idx %arg8[%sub3A_561], %add3A_567 masked %and3A_565 : memref<8208xi32, #tpu.memory_space<vmem>>[vector<16xi32>], vector<16xi32>, vector<16xi1>
      %all_reduce_population_count3A_568 = tpu.all_reduce %gt3A_553 {dim = 0 : i64, kind = #tpu.reduction_kind<sum>} : vector<16xi1> -> vector<16xi32>
      %add3A_569 = arith.addi %add3A_548, %all_reduce_population_count3A_568 : vector<16xi32>
      %add3A_570 = arith.constant 64 : i32
      %add3A_571 = arith.addi %mul3A_491, %add3A_570 : i32
      %get3A_572 = arith.index_cast %add3A_571 : i32 to index
      %get3A_573 = tpu.vector_load %arg4[%get3A_572] {strides = array<i32>} : memref<32768xf32, #tpu.memory_space<vmem>>, vector<16xf32>,
      %gt3A_574 = arith.cmpf ogt, %get3A_573, %scan3A_51 : vector<16xf32>
      %select_n3A_575 = arith.select %gt3A_574, %broadcast_in_dim3A_3, %broadcast_in_dim3A_5 : vector<16xi1>, vector<16xi32>
      %broadcast_in_dim3A_576 = arith.constant true
      %broadcast_in_dim3A_577 = vector.broadcast %broadcast_in_dim3A_576 : i1 to vector<16xi1>
      %masked_cumsum3A_578 = tpu.scan <sum>, %select_n3A_575 masked %broadcast_in_dim3A_577 : vector<16xi32>, vector<16xi1> -> vector<16xi32>
      %add3A_579 = arith.addi %add3A_569, %masked_cumsum3A_578 : vector<16xi32>
      %sub3A_580 = arith.constant 1 : i32
      %sub3A_581 = vector.broadcast %sub3A_580 : i32 to vector<16xi32>
      %sub3A_582 = arith.subi %add3A_579, %sub3A_581 : vector<16xi32>
      %lt3A_583 = arith.constant 8192 : i32
      %lt3A_584 = vector.broadcast %lt3A_583 : i32 to vector<16xi32>
      %lt3A_585 = arith.cmpi slt, %sub3A_582, %lt3A_584 : vector<16xi32>
      %and3A_586 = arith.andi %gt3A_574, %lt3A_585 : vector<16xi1>
      tpu.vector_store_idx %arg7[%sub3A_582], %get3A_573 masked %and3A_586 : memref<8208xf32, #tpu.memory_space<vmem>>[vector<16xi32>], vector<16xf32>, vector<16xi1>
      %add3A_587 = vector.broadcast %add3A_571 : i32 to vector<16xi32>
      %add3A_588 = arith.addi %add3A_587, %iota3A : vector<16xi32>
      tpu.vector_store_idx %arg8[%sub3A_582], %add3A_588 masked %and3A_586 : memref<8208xi32, #tpu.memory_space<vmem>>[vector<16xi32>], vector<16xi32>, vector<16xi1>
      %all_reduce_population_count3A_589 = tpu.all_reduce %gt3A_574 {dim = 0 : i64, kind = #tpu.reduction_kind<sum>} : vector<16xi1> -> vector<16xi32>
      %add3A_590 = arith.addi %add3A_569, %all_reduce_population_count3A_589 : vector<16xi32>
      %add3A_591 = arith.constant 80 : i32
      %add3A_592 = arith.addi %mul3A_491, %add3A_591 : i32
      %get3A_593 = arith.index_cast %add3A_592 : i32 to index
      %get3A_594 = tpu.vector_load %arg4[%get3A_593] {strides = array<i32>} : memref<32768xf32, #tpu.memory_space<vmem>>, vector<16xf32>,
      %gt3A_595 = arith.cmpf ogt, %get3A_594, %scan3A_51 : vector<16xf32>
      %select_n3A_596 = arith.select %gt3A_595, %broadcast_in_dim3A_3, %broadcast_in_dim3A_5 : vector<16xi1>, vector<16xi32>
      %broadcast_in_dim3A_597 = arith.constant true
      %broadcast_in_dim3A_598 = vector.broadcast %broadcast_in_dim3A_597 : i1 to vector<16xi1>
      %masked_cumsum3A_599 = tpu.scan <sum>, %select_n3A_596 masked %broadcast_in_dim3A_598 : vector<16xi32>, vector<16xi1> -> vector<16xi32>
      %add3A_600 = arith.addi %add3A_590, %masked_cumsum3A_599 : vector<16xi32>
      %sub3A_601 = arith.constant 1 : i32
      %sub3A_602 = vector.broadcast %sub3A_601 : i32 to vector<16xi32>
      %sub3A_603 = arith.subi %add3A_600, %sub3A_602 : vector<16xi32>
      %lt3A_604 = arith.constant 8192 : i32
      %lt3A_605 = vector.broadcast %lt3A_604 : i32 to vector<16xi32>
      %lt3A_606 = arith.cmpi slt, %sub3A_603, %lt3A_605 : vector<16xi32>
      %and3A_607 = arith.andi %gt3A_595, %lt3A_606 : vector<16xi1>
      tpu.vector_store_idx %arg7[%sub3A_603], %get3A_594 masked %and3A_607 : memref<8208xf32, #tpu.memory_space<vmem>>[vector<16xi32>], vector<16xf32>, vector<16xi1>
      %add3A_608 = vector.broadcast %add3A_592 : i32 to vector<16xi32>
      %add3A_609 = arith.addi %add3A_608, %iota3A : vector<16xi32>
      tpu.vector_store_idx %arg8[%sub3A_603], %add3A_609 masked %and3A_607 : memref<8208xi32, #tpu.memory_space<vmem>>[vector<16xi32>], vector<16xi32>, vector<16xi1>
      %all_reduce_population_count3A_610 = tpu.all_reduce %gt3A_595 {dim = 0 : i64, kind = #tpu.reduction_kind<sum>} : vector<16xi1> -> vector<16xi32>
      %add3A_611 = arith.addi %add3A_590, %all_reduce_population_count3A_610 : vector<16xi32>
      %add3A_612 = arith.constant 96 : i32
      %add3A_613 = arith.addi %mul3A_491, %add3A_612 : i32
      %get3A_614 = arith.index_cast %add3A_613 : i32 to index
      %get3A_615 = tpu.vector_load %arg4[%get3A_614] {strides = array<i32>} : memref<32768xf32, #tpu.memory_space<vmem>>, vector<16xf32>,
      %gt3A_616 = arith.cmpf ogt, %get3A_615, %scan3A_51 : vector<16xf32>
      %select_n3A_617 = arith.select %gt3A_616, %broadcast_in_dim3A_3, %broadcast_in_dim3A_5 : vector<16xi1>, vector<16xi32>
      %broadcast_in_dim3A_618 = arith.constant true
      %broadcast_in_dim3A_619 = vector.broadcast %broadcast_in_dim3A_618 : i1 to vector<16xi1>
      %masked_cumsum3A_620 = tpu.scan <sum>, %select_n3A_617 masked %broadcast_in_dim3A_619 : vector<16xi32>, vector<16xi1> -> vector<16xi32>
      %add3A_621 = arith.addi %add3A_611, %masked_cumsum3A_620 : vector<16xi32>
      %sub3A_622 = arith.constant 1 : i32
      %sub3A_623 = vector.broadcast %sub3A_622 : i32 to vector<16xi32>
      %sub3A_624 = arith.subi %add3A_621, %sub3A_623 : vector<16xi32>
      %lt3A_625 = arith.constant 8192 : i32
      %lt3A_626 = vector.broadcast %lt3A_625 : i32 to vector<16xi32>
      %lt3A_627 = arith.cmpi slt, %sub3A_624, %lt3A_626 : vector<16xi32>
      %and3A_628 = arith.andi %gt3A_616, %lt3A_627 : vector<16xi1>
      tpu.vector_store_idx %arg7[%sub3A_624], %get3A_615 masked %and3A_628 : memref<8208xf32, #tpu.memory_space<vmem>>[vector<16xi32>], vector<16xf32>, vector<16xi1>
      %add3A_629 = vector.broadcast %add3A_613 : i32 to vector<16xi32>
      %add3A_630 = arith.addi %add3A_629, %iota3A : vector<16xi32>
      tpu.vector_store_idx %arg8[%sub3A_624], %add3A_630 masked %and3A_628 : memref<8208xi32, #tpu.memory_space<vmem>>[vector<16xi32>], vector<16xi32>, vector<16xi1>
      %all_reduce_population_count3A_631 = tpu.all_reduce %gt3A_616 {dim = 0 : i64, kind = #tpu.reduction_kind<sum>} : vector<16xi1> -> vector<16xi32>
      %add3A_632 = arith.addi %add3A_611, %all_reduce_population_count3A_631 : vector<16xi32>
      %add3A_633 = arith.constant 112 : i32
      %add3A_634 = arith.addi %mul3A_491, %add3A_633 : i32
      %get3A_635 = arith.index_cast %add3A_634 : i32 to index
      %get3A_636 = tpu.vector_load %arg4[%get3A_635] {strides = array<i32>} : memref<32768xf32, #tpu.memory_space<vmem>>, vector<16xf32>,
      %gt3A_637 = arith.cmpf ogt, %get3A_636, %scan3A_51 : vector<16xf32>
      %select_n3A_638 = arith.select %gt3A_637, %broadcast_in_dim3A_3, %broadcast_in_dim3A_5 : vector<16xi1>, vector<16xi32>
      %broadcast_in_dim3A_639 = arith.constant true
      %broadcast_in_dim3A_640 = vector.broadcast %broadcast_in_dim3A_639 : i1 to vector<16xi1>
      %masked_cumsum3A_641 = tpu.scan <sum>, %select_n3A_638 masked %broadcast_in_dim3A_640 : vector<16xi32>, vector<16xi1> -> vector<16xi32>
      %add3A_642 = arith.addi %add3A_632, %masked_cumsum3A_641 : vector<16xi32>
      %sub3A_643 = arith.constant 1 : i32
      %sub3A_644 = vector.broadcast %sub3A_643 : i32 to vector<16xi32>
      %sub3A_645 = arith.subi %add3A_642, %sub3A_644 : vector<16xi32>
      %lt3A_646 = arith.constant 8192 : i32
      %lt3A_647 = vector.broadcast %lt3A_646 : i32 to vector<16xi32>
      %lt3A_648 = arith.cmpi slt, %sub3A_645, %lt3A_647 : vector<16xi32>
      %and3A_649 = arith.andi %gt3A_637, %lt3A_648 : vector<16xi1>
      tpu.vector_store_idx %arg7[%sub3A_645], %get3A_636 masked %and3A_649 : memref<8208xf32, #tpu.memory_space<vmem>>[vector<16xi32>], vector<16xf32>, vector<16xi1>
      %add3A_650 = vector.broadcast %add3A_634 : i32 to vector<16xi32>
      %add3A_651 = arith.addi %add3A_650, %iota3A : vector<16xi32>
      tpu.vector_store_idx %arg8[%sub3A_645], %add3A_651 masked %and3A_649 : memref<8208xi32, #tpu.memory_space<vmem>>[vector<16xi32>], vector<16xi32>, vector<16xi1>
      %all_reduce_population_count3A_652 = tpu.all_reduce %gt3A_637 {dim = 0 : i64, kind = #tpu.reduction_kind<sum>} : vector<16xi1> -> vector<16xi32>
      %add3A_653 = arith.addi %add3A_632, %all_reduce_population_count3A_652 : vector<16xi32>
      scf.yield %add3A_653 : vector<16xi32>
    }
    %reduce_max3A_77 = arith.constant true
    %reduce_max3A_78 = vector.broadcast %reduce_max3A_77 : i1 to vector<16xi1>
    %reduce_max3A_79 = arith.constant -2147483648 : i32
    %reduce_max3A_80 = vector.broadcast %reduce_max3A_79 : i32 to vector<16xi32>
    %reduce_max3A_81 = arith.xori %while3A_76, %reduce_max3A_80 : vector<16xi32>
    %reduce_max3A_82 = tpu.scan <max>, %reduce_max3A_81 masked %reduce_max3A_78 : vector<16xi32>, vector<16xi1> -> vector<16xi32>
    %reduce_max3A_83 = arith.xori %reduce_max3A_82, %reduce_max3A_80 : vector<16xi32>
    %reduce_max3A_84 = vector.extract %reduce_max3A_83[15] : i32 from vector<16xi32>
    %min3A = arith.constant 8192 : i32
    %min3A_85 = arith.minsi %reduce_max3A_84, %min3A : i32
    %add3A_86 = arith.addi %while3A_76, %iota3A : vector<16xi32>
    %min3A_87 = arith.constant 8207 : i32
    %min3A_88 = vector.broadcast %min3A_87 : i32 to vector<16xi32>
    %min3A_89 = arith.minsi %add3A_86, %min3A_88 : vector<16xi32>
    %broadcast_in_dim3A_90 = arith.constant -3.000000e+38 : f32
    %broadcast_in_dim3A_91 = vector.broadcast %broadcast_in_dim3A_90 : f32 to vector<16xf32>
    tpu.vector_store_idx %arg7[%min3A_89], %broadcast_in_dim3A_91 : memref<8208xf32, #tpu.memory_space<vmem>>[vector<16xi32>], vector<16xf32>,
    tpu.vector_store_idx %arg8[%min3A_89], %broadcast_in_dim3A_5 : memref<8208xi32, #tpu.memory_space<vmem>>[vector<16xi32>], vector<16xi32>,
    %add3A_92 = arith.constant 15 : i32
    %add3A_93 = arith.addi %min3A_85, %add3A_92 : i32
    %shift_right_logical3A = arith.constant 4 : i32
    %shift_right_logical3A_94 = arith.shrui %add3A_93, %shift_right_logical3A : i32
    %scan3A_95 = arith.constant 0 : i32
    %scan3A_96 = arith.constant 12 : i32
    %scan3A_97 = arith.addi %scan3A_95, %scan3A_96 : i32
    %scan3A_98 = arith.constant 1 : i32
    %scan3A_99 = scf.for %scan3A_487 = %scan3A_95 to %scan3A_97 step %scan3A_98 iter_args(%scan3A_488 = %scan3A_51) -> (vector<16xf32>)  : i32 {
      %while3A_489 = arith.constant 0 : i32
      %while3A_490 = arith.subi %shift_right_logical3A_94, %while3A_489 : i32
      %while3A_491 = arith.addi %while3A_489, %while3A_490 : i32
      %while3A_492 = arith.constant 1 : i32
      %while3A_493 = arith.divsi %while3A_490, %while3A_492 : i32
      %while3A_494 = arith.muli %while3A_493, %while3A_492 : i32
      %while3A_495 = arith.addi %while3A_489, %while3A_494 : i32
      %while3A_496 = arith.constant 1 : i32
      %while3A_497:2 = scf.for %while3A_512 = %while3A_489 to %while3A_495 step %while3A_496 iter_args(%while3A_513 = %broadcast_in_dim3A_1, %while3A_514 = %broadcast_in_dim3A_1) -> (vector<16xf32>, vector<16xf32>)  : i32 {
        %mul3A_515 = arith.constant 16 : i32
        %mul3A_516 = arith.muli %while3A_512, %mul3A_515 : i32
        %get3A = arith.index_cast %mul3A_516 : i32 to index
        %get3A_517 = tpu.vector_load %arg7[%get3A] {strides = array<i32>} : memref<8208xf32, #tpu.memory_space<vmem>>, vector<16xf32>,
        %gt3A = arith.cmpf ogt, %get3A_517, %scan3A_488 : vector<16xf32>
        %jit3A = arith.constant 0.000000e+00 : f32
        %broadcast_in_dim3A_518 = vector.broadcast %jit3A : f32 to vector<16xf32>
        %select_n3A = arith.select %gt3A, %get3A_517, %broadcast_in_dim3A_518 : vector<16xi1>, vector<16xf32>
        %add3A_519 = arith.addf %while3A_513, %select_n3A : vector<16xf32>
        %jit3A_520 = arith.constant 1.000000e+00 : f32
        %jit3A_521 = arith.constant 0.000000e+00 : f32
        %broadcast_in_dim3A_522 = vector.broadcast %jit3A_520 : f32 to vector<16xf32>
        %broadcast_in_dim3A_523 = vector.broadcast %jit3A_521 : f32 to vector<16xf32>
        %select_n3A_524 = arith.select %gt3A, %broadcast_in_dim3A_522, %broadcast_in_dim3A_523 : vector<16xi1>, vector<16xf32>
        %add3A_525 = arith.addf %while3A_514, %select_n3A_524 : vector<16xf32>
        scf.yield %add3A_519, %add3A_525 : vector<16xf32>, vector<16xf32>
      }
      %while3A_498 = arith.constant 1 : i32
      %while3A_499:2 = scf.for %while3A_512 = %while3A_495 to %while3A_491 step %while3A_498 iter_args(%while3A_513 = %while3A_497#0, %while3A_514 = %while3A_497#1) -> (vector<16xf32>, vector<16xf32>)  : i32 {
        %mul3A_515 = arith.constant 16 : i32
        %mul3A_516 = arith.muli %while3A_512, %mul3A_515 : i32
        %get3A = arith.index_cast %mul3A_516 : i32 to index
        %get3A_517 = tpu.vector_load %arg7[%get3A] {strides = array<i32>} : memref<8208xf32, #tpu.memory_space<vmem>>, vector<16xf32>,
        %gt3A = arith.cmpf ogt, %get3A_517, %scan3A_488 : vector<16xf32>
        %jit3A = arith.constant 0.000000e+00 : f32
        %broadcast_in_dim3A_518 = vector.broadcast %jit3A : f32 to vector<16xf32>
        %select_n3A = arith.select %gt3A, %get3A_517, %broadcast_in_dim3A_518 : vector<16xi1>, vector<16xf32>
        %add3A_519 = arith.addf %while3A_513, %select_n3A : vector<16xf32>
        %jit3A_520 = arith.constant 1.000000e+00 : f32
        %jit3A_521 = arith.constant 0.000000e+00 : f32
        %broadcast_in_dim3A_522 = vector.broadcast %jit3A_520 : f32 to vector<16xf32>
        %broadcast_in_dim3A_523 = vector.broadcast %jit3A_521 : f32 to vector<16xf32>
        %select_n3A_524 = arith.select %gt3A, %broadcast_in_dim3A_522, %broadcast_in_dim3A_523 : vector<16xi1>, vector<16xf32>
        %add3A_525 = arith.addf %while3A_514, %select_n3A_524 : vector<16xf32>
        scf.yield %add3A_519, %add3A_525 : vector<16xf32>, vector<16xf32>
      }
      %reduce_sum3A = arith.constant true
      %reduce_sum3A_500 = vector.broadcast %reduce_sum3A : i1 to vector<16xi1>
      %reduce_sum3A_501 = tpu.scan <sum>, %while3A_499#0 masked %reduce_sum3A_500 : vector<16xf32>, vector<16xi1> -> vector<16xf32>
      %reduce_sum3A_502 = vector.extract %reduce_sum3A_501[15] : f32 from vector<16xf32>
      %broadcast_in_dim3A_503 = vector.broadcast %reduce_sum3A_502 : f32 to vector<16xf32>
      %reduce_sum3A_504 = arith.constant true
      %reduce_sum3A_505 = vector.broadcast %reduce_sum3A_504 : i1 to vector<16xi1>
      %reduce_sum3A_506 = tpu.scan <sum>, %while3A_499#1 masked %reduce_sum3A_505 : vector<16xf32>, vector<16xi1> -> vector<16xf32>
      %reduce_sum3A_507 = vector.extract %reduce_sum3A_506[15] : f32 from vector<16xf32>
      %broadcast_in_dim3A_508 = vector.broadcast %reduce_sum3A_507 : f32 to vector<16xf32>
      %sub3A_509 = arith.constant 1.000000e+00 : f32
      %sub3A_510 = vector.broadcast %sub3A_509 : f32 to vector<16xf32>
      %sub3A_511 = arith.subf %broadcast_in_dim3A_503, %sub3A_510 : vector<16xf32>
      %div3A = arith.divf %sub3A_511, %broadcast_in_dim3A_508 : vector<16xf32>
      scf.yield %div3A : vector<16xf32>
    }
    %scan3A_100 = arith.constant 12 : i32
    %while3A_101 = arith.constant 0 : i32
    %while3A_102 = arith.constant 0 : i32
    %while3A_103 = arith.subi %shift_right_logical3A_94, %while3A_102 : i32
    %while3A_104 = arith.addi %while3A_102, %while3A_103 : i32
    %while3A_105 = arith.constant 1 : i32
    %while3A_106 = arith.divsi %while3A_103, %while3A_105 : i32
    %while3A_107 = arith.muli %while3A_106, %while3A_105 : i32
    %while3A_108 = arith.addi %while3A_102, %while3A_107 : i32
    %while3A_109 = arith.constant 1 : i32
    scf.for %while3A_487 = %while3A_102 to %while3A_108 step %while3A_109  : i32 {
      %mul3A_488 = arith.constant 16 : i32
      %mul3A_489 = arith.muli %while3A_487, %mul3A_488 : i32
      %get3A = arith.index_cast %mul3A_489 : i32 to index
      %get3A_490 = tpu.vector_load %arg7[%get3A] {strides = array<i32>} : memref<8208xf32, #tpu.memory_space<vmem>>, vector<16xf32>,
      %mul3A_491 = arith.constant 16 : i32
      %mul3A_492 = arith.muli %while3A_487, %mul3A_491 : i32
      %get3A_493 = arith.index_cast %mul3A_492 : i32 to index
      %get3A_494 = tpu.vector_load %arg8[%get3A_493] {strides = array<i32>} : memref<8208xi32, #tpu.memory_space<vmem>>, vector<16xi32>,
      %sub3A_495 = arith.subf %get3A_490, %scan3A_99 : vector<16xf32>
      %max3A = arith.constant 0.000000e+00 : f32
      %max3A_496 = vector.broadcast %max3A : f32 to vector<16xf32>
      %max3A_497 = arith.maximumf %sub3A_495, %max3A_496 : vector<16xf32>
      %gt3A = arith.cmpf ogt, %get3A_490, %scan3A_99 : vector<16xf32>
      tpu.vector_store_idx %arg6[%get3A_494], %max3A_497 masked %gt3A : memref<32768xf32, #tpu.memory_space<vmem>>[vector<16xi32>], vector<16xf32>, vector<16xi1>
    }
    %while3A_110 = arith.constant 1 : i32
    scf.for %while3A_487 = %while3A_108 to %while3A_104 step %while3A_110  : i32 {
      %mul3A_488 = arith.constant 16 : i32
      %mul3A_489 = arith.muli %while3A_487, %mul3A_488 : i32
      %get3A = arith.index_cast %mul3A_489 : i32 to index
      %get3A_490 = tpu.vector_load %arg7[%get3A] {strides = array<i32>} : memref<8208xf32, #tpu.memory_space<vmem>>, vector<16xf32>,
      %mul3A_491 = arith.constant 16 : i32
      %mul3A_492 = arith.muli %while3A_487, %mul3A_491 : i32
      %get3A_493 = arith.index_cast %mul3A_492 : i32 to index
      %get3A_494 = tpu.vector_load %arg8[%get3A_493] {strides = array<i32>} : memref<8208xi32, #tpu.memory_space<vmem>>, vector<16xi32>,
      %sub3A_495 = arith.subf %get3A_490, %scan3A_99 : vector<16xf32>
      %max3A = arith.constant 0.000000e+00 : f32
      %max3A_496 = vector.broadcast %max3A : f32 to vector<16xf32>
      %max3A_497 = arith.maximumf %sub3A_495, %max3A_496 : vector<16xf32>
      %gt3A = arith.cmpf ogt, %get3A_490, %scan3A_99 : vector<16xf32>
      tpu.vector_store_idx %arg6[%get3A_494], %max3A_497 masked %gt3A : memref<32768xf32, #tpu.memory_space<vmem>>[vector<16xi32>], vector<16xf32>, vector<16xi1>
    }
    %dma_start3A_111 = arith.constant 0 : i32
    %dma_start3A_112 = tpu.memref_slice %arg3[%add3A_23, %dma_start3A_111] : memref<128x32768xf32, #tpu.memory_space<hbm>> -> memref<1x32768xf32, #tpu.memory_space<hbm>>
    %dma_start3A_113 = tpu.memref_squeeze %dma_start3A_112 : memref<1x32768xf32, #tpu.memory_space<hbm>> -> memref<32768xf32, #tpu.memory_space<hbm>>
    %dma_start3A_114 = arith.constant 0 : i32
    %dma_start3A_115 = tpu.memref_slice %arg3[%add3A_23, %dma_start3A_114] : memref<128x32768xf32, #tpu.memory_space<hbm>> -> memref<1x32768xf32, #tpu.memory_space<hbm>>
    %dma_start3A_116 = tpu.memref_squeeze %dma_start3A_115 : memref<1x32768xf32, #tpu.memory_space<hbm>> -> memref<32768xf32, #tpu.memory_space<hbm>>
    tpu.enqueue_dma source(%arg6 : memref<32768xf32, #tpu.memory_space<vmem>>) target(%dma_start3A_116 : memref<32768xf32, #tpu.memory_space<hbm>>) target_semaphore(%arg13 : memref<!tpu.dma_semaphore, #tpu.memory_space<semaphore_mem>>)
    %mul3A_117 = arith.constant 4 : i32
    %mul3A_118 = arith.muli %add3A, %mul3A_117 : i32
    %add3A_119 = arith.constant 1 : i32
    %add3A_120 = arith.addi %mul3A_118, %add3A_119 : i32
    %dma_wait3A_121 = arith.constant 0 : i32
    %dma_wait3A_122 = tpu.memref_slice %arg2[%add3A_120, %dma_wait3A_121] : memref<128x32768xf32, #tpu.memory_space<hbm>> -> memref<1x32768xf32, #tpu.memory_space<hbm>>
    %dma_wait3A_123 = tpu.memref_squeeze %dma_wait3A_122 : memref<1x32768xf32, #tpu.memory_space<hbm>> -> memref<32768xf32, #tpu.memory_space<hbm>>
    %dma_wait3A_124 = arith.constant 0 : i32
    %dma_wait3A_125 = tpu.memref_slice %arg2[%add3A_120, %dma_wait3A_124] : memref<128x32768xf32, #tpu.memory_space<hbm>> -> memref<1x32768xf32, #tpu.memory_space<hbm>>
    %dma_wait3A_126 = tpu.memref_squeeze %dma_wait3A_125 : memref<1x32768xf32, #tpu.memory_space<hbm>> -> memref<32768xf32, #tpu.memory_space<hbm>>
    tpu.wait_dma2 semaphore(%arg12 : memref<!tpu.dma_semaphore, #tpu.memory_space<semaphore_mem>>) src(%dma_wait3A_126 : memref<32768xf32, #tpu.memory_space<hbm>>) dst(%arg5 : memref<32768xf32, #tpu.memory_space<vmem>>)
    %add3A_127 = arith.constant 1 : i32
    %add3A_128 = arith.addi %add3A_120, %add3A_127 : i32
    %dma_start3A_129 = arith.constant 0 : i32
    %dma_start3A_130 = tpu.memref_slice %arg2[%add3A_128, %dma_start3A_129] : memref<128x32768xf32, #tpu.memory_space<hbm>> -> memref<1x32768xf32, #tpu.memory_space<hbm>>
    %dma_start3A_131 = tpu.memref_squeeze %dma_start3A_130 : memref<1x32768xf32, #tpu.memory_space<hbm>> -> memref<32768xf32, #tpu.memory_space<hbm>>
    %dma_start3A_132 = arith.constant 0 : i32
    %dma_start3A_133 = tpu.memref_slice %arg2[%add3A_128, %dma_start3A_132] : memref<128x32768xf32, #tpu.memory_space<hbm>> -> memref<1x32768xf32, #tpu.memory_space<hbm>>
    %dma_start3A_134 = tpu.memref_squeeze %dma_start3A_133 : memref<1x32768xf32, #tpu.memory_space<hbm>> -> memref<32768xf32, #tpu.memory_space<hbm>>
    tpu.enqueue_dma source(%dma_start3A_134 : memref<32768xf32, #tpu.memory_space<hbm>>) target(%arg4 : memref<32768xf32, #tpu.memory_space<vmem>>) target_semaphore(%arg12 : memref<!tpu.dma_semaphore, #tpu.memory_space<semaphore_mem>>)
    %broadcast_in_dim3A_135 = arith.constant -3.000000e+38 : f32
    %broadcast_in_dim3A_136 = vector.broadcast %broadcast_in_dim3A_135 : f32 to vector<16xf32>
    %parallel_loop3A_137 = arith.constant 0 : i32
    %parallel_loop3A_138 = arith.constant 256 : i32
    %parallel_loop3A_139 = arith.constant 1 : i32
    %parallel_loop3A_140 = scf.for %parallel_loop3A_487 = %parallel_loop3A_137 to %parallel_loop3A_138 step %parallel_loop3A_139 iter_args(%parallel_loop3A_488 = %broadcast_in_dim3A_136) -> (vector<16xf32>)  : i32 {
      %parallel_loop3A_489 = arith.constant 128 : i32
      %parallel_loop3A_490 = arith.muli %parallel_loop3A_487, %parallel_loop3A_489 : i32
      %parallel_loop3A_491 = arith.constant 0 : i32
      %parallel_loop3A_492 = arith.addi %parallel_loop3A_490, %parallel_loop3A_491 : i32
      %parallel_loop3A_493 = arith.index_cast %parallel_loop3A_492 : i32 to index
      %parallel_loop3A_494 = tpu.vector_load %arg5[%parallel_loop3A_493] {strides = array<i32>} : memref<32768xf32, #tpu.memory_space<vmem>>, vector<16xf32>,
      %parallel_loop3A_495 = arith.constant 16 : i32
      %parallel_loop3A_496 = arith.addi %parallel_loop3A_490, %parallel_loop3A_495 : i32
      %parallel_loop3A_497 = arith.index_cast %parallel_loop3A_496 : i32 to index
      %parallel_loop3A_498 = tpu.vector_load %arg5[%parallel_loop3A_497] {strides = array<i32>} : memref<32768xf32, #tpu.memory_space<vmem>>, vector<16xf32>,
      %parallel_loop3A_499 = arith.constant 32 : i32
      %parallel_loop3A_500 = arith.addi %parallel_loop3A_490, %parallel_loop3A_499 : i32
      %parallel_loop3A_501 = arith.index_cast %parallel_loop3A_500 : i32 to index
      %parallel_loop3A_502 = tpu.vector_load %arg5[%parallel_loop3A_501] {strides = array<i32>} : memref<32768xf32, #tpu.memory_space<vmem>>, vector<16xf32>,
      %parallel_loop3A_503 = arith.constant 48 : i32
      %parallel_loop3A_504 = arith.addi %parallel_loop3A_490, %parallel_loop3A_503 : i32
      %parallel_loop3A_505 = arith.index_cast %parallel_loop3A_504 : i32 to index
      %parallel_loop3A_506 = tpu.vector_load %arg5[%parallel_loop3A_505] {strides = array<i32>} : memref<32768xf32, #tpu.memory_space<vmem>>, vector<16xf32>,
      %parallel_loop3A_507 = arith.constant 64 : i32
      %parallel_loop3A_508 = arith.addi %parallel_loop3A_490, %parallel_loop3A_507 : i32
      %parallel_loop3A_509 = arith.index_cast %parallel_loop3A_508 : i32 to index
      %parallel_loop3A_510 = tpu.vector_load %arg5[%parallel_loop3A_509] {strides = array<i32>} : memref<32768xf32, #tpu.memory_space<vmem>>, vector<16xf32>,
      %parallel_loop3A_511 = arith.constant 80 : i32
      %parallel_loop3A_512 = arith.addi %parallel_loop3A_490, %parallel_loop3A_511 : i32
      %parallel_loop3A_513 = arith.index_cast %parallel_loop3A_512 : i32 to index
      %parallel_loop3A_514 = tpu.vector_load %arg5[%parallel_loop3A_513] {strides = array<i32>} : memref<32768xf32, #tpu.memory_space<vmem>>, vector<16xf32>,
      %parallel_loop3A_515 = arith.constant 96 : i32
      %parallel_loop3A_516 = arith.addi %parallel_loop3A_490, %parallel_loop3A_515 : i32
      %parallel_loop3A_517 = arith.index_cast %parallel_loop3A_516 : i32 to index
      %parallel_loop3A_518 = tpu.vector_load %arg5[%parallel_loop3A_517] {strides = array<i32>} : memref<32768xf32, #tpu.memory_space<vmem>>, vector<16xf32>,
      %parallel_loop3A_519 = arith.constant 112 : i32
      %parallel_loop3A_520 = arith.addi %parallel_loop3A_490, %parallel_loop3A_519 : i32
      %parallel_loop3A_521 = arith.index_cast %parallel_loop3A_520 : i32 to index
      %parallel_loop3A_522 = tpu.vector_load %arg5[%parallel_loop3A_521] {strides = array<i32>} : memref<32768xf32, #tpu.memory_space<vmem>>, vector<16xf32>,
      %parallel_loop3A_523 = arith.maximumf %parallel_loop3A_494, %parallel_loop3A_498 : vector<16xf32>
      %parallel_loop3A_524 = arith.maximumf %parallel_loop3A_502, %parallel_loop3A_506 : vector<16xf32>
      %parallel_loop3A_525 = arith.maximumf %parallel_loop3A_510, %parallel_loop3A_514 : vector<16xf32>
      %parallel_loop3A_526 = arith.maximumf %parallel_loop3A_518, %parallel_loop3A_522 : vector<16xf32>
      %parallel_loop3A_527 = arith.maximumf %parallel_loop3A_523, %parallel_loop3A_524 : vector<16xf32>
      %parallel_loop3A_528 = arith.maximumf %parallel_loop3A_525, %parallel_loop3A_526 : vector<16xf32>
      %parallel_loop3A_529 = arith.maximumf %parallel_loop3A_527, %parallel_loop3A_528 : vector<16xf32>
      %parallel_loop3A_530 = vector.broadcast %parallel_loop3A_487 : i32 to vector<16xi32>
      %parallel_loop3A_531 = arith.constant true
      %parallel_loop3A_532 = vector.broadcast %parallel_loop3A_531 : i1 to vector<16xi1>
      %parallel_loop3A_533 = tpu.scan <max>, %parallel_loop3A_529 masked %parallel_loop3A_532 : vector<16xf32>, vector<16xi1> -> vector<16xf32>
      tpu.vector_store_idx %arg10[%parallel_loop3A_530], %parallel_loop3A_533 masked %eq3A_7 : memref<256xf32, #tpu.memory_space<vmem>>[vector<16xi32>], vector<16xf32>, vector<16xi1>
      %parallel_loop3A_534 = arith.maximumf %parallel_loop3A_488, %parallel_loop3A_529 : vector<16xf32>
      scf.yield %parallel_loop3A_534 : vector<16xf32>
    } {sc.loop_unroll_factor = 4 : i64, sc.parallel_access}
    %reduce_max3A_141 = arith.constant true
    %reduce_max3A_142 = vector.broadcast %reduce_max3A_141 : i1 to vector<16xi1>
    %reduce_max3A_143 = tpu.scan <max>, %parallel_loop3A_140 masked %reduce_max3A_142 : vector<16xf32>, vector<16xi1> -> vector<16xf32>
    %reduce_max3A_144 = vector.extract %reduce_max3A_143[15] : f32 from vector<16xf32>
    %sub3A_145 = arith.constant 1.000000e+00 : f32
    %sub3A_146 = arith.subf %reduce_max3A_144, %sub3A_145 : f32
    %broadcast_in_dim3A_147 = vector.broadcast %sub3A_146 : f32 to vector<16xf32>
    %scan3A_148 = arith.constant 0 : i32
    %scan3A_149 = arith.constant 8 : i32
    %scan3A_150 = arith.addi %scan3A_148, %scan3A_149 : i32
    %scan3A_151 = arith.constant 1 : i32
    %scan3A_152 = scf.for %scan3A_487 = %scan3A_148 to %scan3A_150 step %scan3A_151 iter_args(%scan3A_488 = %broadcast_in_dim3A_147) -> (vector<16xf32>)  : i32 {
      %scan3A_489 = arith.constant 0 : i32
      %scan3A_490 = arith.constant 16 : i32
      %scan3A_491 = arith.addi %scan3A_489, %scan3A_490 : i32
      %scan3A_492 = arith.constant 1 : i32
      %scan3A_493:2 = scf.for %scan3A_507 = %scan3A_489 to %scan3A_491 step %scan3A_492 iter_args(%scan3A_508 = %broadcast_in_dim3A_1, %scan3A_509 = %broadcast_in_dim3A_1) -> (vector<16xf32>, vector<16xf32>)  : i32 {
        %mul3A_510 = arith.constant 16 : i32
        %mul3A_511 = arith.muli %scan3A_507, %mul3A_510 : i32
        %get3A = arith.index_cast %mul3A_511 : i32 to index
        %get3A_512 = tpu.vector_load %arg10[%get3A] {strides = array<i32>} : memref<256xf32, #tpu.memory_space<vmem>>, vector<16xf32>,
        %gt3A = arith.cmpf ogt, %get3A_512, %scan3A_488 : vector<16xf32>
        %jit3A = arith.constant 0.000000e+00 : f32
        %broadcast_in_dim3A_513 = vector.broadcast %jit3A : f32 to vector<16xf32>
        %select_n3A = arith.select %gt3A, %get3A_512, %broadcast_in_dim3A_513 : vector<16xi1>, vector<16xf32>
        %add3A_514 = arith.addf %scan3A_508, %select_n3A : vector<16xf32>
        %jit3A_515 = arith.constant 1.000000e+00 : f32
        %jit3A_516 = arith.constant 0.000000e+00 : f32
        %broadcast_in_dim3A_517 = vector.broadcast %jit3A_515 : f32 to vector<16xf32>
        %broadcast_in_dim3A_518 = vector.broadcast %jit3A_516 : f32 to vector<16xf32>
        %select_n3A_519 = arith.select %gt3A, %broadcast_in_dim3A_517, %broadcast_in_dim3A_518 : vector<16xi1>, vector<16xf32>
        %add3A_520 = arith.addf %scan3A_509, %select_n3A_519 : vector<16xf32>
        scf.yield %add3A_514, %add3A_520 : vector<16xf32>, vector<16xf32>
      }
      %scan3A_494 = arith.constant 16 : i32
      %reduce_sum3A = arith.constant true
      %reduce_sum3A_495 = vector.broadcast %reduce_sum3A : i1 to vector<16xi1>
      %reduce_sum3A_496 = tpu.scan <sum>, %scan3A_493#0 masked %reduce_sum3A_495 : vector<16xf32>, vector<16xi1> -> vector<16xf32>
      %reduce_sum3A_497 = vector.extract %reduce_sum3A_496[15] : f32 from vector<16xf32>
      %broadcast_in_dim3A_498 = vector.broadcast %reduce_sum3A_497 : f32 to vector<16xf32>
      %reduce_sum3A_499 = arith.constant true
      %reduce_sum3A_500 = vector.broadcast %reduce_sum3A_499 : i1 to vector<16xi1>
      %reduce_sum3A_501 = tpu.scan <sum>, %scan3A_493#1 masked %reduce_sum3A_500 : vector<16xf32>, vector<16xi1> -> vector<16xf32>
      %reduce_sum3A_502 = vector.extract %reduce_sum3A_501[15] : f32 from vector<16xf32>
      %broadcast_in_dim3A_503 = vector.broadcast %reduce_sum3A_502 : f32 to vector<16xf32>
      %sub3A_504 = arith.constant 1.000000e+00 : f32
      %sub3A_505 = vector.broadcast %sub3A_504 : f32 to vector<16xf32>
      %sub3A_506 = arith.subf %broadcast_in_dim3A_498, %sub3A_505 : vector<16xf32>
      %div3A = arith.divf %sub3A_506, %broadcast_in_dim3A_503 : vector<16xf32>
      scf.yield %div3A : vector<16xf32>
    }
    %scan3A_153 = arith.constant 8 : i32
    %scan3A_154 = arith.constant 0 : i32
    %scan3A_155 = arith.constant 16 : i32
    %scan3A_156 = arith.addi %scan3A_154, %scan3A_155 : i32
    %scan3A_157 = arith.constant 1 : i32
    %scan3A_158 = scf.for %scan3A_487 = %scan3A_154 to %scan3A_156 step %scan3A_157 iter_args(%scan3A_488 = %broadcast_in_dim3A_5) -> (vector<16xi32>)  : i32 {
      %mul3A_489 = arith.constant 16 : i32
      %mul3A_490 = arith.muli %scan3A_487, %mul3A_489 : i32
      %get3A = arith.index_cast %mul3A_490 : i32 to index
      %get3A_491 = tpu.vector_load %arg10[%get3A] {strides = array<i32>} : memref<256xf32, #tpu.memory_space<vmem>>, vector<16xf32>,
      %gt3A = arith.cmpf ogt, %get3A_491, %scan3A_152 : vector<16xf32>
      %select_n3A = arith.select %gt3A, %broadcast_in_dim3A_3, %broadcast_in_dim3A_5 : vector<16xi1>, vector<16xi32>
      %broadcast_in_dim3A_492 = arith.constant true
      %broadcast_in_dim3A_493 = vector.broadcast %broadcast_in_dim3A_492 : i1 to vector<16xi1>
      %masked_cumsum3A = tpu.scan <sum>, %select_n3A masked %broadcast_in_dim3A_493 : vector<16xi32>, vector<16xi1> -> vector<16xi32>
      %add3A_494 = arith.addi %scan3A_488, %masked_cumsum3A : vector<16xi32>
      %sub3A_495 = arith.constant 1 : i32
      %sub3A_496 = vector.broadcast %sub3A_495 : i32 to vector<16xi32>
      %sub3A_497 = arith.subi %add3A_494, %sub3A_496 : vector<16xi32>
      %mul3A_498 = arith.constant 16 : i32
      %mul3A_499 = arith.muli %scan3A_487, %mul3A_498 : i32
      %add3A_500 = vector.broadcast %mul3A_499 : i32 to vector<16xi32>
      %add3A_501 = arith.addi %add3A_500, %iota3A : vector<16xi32>
      tpu.vector_store_idx %arg11[%sub3A_497], %add3A_501 masked %gt3A : memref<272xi32, #tpu.memory_space<vmem>>[vector<16xi32>], vector<16xi32>, vector<16xi1>
      %all_reduce_population_count3A = tpu.all_reduce %gt3A {dim = 0 : i64, kind = #tpu.reduction_kind<sum>} : vector<16xi1> -> vector<16xi32>
      %add3A_502 = arith.addi %scan3A_488, %all_reduce_population_count3A : vector<16xi32>
      scf.yield %add3A_502 : vector<16xi32>
    }
    %scan3A_159 = arith.constant 16 : i32
    %reduce_max3A_160 = arith.constant true
    %reduce_max3A_161 = vector.broadcast %reduce_max3A_160 : i1 to vector<16xi1>
    %reduce_max3A_162 = arith.constant -2147483648 : i32
    %reduce_max3A_163 = vector.broadcast %reduce_max3A_162 : i32 to vector<16xi32>
    %reduce_max3A_164 = arith.xori %scan3A_158, %reduce_max3A_163 : vector<16xi32>
    %reduce_max3A_165 = tpu.scan <max>, %reduce_max3A_164 masked %reduce_max3A_161 : vector<16xi32>, vector<16xi1> -> vector<16xi32>
    %reduce_max3A_166 = arith.xori %reduce_max3A_165, %reduce_max3A_163 : vector<16xi32>
    %reduce_max3A_167 = vector.extract %reduce_max3A_166[15] : i32 from vector<16xi32>
    %while3A_168 = arith.constant 0 : i32
    %while3A_169 = arith.subi %reduce_max3A_167, %while3A_168 : i32
    %while3A_170 = arith.addi %while3A_168, %while3A_169 : i32
    %while3A_171 = arith.constant 1 : i32
    %while3A_172 = arith.divsi %while3A_169, %while3A_171 : i32
    %while3A_173 = arith.muli %while3A_172, %while3A_171 : i32
    %while3A_174 = arith.addi %while3A_168, %while3A_173 : i32
    %while3A_175 = arith.constant 1 : i32
    %while3A_176 = scf.for %while3A_487 = %while3A_168 to %while3A_174 step %while3A_175 iter_args(%while3A_488 = %broadcast_in_dim3A_5) -> (vector<16xi32>)  : i32 {
      %get3A = arith.index_cast %while3A_487 : i32 to index
      %get3A_489 = tpu.vector_load %arg11[%get3A] {strides = array<i32>} : memref<272xi32, #tpu.memory_space<vmem>>, vector<16xi32>,
      %slice3A = vector.extract_strided_slice %get3A_489 {offsets = [0], sizes = [1], strides = [1]} : vector<16xi32> to vector<1xi32>
      %squeeze3A = vector.extract %slice3A[0] : i32 from vector<1xi32>
      %mul3A_490 = arith.constant 128 : i32
      %mul3A_491 = arith.muli %squeeze3A, %mul3A_490 : i32
      %add3A_492 = arith.constant 0 : i32
      %add3A_493 = arith.addi %mul3A_491, %add3A_492 : i32
      %get3A_494 = arith.index_cast %add3A_493 : i32 to index
      %get3A_495 = tpu.vector_load %arg5[%get3A_494] {strides = array<i32>} : memref<32768xf32, #tpu.memory_space<vmem>>, vector<16xf32>,
      %gt3A = arith.cmpf ogt, %get3A_495, %scan3A_152 : vector<16xf32>
      %select_n3A = arith.select %gt3A, %broadcast_in_dim3A_3, %broadcast_in_dim3A_5 : vector<16xi1>, vector<16xi32>
      %broadcast_in_dim3A_496 = arith.constant true
      %broadcast_in_dim3A_497 = vector.broadcast %broadcast_in_dim3A_496 : i1 to vector<16xi1>
      %masked_cumsum3A = tpu.scan <sum>, %select_n3A masked %broadcast_in_dim3A_497 : vector<16xi32>, vector<16xi1> -> vector<16xi32>
      %add3A_498 = arith.addi %while3A_488, %masked_cumsum3A : vector<16xi32>
      %sub3A_499 = arith.constant 1 : i32
      %sub3A_500 = vector.broadcast %sub3A_499 : i32 to vector<16xi32>
      %sub3A_501 = arith.subi %add3A_498, %sub3A_500 : vector<16xi32>
      %lt3A = arith.constant 8192 : i32
      %lt3A_502 = vector.broadcast %lt3A : i32 to vector<16xi32>
      %lt3A_503 = arith.cmpi slt, %sub3A_501, %lt3A_502 : vector<16xi32>
      %and3A = arith.andi %gt3A, %lt3A_503 : vector<16xi1>
      tpu.vector_store_idx %arg7[%sub3A_501], %get3A_495 masked %and3A : memref<8208xf32, #tpu.memory_space<vmem>>[vector<16xi32>], vector<16xf32>, vector<16xi1>
      %add3A_504 = vector.broadcast %add3A_493 : i32 to vector<16xi32>
      %add3A_505 = arith.addi %add3A_504, %iota3A : vector<16xi32>
      tpu.vector_store_idx %arg9[%sub3A_501], %add3A_505 masked %and3A : memref<8208xi32, #tpu.memory_space<vmem>>[vector<16xi32>], vector<16xi32>, vector<16xi1>
      %all_reduce_population_count3A = tpu.all_reduce %gt3A {dim = 0 : i64, kind = #tpu.reduction_kind<sum>} : vector<16xi1> -> vector<16xi32>
      %add3A_506 = arith.addi %while3A_488, %all_reduce_population_count3A : vector<16xi32>
      %add3A_507 = arith.constant 16 : i32
      %add3A_508 = arith.addi %mul3A_491, %add3A_507 : i32
      %get3A_509 = arith.index_cast %add3A_508 : i32 to index
      %get3A_510 = tpu.vector_load %arg5[%get3A_509] {strides = array<i32>} : memref<32768xf32, #tpu.memory_space<vmem>>, vector<16xf32>,
      %gt3A_511 = arith.cmpf ogt, %get3A_510, %scan3A_152 : vector<16xf32>
      %select_n3A_512 = arith.select %gt3A_511, %broadcast_in_dim3A_3, %broadcast_in_dim3A_5 : vector<16xi1>, vector<16xi32>
      %broadcast_in_dim3A_513 = arith.constant true
      %broadcast_in_dim3A_514 = vector.broadcast %broadcast_in_dim3A_513 : i1 to vector<16xi1>
      %masked_cumsum3A_515 = tpu.scan <sum>, %select_n3A_512 masked %broadcast_in_dim3A_514 : vector<16xi32>, vector<16xi1> -> vector<16xi32>
      %add3A_516 = arith.addi %add3A_506, %masked_cumsum3A_515 : vector<16xi32>
      %sub3A_517 = arith.constant 1 : i32
      %sub3A_518 = vector.broadcast %sub3A_517 : i32 to vector<16xi32>
      %sub3A_519 = arith.subi %add3A_516, %sub3A_518 : vector<16xi32>
      %lt3A_520 = arith.constant 8192 : i32
      %lt3A_521 = vector.broadcast %lt3A_520 : i32 to vector<16xi32>
      %lt3A_522 = arith.cmpi slt, %sub3A_519, %lt3A_521 : vector<16xi32>
      %and3A_523 = arith.andi %gt3A_511, %lt3A_522 : vector<16xi1>
      tpu.vector_store_idx %arg7[%sub3A_519], %get3A_510 masked %and3A_523 : memref<8208xf32, #tpu.memory_space<vmem>>[vector<16xi32>], vector<16xf32>, vector<16xi1>
      %add3A_524 = vector.broadcast %add3A_508 : i32 to vector<16xi32>
      %add3A_525 = arith.addi %add3A_524, %iota3A : vector<16xi32>
      tpu.vector_store_idx %arg9[%sub3A_519], %add3A_525 masked %and3A_523 : memref<8208xi32, #tpu.memory_space<vmem>>[vector<16xi32>], vector<16xi32>, vector<16xi1>
      %all_reduce_population_count3A_526 = tpu.all_reduce %gt3A_511 {dim = 0 : i64, kind = #tpu.reduction_kind<sum>} : vector<16xi1> -> vector<16xi32>
      %add3A_527 = arith.addi %add3A_506, %all_reduce_population_count3A_526 : vector<16xi32>
      %add3A_528 = arith.constant 32 : i32
      %add3A_529 = arith.addi %mul3A_491, %add3A_528 : i32
      %get3A_530 = arith.index_cast %add3A_529 : i32 to index
      %get3A_531 = tpu.vector_load %arg5[%get3A_530] {strides = array<i32>} : memref<32768xf32, #tpu.memory_space<vmem>>, vector<16xf32>,
      %gt3A_532 = arith.cmpf ogt, %get3A_531, %scan3A_152 : vector<16xf32>
      %select_n3A_533 = arith.select %gt3A_532, %broadcast_in_dim3A_3, %broadcast_in_dim3A_5 : vector<16xi1>, vector<16xi32>
      %broadcast_in_dim3A_534 = arith.constant true
      %broadcast_in_dim3A_535 = vector.broadcast %broadcast_in_dim3A_534 : i1 to vector<16xi1>
      %masked_cumsum3A_536 = tpu.scan <sum>, %select_n3A_533 masked %broadcast_in_dim3A_535 : vector<16xi32>, vector<16xi1> -> vector<16xi32>
      %add3A_537 = arith.addi %add3A_527, %masked_cumsum3A_536 : vector<16xi32>
      %sub3A_538 = arith.constant 1 : i32
      %sub3A_539 = vector.broadcast %sub3A_538 : i32 to vector<16xi32>
      %sub3A_540 = arith.subi %add3A_537, %sub3A_539 : vector<16xi32>
      %lt3A_541 = arith.constant 8192 : i32
      %lt3A_542 = vector.broadcast %lt3A_541 : i32 to vector<16xi32>
      %lt3A_543 = arith.cmpi slt, %sub3A_540, %lt3A_542 : vector<16xi32>
      %and3A_544 = arith.andi %gt3A_532, %lt3A_543 : vector<16xi1>
      tpu.vector_store_idx %arg7[%sub3A_540], %get3A_531 masked %and3A_544 : memref<8208xf32, #tpu.memory_space<vmem>>[vector<16xi32>], vector<16xf32>, vector<16xi1>
      %add3A_545 = vector.broadcast %add3A_529 : i32 to vector<16xi32>
      %add3A_546 = arith.addi %add3A_545, %iota3A : vector<16xi32>
      tpu.vector_store_idx %arg9[%sub3A_540], %add3A_546 masked %and3A_544 : memref<8208xi32, #tpu.memory_space<vmem>>[vector<16xi32>], vector<16xi32>, vector<16xi1>
      %all_reduce_population_count3A_547 = tpu.all_reduce %gt3A_532 {dim = 0 : i64, kind = #tpu.reduction_kind<sum>} : vector<16xi1> -> vector<16xi32>
      %add3A_548 = arith.addi %add3A_527, %all_reduce_population_count3A_547 : vector<16xi32>
      %add3A_549 = arith.constant 48 : i32
      %add3A_550 = arith.addi %mul3A_491, %add3A_549 : i32
      %get3A_551 = arith.index_cast %add3A_550 : i32 to index
      %get3A_552 = tpu.vector_load %arg5[%get3A_551] {strides = array<i32>} : memref<32768xf32, #tpu.memory_space<vmem>>, vector<16xf32>,
      %gt3A_553 = arith.cmpf ogt, %get3A_552, %scan3A_152 : vector<16xf32>
      %select_n3A_554 = arith.select %gt3A_553, %broadcast_in_dim3A_3, %broadcast_in_dim3A_5 : vector<16xi1>, vector<16xi32>
      %broadcast_in_dim3A_555 = arith.constant true
      %broadcast_in_dim3A_556 = vector.broadcast %broadcast_in_dim3A_555 : i1 to vector<16xi1>
      %masked_cumsum3A_557 = tpu.scan <sum>, %select_n3A_554 masked %broadcast_in_dim3A_556 : vector<16xi32>, vector<16xi1> -> vector<16xi32>
      %add3A_558 = arith.addi %add3A_548, %masked_cumsum3A_557 : vector<16xi32>
      %sub3A_559 = arith.constant 1 : i32
      %sub3A_560 = vector.broadcast %sub3A_559 : i32 to vector<16xi32>
      %sub3A_561 = arith.subi %add3A_558, %sub3A_560 : vector<16xi32>
      %lt3A_562 = arith.constant 8192 : i32
      %lt3A_563 = vector.broadcast %lt3A_562 : i32 to vector<16xi32>
      %lt3A_564 = arith.cmpi slt, %sub3A_561, %lt3A_563 : vector<16xi32>
      %and3A_565 = arith.andi %gt3A_553, %lt3A_564 : vector<16xi1>
      tpu.vector_store_idx %arg7[%sub3A_561], %get3A_552 masked %and3A_565 : memref<8208xf32, #tpu.memory_space<vmem>>[vector<16xi32>], vector<16xf32>, vector<16xi1>
      %add3A_566 = vector.broadcast %add3A_550 : i32 to vector<16xi32>
      %add3A_567 = arith.addi %add3A_566, %iota3A : vector<16xi32>
      tpu.vector_store_idx %arg9[%sub3A_561], %add3A_567 masked %and3A_565 : memref<8208xi32, #tpu.memory_space<vmem>>[vector<16xi32>], vector<16xi32>, vector<16xi1>
      %all_reduce_population_count3A_568 = tpu.all_reduce %gt3A_553 {dim = 0 : i64, kind = #tpu.reduction_kind<sum>} : vector<16xi1> -> vector<16xi32>
      %add3A_569 = arith.addi %add3A_548, %all_reduce_population_count3A_568 : vector<16xi32>
      %add3A_570 = arith.constant 64 : i32
      %add3A_571 = arith.addi %mul3A_491, %add3A_570 : i32
      %get3A_572 = arith.index_cast %add3A_571 : i32 to index
      %get3A_573 = tpu.vector_load %arg5[%get3A_572] {strides = array<i32>} : memref<32768xf32, #tpu.memory_space<vmem>>, vector<16xf32>,
      %gt3A_574 = arith.cmpf ogt, %get3A_573, %scan3A_152 : vector<16xf32>
      %select_n3A_575 = arith.select %gt3A_574, %broadcast_in_dim3A_3, %broadcast_in_dim3A_5 : vector<16xi1>, vector<16xi32>
      %broadcast_in_dim3A_576 = arith.constant true
      %broadcast_in_dim3A_577 = vector.broadcast %broadcast_in_dim3A_576 : i1 to vector<16xi1>
      %masked_cumsum3A_578 = tpu.scan <sum>, %select_n3A_575 masked %broadcast_in_dim3A_577 : vector<16xi32>, vector<16xi1> -> vector<16xi32>
      %add3A_579 = arith.addi %add3A_569, %masked_cumsum3A_578 : vector<16xi32>
      %sub3A_580 = arith.constant 1 : i32
      %sub3A_581 = vector.broadcast %sub3A_580 : i32 to vector<16xi32>
      %sub3A_582 = arith.subi %add3A_579, %sub3A_581 : vector<16xi32>
      %lt3A_583 = arith.constant 8192 : i32
      %lt3A_584 = vector.broadcast %lt3A_583 : i32 to vector<16xi32>
      %lt3A_585 = arith.cmpi slt, %sub3A_582, %lt3A_584 : vector<16xi32>
      %and3A_586 = arith.andi %gt3A_574, %lt3A_585 : vector<16xi1>
      tpu.vector_store_idx %arg7[%sub3A_582], %get3A_573 masked %and3A_586 : memref<8208xf32, #tpu.memory_space<vmem>>[vector<16xi32>], vector<16xf32>, vector<16xi1>
      %add3A_587 = vector.broadcast %add3A_571 : i32 to vector<16xi32>
      %add3A_588 = arith.addi %add3A_587, %iota3A : vector<16xi32>
      tpu.vector_store_idx %arg9[%sub3A_582], %add3A_588 masked %and3A_586 : memref<8208xi32, #tpu.memory_space<vmem>>[vector<16xi32>], vector<16xi32>, vector<16xi1>
      %all_reduce_population_count3A_589 = tpu.all_reduce %gt3A_574 {dim = 0 : i64, kind = #tpu.reduction_kind<sum>} : vector<16xi1> -> vector<16xi32>
      %add3A_590 = arith.addi %add3A_569, %all_reduce_population_count3A_589 : vector<16xi32>
      %add3A_591 = arith.constant 80 : i32
      %add3A_592 = arith.addi %mul3A_491, %add3A_591 : i32
      %get3A_593 = arith.index_cast %add3A_592 : i32 to index
      %get3A_594 = tpu.vector_load %arg5[%get3A_593] {strides = array<i32>} : memref<32768xf32, #tpu.memory_space<vmem>>, vector<16xf32>,
      %gt3A_595 = arith.cmpf ogt, %get3A_594, %scan3A_152 : vector<16xf32>
      %select_n3A_596 = arith.select %gt3A_595, %broadcast_in_dim3A_3, %broadcast_in_dim3A_5 : vector<16xi1>, vector<16xi32>
      %broadcast_in_dim3A_597 = arith.constant true
      %broadcast_in_dim3A_598 = vector.broadcast %broadcast_in_dim3A_597 : i1 to vector<16xi1>
      %masked_cumsum3A_599 = tpu.scan <sum>, %select_n3A_596 masked %broadcast_in_dim3A_598 : vector<16xi32>, vector<16xi1> -> vector<16xi32>
      %add3A_600 = arith.addi %add3A_590, %masked_cumsum3A_599 : vector<16xi32>
      %sub3A_601 = arith.constant 1 : i32
      %sub3A_602 = vector.broadcast %sub3A_601 : i32 to vector<16xi32>
      %sub3A_603 = arith.subi %add3A_600, %sub3A_602 : vector<16xi32>
      %lt3A_604 = arith.constant 8192 : i32
      %lt3A_605 = vector.broadcast %lt3A_604 : i32 to vector<16xi32>
      %lt3A_606 = arith.cmpi slt, %sub3A_603, %lt3A_605 : vector<16xi32>
      %and3A_607 = arith.andi %gt3A_595, %lt3A_606 : vector<16xi1>
      tpu.vector_store_idx %arg7[%sub3A_603], %get3A_594 masked %and3A_607 : memref<8208xf32, #tpu.memory_space<vmem>>[vector<16xi32>], vector<16xf32>, vector<16xi1>
      %add3A_608 = vector.broadcast %add3A_592 : i32 to vector<16xi32>
      %add3A_609 = arith.addi %add3A_608, %iota3A : vector<16xi32>
      tpu.vector_store_idx %arg9[%sub3A_603], %add3A_609 masked %and3A_607 : memref<8208xi32, #tpu.memory_space<vmem>>[vector<16xi32>], vector<16xi32>, vector<16xi1>
      %all_reduce_population_count3A_610 = tpu.all_reduce %gt3A_595 {dim = 0 : i64, kind = #tpu.reduction_kind<sum>} : vector<16xi1> -> vector<16xi32>
      %add3A_611 = arith.addi %add3A_590, %all_reduce_population_count3A_610 : vector<16xi32>
      %add3A_612 = arith.constant 96 : i32
      %add3A_613 = arith.addi %mul3A_491, %add3A_612 : i32
      %get3A_614 = arith.index_cast %add3A_613 : i32 to index
      %get3A_615 = tpu.vector_load %arg5[%get3A_614] {strides = array<i32>} : memref<32768xf32, #tpu.memory_space<vmem>>, vector<16xf32>,
      %gt3A_616 = arith.cmpf ogt, %get3A_615, %scan3A_152 : vector<16xf32>
      %select_n3A_617 = arith.select %gt3A_616, %broadcast_in_dim3A_3, %broadcast_in_dim3A_5 : vector<16xi1>, vector<16xi32>
      %broadcast_in_dim3A_618 = arith.constant true
      %broadcast_in_dim3A_619 = vector.broadcast %broadcast_in_dim3A_618 : i1 to vector<16xi1>
      %masked_cumsum3A_620 = tpu.scan <sum>, %select_n3A_617 masked %broadcast_in_dim3A_619 : vector<16xi32>, vector<16xi1> -> vector<16xi32>
      %add3A_621 = arith.addi %add3A_611, %masked_cumsum3A_620 : vector<16xi32>
      %sub3A_622 = arith.constant 1 : i32
      %sub3A_623 = vector.broadcast %sub3A_622 : i32 to vector<16xi32>
      %sub3A_624 = arith.subi %add3A_621, %sub3A_623 : vector<16xi32>
      %lt3A_625 = arith.constant 8192 : i32
      %lt3A_626 = vector.broadcast %lt3A_625 : i32 to vector<16xi32>
      %lt3A_627 = arith.cmpi slt, %sub3A_624, %lt3A_626 : vector<16xi32>
      %and3A_628 = arith.andi %gt3A_616, %lt3A_627 : vector<16xi1>
      tpu.vector_store_idx %arg7[%sub3A_624], %get3A_615 masked %and3A_628 : memref<8208xf32, #tpu.memory_space<vmem>>[vector<16xi32>], vector<16xf32>, vector<16xi1>
      %add3A_629 = vector.broadcast %add3A_613 : i32 to vector<16xi32>
      %add3A_630 = arith.addi %add3A_629, %iota3A : vector<16xi32>
      tpu.vector_store_idx %arg9[%sub3A_624], %add3A_630 masked %and3A_628 : memref<8208xi32, #tpu.memory_space<vmem>>[vector<16xi32>], vector<16xi32>, vector<16xi1>
      %all_reduce_population_count3A_631 = tpu.all_reduce %gt3A_616 {dim = 0 : i64, kind = #tpu.reduction_kind<sum>} : vector<16xi1> -> vector<16xi32>
      %add3A_632 = arith.addi %add3A_611, %all_reduce_population_count3A_631 : vector<16xi32>
      %add3A_633 = arith.constant 112 : i32
      %add3A_634 = arith.addi %mul3A_491, %add3A_633 : i32
      %get3A_635 = arith.index_cast %add3A_634 : i32 to index
      %get3A_636 = tpu.vector_load %arg5[%get3A_635] {strides = array<i32>} : memref<32768xf32, #tpu.memory_space<vmem>>, vector<16xf32>,
      %gt3A_637 = arith.cmpf ogt, %get3A_636, %scan3A_152 : vector<16xf32>
      %select_n3A_638 = arith.select %gt3A_637, %broadcast_in_dim3A_3, %broadcast_in_dim3A_5 : vector<16xi1>, vector<16xi32>
      %broadcast_in_dim3A_639 = arith.constant true
      %broadcast_in_dim3A_640 = vector.broadcast %broadcast_in_dim3A_639 : i1 to vector<16xi1>
      %masked_cumsum3A_641 = tpu.scan <sum>, %select_n3A_638 masked %broadcast_in_dim3A_640 : vector<16xi32>, vector<16xi1> -> vector<16xi32>
      %add3A_642 = arith.addi %add3A_632, %masked_cumsum3A_641 : vector<16xi32>
      %sub3A_643 = arith.constant 1 : i32
      %sub3A_644 = vector.broadcast %sub3A_643 : i32 to vector<16xi32>
      %sub3A_645 = arith.subi %add3A_642, %sub3A_644 : vector<16xi32>
      %lt3A_646 = arith.constant 8192 : i32
      %lt3A_647 = vector.broadcast %lt3A_646 : i32 to vector<16xi32>
      %lt3A_648 = arith.cmpi slt, %sub3A_645, %lt3A_647 : vector<16xi32>
      %and3A_649 = arith.andi %gt3A_637, %lt3A_648 : vector<16xi1>
      tpu.vector_store_idx %arg7[%sub3A_645], %get3A_636 masked %and3A_649 : memref<8208xf32, #tpu.memory_space<vmem>>[vector<16xi32>], vector<16xf32>, vector<16xi1>
      %add3A_650 = vector.broadcast %add3A_634 : i32 to vector<16xi32>
      %add3A_651 = arith.addi %add3A_650, %iota3A : vector<16xi32>
      tpu.vector_store_idx %arg9[%sub3A_645], %add3A_651 masked %and3A_649 : memref<8208xi32, #tpu.memory_space<vmem>>[vector<16xi32>], vector<16xi32>, vector<16xi1>
      %all_reduce_population_count3A_652 = tpu.all_reduce %gt3A_637 {dim = 0 : i64, kind = #tpu.reduction_kind<sum>} : vector<16xi1> -> vector<16xi32>
      %add3A_653 = arith.addi %add3A_632, %all_reduce_population_count3A_652 : vector<16xi32>
      scf.yield %add3A_653 : vector<16xi32>
    }
    %while3A_177 = arith.constant 1 : i32
    %while3A_178 = scf.for %while3A_487 = %while3A_174 to %while3A_170 step %while3A_177 iter_args(%while3A_488 = %while3A_176) -> (vector<16xi32>)  : i32 {
      %get3A = arith.index_cast %while3A_487 : i32 to index
      %get3A_489 = tpu.vector_load %arg11[%get3A] {strides = array<i32>} : memref<272xi32, #tpu.memory_space<vmem>>, vector<16xi32>,
      %slice3A = vector.extract_strided_slice %get3A_489 {offsets = [0], sizes = [1], strides = [1]} : vector<16xi32> to vector<1xi32>
      %squeeze3A = vector.extract %slice3A[0] : i32 from vector<1xi32>
      %mul3A_490 = arith.constant 128 : i32
      %mul3A_491 = arith.muli %squeeze3A, %mul3A_490 : i32
      %add3A_492 = arith.constant 0 : i32
      %add3A_493 = arith.addi %mul3A_491, %add3A_492 : i32
      %get3A_494 = arith.index_cast %add3A_493 : i32 to index
      %get3A_495 = tpu.vector_load %arg5[%get3A_494] {strides = array<i32>} : memref<32768xf32, #tpu.memory_space<vmem>>, vector<16xf32>,
      %gt3A = arith.cmpf ogt, %get3A_495, %scan3A_152 : vector<16xf32>
      %select_n3A = arith.select %gt3A, %broadcast_in_dim3A_3, %broadcast_in_dim3A_5 : vector<16xi1>, vector<16xi32>
      %broadcast_in_dim3A_496 = arith.constant true
      %broadcast_in_dim3A_497 = vector.broadcast %broadcast_in_dim3A_496 : i1 to vector<16xi1>
      %masked_cumsum3A = tpu.scan <sum>, %select_n3A masked %broadcast_in_dim3A_497 : vector<16xi32>, vector<16xi1> -> vector<16xi32>
      %add3A_498 = arith.addi %while3A_488, %masked_cumsum3A : vector<16xi32>
      %sub3A_499 = arith.constant 1 : i32
      %sub3A_500 = vector.broadcast %sub3A_499 : i32 to vector<16xi32>
      %sub3A_501 = arith.subi %add3A_498, %sub3A_500 : vector<16xi32>
      %lt3A = arith.constant 8192 : i32
      %lt3A_502 = vector.broadcast %lt3A : i32 to vector<16xi32>
      %lt3A_503 = arith.cmpi slt, %sub3A_501, %lt3A_502 : vector<16xi32>
      %and3A = arith.andi %gt3A, %lt3A_503 : vector<16xi1>
      tpu.vector_store_idx %arg7[%sub3A_501], %get3A_495 masked %and3A : memref<8208xf32, #tpu.memory_space<vmem>>[vector<16xi32>], vector<16xf32>, vector<16xi1>
      %add3A_504 = vector.broadcast %add3A_493 : i32 to vector<16xi32>
      %add3A_505 = arith.addi %add3A_504, %iota3A : vector<16xi32>
      tpu.vector_store_idx %arg9[%sub3A_501], %add3A_505 masked %and3A : memref<8208xi32, #tpu.memory_space<vmem>>[vector<16xi32>], vector<16xi32>, vector<16xi1>
      %all_reduce_population_count3A = tpu.all_reduce %gt3A {dim = 0 : i64, kind = #tpu.reduction_kind<sum>} : vector<16xi1> -> vector<16xi32>
      %add3A_506 = arith.addi %while3A_488, %all_reduce_population_count3A : vector<16xi32>
      %add3A_507 = arith.constant 16 : i32
      %add3A_508 = arith.addi %mul3A_491, %add3A_507 : i32
      %get3A_509 = arith.index_cast %add3A_508 : i32 to index
      %get3A_510 = tpu.vector_load %arg5[%get3A_509] {strides = array<i32>} : memref<32768xf32, #tpu.memory_space<vmem>>, vector<16xf32>,
      %gt3A_511 = arith.cmpf ogt, %get3A_510, %scan3A_152 : vector<16xf32>
      %select_n3A_512 = arith.select %gt3A_511, %broadcast_in_dim3A_3, %broadcast_in_dim3A_5 : vector<16xi1>, vector<16xi32>
      %broadcast_in_dim3A_513 = arith.constant true
      %broadcast_in_dim3A_514 = vector.broadcast %broadcast_in_dim3A_513 : i1 to vector<16xi1>
      %masked_cumsum3A_515 = tpu.scan <sum>, %select_n3A_512 masked %broadcast_in_dim3A_514 : vector<16xi32>, vector<16xi1> -> vector<16xi32>
      %add3A_516 = arith.addi %add3A_506, %masked_cumsum3A_515 : vector<16xi32>
      %sub3A_517 = arith.constant 1 : i32
      %sub3A_518 = vector.broadcast %sub3A_517 : i32 to vector<16xi32>
      %sub3A_519 = arith.subi %add3A_516, %sub3A_518 : vector<16xi32>
      %lt3A_520 = arith.constant 8192 : i32
      %lt3A_521 = vector.broadcast %lt3A_520 : i32 to vector<16xi32>
      %lt3A_522 = arith.cmpi slt, %sub3A_519, %lt3A_521 : vector<16xi32>
      %and3A_523 = arith.andi %gt3A_511, %lt3A_522 : vector<16xi1>
      tpu.vector_store_idx %arg7[%sub3A_519], %get3A_510 masked %and3A_523 : memref<8208xf32, #tpu.memory_space<vmem>>[vector<16xi32>], vector<16xf32>, vector<16xi1>
      %add3A_524 = vector.broadcast %add3A_508 : i32 to vector<16xi32>
      %add3A_525 = arith.addi %add3A_524, %iota3A : vector<16xi32>
      tpu.vector_store_idx %arg9[%sub3A_519], %add3A_525 masked %and3A_523 : memref<8208xi32, #tpu.memory_space<vmem>>[vector<16xi32>], vector<16xi32>, vector<16xi1>
      %all_reduce_population_count3A_526 = tpu.all_reduce %gt3A_511 {dim = 0 : i64, kind = #tpu.reduction_kind<sum>} : vector<16xi1> -> vector<16xi32>
      %add3A_527 = arith.addi %add3A_506, %all_reduce_population_count3A_526 : vector<16xi32>
      %add3A_528 = arith.constant 32 : i32
      %add3A_529 = arith.addi %mul3A_491, %add3A_528 : i32
      %get3A_530 = arith.index_cast %add3A_529 : i32 to index
      %get3A_531 = tpu.vector_load %arg5[%get3A_530] {strides = array<i32>} : memref<32768xf32, #tpu.memory_space<vmem>>, vector<16xf32>,
      %gt3A_532 = arith.cmpf ogt, %get3A_531, %scan3A_152 : vector<16xf32>
      %select_n3A_533 = arith.select %gt3A_532, %broadcast_in_dim3A_3, %broadcast_in_dim3A_5 : vector<16xi1>, vector<16xi32>
      %broadcast_in_dim3A_534 = arith.constant true
      %broadcast_in_dim3A_535 = vector.broadcast %broadcast_in_dim3A_534 : i1 to vector<16xi1>
      %masked_cumsum3A_536 = tpu.scan <sum>, %select_n3A_533 masked %broadcast_in_dim3A_535 : vector<16xi32>, vector<16xi1> -> vector<16xi32>
      %add3A_537 = arith.addi %add3A_527, %masked_cumsum3A_536 : vector<16xi32>
      %sub3A_538 = arith.constant 1 : i32
      %sub3A_539 = vector.broadcast %sub3A_538 : i32 to vector<16xi32>
      %sub3A_540 = arith.subi %add3A_537, %sub3A_539 : vector<16xi32>
      %lt3A_541 = arith.constant 8192 : i32
      %lt3A_542 = vector.broadcast %lt3A_541 : i32 to vector<16xi32>
      %lt3A_543 = arith.cmpi slt, %sub3A_540, %lt3A_542 : vector<16xi32>
      %and3A_544 = arith.andi %gt3A_532, %lt3A_543 : vector<16xi1>
      tpu.vector_store_idx %arg7[%sub3A_540], %get3A_531 masked %and3A_544 : memref<8208xf32, #tpu.memory_space<vmem>>[vector<16xi32>], vector<16xf32>, vector<16xi1>
      %add3A_545 = vector.broadcast %add3A_529 : i32 to vector<16xi32>
      %add3A_546 = arith.addi %add3A_545, %iota3A : vector<16xi32>
      tpu.vector_store_idx %arg9[%sub3A_540], %add3A_546 masked %and3A_544 : memref<8208xi32, #tpu.memory_space<vmem>>[vector<16xi32>], vector<16xi32>, vector<16xi1>
      %all_reduce_population_count3A_547 = tpu.all_reduce %gt3A_532 {dim = 0 : i64, kind = #tpu.reduction_kind<sum>} : vector<16xi1> -> vector<16xi32>
      %add3A_548 = arith.addi %add3A_527, %all_reduce_population_count3A_547 : vector<16xi32>
      %add3A_549 = arith.constant 48 : i32
      %add3A_550 = arith.addi %mul3A_491, %add3A_549 : i32
      %get3A_551 = arith.index_cast %add3A_550 : i32 to index
      %get3A_552 = tpu.vector_load %arg5[%get3A_551] {strides = array<i32>} : memref<32768xf32, #tpu.memory_space<vmem>>, vector<16xf32>,
      %gt3A_553 = arith.cmpf ogt, %get3A_552, %scan3A_152 : vector<16xf32>
      %select_n3A_554 = arith.select %gt3A_553, %broadcast_in_dim3A_3, %broadcast_in_dim3A_5 : vector<16xi1>, vector<16xi32>
      %broadcast_in_dim3A_555 = arith.constant true
      %broadcast_in_dim3A_556 = vector.broadcast %broadcast_in_dim3A_555 : i1 to vector<16xi1>
      %masked_cumsum3A_557 = tpu.scan <sum>, %select_n3A_554 masked %broadcast_in_dim3A_556 : vector<16xi32>, vector<16xi1> -> vector<16xi32>
      %add3A_558 = arith.addi %add3A_548, %masked_cumsum3A_557 : vector<16xi32>
      %sub3A_559 = arith.constant 1 : i32
      %sub3A_560 = vector.broadcast %sub3A_559 : i32 to vector<16xi32>
      %sub3A_561 = arith.subi %add3A_558, %sub3A_560 : vector<16xi32>
      %lt3A_562 = arith.constant 8192 : i32
      %lt3A_563 = vector.broadcast %lt3A_562 : i32 to vector<16xi32>
      %lt3A_564 = arith.cmpi slt, %sub3A_561, %lt3A_563 : vector<16xi32>
      %and3A_565 = arith.andi %gt3A_553, %lt3A_564 : vector<16xi1>
      tpu.vector_store_idx %arg7[%sub3A_561], %get3A_552 masked %and3A_565 : memref<8208xf32, #tpu.memory_space<vmem>>[vector<16xi32>], vector<16xf32>, vector<16xi1>
      %add3A_566 = vector.broadcast %add3A_550 : i32 to vector<16xi32>
      %add3A_567 = arith.addi %add3A_566, %iota3A : vector<16xi32>
      tpu.vector_store_idx %arg9[%sub3A_561], %add3A_567 masked %and3A_565 : memref<8208xi32, #tpu.memory_space<vmem>>[vector<16xi32>], vector<16xi32>, vector<16xi1>
      %all_reduce_population_count3A_568 = tpu.all_reduce %gt3A_553 {dim = 0 : i64, kind = #tpu.reduction_kind<sum>} : vector<16xi1> -> vector<16xi32>
      %add3A_569 = arith.addi %add3A_548, %all_reduce_population_count3A_568 : vector<16xi32>
      %add3A_570 = arith.constant 64 : i32
      %add3A_571 = arith.addi %mul3A_491, %add3A_570 : i32
      %get3A_572 = arith.index_cast %add3A_571 : i32 to index
      %get3A_573 = tpu.vector_load %arg5[%get3A_572] {strides = array<i32>} : memref<32768xf32, #tpu.memory_space<vmem>>, vector<16xf32>,
      %gt3A_574 = arith.cmpf ogt, %get3A_573, %scan3A_152 : vector<16xf32>
      %select_n3A_575 = arith.select %gt3A_574, %broadcast_in_dim3A_3, %broadcast_in_dim3A_5 : vector<16xi1>, vector<16xi32>
      %broadcast_in_dim3A_576 = arith.constant true
      %broadcast_in_dim3A_577 = vector.broadcast %broadcast_in_dim3A_576 : i1 to vector<16xi1>
      %masked_cumsum3A_578 = tpu.scan <sum>, %select_n3A_575 masked %broadcast_in_dim3A_577 : vector<16xi32>, vector<16xi1> -> vector<16xi32>
      %add3A_579 = arith.addi %add3A_569, %masked_cumsum3A_578 : vector<16xi32>
      %sub3A_580 = arith.constant 1 : i32
      %sub3A_581 = vector.broadcast %sub3A_580 : i32 to vector<16xi32>
      %sub3A_582 = arith.subi %add3A_579, %sub3A_581 : vector<16xi32>
      %lt3A_583 = arith.constant 8192 : i32
      %lt3A_584 = vector.broadcast %lt3A_583 : i32 to vector<16xi32>
      %lt3A_585 = arith.cmpi slt, %sub3A_582, %lt3A_584 : vector<16xi32>
      %and3A_586 = arith.andi %gt3A_574, %lt3A_585 : vector<16xi1>
      tpu.vector_store_idx %arg7[%sub3A_582], %get3A_573 masked %and3A_586 : memref<8208xf32, #tpu.memory_space<vmem>>[vector<16xi32>], vector<16xf32>, vector<16xi1>
      %add3A_587 = vector.broadcast %add3A_571 : i32 to vector<16xi32>
      %add3A_588 = arith.addi %add3A_587, %iota3A : vector<16xi32>
      tpu.vector_store_idx %arg9[%sub3A_582], %add3A_588 masked %and3A_586 : memref<8208xi32, #tpu.memory_space<vmem>>[vector<16xi32>], vector<16xi32>, vector<16xi1>
      %all_reduce_population_count3A_589 = tpu.all_reduce %gt3A_574 {dim = 0 : i64, kind = #tpu.reduction_kind<sum>} : vector<16xi1> -> vector<16xi32>
      %add3A_590 = arith.addi %add3A_569, %all_reduce_population_count3A_589 : vector<16xi32>
      %add3A_591 = arith.constant 80 : i32
      %add3A_592 = arith.addi %mul3A_491, %add3A_591 : i32
      %get3A_593 = arith.index_cast %add3A_592 : i32 to index
      %get3A_594 = tpu.vector_load %arg5[%get3A_593] {strides = array<i32>} : memref<32768xf32, #tpu.memory_space<vmem>>, vector<16xf32>,
      %gt3A_595 = arith.cmpf ogt, %get3A_594, %scan3A_152 : vector<16xf32>
      %select_n3A_596 = arith.select %gt3A_595, %broadcast_in_dim3A_3, %broadcast_in_dim3A_5 : vector<16xi1>, vector<16xi32>
      %broadcast_in_dim3A_597 = arith.constant true
      %broadcast_in_dim3A_598 = vector.broadcast %broadcast_in_dim3A_597 : i1 to vector<16xi1>
      %masked_cumsum3A_599 = tpu.scan <sum>, %select_n3A_596 masked %broadcast_in_dim3A_598 : vector<16xi32>, vector<16xi1> -> vector<16xi32>
      %add3A_600 = arith.addi %add3A_590, %masked_cumsum3A_599 : vector<16xi32>
      %sub3A_601 = arith.constant 1 : i32
      %sub3A_602 = vector.broadcast %sub3A_601 : i32 to vector<16xi32>
      %sub3A_603 = arith.subi %add3A_600, %sub3A_602 : vector<16xi32>
      %lt3A_604 = arith.constant 8192 : i32
      %lt3A_605 = vector.broadcast %lt3A_604 : i32 to vector<16xi32>
      %lt3A_606 = arith.cmpi slt, %sub3A_603, %lt3A_605 : vector<16xi32>
      %and3A_607 = arith.andi %gt3A_595, %lt3A_606 : vector<16xi1>
      tpu.vector_store_idx %arg7[%sub3A_603], %get3A_594 masked %and3A_607 : memref<8208xf32, #tpu.memory_space<vmem>>[vector<16xi32>], vector<16xf32>, vector<16xi1>
      %add3A_608 = vector.broadcast %add3A_592 : i32 to vector<16xi32>
      %add3A_609 = arith.addi %add3A_608, %iota3A : vector<16xi32>
      tpu.vector_store_idx %arg9[%sub3A_603], %add3A_609 masked %and3A_607 : memref<8208xi32, #tpu.memory_space<vmem>>[vector<16xi32>], vector<16xi32>, vector<16xi1>
      %all_reduce_population_count3A_610 = tpu.all_reduce %gt3A_595 {dim = 0 : i64, kind = #tpu.reduction_kind<sum>} : vector<16xi1> -> vector<16xi32>
      %add3A_611 = arith.addi %add3A_590, %all_reduce_population_count3A_610 : vector<16xi32>
      %add3A_612 = arith.constant 96 : i32
      %add3A_613 = arith.addi %mul3A_491, %add3A_612 : i32
      %get3A_614 = arith.index_cast %add3A_613 : i32 to index
      %get3A_615 = tpu.vector_load %arg5[%get3A_614] {strides = array<i32>} : memref<32768xf32, #tpu.memory_space<vmem>>, vector<16xf32>,
      %gt3A_616 = arith.cmpf ogt, %get3A_615, %scan3A_152 : vector<16xf32>
      %select_n3A_617 = arith.select %gt3A_616, %broadcast_in_dim3A_3, %broadcast_in_dim3A_5 : vector<16xi1>, vector<16xi32>
      %broadcast_in_dim3A_618 = arith.constant true
      %broadcast_in_dim3A_619 = vector.broadcast %broadcast_in_dim3A_618 : i1 to vector<16xi1>
      %masked_cumsum3A_620 = tpu.scan <sum>, %select_n3A_617 masked %broadcast_in_dim3A_619 : vector<16xi32>, vector<16xi1> -> vector<16xi32>
      %add3A_621 = arith.addi %add3A_611, %masked_cumsum3A_620 : vector<16xi32>
      %sub3A_622 = arith.constant 1 : i32
      %sub3A_623 = vector.broadcast %sub3A_622 : i32 to vector<16xi32>
      %sub3A_624 = arith.subi %add3A_621, %sub3A_623 : vector<16xi32>
      %lt3A_625 = arith.constant 8192 : i32
      %lt3A_626 = vector.broadcast %lt3A_625 : i32 to vector<16xi32>
      %lt3A_627 = arith.cmpi slt, %sub3A_624, %lt3A_626 : vector<16xi32>
      %and3A_628 = arith.andi %gt3A_616, %lt3A_627 : vector<16xi1>
      tpu.vector_store_idx %arg7[%sub3A_624], %get3A_615 masked %and3A_628 : memref<8208xf32, #tpu.memory_space<vmem>>[vector<16xi32>], vector<16xf32>, vector<16xi1>
      %add3A_629 = vector.broadcast %add3A_613 : i32 to vector<16xi32>
      %add3A_630 = arith.addi %add3A_629, %iota3A : vector<16xi32>
      tpu.vector_store_idx %arg9[%sub3A_624], %add3A_630 masked %and3A_628 : memref<8208xi32, #tpu.memory_space<vmem>>[vector<16xi32>], vector<16xi32>, vector<16xi1>
      %all_reduce_population_count3A_631 = tpu.all_reduce %gt3A_616 {dim = 0 : i64, kind = #tpu.reduction_kind<sum>} : vector<16xi1> -> vector<16xi32>
      %add3A_632 = arith.addi %add3A_611, %all_reduce_population_count3A_631 : vector<16xi32>
      %add3A_633 = arith.constant 112 : i32
      %add3A_634 = arith.addi %mul3A_491, %add3A_633 : i32
      %get3A_635 = arith.index_cast %add3A_634 : i32 to index
      %get3A_636 = tpu.vector_load %arg5[%get3A_635] {strides = array<i32>} : memref<32768xf32, #tpu.memory_space<vmem>>, vector<16xf32>,
      %gt3A_637 = arith.cmpf ogt, %get3A_636, %scan3A_152 : vector<16xf32>
      %select_n3A_638 = arith.select %gt3A_637, %broadcast_in_dim3A_3, %broadcast_in_dim3A_5 : vector<16xi1>, vector<16xi32>
      %broadcast_in_dim3A_639 = arith.constant true
      %broadcast_in_dim3A_640 = vector.broadcast %broadcast_in_dim3A_639 : i1 to vector<16xi1>
      %masked_cumsum3A_641 = tpu.scan <sum>, %select_n3A_638 masked %broadcast_in_dim3A_640 : vector<16xi32>, vector<16xi1> -> vector<16xi32>
      %add3A_642 = arith.addi %add3A_632, %masked_cumsum3A_641 : vector<16xi32>
      %sub3A_643 = arith.constant 1 : i32
      %sub3A_644 = vector.broadcast %sub3A_643 : i32 to vector<16xi32>
      %sub3A_645 = arith.subi %add3A_642, %sub3A_644 : vector<16xi32>
      %lt3A_646 = arith.constant 8192 : i32
      %lt3A_647 = vector.broadcast %lt3A_646 : i32 to vector<16xi32>
      %lt3A_648 = arith.cmpi slt, %sub3A_645, %lt3A_647 : vector<16xi32>
      %and3A_649 = arith.andi %gt3A_637, %lt3A_648 : vector<16xi1>
      tpu.vector_store_idx %arg7[%sub3A_645], %get3A_636 masked %and3A_649 : memref<8208xf32, #tpu.memory_space<vmem>>[vector<16xi32>], vector<16xf32>, vector<16xi1>
      %add3A_650 = vector.broadcast %add3A_634 : i32 to vector<16xi32>
      %add3A_651 = arith.addi %add3A_650, %iota3A : vector<16xi32>
      tpu.vector_store_idx %arg9[%sub3A_645], %add3A_651 masked %and3A_649 : memref<8208xi32, #tpu.memory_space<vmem>>[vector<16xi32>], vector<16xi32>, vector<16xi1>
      %all_reduce_population_count3A_652 = tpu.all_reduce %gt3A_637 {dim = 0 : i64, kind = #tpu.reduction_kind<sum>} : vector<16xi1> -> vector<16xi32>
      %add3A_653 = arith.addi %add3A_632, %all_reduce_population_count3A_652 : vector<16xi32>
      scf.yield %add3A_653 : vector<16xi32>
    }
    %reduce_max3A_179 = arith.constant true
    %reduce_max3A_180 = vector.broadcast %reduce_max3A_179 : i1 to vector<16xi1>
    %reduce_max3A_181 = arith.constant -2147483648 : i32
    %reduce_max3A_182 = vector.broadcast %reduce_max3A_181 : i32 to vector<16xi32>
    %reduce_max3A_183 = arith.xori %while3A_178, %reduce_max3A_182 : vector<16xi32>
    %reduce_max3A_184 = tpu.scan <max>, %reduce_max3A_183 masked %reduce_max3A_180 : vector<16xi32>, vector<16xi1> -> vector<16xi32>
    %reduce_max3A_185 = arith.xori %reduce_max3A_184, %reduce_max3A_182 : vector<16xi32>
    %reduce_max3A_186 = vector.extract %reduce_max3A_185[15] : i32 from vector<16xi32>
    %min3A_187 = arith.constant 8192 : i32
    %min3A_188 = arith.minsi %reduce_max3A_186, %min3A_187 : i32
    %add3A_189 = arith.addi %while3A_178, %iota3A : vector<16xi32>
    %min3A_190 = arith.constant 8207 : i32
    %min3A_191 = vector.broadcast %min3A_190 : i32 to vector<16xi32>
    %min3A_192 = arith.minsi %add3A_189, %min3A_191 : vector<16xi32>
    %broadcast_in_dim3A_193 = arith.constant -3.000000e+38 : f32
    %broadcast_in_dim3A_194 = vector.broadcast %broadcast_in_dim3A_193 : f32 to vector<16xf32>
    tpu.vector_store_idx %arg7[%min3A_192], %broadcast_in_dim3A_194 : memref<8208xf32, #tpu.memory_space<vmem>>[vector<16xi32>], vector<16xf32>,
    tpu.vector_store_idx %arg9[%min3A_192], %broadcast_in_dim3A_5 : memref<8208xi32, #tpu.memory_space<vmem>>[vector<16xi32>], vector<16xi32>,
    %add3A_195 = arith.constant 15 : i32
    %add3A_196 = arith.addi %min3A_188, %add3A_195 : i32
    %shift_right_logical3A_197 = arith.constant 4 : i32
    %shift_right_logical3A_198 = arith.shrui %add3A_196, %shift_right_logical3A_197 : i32
    %scan3A_199 = arith.constant 0 : i32
    %scan3A_200 = arith.constant 12 : i32
    %scan3A_201 = arith.addi %scan3A_199, %scan3A_200 : i32
    %scan3A_202 = arith.constant 1 : i32
    %scan3A_203 = scf.for %scan3A_487 = %scan3A_199 to %scan3A_201 step %scan3A_202 iter_args(%scan3A_488 = %scan3A_152) -> (vector<16xf32>)  : i32 {
      %while3A_489 = arith.constant 0 : i32
      %while3A_490 = arith.subi %shift_right_logical3A_198, %while3A_489 : i32
      %while3A_491 = arith.addi %while3A_489, %while3A_490 : i32
      %while3A_492 = arith.constant 1 : i32
      %while3A_493 = arith.divsi %while3A_490, %while3A_492 : i32
      %while3A_494 = arith.muli %while3A_493, %while3A_492 : i32
      %while3A_495 = arith.addi %while3A_489, %while3A_494 : i32
      %while3A_496 = arith.constant 1 : i32
      %while3A_497:2 = scf.for %while3A_512 = %while3A_489 to %while3A_495 step %while3A_496 iter_args(%while3A_513 = %broadcast_in_dim3A_1, %while3A_514 = %broadcast_in_dim3A_1) -> (vector<16xf32>, vector<16xf32>)  : i32 {
        %mul3A_515 = arith.constant 16 : i32
        %mul3A_516 = arith.muli %while3A_512, %mul3A_515 : i32
        %get3A = arith.index_cast %mul3A_516 : i32 to index
        %get3A_517 = tpu.vector_load %arg7[%get3A] {strides = array<i32>} : memref<8208xf32, #tpu.memory_space<vmem>>, vector<16xf32>,
        %gt3A = arith.cmpf ogt, %get3A_517, %scan3A_488 : vector<16xf32>
        %jit3A = arith.constant 0.000000e+00 : f32
        %broadcast_in_dim3A_518 = vector.broadcast %jit3A : f32 to vector<16xf32>
        %select_n3A = arith.select %gt3A, %get3A_517, %broadcast_in_dim3A_518 : vector<16xi1>, vector<16xf32>
        %add3A_519 = arith.addf %while3A_513, %select_n3A : vector<16xf32>
        %jit3A_520 = arith.constant 1.000000e+00 : f32
        %jit3A_521 = arith.constant 0.000000e+00 : f32
        %broadcast_in_dim3A_522 = vector.broadcast %jit3A_520 : f32 to vector<16xf32>
        %broadcast_in_dim3A_523 = vector.broadcast %jit3A_521 : f32 to vector<16xf32>
        %select_n3A_524 = arith.select %gt3A, %broadcast_in_dim3A_522, %broadcast_in_dim3A_523 : vector<16xi1>, vector<16xf32>
        %add3A_525 = arith.addf %while3A_514, %select_n3A_524 : vector<16xf32>
        scf.yield %add3A_519, %add3A_525 : vector<16xf32>, vector<16xf32>
      }
      %while3A_498 = arith.constant 1 : i32
      %while3A_499:2 = scf.for %while3A_512 = %while3A_495 to %while3A_491 step %while3A_498 iter_args(%while3A_513 = %while3A_497#0, %while3A_514 = %while3A_497#1) -> (vector<16xf32>, vector<16xf32>)  : i32 {
        %mul3A_515 = arith.constant 16 : i32
        %mul3A_516 = arith.muli %while3A_512, %mul3A_515 : i32
        %get3A = arith.index_cast %mul3A_516 : i32 to index
        %get3A_517 = tpu.vector_load %arg7[%get3A] {strides = array<i32>} : memref<8208xf32, #tpu.memory_space<vmem>>, vector<16xf32>,
        %gt3A = arith.cmpf ogt, %get3A_517, %scan3A_488 : vector<16xf32>
        %jit3A = arith.constant 0.000000e+00 : f32
        %broadcast_in_dim3A_518 = vector.broadcast %jit3A : f32 to vector<16xf32>
        %select_n3A = arith.select %gt3A, %get3A_517, %broadcast_in_dim3A_518 : vector<16xi1>, vector<16xf32>
        %add3A_519 = arith.addf %while3A_513, %select_n3A : vector<16xf32>
        %jit3A_520 = arith.constant 1.000000e+00 : f32
        %jit3A_521 = arith.constant 0.000000e+00 : f32
        %broadcast_in_dim3A_522 = vector.broadcast %jit3A_520 : f32 to vector<16xf32>
        %broadcast_in_dim3A_523 = vector.broadcast %jit3A_521 : f32 to vector<16xf32>
        %select_n3A_524 = arith.select %gt3A, %broadcast_in_dim3A_522, %broadcast_in_dim3A_523 : vector<16xi1>, vector<16xf32>
        %add3A_525 = arith.addf %while3A_514, %select_n3A_524 : vector<16xf32>
        scf.yield %add3A_519, %add3A_525 : vector<16xf32>, vector<16xf32>
      }
      %reduce_sum3A = arith.constant true
      %reduce_sum3A_500 = vector.broadcast %reduce_sum3A : i1 to vector<16xi1>
      %reduce_sum3A_501 = tpu.scan <sum>, %while3A_499#0 masked %reduce_sum3A_500 : vector<16xf32>, vector<16xi1> -> vector<16xf32>
      %reduce_sum3A_502 = vector.extract %reduce_sum3A_501[15] : f32 from vector<16xf32>
      %broadcast_in_dim3A_503 = vector.broadcast %reduce_sum3A_502 : f32 to vector<16xf32>
      %reduce_sum3A_504 = arith.constant true
      %reduce_sum3A_505 = vector.broadcast %reduce_sum3A_504 : i1 to vector<16xi1>
      %reduce_sum3A_506 = tpu.scan <sum>, %while3A_499#1 masked %reduce_sum3A_505 : vector<16xf32>, vector<16xi1> -> vector<16xf32>
      %reduce_sum3A_507 = vector.extract %reduce_sum3A_506[15] : f32 from vector<16xf32>
      %broadcast_in_dim3A_508 = vector.broadcast %reduce_sum3A_507 : f32 to vector<16xf32>
      %sub3A_509 = arith.constant 1.000000e+00 : f32
      %sub3A_510 = vector.broadcast %sub3A_509 : f32 to vector<16xf32>
      %sub3A_511 = arith.subf %broadcast_in_dim3A_503, %sub3A_510 : vector<16xf32>
      %div3A = arith.divf %sub3A_511, %broadcast_in_dim3A_508 : vector<16xf32>
      scf.yield %div3A : vector<16xf32>
    }
    %scan3A_204 = arith.constant 12 : i32
    %sub3A_205 = arith.constant 1 : i32
    %sub3A_206 = arith.subi %add3A_120, %sub3A_205 : i32
    %dma_wait3A_207 = arith.constant 0 : i32
    %dma_wait3A_208 = tpu.memref_slice %arg3[%sub3A_206, %dma_wait3A_207] : memref<128x32768xf32, #tpu.memory_space<hbm>> -> memref<1x32768xf32, #tpu.memory_space<hbm>>
    %dma_wait3A_209 = tpu.memref_squeeze %dma_wait3A_208 : memref<1x32768xf32, #tpu.memory_space<hbm>> -> memref<32768xf32, #tpu.memory_space<hbm>>
    %dma_wait3A_210 = arith.constant 0 : i32
    %dma_wait3A_211 = tpu.memref_slice %arg3[%sub3A_206, %dma_wait3A_210] : memref<128x32768xf32, #tpu.memory_space<hbm>> -> memref<1x32768xf32, #tpu.memory_space<hbm>>
    %dma_wait3A_212 = tpu.memref_squeeze %dma_wait3A_211 : memref<1x32768xf32, #tpu.memory_space<hbm>> -> memref<32768xf32, #tpu.memory_space<hbm>>
    tpu.wait_dma2 semaphore(%arg13 : memref<!tpu.dma_semaphore, #tpu.memory_space<semaphore_mem>>) src(%arg6 : memref<32768xf32, #tpu.memory_space<vmem>>) dst(%dma_wait3A_212 : memref<32768xf32, #tpu.memory_space<hbm>>)
    %while3A_213 = arith.constant 0 : i32
    %while3A_214 = arith.constant 0 : i32
    %while3A_215 = arith.subi %shift_right_logical3A_94, %while3A_214 : i32
    %while3A_216 = arith.addi %while3A_214, %while3A_215 : i32
    %while3A_217 = arith.constant 1 : i32
    %while3A_218 = arith.divsi %while3A_215, %while3A_217 : i32
    %while3A_219 = arith.muli %while3A_218, %while3A_217 : i32
    %while3A_220 = arith.addi %while3A_214, %while3A_219 : i32
    %while3A_221 = arith.constant 1 : i32
    scf.for %while3A_487 = %while3A_214 to %while3A_220 step %while3A_221  : i32 {
      %mul3A_488 = arith.constant 16 : i32
      %mul3A_489 = arith.muli %while3A_487, %mul3A_488 : i32
      %get3A = arith.index_cast %mul3A_489 : i32 to index
      %get3A_490 = tpu.vector_load %arg8[%get3A] {strides = array<i32>} : memref<8208xi32, #tpu.memory_space<vmem>>, vector<16xi32>,
      tpu.vector_store_idx %arg6[%get3A_490], %broadcast_in_dim3A_1 : memref<32768xf32, #tpu.memory_space<vmem>>[vector<16xi32>], vector<16xf32>,
    }
    %while3A_222 = arith.constant 1 : i32
    scf.for %while3A_487 = %while3A_220 to %while3A_216 step %while3A_222  : i32 {
      %mul3A_488 = arith.constant 16 : i32
      %mul3A_489 = arith.muli %while3A_487, %mul3A_488 : i32
      %get3A = arith.index_cast %mul3A_489 : i32 to index
      %get3A_490 = tpu.vector_load %arg8[%get3A] {strides = array<i32>} : memref<8208xi32, #tpu.memory_space<vmem>>, vector<16xi32>,
      tpu.vector_store_idx %arg6[%get3A_490], %broadcast_in_dim3A_1 : memref<32768xf32, #tpu.memory_space<vmem>>[vector<16xi32>], vector<16xf32>,
    }
    %while3A_223 = arith.constant 0 : i32
    %while3A_224 = arith.constant 0 : i32
    %while3A_225 = arith.subi %shift_right_logical3A_198, %while3A_224 : i32
    %while3A_226 = arith.addi %while3A_224, %while3A_225 : i32
    %while3A_227 = arith.constant 1 : i32
    %while3A_228 = arith.divsi %while3A_225, %while3A_227 : i32
    %while3A_229 = arith.muli %while3A_228, %while3A_227 : i32
    %while3A_230 = arith.addi %while3A_224, %while3A_229 : i32
    %while3A_231 = arith.constant 1 : i32
    scf.for %while3A_487 = %while3A_224 to %while3A_230 step %while3A_231  : i32 {
      %mul3A_488 = arith.constant 16 : i32
      %mul3A_489 = arith.muli %while3A_487, %mul3A_488 : i32
      %get3A = arith.index_cast %mul3A_489 : i32 to index
      %get3A_490 = tpu.vector_load %arg7[%get3A] {strides = array<i32>} : memref<8208xf32, #tpu.memory_space<vmem>>, vector<16xf32>,
      %mul3A_491 = arith.constant 16 : i32
      %mul3A_492 = arith.muli %while3A_487, %mul3A_491 : i32
      %get3A_493 = arith.index_cast %mul3A_492 : i32 to index
      %get3A_494 = tpu.vector_load %arg9[%get3A_493] {strides = array<i32>} : memref<8208xi32, #tpu.memory_space<vmem>>, vector<16xi32>,
      %sub3A_495 = arith.subf %get3A_490, %scan3A_203 : vector<16xf32>
      %max3A = arith.constant 0.000000e+00 : f32
      %max3A_496 = vector.broadcast %max3A : f32 to vector<16xf32>
      %max3A_497 = arith.maximumf %sub3A_495, %max3A_496 : vector<16xf32>
      %gt3A = arith.cmpf ogt, %get3A_490, %scan3A_203 : vector<16xf32>
      tpu.vector_store_idx %arg6[%get3A_494], %max3A_497 masked %gt3A : memref<32768xf32, #tpu.memory_space<vmem>>[vector<16xi32>], vector<16xf32>, vector<16xi1>
    }
    %while3A_232 = arith.constant 1 : i32
    scf.for %while3A_487 = %while3A_230 to %while3A_226 step %while3A_232  : i32 {
      %mul3A_488 = arith.constant 16 : i32
      %mul3A_489 = arith.muli %while3A_487, %mul3A_488 : i32
      %get3A = arith.index_cast %mul3A_489 : i32 to index
      %get3A_490 = tpu.vector_load %arg7[%get3A] {strides = array<i32>} : memref<8208xf32, #tpu.memory_space<vmem>>, vector<16xf32>,
      %mul3A_491 = arith.constant 16 : i32
      %mul3A_492 = arith.muli %while3A_487, %mul3A_491 : i32
      %get3A_493 = arith.index_cast %mul3A_492 : i32 to index
      %get3A_494 = tpu.vector_load %arg9[%get3A_493] {strides = array<i32>} : memref<8208xi32, #tpu.memory_space<vmem>>, vector<16xi32>,
      %sub3A_495 = arith.subf %get3A_490, %scan3A_203 : vector<16xf32>
      %max3A = arith.constant 0.000000e+00 : f32
      %max3A_496 = vector.broadcast %max3A : f32 to vector<16xf32>
      %max3A_497 = arith.maximumf %sub3A_495, %max3A_496 : vector<16xf32>
      %gt3A = arith.cmpf ogt, %get3A_490, %scan3A_203 : vector<16xf32>
      tpu.vector_store_idx %arg6[%get3A_494], %max3A_497 masked %gt3A : memref<32768xf32, #tpu.memory_space<vmem>>[vector<16xi32>], vector<16xf32>, vector<16xi1>
    }
    %dma_start3A_233 = arith.constant 0 : i32
    %dma_start3A_234 = tpu.memref_slice %arg3[%add3A_120, %dma_start3A_233] : memref<128x32768xf32, #tpu.memory_space<hbm>> -> memref<1x32768xf32, #tpu.memory_space<hbm>>
    %dma_start3A_235 = tpu.memref_squeeze %dma_start3A_234 : memref<1x32768xf32, #tpu.memory_space<hbm>> -> memref<32768xf32, #tpu.memory_space<hbm>>
    %dma_start3A_236 = arith.constant 0 : i32
    %dma_start3A_237 = tpu.memref_slice %arg3[%add3A_120, %dma_start3A_236] : memref<128x32768xf32, #tpu.memory_space<hbm>> -> memref<1x32768xf32, #tpu.memory_space<hbm>>
    %dma_start3A_238 = tpu.memref_squeeze %dma_start3A_237 : memref<1x32768xf32, #tpu.memory_space<hbm>> -> memref<32768xf32, #tpu.memory_space<hbm>>
    tpu.enqueue_dma source(%arg6 : memref<32768xf32, #tpu.memory_space<vmem>>) target(%dma_start3A_238 : memref<32768xf32, #tpu.memory_space<hbm>>) target_semaphore(%arg13 : memref<!tpu.dma_semaphore, #tpu.memory_space<semaphore_mem>>)
    %mul3A_239 = arith.constant 4 : i32
    %mul3A_240 = arith.muli %add3A, %mul3A_239 : i32
    %add3A_241 = arith.constant 2 : i32
    %add3A_242 = arith.addi %mul3A_240, %add3A_241 : i32
    %dma_wait3A_243 = arith.constant 0 : i32
    %dma_wait3A_244 = tpu.memref_slice %arg2[%add3A_242, %dma_wait3A_243] : memref<128x32768xf32, #tpu.memory_space<hbm>> -> memref<1x32768xf32, #tpu.memory_space<hbm>>
    %dma_wait3A_245 = tpu.memref_squeeze %dma_wait3A_244 : memref<1x32768xf32, #tpu.memory_space<hbm>> -> memref<32768xf32, #tpu.memory_space<hbm>>
    %dma_wait3A_246 = arith.constant 0 : i32
    %dma_wait3A_247 = tpu.memref_slice %arg2[%add3A_242, %dma_wait3A_246] : memref<128x32768xf32, #tpu.memory_space<hbm>> -> memref<1x32768xf32, #tpu.memory_space<hbm>>
    %dma_wait3A_248 = tpu.memref_squeeze %dma_wait3A_247 : memref<1x32768xf32, #tpu.memory_space<hbm>> -> memref<32768xf32, #tpu.memory_space<hbm>>
    tpu.wait_dma2 semaphore(%arg12 : memref<!tpu.dma_semaphore, #tpu.memory_space<semaphore_mem>>) src(%dma_wait3A_248 : memref<32768xf32, #tpu.memory_space<hbm>>) dst(%arg4 : memref<32768xf32, #tpu.memory_space<vmem>>)
    %add3A_249 = arith.constant 1 : i32
    %add3A_250 = arith.addi %add3A_242, %add3A_249 : i32
    %dma_start3A_251 = arith.constant 0 : i32
    %dma_start3A_252 = tpu.memref_slice %arg2[%add3A_250, %dma_start3A_251] : memref<128x32768xf32, #tpu.memory_space<hbm>> -> memref<1x32768xf32, #tpu.memory_space<hbm>>
    %dma_start3A_253 = tpu.memref_squeeze %dma_start3A_252 : memref<1x32768xf32, #tpu.memory_space<hbm>> -> memref<32768xf32, #tpu.memory_space<hbm>>
    %dma_start3A_254 = arith.constant 0 : i32
    %dma_start3A_255 = tpu.memref_slice %arg2[%add3A_250, %dma_start3A_254] : memref<128x32768xf32, #tpu.memory_space<hbm>> -> memref<1x32768xf32, #tpu.memory_space<hbm>>
    %dma_start3A_256 = tpu.memref_squeeze %dma_start3A_255 : memref<1x32768xf32, #tpu.memory_space<hbm>> -> memref<32768xf32, #tpu.memory_space<hbm>>
    tpu.enqueue_dma source(%dma_start3A_256 : memref<32768xf32, #tpu.memory_space<hbm>>) target(%arg5 : memref<32768xf32, #tpu.memory_space<vmem>>) target_semaphore(%arg12 : memref<!tpu.dma_semaphore, #tpu.memory_space<semaphore_mem>>)
    %broadcast_in_dim3A_257 = arith.constant -3.000000e+38 : f32
    %broadcast_in_dim3A_258 = vector.broadcast %broadcast_in_dim3A_257 : f32 to vector<16xf32>
    %parallel_loop3A_259 = arith.constant 0 : i32
    %parallel_loop3A_260 = arith.constant 256 : i32
    %parallel_loop3A_261 = arith.constant 1 : i32
    %parallel_loop3A_262 = scf.for %parallel_loop3A_487 = %parallel_loop3A_259 to %parallel_loop3A_260 step %parallel_loop3A_261 iter_args(%parallel_loop3A_488 = %broadcast_in_dim3A_258) -> (vector<16xf32>)  : i32 {
      %parallel_loop3A_489 = arith.constant 128 : i32
      %parallel_loop3A_490 = arith.muli %parallel_loop3A_487, %parallel_loop3A_489 : i32
      %parallel_loop3A_491 = arith.constant 0 : i32
      %parallel_loop3A_492 = arith.addi %parallel_loop3A_490, %parallel_loop3A_491 : i32
      %parallel_loop3A_493 = arith.index_cast %parallel_loop3A_492 : i32 to index
      %parallel_loop3A_494 = tpu.vector_load %arg4[%parallel_loop3A_493] {strides = array<i32>} : memref<32768xf32, #tpu.memory_space<vmem>>, vector<16xf32>,
      %parallel_loop3A_495 = arith.constant 16 : i32
      %parallel_loop3A_496 = arith.addi %parallel_loop3A_490, %parallel_loop3A_495 : i32
      %parallel_loop3A_497 = arith.index_cast %parallel_loop3A_496 : i32 to index
      %parallel_loop3A_498 = tpu.vector_load %arg4[%parallel_loop3A_497] {strides = array<i32>} : memref<32768xf32, #tpu.memory_space<vmem>>, vector<16xf32>,
      %parallel_loop3A_499 = arith.constant 32 : i32
      %parallel_loop3A_500 = arith.addi %parallel_loop3A_490, %parallel_loop3A_499 : i32
      %parallel_loop3A_501 = arith.index_cast %parallel_loop3A_500 : i32 to index
      %parallel_loop3A_502 = tpu.vector_load %arg4[%parallel_loop3A_501] {strides = array<i32>} : memref<32768xf32, #tpu.memory_space<vmem>>, vector<16xf32>,
      %parallel_loop3A_503 = arith.constant 48 : i32
      %parallel_loop3A_504 = arith.addi %parallel_loop3A_490, %parallel_loop3A_503 : i32
      %parallel_loop3A_505 = arith.index_cast %parallel_loop3A_504 : i32 to index
      %parallel_loop3A_506 = tpu.vector_load %arg4[%parallel_loop3A_505] {strides = array<i32>} : memref<32768xf32, #tpu.memory_space<vmem>>, vector<16xf32>,
      %parallel_loop3A_507 = arith.constant 64 : i32
      %parallel_loop3A_508 = arith.addi %parallel_loop3A_490, %parallel_loop3A_507 : i32
      %parallel_loop3A_509 = arith.index_cast %parallel_loop3A_508 : i32 to index
      %parallel_loop3A_510 = tpu.vector_load %arg4[%parallel_loop3A_509] {strides = array<i32>} : memref<32768xf32, #tpu.memory_space<vmem>>, vector<16xf32>,
      %parallel_loop3A_511 = arith.constant 80 : i32
      %parallel_loop3A_512 = arith.addi %parallel_loop3A_490, %parallel_loop3A_511 : i32
      %parallel_loop3A_513 = arith.index_cast %parallel_loop3A_512 : i32 to index
      %parallel_loop3A_514 = tpu.vector_load %arg4[%parallel_loop3A_513] {strides = array<i32>} : memref<32768xf32, #tpu.memory_space<vmem>>, vector<16xf32>,
      %parallel_loop3A_515 = arith.constant 96 : i32
      %parallel_loop3A_516 = arith.addi %parallel_loop3A_490, %parallel_loop3A_515 : i32
      %parallel_loop3A_517 = arith.index_cast %parallel_loop3A_516 : i32 to index
      %parallel_loop3A_518 = tpu.vector_load %arg4[%parallel_loop3A_517] {strides = array<i32>} : memref<32768xf32, #tpu.memory_space<vmem>>, vector<16xf32>,
      %parallel_loop3A_519 = arith.constant 112 : i32
      %parallel_loop3A_520 = arith.addi %parallel_loop3A_490, %parallel_loop3A_519 : i32
      %parallel_loop3A_521 = arith.index_cast %parallel_loop3A_520 : i32 to index
      %parallel_loop3A_522 = tpu.vector_load %arg4[%parallel_loop3A_521] {strides = array<i32>} : memref<32768xf32, #tpu.memory_space<vmem>>, vector<16xf32>,
      %parallel_loop3A_523 = arith.maximumf %parallel_loop3A_494, %parallel_loop3A_498 : vector<16xf32>
      %parallel_loop3A_524 = arith.maximumf %parallel_loop3A_502, %parallel_loop3A_506 : vector<16xf32>
      %parallel_loop3A_525 = arith.maximumf %parallel_loop3A_510, %parallel_loop3A_514 : vector<16xf32>
      %parallel_loop3A_526 = arith.maximumf %parallel_loop3A_518, %parallel_loop3A_522 : vector<16xf32>
      %parallel_loop3A_527 = arith.maximumf %parallel_loop3A_523, %parallel_loop3A_524 : vector<16xf32>
      %parallel_loop3A_528 = arith.maximumf %parallel_loop3A_525, %parallel_loop3A_526 : vector<16xf32>
      %parallel_loop3A_529 = arith.maximumf %parallel_loop3A_527, %parallel_loop3A_528 : vector<16xf32>
      %parallel_loop3A_530 = vector.broadcast %parallel_loop3A_487 : i32 to vector<16xi32>
      %parallel_loop3A_531 = arith.constant true
      %parallel_loop3A_532 = vector.broadcast %parallel_loop3A_531 : i1 to vector<16xi1>
      %parallel_loop3A_533 = tpu.scan <max>, %parallel_loop3A_529 masked %parallel_loop3A_532 : vector<16xf32>, vector<16xi1> -> vector<16xf32>
      tpu.vector_store_idx %arg10[%parallel_loop3A_530], %parallel_loop3A_533 masked %eq3A_7 : memref<256xf32, #tpu.memory_space<vmem>>[vector<16xi32>], vector<16xf32>, vector<16xi1>
      %parallel_loop3A_534 = arith.maximumf %parallel_loop3A_488, %parallel_loop3A_529 : vector<16xf32>
      scf.yield %parallel_loop3A_534 : vector<16xf32>
    } {sc.loop_unroll_factor = 4 : i64, sc.parallel_access}
    %reduce_max3A_263 = arith.constant true
    %reduce_max3A_264 = vector.broadcast %reduce_max3A_263 : i1 to vector<16xi1>
    %reduce_max3A_265 = tpu.scan <max>, %parallel_loop3A_262 masked %reduce_max3A_264 : vector<16xf32>, vector<16xi1> -> vector<16xf32>
    %reduce_max3A_266 = vector.extract %reduce_max3A_265[15] : f32 from vector<16xf32>
    %sub3A_267 = arith.constant 1.000000e+00 : f32
    %sub3A_268 = arith.subf %reduce_max3A_266, %sub3A_267 : f32
    %broadcast_in_dim3A_269 = vector.broadcast %sub3A_268 : f32 to vector<16xf32>
    %scan3A_270 = arith.constant 0 : i32
    %scan3A_271 = arith.constant 8 : i32
    %scan3A_272 = arith.addi %scan3A_270, %scan3A_271 : i32
    %scan3A_273 = arith.constant 1 : i32
    %scan3A_274 = scf.for %scan3A_487 = %scan3A_270 to %scan3A_272 step %scan3A_273 iter_args(%scan3A_488 = %broadcast_in_dim3A_269) -> (vector<16xf32>)  : i32 {
      %scan3A_489 = arith.constant 0 : i32
      %scan3A_490 = arith.constant 16 : i32
      %scan3A_491 = arith.addi %scan3A_489, %scan3A_490 : i32
      %scan3A_492 = arith.constant 1 : i32
      %scan3A_493:2 = scf.for %scan3A_507 = %scan3A_489 to %scan3A_491 step %scan3A_492 iter_args(%scan3A_508 = %broadcast_in_dim3A_1, %scan3A_509 = %broadcast_in_dim3A_1) -> (vector<16xf32>, vector<16xf32>)  : i32 {
        %mul3A_510 = arith.constant 16 : i32
        %mul3A_511 = arith.muli %scan3A_507, %mul3A_510 : i32
        %get3A = arith.index_cast %mul3A_511 : i32 to index
        %get3A_512 = tpu.vector_load %arg10[%get3A] {strides = array<i32>} : memref<256xf32, #tpu.memory_space<vmem>>, vector<16xf32>,
        %gt3A = arith.cmpf ogt, %get3A_512, %scan3A_488 : vector<16xf32>
        %jit3A = arith.constant 0.000000e+00 : f32
        %broadcast_in_dim3A_513 = vector.broadcast %jit3A : f32 to vector<16xf32>
        %select_n3A = arith.select %gt3A, %get3A_512, %broadcast_in_dim3A_513 : vector<16xi1>, vector<16xf32>
        %add3A_514 = arith.addf %scan3A_508, %select_n3A : vector<16xf32>
        %jit3A_515 = arith.constant 1.000000e+00 : f32
        %jit3A_516 = arith.constant 0.000000e+00 : f32
        %broadcast_in_dim3A_517 = vector.broadcast %jit3A_515 : f32 to vector<16xf32>
        %broadcast_in_dim3A_518 = vector.broadcast %jit3A_516 : f32 to vector<16xf32>
        %select_n3A_519 = arith.select %gt3A, %broadcast_in_dim3A_517, %broadcast_in_dim3A_518 : vector<16xi1>, vector<16xf32>
        %add3A_520 = arith.addf %scan3A_509, %select_n3A_519 : vector<16xf32>
        scf.yield %add3A_514, %add3A_520 : vector<16xf32>, vector<16xf32>
      }
      %scan3A_494 = arith.constant 16 : i32
      %reduce_sum3A = arith.constant true
      %reduce_sum3A_495 = vector.broadcast %reduce_sum3A : i1 to vector<16xi1>
      %reduce_sum3A_496 = tpu.scan <sum>, %scan3A_493#0 masked %reduce_sum3A_495 : vector<16xf32>, vector<16xi1> -> vector<16xf32>
      %reduce_sum3A_497 = vector.extract %reduce_sum3A_496[15] : f32 from vector<16xf32>
      %broadcast_in_dim3A_498 = vector.broadcast %reduce_sum3A_497 : f32 to vector<16xf32>
      %reduce_sum3A_499 = arith.constant true
      %reduce_sum3A_500 = vector.broadcast %reduce_sum3A_499 : i1 to vector<16xi1>
      %reduce_sum3A_501 = tpu.scan <sum>, %scan3A_493#1 masked %reduce_sum3A_500 : vector<16xf32>, vector<16xi1> -> vector<16xf32>
      %reduce_sum3A_502 = vector.extract %reduce_sum3A_501[15] : f32 from vector<16xf32>
      %broadcast_in_dim3A_503 = vector.broadcast %reduce_sum3A_502 : f32 to vector<16xf32>
      %sub3A_504 = arith.constant 1.000000e+00 : f32
      %sub3A_505 = vector.broadcast %sub3A_504 : f32 to vector<16xf32>
      %sub3A_506 = arith.subf %broadcast_in_dim3A_498, %sub3A_505 : vector<16xf32>
      %div3A = arith.divf %sub3A_506, %broadcast_in_dim3A_503 : vector<16xf32>
      scf.yield %div3A : vector<16xf32>
    }
    %scan3A_275 = arith.constant 8 : i32
    %scan3A_276 = arith.constant 0 : i32
    %scan3A_277 = arith.constant 16 : i32
    %scan3A_278 = arith.addi %scan3A_276, %scan3A_277 : i32
    %scan3A_279 = arith.constant 1 : i32
    %scan3A_280 = scf.for %scan3A_487 = %scan3A_276 to %scan3A_278 step %scan3A_279 iter_args(%scan3A_488 = %broadcast_in_dim3A_5) -> (vector<16xi32>)  : i32 {
      %mul3A_489 = arith.constant 16 : i32
      %mul3A_490 = arith.muli %scan3A_487, %mul3A_489 : i32
      %get3A = arith.index_cast %mul3A_490 : i32 to index
      %get3A_491 = tpu.vector_load %arg10[%get3A] {strides = array<i32>} : memref<256xf32, #tpu.memory_space<vmem>>, vector<16xf32>,
      %gt3A = arith.cmpf ogt, %get3A_491, %scan3A_274 : vector<16xf32>
      %select_n3A = arith.select %gt3A, %broadcast_in_dim3A_3, %broadcast_in_dim3A_5 : vector<16xi1>, vector<16xi32>
      %broadcast_in_dim3A_492 = arith.constant true
      %broadcast_in_dim3A_493 = vector.broadcast %broadcast_in_dim3A_492 : i1 to vector<16xi1>
      %masked_cumsum3A = tpu.scan <sum>, %select_n3A masked %broadcast_in_dim3A_493 : vector<16xi32>, vector<16xi1> -> vector<16xi32>
      %add3A_494 = arith.addi %scan3A_488, %masked_cumsum3A : vector<16xi32>
      %sub3A_495 = arith.constant 1 : i32
      %sub3A_496 = vector.broadcast %sub3A_495 : i32 to vector<16xi32>
      %sub3A_497 = arith.subi %add3A_494, %sub3A_496 : vector<16xi32>
      %mul3A_498 = arith.constant 16 : i32
      %mul3A_499 = arith.muli %scan3A_487, %mul3A_498 : i32
      %add3A_500 = vector.broadcast %mul3A_499 : i32 to vector<16xi32>
      %add3A_501 = arith.addi %add3A_500, %iota3A : vector<16xi32>
      tpu.vector_store_idx %arg11[%sub3A_497], %add3A_501 masked %gt3A : memref<272xi32, #tpu.memory_space<vmem>>[vector<16xi32>], vector<16xi32>, vector<16xi1>
      %all_reduce_population_count3A = tpu.all_reduce %gt3A {dim = 0 : i64, kind = #tpu.reduction_kind<sum>} : vector<16xi1> -> vector<16xi32>
      %add3A_502 = arith.addi %scan3A_488, %all_reduce_population_count3A : vector<16xi32>
      scf.yield %add3A_502 : vector<16xi32>
    }
    %scan3A_281 = arith.constant 16 : i32
    %reduce_max3A_282 = arith.constant true
    %reduce_max3A_283 = vector.broadcast %reduce_max3A_282 : i1 to vector<16xi1>
    %reduce_max3A_284 = arith.constant -2147483648 : i32
    %reduce_max3A_285 = vector.broadcast %reduce_max3A_284 : i32 to vector<16xi32>
    %reduce_max3A_286 = arith.xori %scan3A_280, %reduce_max3A_285 : vector<16xi32>
    %reduce_max3A_287 = tpu.scan <max>, %reduce_max3A_286 masked %reduce_max3A_283 : vector<16xi32>, vector<16xi1> -> vector<16xi32>
    %reduce_max3A_288 = arith.xori %reduce_max3A_287, %reduce_max3A_285 : vector<16xi32>
    %reduce_max3A_289 = vector.extract %reduce_max3A_288[15] : i32 from vector<16xi32>
    %while3A_290 = arith.constant 0 : i32
    %while3A_291 = arith.subi %reduce_max3A_289, %while3A_290 : i32
    %while3A_292 = arith.addi %while3A_290, %while3A_291 : i32
    %while3A_293 = arith.constant 1 : i32
    %while3A_294 = arith.divsi %while3A_291, %while3A_293 : i32
    %while3A_295 = arith.muli %while3A_294, %while3A_293 : i32
    %while3A_296 = arith.addi %while3A_290, %while3A_295 : i32
    %while3A_297 = arith.constant 1 : i32
    %while3A_298 = scf.for %while3A_487 = %while3A_290 to %while3A_296 step %while3A_297 iter_args(%while3A_488 = %broadcast_in_dim3A_5) -> (vector<16xi32>)  : i32 {
      %get3A = arith.index_cast %while3A_487 : i32 to index
      %get3A_489 = tpu.vector_load %arg11[%get3A] {strides = array<i32>} : memref<272xi32, #tpu.memory_space<vmem>>, vector<16xi32>,
      %slice3A = vector.extract_strided_slice %get3A_489 {offsets = [0], sizes = [1], strides = [1]} : vector<16xi32> to vector<1xi32>
      %squeeze3A = vector.extract %slice3A[0] : i32 from vector<1xi32>
      %mul3A_490 = arith.constant 128 : i32
      %mul3A_491 = arith.muli %squeeze3A, %mul3A_490 : i32
      %add3A_492 = arith.constant 0 : i32
      %add3A_493 = arith.addi %mul3A_491, %add3A_492 : i32
      %get3A_494 = arith.index_cast %add3A_493 : i32 to index
      %get3A_495 = tpu.vector_load %arg4[%get3A_494] {strides = array<i32>} : memref<32768xf32, #tpu.memory_space<vmem>>, vector<16xf32>,
      %gt3A = arith.cmpf ogt, %get3A_495, %scan3A_274 : vector<16xf32>
      %select_n3A = arith.select %gt3A, %broadcast_in_dim3A_3, %broadcast_in_dim3A_5 : vector<16xi1>, vector<16xi32>
      %broadcast_in_dim3A_496 = arith.constant true
      %broadcast_in_dim3A_497 = vector.broadcast %broadcast_in_dim3A_496 : i1 to vector<16xi1>
      %masked_cumsum3A = tpu.scan <sum>, %select_n3A masked %broadcast_in_dim3A_497 : vector<16xi32>, vector<16xi1> -> vector<16xi32>
      %add3A_498 = arith.addi %while3A_488, %masked_cumsum3A : vector<16xi32>
      %sub3A_499 = arith.constant 1 : i32
      %sub3A_500 = vector.broadcast %sub3A_499 : i32 to vector<16xi32>
      %sub3A_501 = arith.subi %add3A_498, %sub3A_500 : vector<16xi32>
      %lt3A = arith.constant 8192 : i32
      %lt3A_502 = vector.broadcast %lt3A : i32 to vector<16xi32>
      %lt3A_503 = arith.cmpi slt, %sub3A_501, %lt3A_502 : vector<16xi32>
      %and3A = arith.andi %gt3A, %lt3A_503 : vector<16xi1>
      tpu.vector_store_idx %arg7[%sub3A_501], %get3A_495 masked %and3A : memref<8208xf32, #tpu.memory_space<vmem>>[vector<16xi32>], vector<16xf32>, vector<16xi1>
      %add3A_504 = vector.broadcast %add3A_493 : i32 to vector<16xi32>
      %add3A_505 = arith.addi %add3A_504, %iota3A : vector<16xi32>
      tpu.vector_store_idx %arg8[%sub3A_501], %add3A_505 masked %and3A : memref<8208xi32, #tpu.memory_space<vmem>>[vector<16xi32>], vector<16xi32>, vector<16xi1>
      %all_reduce_population_count3A = tpu.all_reduce %gt3A {dim = 0 : i64, kind = #tpu.reduction_kind<sum>} : vector<16xi1> -> vector<16xi32>
      %add3A_506 = arith.addi %while3A_488, %all_reduce_population_count3A : vector<16xi32>
      %add3A_507 = arith.constant 16 : i32
      %add3A_508 = arith.addi %mul3A_491, %add3A_507 : i32
      %get3A_509 = arith.index_cast %add3A_508 : i32 to index
      %get3A_510 = tpu.vector_load %arg4[%get3A_509] {strides = array<i32>} : memref<32768xf32, #tpu.memory_space<vmem>>, vector<16xf32>,
      %gt3A_511 = arith.cmpf ogt, %get3A_510, %scan3A_274 : vector<16xf32>
      %select_n3A_512 = arith.select %gt3A_511, %broadcast_in_dim3A_3, %broadcast_in_dim3A_5 : vector<16xi1>, vector<16xi32>
      %broadcast_in_dim3A_513 = arith.constant true
      %broadcast_in_dim3A_514 = vector.broadcast %broadcast_in_dim3A_513 : i1 to vector<16xi1>
      %masked_cumsum3A_515 = tpu.scan <sum>, %select_n3A_512 masked %broadcast_in_dim3A_514 : vector<16xi32>, vector<16xi1> -> vector<16xi32>
      %add3A_516 = arith.addi %add3A_506, %masked_cumsum3A_515 : vector<16xi32>
      %sub3A_517 = arith.constant 1 : i32
      %sub3A_518 = vector.broadcast %sub3A_517 : i32 to vector<16xi32>
      %sub3A_519 = arith.subi %add3A_516, %sub3A_518 : vector<16xi32>
      %lt3A_520 = arith.constant 8192 : i32
      %lt3A_521 = vector.broadcast %lt3A_520 : i32 to vector<16xi32>
      %lt3A_522 = arith.cmpi slt, %sub3A_519, %lt3A_521 : vector<16xi32>
      %and3A_523 = arith.andi %gt3A_511, %lt3A_522 : vector<16xi1>
      tpu.vector_store_idx %arg7[%sub3A_519], %get3A_510 masked %and3A_523 : memref<8208xf32, #tpu.memory_space<vmem>>[vector<16xi32>], vector<16xf32>, vector<16xi1>
      %add3A_524 = vector.broadcast %add3A_508 : i32 to vector<16xi32>
      %add3A_525 = arith.addi %add3A_524, %iota3A : vector<16xi32>
      tpu.vector_store_idx %arg8[%sub3A_519], %add3A_525 masked %and3A_523 : memref<8208xi32, #tpu.memory_space<vmem>>[vector<16xi32>], vector<16xi32>, vector<16xi1>
      %all_reduce_population_count3A_526 = tpu.all_reduce %gt3A_511 {dim = 0 : i64, kind = #tpu.reduction_kind<sum>} : vector<16xi1> -> vector<16xi32>
      %add3A_527 = arith.addi %add3A_506, %all_reduce_population_count3A_526 : vector<16xi32>
      %add3A_528 = arith.constant 32 : i32
      %add3A_529 = arith.addi %mul3A_491, %add3A_528 : i32
      %get3A_530 = arith.index_cast %add3A_529 : i32 to index
      %get3A_531 = tpu.vector_load %arg4[%get3A_530] {strides = array<i32>} : memref<32768xf32, #tpu.memory_space<vmem>>, vector<16xf32>,
      %gt3A_532 = arith.cmpf ogt, %get3A_531, %scan3A_274 : vector<16xf32>
      %select_n3A_533 = arith.select %gt3A_532, %broadcast_in_dim3A_3, %broadcast_in_dim3A_5 : vector<16xi1>, vector<16xi32>
      %broadcast_in_dim3A_534 = arith.constant true
      %broadcast_in_dim3A_535 = vector.broadcast %broadcast_in_dim3A_534 : i1 to vector<16xi1>
      %masked_cumsum3A_536 = tpu.scan <sum>, %select_n3A_533 masked %broadcast_in_dim3A_535 : vector<16xi32>, vector<16xi1> -> vector<16xi32>
      %add3A_537 = arith.addi %add3A_527, %masked_cumsum3A_536 : vector<16xi32>
      %sub3A_538 = arith.constant 1 : i32
      %sub3A_539 = vector.broadcast %sub3A_538 : i32 to vector<16xi32>
      %sub3A_540 = arith.subi %add3A_537, %sub3A_539 : vector<16xi32>
      %lt3A_541 = arith.constant 8192 : i32
      %lt3A_542 = vector.broadcast %lt3A_541 : i32 to vector<16xi32>
      %lt3A_543 = arith.cmpi slt, %sub3A_540, %lt3A_542 : vector<16xi32>
      %and3A_544 = arith.andi %gt3A_532, %lt3A_543 : vector<16xi1>
      tpu.vector_store_idx %arg7[%sub3A_540], %get3A_531 masked %and3A_544 : memref<8208xf32, #tpu.memory_space<vmem>>[vector<16xi32>], vector<16xf32>, vector<16xi1>
      %add3A_545 = vector.broadcast %add3A_529 : i32 to vector<16xi32>
      %add3A_546 = arith.addi %add3A_545, %iota3A : vector<16xi32>
      tpu.vector_store_idx %arg8[%sub3A_540], %add3A_546 masked %and3A_544 : memref<8208xi32, #tpu.memory_space<vmem>>[vector<16xi32>], vector<16xi32>, vector<16xi1>
      %all_reduce_population_count3A_547 = tpu.all_reduce %gt3A_532 {dim = 0 : i64, kind = #tpu.reduction_kind<sum>} : vector<16xi1> -> vector<16xi32>
      %add3A_548 = arith.addi %add3A_527, %all_reduce_population_count3A_547 : vector<16xi32>
      %add3A_549 = arith.constant 48 : i32
      %add3A_550 = arith.addi %mul3A_491, %add3A_549 : i32
      %get3A_551 = arith.index_cast %add3A_550 : i32 to index
      %get3A_552 = tpu.vector_load %arg4[%get3A_551] {strides = array<i32>} : memref<32768xf32, #tpu.memory_space<vmem>>, vector<16xf32>,
      %gt3A_553 = arith.cmpf ogt, %get3A_552, %scan3A_274 : vector<16xf32>
      %select_n3A_554 = arith.select %gt3A_553, %broadcast_in_dim3A_3, %broadcast_in_dim3A_5 : vector<16xi1>, vector<16xi32>
      %broadcast_in_dim3A_555 = arith.constant true
      %broadcast_in_dim3A_556 = vector.broadcast %broadcast_in_dim3A_555 : i1 to vector<16xi1>
      %masked_cumsum3A_557 = tpu.scan <sum>, %select_n3A_554 masked %broadcast_in_dim3A_556 : vector<16xi32>, vector<16xi1> -> vector<16xi32>
      %add3A_558 = arith.addi %add3A_548, %masked_cumsum3A_557 : vector<16xi32>
      %sub3A_559 = arith.constant 1 : i32
      %sub3A_560 = vector.broadcast %sub3A_559 : i32 to vector<16xi32>
      %sub3A_561 = arith.subi %add3A_558, %sub3A_560 : vector<16xi32>
      %lt3A_562 = arith.constant 8192 : i32
      %lt3A_563 = vector.broadcast %lt3A_562 : i32 to vector<16xi32>
      %lt3A_564 = arith.cmpi slt, %sub3A_561, %lt3A_563 : vector<16xi32>
      %and3A_565 = arith.andi %gt3A_553, %lt3A_564 : vector<16xi1>
      tpu.vector_store_idx %arg7[%sub3A_561], %get3A_552 masked %and3A_565 : memref<8208xf32, #tpu.memory_space<vmem>>[vector<16xi32>], vector<16xf32>, vector<16xi1>
      %add3A_566 = vector.broadcast %add3A_550 : i32 to vector<16xi32>
      %add3A_567 = arith.addi %add3A_566, %iota3A : vector<16xi32>
      tpu.vector_store_idx %arg8[%sub3A_561], %add3A_567 masked %and3A_565 : memref<8208xi32, #tpu.memory_space<vmem>>[vector<16xi32>], vector<16xi32>, vector<16xi1>
      %all_reduce_population_count3A_568 = tpu.all_reduce %gt3A_553 {dim = 0 : i64, kind = #tpu.reduction_kind<sum>} : vector<16xi1> -> vector<16xi32>
      %add3A_569 = arith.addi %add3A_548, %all_reduce_population_count3A_568 : vector<16xi32>
      %add3A_570 = arith.constant 64 : i32
      %add3A_571 = arith.addi %mul3A_491, %add3A_570 : i32
      %get3A_572 = arith.index_cast %add3A_571 : i32 to index
      %get3A_573 = tpu.vector_load %arg4[%get3A_572] {strides = array<i32>} : memref<32768xf32, #tpu.memory_space<vmem>>, vector<16xf32>,
      %gt3A_574 = arith.cmpf ogt, %get3A_573, %scan3A_274 : vector<16xf32>
      %select_n3A_575 = arith.select %gt3A_574, %broadcast_in_dim3A_3, %broadcast_in_dim3A_5 : vector<16xi1>, vector<16xi32>
      %broadcast_in_dim3A_576 = arith.constant true
      %broadcast_in_dim3A_577 = vector.broadcast %broadcast_in_dim3A_576 : i1 to vector<16xi1>
      %masked_cumsum3A_578 = tpu.scan <sum>, %select_n3A_575 masked %broadcast_in_dim3A_577 : vector<16xi32>, vector<16xi1> -> vector<16xi32>
      %add3A_579 = arith.addi %add3A_569, %masked_cumsum3A_578 : vector<16xi32>
      %sub3A_580 = arith.constant 1 : i32
      %sub3A_581 = vector.broadcast %sub3A_580 : i32 to vector<16xi32>
      %sub3A_582 = arith.subi %add3A_579, %sub3A_581 : vector<16xi32>
      %lt3A_583 = arith.constant 8192 : i32
      %lt3A_584 = vector.broadcast %lt3A_583 : i32 to vector<16xi32>
      %lt3A_585 = arith.cmpi slt, %sub3A_582, %lt3A_584 : vector<16xi32>
      %and3A_586 = arith.andi %gt3A_574, %lt3A_585 : vector<16xi1>
      tpu.vector_store_idx %arg7[%sub3A_582], %get3A_573 masked %and3A_586 : memref<8208xf32, #tpu.memory_space<vmem>>[vector<16xi32>], vector<16xf32>, vector<16xi1>
      %add3A_587 = vector.broadcast %add3A_571 : i32 to vector<16xi32>
      %add3A_588 = arith.addi %add3A_587, %iota3A : vector<16xi32>
      tpu.vector_store_idx %arg8[%sub3A_582], %add3A_588 masked %and3A_586 : memref<8208xi32, #tpu.memory_space<vmem>>[vector<16xi32>], vector<16xi32>, vector<16xi1>
      %all_reduce_population_count3A_589 = tpu.all_reduce %gt3A_574 {dim = 0 : i64, kind = #tpu.reduction_kind<sum>} : vector<16xi1> -> vector<16xi32>
      %add3A_590 = arith.addi %add3A_569, %all_reduce_population_count3A_589 : vector<16xi32>
      %add3A_591 = arith.constant 80 : i32
      %add3A_592 = arith.addi %mul3A_491, %add3A_591 : i32
      %get3A_593 = arith.index_cast %add3A_592 : i32 to index
      %get3A_594 = tpu.vector_load %arg4[%get3A_593] {strides = array<i32>} : memref<32768xf32, #tpu.memory_space<vmem>>, vector<16xf32>,
      %gt3A_595 = arith.cmpf ogt, %get3A_594, %scan3A_274 : vector<16xf32>
      %select_n3A_596 = arith.select %gt3A_595, %broadcast_in_dim3A_3, %broadcast_in_dim3A_5 : vector<16xi1>, vector<16xi32>
      %broadcast_in_dim3A_597 = arith.constant true
      %broadcast_in_dim3A_598 = vector.broadcast %broadcast_in_dim3A_597 : i1 to vector<16xi1>
      %masked_cumsum3A_599 = tpu.scan <sum>, %select_n3A_596 masked %broadcast_in_dim3A_598 : vector<16xi32>, vector<16xi1> -> vector<16xi32>
      %add3A_600 = arith.addi %add3A_590, %masked_cumsum3A_599 : vector<16xi32>
      %sub3A_601 = arith.constant 1 : i32
      %sub3A_602 = vector.broadcast %sub3A_601 : i32 to vector<16xi32>
      %sub3A_603 = arith.subi %add3A_600, %sub3A_602 : vector<16xi32>
      %lt3A_604 = arith.constant 8192 : i32
      %lt3A_605 = vector.broadcast %lt3A_604 : i32 to vector<16xi32>
      %lt3A_606 = arith.cmpi slt, %sub3A_603, %lt3A_605 : vector<16xi32>
      %and3A_607 = arith.andi %gt3A_595, %lt3A_606 : vector<16xi1>
      tpu.vector_store_idx %arg7[%sub3A_603], %get3A_594 masked %and3A_607 : memref<8208xf32, #tpu.memory_space<vmem>>[vector<16xi32>], vector<16xf32>, vector<16xi1>
      %add3A_608 = vector.broadcast %add3A_592 : i32 to vector<16xi32>
      %add3A_609 = arith.addi %add3A_608, %iota3A : vector<16xi32>
      tpu.vector_store_idx %arg8[%sub3A_603], %add3A_609 masked %and3A_607 : memref<8208xi32, #tpu.memory_space<vmem>>[vector<16xi32>], vector<16xi32>, vector<16xi1>
      %all_reduce_population_count3A_610 = tpu.all_reduce %gt3A_595 {dim = 0 : i64, kind = #tpu.reduction_kind<sum>} : vector<16xi1> -> vector<16xi32>
      %add3A_611 = arith.addi %add3A_590, %all_reduce_population_count3A_610 : vector<16xi32>
      %add3A_612 = arith.constant 96 : i32
      %add3A_613 = arith.addi %mul3A_491, %add3A_612 : i32
      %get3A_614 = arith.index_cast %add3A_613 : i32 to index
      %get3A_615 = tpu.vector_load %arg4[%get3A_614] {strides = array<i32>} : memref<32768xf32, #tpu.memory_space<vmem>>, vector<16xf32>,
      %gt3A_616 = arith.cmpf ogt, %get3A_615, %scan3A_274 : vector<16xf32>
      %select_n3A_617 = arith.select %gt3A_616, %broadcast_in_dim3A_3, %broadcast_in_dim3A_5 : vector<16xi1>, vector<16xi32>
      %broadcast_in_dim3A_618 = arith.constant true
      %broadcast_in_dim3A_619 = vector.broadcast %broadcast_in_dim3A_618 : i1 to vector<16xi1>
      %masked_cumsum3A_620 = tpu.scan <sum>, %select_n3A_617 masked %broadcast_in_dim3A_619 : vector<16xi32>, vector<16xi1> -> vector<16xi32>
      %add3A_621 = arith.addi %add3A_611, %masked_cumsum3A_620 : vector<16xi32>
      %sub3A_622 = arith.constant 1 : i32
      %sub3A_623 = vector.broadcast %sub3A_622 : i32 to vector<16xi32>
      %sub3A_624 = arith.subi %add3A_621, %sub3A_623 : vector<16xi32>
      %lt3A_625 = arith.constant 8192 : i32
      %lt3A_626 = vector.broadcast %lt3A_625 : i32 to vector<16xi32>
      %lt3A_627 = arith.cmpi slt, %sub3A_624, %lt3A_626 : vector<16xi32>
      %and3A_628 = arith.andi %gt3A_616, %lt3A_627 : vector<16xi1>
      tpu.vector_store_idx %arg7[%sub3A_624], %get3A_615 masked %and3A_628 : memref<8208xf32, #tpu.memory_space<vmem>>[vector<16xi32>], vector<16xf32>, vector<16xi1>
      %add3A_629 = vector.broadcast %add3A_613 : i32 to vector<16xi32>
      %add3A_630 = arith.addi %add3A_629, %iota3A : vector<16xi32>
      tpu.vector_store_idx %arg8[%sub3A_624], %add3A_630 masked %and3A_628 : memref<8208xi32, #tpu.memory_space<vmem>>[vector<16xi32>], vector<16xi32>, vector<16xi1>
      %all_reduce_population_count3A_631 = tpu.all_reduce %gt3A_616 {dim = 0 : i64, kind = #tpu.reduction_kind<sum>} : vector<16xi1> -> vector<16xi32>
      %add3A_632 = arith.addi %add3A_611, %all_reduce_population_count3A_631 : vector<16xi32>
      %add3A_633 = arith.constant 112 : i32
      %add3A_634 = arith.addi %mul3A_491, %add3A_633 : i32
      %get3A_635 = arith.index_cast %add3A_634 : i32 to index
      %get3A_636 = tpu.vector_load %arg4[%get3A_635] {strides = array<i32>} : memref<32768xf32, #tpu.memory_space<vmem>>, vector<16xf32>,
      %gt3A_637 = arith.cmpf ogt, %get3A_636, %scan3A_274 : vector<16xf32>
      %select_n3A_638 = arith.select %gt3A_637, %broadcast_in_dim3A_3, %broadcast_in_dim3A_5 : vector<16xi1>, vector<16xi32>
      %broadcast_in_dim3A_639 = arith.constant true
      %broadcast_in_dim3A_640 = vector.broadcast %broadcast_in_dim3A_639 : i1 to vector<16xi1>
      %masked_cumsum3A_641 = tpu.scan <sum>, %select_n3A_638 masked %broadcast_in_dim3A_640 : vector<16xi32>, vector<16xi1> -> vector<16xi32>
      %add3A_642 = arith.addi %add3A_632, %masked_cumsum3A_641 : vector<16xi32>
      %sub3A_643 = arith.constant 1 : i32
      %sub3A_644 = vector.broadcast %sub3A_643 : i32 to vector<16xi32>
      %sub3A_645 = arith.subi %add3A_642, %sub3A_644 : vector<16xi32>
      %lt3A_646 = arith.constant 8192 : i32
      %lt3A_647 = vector.broadcast %lt3A_646 : i32 to vector<16xi32>
      %lt3A_648 = arith.cmpi slt, %sub3A_645, %lt3A_647 : vector<16xi32>
      %and3A_649 = arith.andi %gt3A_637, %lt3A_648 : vector<16xi1>
      tpu.vector_store_idx %arg7[%sub3A_645], %get3A_636 masked %and3A_649 : memref<8208xf32, #tpu.memory_space<vmem>>[vector<16xi32>], vector<16xf32>, vector<16xi1>
      %add3A_650 = vector.broadcast %add3A_634 : i32 to vector<16xi32>
      %add3A_651 = arith.addi %add3A_650, %iota3A : vector<16xi32>
      tpu.vector_store_idx %arg8[%sub3A_645], %add3A_651 masked %and3A_649 : memref<8208xi32, #tpu.memory_space<vmem>>[vector<16xi32>], vector<16xi32>, vector<16xi1>
      %all_reduce_population_count3A_652 = tpu.all_reduce %gt3A_637 {dim = 0 : i64, kind = #tpu.reduction_kind<sum>} : vector<16xi1> -> vector<16xi32>
      %add3A_653 = arith.addi %add3A_632, %all_reduce_population_count3A_652 : vector<16xi32>
      scf.yield %add3A_653 : vector<16xi32>
    }
    %while3A_299 = arith.constant 1 : i32
    %while3A_300 = scf.for %while3A_487 = %while3A_296 to %while3A_292 step %while3A_299 iter_args(%while3A_488 = %while3A_298) -> (vector<16xi32>)  : i32 {
      %get3A = arith.index_cast %while3A_487 : i32 to index
      %get3A_489 = tpu.vector_load %arg11[%get3A] {strides = array<i32>} : memref<272xi32, #tpu.memory_space<vmem>>, vector<16xi32>,
      %slice3A = vector.extract_strided_slice %get3A_489 {offsets = [0], sizes = [1], strides = [1]} : vector<16xi32> to vector<1xi32>
      %squeeze3A = vector.extract %slice3A[0] : i32 from vector<1xi32>
      %mul3A_490 = arith.constant 128 : i32
      %mul3A_491 = arith.muli %squeeze3A, %mul3A_490 : i32
      %add3A_492 = arith.constant 0 : i32
      %add3A_493 = arith.addi %mul3A_491, %add3A_492 : i32
      %get3A_494 = arith.index_cast %add3A_493 : i32 to index
      %get3A_495 = tpu.vector_load %arg4[%get3A_494] {strides = array<i32>} : memref<32768xf32, #tpu.memory_space<vmem>>, vector<16xf32>,
      %gt3A = arith.cmpf ogt, %get3A_495, %scan3A_274 : vector<16xf32>
      %select_n3A = arith.select %gt3A, %broadcast_in_dim3A_3, %broadcast_in_dim3A_5 : vector<16xi1>, vector<16xi32>
      %broadcast_in_dim3A_496 = arith.constant true
      %broadcast_in_dim3A_497 = vector.broadcast %broadcast_in_dim3A_496 : i1 to vector<16xi1>
      %masked_cumsum3A = tpu.scan <sum>, %select_n3A masked %broadcast_in_dim3A_497 : vector<16xi32>, vector<16xi1> -> vector<16xi32>
      %add3A_498 = arith.addi %while3A_488, %masked_cumsum3A : vector<16xi32>
      %sub3A_499 = arith.constant 1 : i32
      %sub3A_500 = vector.broadcast %sub3A_499 : i32 to vector<16xi32>
      %sub3A_501 = arith.subi %add3A_498, %sub3A_500 : vector<16xi32>
      %lt3A = arith.constant 8192 : i32
      %lt3A_502 = vector.broadcast %lt3A : i32 to vector<16xi32>
      %lt3A_503 = arith.cmpi slt, %sub3A_501, %lt3A_502 : vector<16xi32>
      %and3A = arith.andi %gt3A, %lt3A_503 : vector<16xi1>
      tpu.vector_store_idx %arg7[%sub3A_501], %get3A_495 masked %and3A : memref<8208xf32, #tpu.memory_space<vmem>>[vector<16xi32>], vector<16xf32>, vector<16xi1>
      %add3A_504 = vector.broadcast %add3A_493 : i32 to vector<16xi32>
      %add3A_505 = arith.addi %add3A_504, %iota3A : vector<16xi32>
      tpu.vector_store_idx %arg8[%sub3A_501], %add3A_505 masked %and3A : memref<8208xi32, #tpu.memory_space<vmem>>[vector<16xi32>], vector<16xi32>, vector<16xi1>
      %all_reduce_population_count3A = tpu.all_reduce %gt3A {dim = 0 : i64, kind = #tpu.reduction_kind<sum>} : vector<16xi1> -> vector<16xi32>
      %add3A_506 = arith.addi %while3A_488, %all_reduce_population_count3A : vector<16xi32>
      %add3A_507 = arith.constant 16 : i32
      %add3A_508 = arith.addi %mul3A_491, %add3A_507 : i32
      %get3A_509 = arith.index_cast %add3A_508 : i32 to index
      %get3A_510 = tpu.vector_load %arg4[%get3A_509] {strides = array<i32>} : memref<32768xf32, #tpu.memory_space<vmem>>, vector<16xf32>,
      %gt3A_511 = arith.cmpf ogt, %get3A_510, %scan3A_274 : vector<16xf32>
      %select_n3A_512 = arith.select %gt3A_511, %broadcast_in_dim3A_3, %broadcast_in_dim3A_5 : vector<16xi1>, vector<16xi32>
      %broadcast_in_dim3A_513 = arith.constant true
      %broadcast_in_dim3A_514 = vector.broadcast %broadcast_in_dim3A_513 : i1 to vector<16xi1>
      %masked_cumsum3A_515 = tpu.scan <sum>, %select_n3A_512 masked %broadcast_in_dim3A_514 : vector<16xi32>, vector<16xi1> -> vector<16xi32>
      %add3A_516 = arith.addi %add3A_506, %masked_cumsum3A_515 : vector<16xi32>
      %sub3A_517 = arith.constant 1 : i32
      %sub3A_518 = vector.broadcast %sub3A_517 : i32 to vector<16xi32>
      %sub3A_519 = arith.subi %add3A_516, %sub3A_518 : vector<16xi32>
      %lt3A_520 = arith.constant 8192 : i32
      %lt3A_521 = vector.broadcast %lt3A_520 : i32 to vector<16xi32>
      %lt3A_522 = arith.cmpi slt, %sub3A_519, %lt3A_521 : vector<16xi32>
      %and3A_523 = arith.andi %gt3A_511, %lt3A_522 : vector<16xi1>
      tpu.vector_store_idx %arg7[%sub3A_519], %get3A_510 masked %and3A_523 : memref<8208xf32, #tpu.memory_space<vmem>>[vector<16xi32>], vector<16xf32>, vector<16xi1>
      %add3A_524 = vector.broadcast %add3A_508 : i32 to vector<16xi32>
      %add3A_525 = arith.addi %add3A_524, %iota3A : vector<16xi32>
      tpu.vector_store_idx %arg8[%sub3A_519], %add3A_525 masked %and3A_523 : memref<8208xi32, #tpu.memory_space<vmem>>[vector<16xi32>], vector<16xi32>, vector<16xi1>
      %all_reduce_population_count3A_526 = tpu.all_reduce %gt3A_511 {dim = 0 : i64, kind = #tpu.reduction_kind<sum>} : vector<16xi1> -> vector<16xi32>
      %add3A_527 = arith.addi %add3A_506, %all_reduce_population_count3A_526 : vector<16xi32>
      %add3A_528 = arith.constant 32 : i32
      %add3A_529 = arith.addi %mul3A_491, %add3A_528 : i32
      %get3A_530 = arith.index_cast %add3A_529 : i32 to index
      %get3A_531 = tpu.vector_load %arg4[%get3A_530] {strides = array<i32>} : memref<32768xf32, #tpu.memory_space<vmem>>, vector<16xf32>,
      %gt3A_532 = arith.cmpf ogt, %get3A_531, %scan3A_274 : vector<16xf32>
      %select_n3A_533 = arith.select %gt3A_532, %broadcast_in_dim3A_3, %broadcast_in_dim3A_5 : vector<16xi1>, vector<16xi32>
      %broadcast_in_dim3A_534 = arith.constant true
      %broadcast_in_dim3A_535 = vector.broadcast %broadcast_in_dim3A_534 : i1 to vector<16xi1>
      %masked_cumsum3A_536 = tpu.scan <sum>, %select_n3A_533 masked %broadcast_in_dim3A_535 : vector<16xi32>, vector<16xi1> -> vector<16xi32>
      %add3A_537 = arith.addi %add3A_527, %masked_cumsum3A_536 : vector<16xi32>
      %sub3A_538 = arith.constant 1 : i32
      %sub3A_539 = vector.broadcast %sub3A_538 : i32 to vector<16xi32>
      %sub3A_540 = arith.subi %add3A_537, %sub3A_539 : vector<16xi32>
      %lt3A_541 = arith.constant 8192 : i32
      %lt3A_542 = vector.broadcast %lt3A_541 : i32 to vector<16xi32>
      %lt3A_543 = arith.cmpi slt, %sub3A_540, %lt3A_542 : vector<16xi32>
      %and3A_544 = arith.andi %gt3A_532, %lt3A_543 : vector<16xi1>
      tpu.vector_store_idx %arg7[%sub3A_540], %get3A_531 masked %and3A_544 : memref<8208xf32, #tpu.memory_space<vmem>>[vector<16xi32>], vector<16xf32>, vector<16xi1>
      %add3A_545 = vector.broadcast %add3A_529 : i32 to vector<16xi32>
      %add3A_546 = arith.addi %add3A_545, %iota3A : vector<16xi32>
      tpu.vector_store_idx %arg8[%sub3A_540], %add3A_546 masked %and3A_544 : memref<8208xi32, #tpu.memory_space<vmem>>[vector<16xi32>], vector<16xi32>, vector<16xi1>
      %all_reduce_population_count3A_547 = tpu.all_reduce %gt3A_532 {dim = 0 : i64, kind = #tpu.reduction_kind<sum>} : vector<16xi1> -> vector<16xi32>
      %add3A_548 = arith.addi %add3A_527, %all_reduce_population_count3A_547 : vector<16xi32>
      %add3A_549 = arith.constant 48 : i32
      %add3A_550 = arith.addi %mul3A_491, %add3A_549 : i32
      %get3A_551 = arith.index_cast %add3A_550 : i32 to index
      %get3A_552 = tpu.vector_load %arg4[%get3A_551] {strides = array<i32>} : memref<32768xf32, #tpu.memory_space<vmem>>, vector<16xf32>,
      %gt3A_553 = arith.cmpf ogt, %get3A_552, %scan3A_274 : vector<16xf32>
      %select_n3A_554 = arith.select %gt3A_553, %broadcast_in_dim3A_3, %broadcast_in_dim3A_5 : vector<16xi1>, vector<16xi32>
      %broadcast_in_dim3A_555 = arith.constant true
      %broadcast_in_dim3A_556 = vector.broadcast %broadcast_in_dim3A_555 : i1 to vector<16xi1>
      %masked_cumsum3A_557 = tpu.scan <sum>, %select_n3A_554 masked %broadcast_in_dim3A_556 : vector<16xi32>, vector<16xi1> -> vector<16xi32>
      %add3A_558 = arith.addi %add3A_548, %masked_cumsum3A_557 : vector<16xi32>
      %sub3A_559 = arith.constant 1 : i32
      %sub3A_560 = vector.broadcast %sub3A_559 : i32 to vector<16xi32>
      %sub3A_561 = arith.subi %add3A_558, %sub3A_560 : vector<16xi32>
      %lt3A_562 = arith.constant 8192 : i32
      %lt3A_563 = vector.broadcast %lt3A_562 : i32 to vector<16xi32>
      %lt3A_564 = arith.cmpi slt, %sub3A_561, %lt3A_563 : vector<16xi32>
      %and3A_565 = arith.andi %gt3A_553, %lt3A_564 : vector<16xi1>
      tpu.vector_store_idx %arg7[%sub3A_561], %get3A_552 masked %and3A_565 : memref<8208xf32, #tpu.memory_space<vmem>>[vector<16xi32>], vector<16xf32>, vector<16xi1>
      %add3A_566 = vector.broadcast %add3A_550 : i32 to vector<16xi32>
      %add3A_567 = arith.addi %add3A_566, %iota3A : vector<16xi32>
      tpu.vector_store_idx %arg8[%sub3A_561], %add3A_567 masked %and3A_565 : memref<8208xi32, #tpu.memory_space<vmem>>[vector<16xi32>], vector<16xi32>, vector<16xi1>
      %all_reduce_population_count3A_568 = tpu.all_reduce %gt3A_553 {dim = 0 : i64, kind = #tpu.reduction_kind<sum>} : vector<16xi1> -> vector<16xi32>
      %add3A_569 = arith.addi %add3A_548, %all_reduce_population_count3A_568 : vector<16xi32>
      %add3A_570 = arith.constant 64 : i32
      %add3A_571 = arith.addi %mul3A_491, %add3A_570 : i32
      %get3A_572 = arith.index_cast %add3A_571 : i32 to index
      %get3A_573 = tpu.vector_load %arg4[%get3A_572] {strides = array<i32>} : memref<32768xf32, #tpu.memory_space<vmem>>, vector<16xf32>,
      %gt3A_574 = arith.cmpf ogt, %get3A_573, %scan3A_274 : vector<16xf32>
      %select_n3A_575 = arith.select %gt3A_574, %broadcast_in_dim3A_3, %broadcast_in_dim3A_5 : vector<16xi1>, vector<16xi32>
      %broadcast_in_dim3A_576 = arith.constant true
      %broadcast_in_dim3A_577 = vector.broadcast %broadcast_in_dim3A_576 : i1 to vector<16xi1>
      %masked_cumsum3A_578 = tpu.scan <sum>, %select_n3A_575 masked %broadcast_in_dim3A_577 : vector<16xi32>, vector<16xi1> -> vector<16xi32>
      %add3A_579 = arith.addi %add3A_569, %masked_cumsum3A_578 : vector<16xi32>
      %sub3A_580 = arith.constant 1 : i32
      %sub3A_581 = vector.broadcast %sub3A_580 : i32 to vector<16xi32>
      %sub3A_582 = arith.subi %add3A_579, %sub3A_581 : vector<16xi32>
      %lt3A_583 = arith.constant 8192 : i32
      %lt3A_584 = vector.broadcast %lt3A_583 : i32 to vector<16xi32>
      %lt3A_585 = arith.cmpi slt, %sub3A_582, %lt3A_584 : vector<16xi32>
      %and3A_586 = arith.andi %gt3A_574, %lt3A_585 : vector<16xi1>
      tpu.vector_store_idx %arg7[%sub3A_582], %get3A_573 masked %and3A_586 : memref<8208xf32, #tpu.memory_space<vmem>>[vector<16xi32>], vector<16xf32>, vector<16xi1>
      %add3A_587 = vector.broadcast %add3A_571 : i32 to vector<16xi32>
      %add3A_588 = arith.addi %add3A_587, %iota3A : vector<16xi32>
      tpu.vector_store_idx %arg8[%sub3A_582], %add3A_588 masked %and3A_586 : memref<8208xi32, #tpu.memory_space<vmem>>[vector<16xi32>], vector<16xi32>, vector<16xi1>
      %all_reduce_population_count3A_589 = tpu.all_reduce %gt3A_574 {dim = 0 : i64, kind = #tpu.reduction_kind<sum>} : vector<16xi1> -> vector<16xi32>
      %add3A_590 = arith.addi %add3A_569, %all_reduce_population_count3A_589 : vector<16xi32>
      %add3A_591 = arith.constant 80 : i32
      %add3A_592 = arith.addi %mul3A_491, %add3A_591 : i32
      %get3A_593 = arith.index_cast %add3A_592 : i32 to index
      %get3A_594 = tpu.vector_load %arg4[%get3A_593] {strides = array<i32>} : memref<32768xf32, #tpu.memory_space<vmem>>, vector<16xf32>,
      %gt3A_595 = arith.cmpf ogt, %get3A_594, %scan3A_274 : vector<16xf32>
      %select_n3A_596 = arith.select %gt3A_595, %broadcast_in_dim3A_3, %broadcast_in_dim3A_5 : vector<16xi1>, vector<16xi32>
      %broadcast_in_dim3A_597 = arith.constant true
      %broadcast_in_dim3A_598 = vector.broadcast %broadcast_in_dim3A_597 : i1 to vector<16xi1>
      %masked_cumsum3A_599 = tpu.scan <sum>, %select_n3A_596 masked %broadcast_in_dim3A_598 : vector<16xi32>, vector<16xi1> -> vector<16xi32>
      %add3A_600 = arith.addi %add3A_590, %masked_cumsum3A_599 : vector<16xi32>
      %sub3A_601 = arith.constant 1 : i32
      %sub3A_602 = vector.broadcast %sub3A_601 : i32 to vector<16xi32>
      %sub3A_603 = arith.subi %add3A_600, %sub3A_602 : vector<16xi32>
      %lt3A_604 = arith.constant 8192 : i32
      %lt3A_605 = vector.broadcast %lt3A_604 : i32 to vector<16xi32>
      %lt3A_606 = arith.cmpi slt, %sub3A_603, %lt3A_605 : vector<16xi32>
      %and3A_607 = arith.andi %gt3A_595, %lt3A_606 : vector<16xi1>
      tpu.vector_store_idx %arg7[%sub3A_603], %get3A_594 masked %and3A_607 : memref<8208xf32, #tpu.memory_space<vmem>>[vector<16xi32>], vector<16xf32>, vector<16xi1>
      %add3A_608 = vector.broadcast %add3A_592 : i32 to vector<16xi32>
      %add3A_609 = arith.addi %add3A_608, %iota3A : vector<16xi32>
      tpu.vector_store_idx %arg8[%sub3A_603], %add3A_609 masked %and3A_607 : memref<8208xi32, #tpu.memory_space<vmem>>[vector<16xi32>], vector<16xi32>, vector<16xi1>
      %all_reduce_population_count3A_610 = tpu.all_reduce %gt3A_595 {dim = 0 : i64, kind = #tpu.reduction_kind<sum>} : vector<16xi1> -> vector<16xi32>
      %add3A_611 = arith.addi %add3A_590, %all_reduce_population_count3A_610 : vector<16xi32>
      %add3A_612 = arith.constant 96 : i32
      %add3A_613 = arith.addi %mul3A_491, %add3A_612 : i32
      %get3A_614 = arith.index_cast %add3A_613 : i32 to index
      %get3A_615 = tpu.vector_load %arg4[%get3A_614] {strides = array<i32>} : memref<32768xf32, #tpu.memory_space<vmem>>, vector<16xf32>,
      %gt3A_616 = arith.cmpf ogt, %get3A_615, %scan3A_274 : vector<16xf32>
      %select_n3A_617 = arith.select %gt3A_616, %broadcast_in_dim3A_3, %broadcast_in_dim3A_5 : vector<16xi1>, vector<16xi32>
      %broadcast_in_dim3A_618 = arith.constant true
      %broadcast_in_dim3A_619 = vector.broadcast %broadcast_in_dim3A_618 : i1 to vector<16xi1>
      %masked_cumsum3A_620 = tpu.scan <sum>, %select_n3A_617 masked %broadcast_in_dim3A_619 : vector<16xi32>, vector<16xi1> -> vector<16xi32>
      %add3A_621 = arith.addi %add3A_611, %masked_cumsum3A_620 : vector<16xi32>
      %sub3A_622 = arith.constant 1 : i32
      %sub3A_623 = vector.broadcast %sub3A_622 : i32 to vector<16xi32>
      %sub3A_624 = arith.subi %add3A_621, %sub3A_623 : vector<16xi32>
      %lt3A_625 = arith.constant 8192 : i32
      %lt3A_626 = vector.broadcast %lt3A_625 : i32 to vector<16xi32>
      %lt3A_627 = arith.cmpi slt, %sub3A_624, %lt3A_626 : vector<16xi32>
      %and3A_628 = arith.andi %gt3A_616, %lt3A_627 : vector<16xi1>
      tpu.vector_store_idx %arg7[%sub3A_624], %get3A_615 masked %and3A_628 : memref<8208xf32, #tpu.memory_space<vmem>>[vector<16xi32>], vector<16xf32>, vector<16xi1>
      %add3A_629 = vector.broadcast %add3A_613 : i32 to vector<16xi32>
      %add3A_630 = arith.addi %add3A_629, %iota3A : vector<16xi32>
      tpu.vector_store_idx %arg8[%sub3A_624], %add3A_630 masked %and3A_628 : memref<8208xi32, #tpu.memory_space<vmem>>[vector<16xi32>], vector<16xi32>, vector<16xi1>
      %all_reduce_population_count3A_631 = tpu.all_reduce %gt3A_616 {dim = 0 : i64, kind = #tpu.reduction_kind<sum>} : vector<16xi1> -> vector<16xi32>
      %add3A_632 = arith.addi %add3A_611, %all_reduce_population_count3A_631 : vector<16xi32>
      %add3A_633 = arith.constant 112 : i32
      %add3A_634 = arith.addi %mul3A_491, %add3A_633 : i32
      %get3A_635 = arith.index_cast %add3A_634 : i32 to index
      %get3A_636 = tpu.vector_load %arg4[%get3A_635] {strides = array<i32>} : memref<32768xf32, #tpu.memory_space<vmem>>, vector<16xf32>,
      %gt3A_637 = arith.cmpf ogt, %get3A_636, %scan3A_274 : vector<16xf32>
      %select_n3A_638 = arith.select %gt3A_637, %broadcast_in_dim3A_3, %broadcast_in_dim3A_5 : vector<16xi1>, vector<16xi32>
      %broadcast_in_dim3A_639 = arith.constant true
      %broadcast_in_dim3A_640 = vector.broadcast %broadcast_in_dim3A_639 : i1 to vector<16xi1>
      %masked_cumsum3A_641 = tpu.scan <sum>, %select_n3A_638 masked %broadcast_in_dim3A_640 : vector<16xi32>, vector<16xi1> -> vector<16xi32>
      %add3A_642 = arith.addi %add3A_632, %masked_cumsum3A_641 : vector<16xi32>
      %sub3A_643 = arith.constant 1 : i32
      %sub3A_644 = vector.broadcast %sub3A_643 : i32 to vector<16xi32>
      %sub3A_645 = arith.subi %add3A_642, %sub3A_644 : vector<16xi32>
      %lt3A_646 = arith.constant 8192 : i32
      %lt3A_647 = vector.broadcast %lt3A_646 : i32 to vector<16xi32>
      %lt3A_648 = arith.cmpi slt, %sub3A_645, %lt3A_647 : vector<16xi32>
      %and3A_649 = arith.andi %gt3A_637, %lt3A_648 : vector<16xi1>
      tpu.vector_store_idx %arg7[%sub3A_645], %get3A_636 masked %and3A_649 : memref<8208xf32, #tpu.memory_space<vmem>>[vector<16xi32>], vector<16xf32>, vector<16xi1>
      %add3A_650 = vector.broadcast %add3A_634 : i32 to vector<16xi32>
      %add3A_651 = arith.addi %add3A_650, %iota3A : vector<16xi32>
      tpu.vector_store_idx %arg8[%sub3A_645], %add3A_651 masked %and3A_649 : memref<8208xi32, #tpu.memory_space<vmem>>[vector<16xi32>], vector<16xi32>, vector<16xi1>
      %all_reduce_population_count3A_652 = tpu.all_reduce %gt3A_637 {dim = 0 : i64, kind = #tpu.reduction_kind<sum>} : vector<16xi1> -> vector<16xi32>
      %add3A_653 = arith.addi %add3A_632, %all_reduce_population_count3A_652 : vector<16xi32>
      scf.yield %add3A_653 : vector<16xi32>
    }
    %reduce_max3A_301 = arith.constant true
    %reduce_max3A_302 = vector.broadcast %reduce_max3A_301 : i1 to vector<16xi1>
    %reduce_max3A_303 = arith.constant -2147483648 : i32
    %reduce_max3A_304 = vector.broadcast %reduce_max3A_303 : i32 to vector<16xi32>
    %reduce_max3A_305 = arith.xori %while3A_300, %reduce_max3A_304 : vector<16xi32>
    %reduce_max3A_306 = tpu.scan <max>, %reduce_max3A_305 masked %reduce_max3A_302 : vector<16xi32>, vector<16xi1> -> vector<16xi32>
    %reduce_max3A_307 = arith.xori %reduce_max3A_306, %reduce_max3A_304 : vector<16xi32>
    %reduce_max3A_308 = vector.extract %reduce_max3A_307[15] : i32 from vector<16xi32>
    %min3A_309 = arith.constant 8192 : i32
    %min3A_310 = arith.minsi %reduce_max3A_308, %min3A_309 : i32
    %add3A_311 = arith.addi %while3A_300, %iota3A : vector<16xi32>
    %min3A_312 = arith.constant 8207 : i32
    %min3A_313 = vector.broadcast %min3A_312 : i32 to vector<16xi32>
    %min3A_314 = arith.minsi %add3A_311, %min3A_313 : vector<16xi32>
    %broadcast_in_dim3A_315 = arith.constant -3.000000e+38 : f32
    %broadcast_in_dim3A_316 = vector.broadcast %broadcast_in_dim3A_315 : f32 to vector<16xf32>
    tpu.vector_store_idx %arg7[%min3A_314], %broadcast_in_dim3A_316 : memref<8208xf32, #tpu.memory_space<vmem>>[vector<16xi32>], vector<16xf32>,
    tpu.vector_store_idx %arg8[%min3A_314], %broadcast_in_dim3A_5 : memref<8208xi32, #tpu.memory_space<vmem>>[vector<16xi32>], vector<16xi32>,
    %add3A_317 = arith.constant 15 : i32
    %add3A_318 = arith.addi %min3A_310, %add3A_317 : i32
    %shift_right_logical3A_319 = arith.constant 4 : i32
    %shift_right_logical3A_320 = arith.shrui %add3A_318, %shift_right_logical3A_319 : i32
    %scan3A_321 = arith.constant 0 : i32
    %scan3A_322 = arith.constant 12 : i32
    %scan3A_323 = arith.addi %scan3A_321, %scan3A_322 : i32
    %scan3A_324 = arith.constant 1 : i32
    %scan3A_325 = scf.for %scan3A_487 = %scan3A_321 to %scan3A_323 step %scan3A_324 iter_args(%scan3A_488 = %scan3A_274) -> (vector<16xf32>)  : i32 {
      %while3A_489 = arith.constant 0 : i32
      %while3A_490 = arith.subi %shift_right_logical3A_320, %while3A_489 : i32
      %while3A_491 = arith.addi %while3A_489, %while3A_490 : i32
      %while3A_492 = arith.constant 1 : i32
      %while3A_493 = arith.divsi %while3A_490, %while3A_492 : i32
      %while3A_494 = arith.muli %while3A_493, %while3A_492 : i32
      %while3A_495 = arith.addi %while3A_489, %while3A_494 : i32
      %while3A_496 = arith.constant 1 : i32
      %while3A_497:2 = scf.for %while3A_512 = %while3A_489 to %while3A_495 step %while3A_496 iter_args(%while3A_513 = %broadcast_in_dim3A_1, %while3A_514 = %broadcast_in_dim3A_1) -> (vector<16xf32>, vector<16xf32>)  : i32 {
        %mul3A_515 = arith.constant 16 : i32
        %mul3A_516 = arith.muli %while3A_512, %mul3A_515 : i32
        %get3A = arith.index_cast %mul3A_516 : i32 to index
        %get3A_517 = tpu.vector_load %arg7[%get3A] {strides = array<i32>} : memref<8208xf32, #tpu.memory_space<vmem>>, vector<16xf32>,
        %gt3A = arith.cmpf ogt, %get3A_517, %scan3A_488 : vector<16xf32>
        %jit3A = arith.constant 0.000000e+00 : f32
        %broadcast_in_dim3A_518 = vector.broadcast %jit3A : f32 to vector<16xf32>
        %select_n3A = arith.select %gt3A, %get3A_517, %broadcast_in_dim3A_518 : vector<16xi1>, vector<16xf32>
        %add3A_519 = arith.addf %while3A_513, %select_n3A : vector<16xf32>
        %jit3A_520 = arith.constant 1.000000e+00 : f32
        %jit3A_521 = arith.constant 0.000000e+00 : f32
        %broadcast_in_dim3A_522 = vector.broadcast %jit3A_520 : f32 to vector<16xf32>
        %broadcast_in_dim3A_523 = vector.broadcast %jit3A_521 : f32 to vector<16xf32>
        %select_n3A_524 = arith.select %gt3A, %broadcast_in_dim3A_522, %broadcast_in_dim3A_523 : vector<16xi1>, vector<16xf32>
        %add3A_525 = arith.addf %while3A_514, %select_n3A_524 : vector<16xf32>
        scf.yield %add3A_519, %add3A_525 : vector<16xf32>, vector<16xf32>
      }
      %while3A_498 = arith.constant 1 : i32
      %while3A_499:2 = scf.for %while3A_512 = %while3A_495 to %while3A_491 step %while3A_498 iter_args(%while3A_513 = %while3A_497#0, %while3A_514 = %while3A_497#1) -> (vector<16xf32>, vector<16xf32>)  : i32 {
        %mul3A_515 = arith.constant 16 : i32
        %mul3A_516 = arith.muli %while3A_512, %mul3A_515 : i32
        %get3A = arith.index_cast %mul3A_516 : i32 to index
        %get3A_517 = tpu.vector_load %arg7[%get3A] {strides = array<i32>} : memref<8208xf32, #tpu.memory_space<vmem>>, vector<16xf32>,
        %gt3A = arith.cmpf ogt, %get3A_517, %scan3A_488 : vector<16xf32>
        %jit3A = arith.constant 0.000000e+00 : f32
        %broadcast_in_dim3A_518 = vector.broadcast %jit3A : f32 to vector<16xf32>
        %select_n3A = arith.select %gt3A, %get3A_517, %broadcast_in_dim3A_518 : vector<16xi1>, vector<16xf32>
        %add3A_519 = arith.addf %while3A_513, %select_n3A : vector<16xf32>
        %jit3A_520 = arith.constant 1.000000e+00 : f32
        %jit3A_521 = arith.constant 0.000000e+00 : f32
        %broadcast_in_dim3A_522 = vector.broadcast %jit3A_520 : f32 to vector<16xf32>
        %broadcast_in_dim3A_523 = vector.broadcast %jit3A_521 : f32 to vector<16xf32>
        %select_n3A_524 = arith.select %gt3A, %broadcast_in_dim3A_522, %broadcast_in_dim3A_523 : vector<16xi1>, vector<16xf32>
        %add3A_525 = arith.addf %while3A_514, %select_n3A_524 : vector<16xf32>
        scf.yield %add3A_519, %add3A_525 : vector<16xf32>, vector<16xf32>
      }
      %reduce_sum3A = arith.constant true
      %reduce_sum3A_500 = vector.broadcast %reduce_sum3A : i1 to vector<16xi1>
      %reduce_sum3A_501 = tpu.scan <sum>, %while3A_499#0 masked %reduce_sum3A_500 : vector<16xf32>, vector<16xi1> -> vector<16xf32>
      %reduce_sum3A_502 = vector.extract %reduce_sum3A_501[15] : f32 from vector<16xf32>
      %broadcast_in_dim3A_503 = vector.broadcast %reduce_sum3A_502 : f32 to vector<16xf32>
      %reduce_sum3A_504 = arith.constant true
      %reduce_sum3A_505 = vector.broadcast %reduce_sum3A_504 : i1 to vector<16xi1>
      %reduce_sum3A_506 = tpu.scan <sum>, %while3A_499#1 masked %reduce_sum3A_505 : vector<16xf32>, vector<16xi1> -> vector<16xf32>
      %reduce_sum3A_507 = vector.extract %reduce_sum3A_506[15] : f32 from vector<16xf32>
      %broadcast_in_dim3A_508 = vector.broadcast %reduce_sum3A_507 : f32 to vector<16xf32>
      %sub3A_509 = arith.constant 1.000000e+00 : f32
      %sub3A_510 = vector.broadcast %sub3A_509 : f32 to vector<16xf32>
      %sub3A_511 = arith.subf %broadcast_in_dim3A_503, %sub3A_510 : vector<16xf32>
      %div3A = arith.divf %sub3A_511, %broadcast_in_dim3A_508 : vector<16xf32>
      scf.yield %div3A : vector<16xf32>
    }
    %scan3A_326 = arith.constant 12 : i32
    %sub3A_327 = arith.constant 1 : i32
    %sub3A_328 = arith.subi %add3A_242, %sub3A_327 : i32
    %dma_wait3A_329 = arith.constant 0 : i32
    %dma_wait3A_330 = tpu.memref_slice %arg3[%sub3A_328, %dma_wait3A_329] : memref<128x32768xf32, #tpu.memory_space<hbm>> -> memref<1x32768xf32, #tpu.memory_space<hbm>>
    %dma_wait3A_331 = tpu.memref_squeeze %dma_wait3A_330 : memref<1x32768xf32, #tpu.memory_space<hbm>> -> memref<32768xf32, #tpu.memory_space<hbm>>
    %dma_wait3A_332 = arith.constant 0 : i32
    %dma_wait3A_333 = tpu.memref_slice %arg3[%sub3A_328, %dma_wait3A_332] : memref<128x32768xf32, #tpu.memory_space<hbm>> -> memref<1x32768xf32, #tpu.memory_space<hbm>>
    %dma_wait3A_334 = tpu.memref_squeeze %dma_wait3A_333 : memref<1x32768xf32, #tpu.memory_space<hbm>> -> memref<32768xf32, #tpu.memory_space<hbm>>
    tpu.wait_dma2 semaphore(%arg13 : memref<!tpu.dma_semaphore, #tpu.memory_space<semaphore_mem>>) src(%arg6 : memref<32768xf32, #tpu.memory_space<vmem>>) dst(%dma_wait3A_334 : memref<32768xf32, #tpu.memory_space<hbm>>)
    %while3A_335 = arith.constant 0 : i32
    %while3A_336 = arith.constant 0 : i32
    %while3A_337 = arith.subi %shift_right_logical3A_198, %while3A_336 : i32
    %while3A_338 = arith.addi %while3A_336, %while3A_337 : i32
    %while3A_339 = arith.constant 1 : i32
    %while3A_340 = arith.divsi %while3A_337, %while3A_339 : i32
    %while3A_341 = arith.muli %while3A_340, %while3A_339 : i32
    %while3A_342 = arith.addi %while3A_336, %while3A_341 : i32
    %while3A_343 = arith.constant 1 : i32
    scf.for %while3A_487 = %while3A_336 to %while3A_342 step %while3A_343  : i32 {
      %mul3A_488 = arith.constant 16 : i32
      %mul3A_489 = arith.muli %while3A_487, %mul3A_488 : i32
      %get3A = arith.index_cast %mul3A_489 : i32 to index
      %get3A_490 = tpu.vector_load %arg9[%get3A] {strides = array<i32>} : memref<8208xi32, #tpu.memory_space<vmem>>, vector<16xi32>,
      tpu.vector_store_idx %arg6[%get3A_490], %broadcast_in_dim3A_1 : memref<32768xf32, #tpu.memory_space<vmem>>[vector<16xi32>], vector<16xf32>,
    }
    %while3A_344 = arith.constant 1 : i32
    scf.for %while3A_487 = %while3A_342 to %while3A_338 step %while3A_344  : i32 {
      %mul3A_488 = arith.constant 16 : i32
      %mul3A_489 = arith.muli %while3A_487, %mul3A_488 : i32
      %get3A = arith.index_cast %mul3A_489 : i32 to index
      %get3A_490 = tpu.vector_load %arg9[%get3A] {strides = array<i32>} : memref<8208xi32, #tpu.memory_space<vmem>>, vector<16xi32>,
      tpu.vector_store_idx %arg6[%get3A_490], %broadcast_in_dim3A_1 : memref<32768xf32, #tpu.memory_space<vmem>>[vector<16xi32>], vector<16xf32>,
    }
    %while3A_345 = arith.constant 0 : i32
    %while3A_346 = arith.constant 0 : i32
    %while3A_347 = arith.subi %shift_right_logical3A_320, %while3A_346 : i32
    %while3A_348 = arith.addi %while3A_346, %while3A_347 : i32
    %while3A_349 = arith.constant 1 : i32
    %while3A_350 = arith.divsi %while3A_347, %while3A_349 : i32
    %while3A_351 = arith.muli %while3A_350, %while3A_349 : i32
    %while3A_352 = arith.addi %while3A_346, %while3A_351 : i32
    %while3A_353 = arith.constant 1 : i32
    scf.for %while3A_487 = %while3A_346 to %while3A_352 step %while3A_353  : i32 {
      %mul3A_488 = arith.constant 16 : i32
      %mul3A_489 = arith.muli %while3A_487, %mul3A_488 : i32
      %get3A = arith.index_cast %mul3A_489 : i32 to index
      %get3A_490 = tpu.vector_load %arg7[%get3A] {strides = array<i32>} : memref<8208xf32, #tpu.memory_space<vmem>>, vector<16xf32>,
      %mul3A_491 = arith.constant 16 : i32
      %mul3A_492 = arith.muli %while3A_487, %mul3A_491 : i32
      %get3A_493 = arith.index_cast %mul3A_492 : i32 to index
      %get3A_494 = tpu.vector_load %arg8[%get3A_493] {strides = array<i32>} : memref<8208xi32, #tpu.memory_space<vmem>>, vector<16xi32>,
      %sub3A_495 = arith.subf %get3A_490, %scan3A_325 : vector<16xf32>
      %max3A = arith.constant 0.000000e+00 : f32
      %max3A_496 = vector.broadcast %max3A : f32 to vector<16xf32>
      %max3A_497 = arith.maximumf %sub3A_495, %max3A_496 : vector<16xf32>
      %gt3A = arith.cmpf ogt, %get3A_490, %scan3A_325 : vector<16xf32>
      tpu.vector_store_idx %arg6[%get3A_494], %max3A_497 masked %gt3A : memref<32768xf32, #tpu.memory_space<vmem>>[vector<16xi32>], vector<16xf32>, vector<16xi1>
    }
    %while3A_354 = arith.constant 1 : i32
    scf.for %while3A_487 = %while3A_352 to %while3A_348 step %while3A_354  : i32 {
      %mul3A_488 = arith.constant 16 : i32
      %mul3A_489 = arith.muli %while3A_487, %mul3A_488 : i32
      %get3A = arith.index_cast %mul3A_489 : i32 to index
      %get3A_490 = tpu.vector_load %arg7[%get3A] {strides = array<i32>} : memref<8208xf32, #tpu.memory_space<vmem>>, vector<16xf32>,
      %mul3A_491 = arith.constant 16 : i32
      %mul3A_492 = arith.muli %while3A_487, %mul3A_491 : i32
      %get3A_493 = arith.index_cast %mul3A_492 : i32 to index
      %get3A_494 = tpu.vector_load %arg8[%get3A_493] {strides = array<i32>} : memref<8208xi32, #tpu.memory_space<vmem>>, vector<16xi32>,
      %sub3A_495 = arith.subf %get3A_490, %scan3A_325 : vector<16xf32>
      %max3A = arith.constant 0.000000e+00 : f32
      %max3A_496 = vector.broadcast %max3A : f32 to vector<16xf32>
      %max3A_497 = arith.maximumf %sub3A_495, %max3A_496 : vector<16xf32>
      %gt3A = arith.cmpf ogt, %get3A_490, %scan3A_325 : vector<16xf32>
      tpu.vector_store_idx %arg6[%get3A_494], %max3A_497 masked %gt3A : memref<32768xf32, #tpu.memory_space<vmem>>[vector<16xi32>], vector<16xf32>, vector<16xi1>
    }
    %dma_start3A_355 = arith.constant 0 : i32
    %dma_start3A_356 = tpu.memref_slice %arg3[%add3A_242, %dma_start3A_355] : memref<128x32768xf32, #tpu.memory_space<hbm>> -> memref<1x32768xf32, #tpu.memory_space<hbm>>
    %dma_start3A_357 = tpu.memref_squeeze %dma_start3A_356 : memref<1x32768xf32, #tpu.memory_space<hbm>> -> memref<32768xf32, #tpu.memory_space<hbm>>
    %dma_start3A_358 = arith.constant 0 : i32
    %dma_start3A_359 = tpu.memref_slice %arg3[%add3A_242, %dma_start3A_358] : memref<128x32768xf32, #tpu.memory_space<hbm>> -> memref<1x32768xf32, #tpu.memory_space<hbm>>
    %dma_start3A_360 = tpu.memref_squeeze %dma_start3A_359 : memref<1x32768xf32, #tpu.memory_space<hbm>> -> memref<32768xf32, #tpu.memory_space<hbm>>
    tpu.enqueue_dma source(%arg6 : memref<32768xf32, #tpu.memory_space<vmem>>) target(%dma_start3A_360 : memref<32768xf32, #tpu.memory_space<hbm>>) target_semaphore(%arg13 : memref<!tpu.dma_semaphore, #tpu.memory_space<semaphore_mem>>)
    %mul3A_361 = arith.constant 4 : i32
    %mul3A_362 = arith.muli %add3A, %mul3A_361 : i32
    %add3A_363 = arith.constant 3 : i32
    %add3A_364 = arith.addi %mul3A_362, %add3A_363 : i32
    %dma_wait3A_365 = arith.constant 0 : i32
    %dma_wait3A_366 = tpu.memref_slice %arg2[%add3A_364, %dma_wait3A_365] : memref<128x32768xf32, #tpu.memory_space<hbm>> -> memref<1x32768xf32, #tpu.memory_space<hbm>>
    %dma_wait3A_367 = tpu.memref_squeeze %dma_wait3A_366 : memref<1x32768xf32, #tpu.memory_space<hbm>> -> memref<32768xf32, #tpu.memory_space<hbm>>
    %dma_wait3A_368 = arith.constant 0 : i32
    %dma_wait3A_369 = tpu.memref_slice %arg2[%add3A_364, %dma_wait3A_368] : memref<128x32768xf32, #tpu.memory_space<hbm>> -> memref<1x32768xf32, #tpu.memory_space<hbm>>
    %dma_wait3A_370 = tpu.memref_squeeze %dma_wait3A_369 : memref<1x32768xf32, #tpu.memory_space<hbm>> -> memref<32768xf32, #tpu.memory_space<hbm>>
    tpu.wait_dma2 semaphore(%arg12 : memref<!tpu.dma_semaphore, #tpu.memory_space<semaphore_mem>>) src(%dma_wait3A_370 : memref<32768xf32, #tpu.memory_space<hbm>>) dst(%arg5 : memref<32768xf32, #tpu.memory_space<vmem>>)
    %broadcast_in_dim3A_371 = arith.constant -3.000000e+38 : f32
    %broadcast_in_dim3A_372 = vector.broadcast %broadcast_in_dim3A_371 : f32 to vector<16xf32>
    %parallel_loop3A_373 = arith.constant 0 : i32
    %parallel_loop3A_374 = arith.constant 256 : i32
    %parallel_loop3A_375 = arith.constant 1 : i32
    %parallel_loop3A_376 = scf.for %parallel_loop3A_487 = %parallel_loop3A_373 to %parallel_loop3A_374 step %parallel_loop3A_375 iter_args(%parallel_loop3A_488 = %broadcast_in_dim3A_372) -> (vector<16xf32>)  : i32 {
      %parallel_loop3A_489 = arith.constant 128 : i32
      %parallel_loop3A_490 = arith.muli %parallel_loop3A_487, %parallel_loop3A_489 : i32
      %parallel_loop3A_491 = arith.constant 0 : i32
      %parallel_loop3A_492 = arith.addi %parallel_loop3A_490, %parallel_loop3A_491 : i32
      %parallel_loop3A_493 = arith.index_cast %parallel_loop3A_492 : i32 to index
      %parallel_loop3A_494 = tpu.vector_load %arg5[%parallel_loop3A_493] {strides = array<i32>} : memref<32768xf32, #tpu.memory_space<vmem>>, vector<16xf32>,
      %parallel_loop3A_495 = arith.constant 16 : i32
      %parallel_loop3A_496 = arith.addi %parallel_loop3A_490, %parallel_loop3A_495 : i32
      %parallel_loop3A_497 = arith.index_cast %parallel_loop3A_496 : i32 to index
      %parallel_loop3A_498 = tpu.vector_load %arg5[%parallel_loop3A_497] {strides = array<i32>} : memref<32768xf32, #tpu.memory_space<vmem>>, vector<16xf32>,
      %parallel_loop3A_499 = arith.constant 32 : i32
      %parallel_loop3A_500 = arith.addi %parallel_loop3A_490, %parallel_loop3A_499 : i32
      %parallel_loop3A_501 = arith.index_cast %parallel_loop3A_500 : i32 to index
      %parallel_loop3A_502 = tpu.vector_load %arg5[%parallel_loop3A_501] {strides = array<i32>} : memref<32768xf32, #tpu.memory_space<vmem>>, vector<16xf32>,
      %parallel_loop3A_503 = arith.constant 48 : i32
      %parallel_loop3A_504 = arith.addi %parallel_loop3A_490, %parallel_loop3A_503 : i32
      %parallel_loop3A_505 = arith.index_cast %parallel_loop3A_504 : i32 to index
      %parallel_loop3A_506 = tpu.vector_load %arg5[%parallel_loop3A_505] {strides = array<i32>} : memref<32768xf32, #tpu.memory_space<vmem>>, vector<16xf32>,
      %parallel_loop3A_507 = arith.constant 64 : i32
      %parallel_loop3A_508 = arith.addi %parallel_loop3A_490, %parallel_loop3A_507 : i32
      %parallel_loop3A_509 = arith.index_cast %parallel_loop3A_508 : i32 to index
      %parallel_loop3A_510 = tpu.vector_load %arg5[%parallel_loop3A_509] {strides = array<i32>} : memref<32768xf32, #tpu.memory_space<vmem>>, vector<16xf32>,
      %parallel_loop3A_511 = arith.constant 80 : i32
      %parallel_loop3A_512 = arith.addi %parallel_loop3A_490, %parallel_loop3A_511 : i32
      %parallel_loop3A_513 = arith.index_cast %parallel_loop3A_512 : i32 to index
      %parallel_loop3A_514 = tpu.vector_load %arg5[%parallel_loop3A_513] {strides = array<i32>} : memref<32768xf32, #tpu.memory_space<vmem>>, vector<16xf32>,
      %parallel_loop3A_515 = arith.constant 96 : i32
      %parallel_loop3A_516 = arith.addi %parallel_loop3A_490, %parallel_loop3A_515 : i32
      %parallel_loop3A_517 = arith.index_cast %parallel_loop3A_516 : i32 to index
      %parallel_loop3A_518 = tpu.vector_load %arg5[%parallel_loop3A_517] {strides = array<i32>} : memref<32768xf32, #tpu.memory_space<vmem>>, vector<16xf32>,
      %parallel_loop3A_519 = arith.constant 112 : i32
      %parallel_loop3A_520 = arith.addi %parallel_loop3A_490, %parallel_loop3A_519 : i32
      %parallel_loop3A_521 = arith.index_cast %parallel_loop3A_520 : i32 to index
      %parallel_loop3A_522 = tpu.vector_load %arg5[%parallel_loop3A_521] {strides = array<i32>} : memref<32768xf32, #tpu.memory_space<vmem>>, vector<16xf32>,
      %parallel_loop3A_523 = arith.maximumf %parallel_loop3A_494, %parallel_loop3A_498 : vector<16xf32>
      %parallel_loop3A_524 = arith.maximumf %parallel_loop3A_502, %parallel_loop3A_506 : vector<16xf32>
      %parallel_loop3A_525 = arith.maximumf %parallel_loop3A_510, %parallel_loop3A_514 : vector<16xf32>
      %parallel_loop3A_526 = arith.maximumf %parallel_loop3A_518, %parallel_loop3A_522 : vector<16xf32>
      %parallel_loop3A_527 = arith.maximumf %parallel_loop3A_523, %parallel_loop3A_524 : vector<16xf32>
      %parallel_loop3A_528 = arith.maximumf %parallel_loop3A_525, %parallel_loop3A_526 : vector<16xf32>
      %parallel_loop3A_529 = arith.maximumf %parallel_loop3A_527, %parallel_loop3A_528 : vector<16xf32>
      %parallel_loop3A_530 = vector.broadcast %parallel_loop3A_487 : i32 to vector<16xi32>
      %parallel_loop3A_531 = arith.constant true
      %parallel_loop3A_532 = vector.broadcast %parallel_loop3A_531 : i1 to vector<16xi1>
      %parallel_loop3A_533 = tpu.scan <max>, %parallel_loop3A_529 masked %parallel_loop3A_532 : vector<16xf32>, vector<16xi1> -> vector<16xf32>
      tpu.vector_store_idx %arg10[%parallel_loop3A_530], %parallel_loop3A_533 masked %eq3A_7 : memref<256xf32, #tpu.memory_space<vmem>>[vector<16xi32>], vector<16xf32>, vector<16xi1>
      %parallel_loop3A_534 = arith.maximumf %parallel_loop3A_488, %parallel_loop3A_529 : vector<16xf32>
      scf.yield %parallel_loop3A_534 : vector<16xf32>
    } {sc.loop_unroll_factor = 4 : i64, sc.parallel_access}
    %reduce_max3A_377 = arith.constant true
    %reduce_max3A_378 = vector.broadcast %reduce_max3A_377 : i1 to vector<16xi1>
    %reduce_max3A_379 = tpu.scan <max>, %parallel_loop3A_376 masked %reduce_max3A_378 : vector<16xf32>, vector<16xi1> -> vector<16xf32>
    %reduce_max3A_380 = vector.extract %reduce_max3A_379[15] : f32 from vector<16xf32>
    %sub3A_381 = arith.constant 1.000000e+00 : f32
    %sub3A_382 = arith.subf %reduce_max3A_380, %sub3A_381 : f32
    %broadcast_in_dim3A_383 = vector.broadcast %sub3A_382 : f32 to vector<16xf32>
    %scan3A_384 = arith.constant 0 : i32
    %scan3A_385 = arith.constant 8 : i32
    %scan3A_386 = arith.addi %scan3A_384, %scan3A_385 : i32
    %scan3A_387 = arith.constant 1 : i32
    %scan3A_388 = scf.for %scan3A_487 = %scan3A_384 to %scan3A_386 step %scan3A_387 iter_args(%scan3A_488 = %broadcast_in_dim3A_383) -> (vector<16xf32>)  : i32 {
      %scan3A_489 = arith.constant 0 : i32
      %scan3A_490 = arith.constant 16 : i32
      %scan3A_491 = arith.addi %scan3A_489, %scan3A_490 : i32
      %scan3A_492 = arith.constant 1 : i32
      %scan3A_493:2 = scf.for %scan3A_507 = %scan3A_489 to %scan3A_491 step %scan3A_492 iter_args(%scan3A_508 = %broadcast_in_dim3A_1, %scan3A_509 = %broadcast_in_dim3A_1) -> (vector<16xf32>, vector<16xf32>)  : i32 {
        %mul3A_510 = arith.constant 16 : i32
        %mul3A_511 = arith.muli %scan3A_507, %mul3A_510 : i32
        %get3A = arith.index_cast %mul3A_511 : i32 to index
        %get3A_512 = tpu.vector_load %arg10[%get3A] {strides = array<i32>} : memref<256xf32, #tpu.memory_space<vmem>>, vector<16xf32>,
        %gt3A = arith.cmpf ogt, %get3A_512, %scan3A_488 : vector<16xf32>
        %jit3A = arith.constant 0.000000e+00 : f32
        %broadcast_in_dim3A_513 = vector.broadcast %jit3A : f32 to vector<16xf32>
        %select_n3A = arith.select %gt3A, %get3A_512, %broadcast_in_dim3A_513 : vector<16xi1>, vector<16xf32>
        %add3A_514 = arith.addf %scan3A_508, %select_n3A : vector<16xf32>
        %jit3A_515 = arith.constant 1.000000e+00 : f32
        %jit3A_516 = arith.constant 0.000000e+00 : f32
        %broadcast_in_dim3A_517 = vector.broadcast %jit3A_515 : f32 to vector<16xf32>
        %broadcast_in_dim3A_518 = vector.broadcast %jit3A_516 : f32 to vector<16xf32>
        %select_n3A_519 = arith.select %gt3A, %broadcast_in_dim3A_517, %broadcast_in_dim3A_518 : vector<16xi1>, vector<16xf32>
        %add3A_520 = arith.addf %scan3A_509, %select_n3A_519 : vector<16xf32>
        scf.yield %add3A_514, %add3A_520 : vector<16xf32>, vector<16xf32>
      }
      %scan3A_494 = arith.constant 16 : i32
      %reduce_sum3A = arith.constant true
      %reduce_sum3A_495 = vector.broadcast %reduce_sum3A : i1 to vector<16xi1>
      %reduce_sum3A_496 = tpu.scan <sum>, %scan3A_493#0 masked %reduce_sum3A_495 : vector<16xf32>, vector<16xi1> -> vector<16xf32>
      %reduce_sum3A_497 = vector.extract %reduce_sum3A_496[15] : f32 from vector<16xf32>
      %broadcast_in_dim3A_498 = vector.broadcast %reduce_sum3A_497 : f32 to vector<16xf32>
      %reduce_sum3A_499 = arith.constant true
      %reduce_sum3A_500 = vector.broadcast %reduce_sum3A_499 : i1 to vector<16xi1>
      %reduce_sum3A_501 = tpu.scan <sum>, %scan3A_493#1 masked %reduce_sum3A_500 : vector<16xf32>, vector<16xi1> -> vector<16xf32>
      %reduce_sum3A_502 = vector.extract %reduce_sum3A_501[15] : f32 from vector<16xf32>
      %broadcast_in_dim3A_503 = vector.broadcast %reduce_sum3A_502 : f32 to vector<16xf32>
      %sub3A_504 = arith.constant 1.000000e+00 : f32
      %sub3A_505 = vector.broadcast %sub3A_504 : f32 to vector<16xf32>
      %sub3A_506 = arith.subf %broadcast_in_dim3A_498, %sub3A_505 : vector<16xf32>
      %div3A = arith.divf %sub3A_506, %broadcast_in_dim3A_503 : vector<16xf32>
      scf.yield %div3A : vector<16xf32>
    }
    %scan3A_389 = arith.constant 8 : i32
    %scan3A_390 = arith.constant 0 : i32
    %scan3A_391 = arith.constant 16 : i32
    %scan3A_392 = arith.addi %scan3A_390, %scan3A_391 : i32
    %scan3A_393 = arith.constant 1 : i32
    %scan3A_394 = scf.for %scan3A_487 = %scan3A_390 to %scan3A_392 step %scan3A_393 iter_args(%scan3A_488 = %broadcast_in_dim3A_5) -> (vector<16xi32>)  : i32 {
      %mul3A_489 = arith.constant 16 : i32
      %mul3A_490 = arith.muli %scan3A_487, %mul3A_489 : i32
      %get3A = arith.index_cast %mul3A_490 : i32 to index
      %get3A_491 = tpu.vector_load %arg10[%get3A] {strides = array<i32>} : memref<256xf32, #tpu.memory_space<vmem>>, vector<16xf32>,
      %gt3A = arith.cmpf ogt, %get3A_491, %scan3A_388 : vector<16xf32>
      %select_n3A = arith.select %gt3A, %broadcast_in_dim3A_3, %broadcast_in_dim3A_5 : vector<16xi1>, vector<16xi32>
      %broadcast_in_dim3A_492 = arith.constant true
      %broadcast_in_dim3A_493 = vector.broadcast %broadcast_in_dim3A_492 : i1 to vector<16xi1>
      %masked_cumsum3A = tpu.scan <sum>, %select_n3A masked %broadcast_in_dim3A_493 : vector<16xi32>, vector<16xi1> -> vector<16xi32>
      %add3A_494 = arith.addi %scan3A_488, %masked_cumsum3A : vector<16xi32>
      %sub3A_495 = arith.constant 1 : i32
      %sub3A_496 = vector.broadcast %sub3A_495 : i32 to vector<16xi32>
      %sub3A_497 = arith.subi %add3A_494, %sub3A_496 : vector<16xi32>
      %mul3A_498 = arith.constant 16 : i32
      %mul3A_499 = arith.muli %scan3A_487, %mul3A_498 : i32
      %add3A_500 = vector.broadcast %mul3A_499 : i32 to vector<16xi32>
      %add3A_501 = arith.addi %add3A_500, %iota3A : vector<16xi32>
      tpu.vector_store_idx %arg11[%sub3A_497], %add3A_501 masked %gt3A : memref<272xi32, #tpu.memory_space<vmem>>[vector<16xi32>], vector<16xi32>, vector<16xi1>
      %all_reduce_population_count3A = tpu.all_reduce %gt3A {dim = 0 : i64, kind = #tpu.reduction_kind<sum>} : vector<16xi1> -> vector<16xi32>
      %add3A_502 = arith.addi %scan3A_488, %all_reduce_population_count3A : vector<16xi32>
      scf.yield %add3A_502 : vector<16xi32>
    }
    %scan3A_395 = arith.constant 16 : i32
    %reduce_max3A_396 = arith.constant true
    %reduce_max3A_397 = vector.broadcast %reduce_max3A_396 : i1 to vector<16xi1>
    %reduce_max3A_398 = arith.constant -2147483648 : i32
    %reduce_max3A_399 = vector.broadcast %reduce_max3A_398 : i32 to vector<16xi32>
    %reduce_max3A_400 = arith.xori %scan3A_394, %reduce_max3A_399 : vector<16xi32>
    %reduce_max3A_401 = tpu.scan <max>, %reduce_max3A_400 masked %reduce_max3A_397 : vector<16xi32>, vector<16xi1> -> vector<16xi32>
    %reduce_max3A_402 = arith.xori %reduce_max3A_401, %reduce_max3A_399 : vector<16xi32>
    %reduce_max3A_403 = vector.extract %reduce_max3A_402[15] : i32 from vector<16xi32>
    %while3A_404 = arith.constant 0 : i32
    %while3A_405 = arith.subi %reduce_max3A_403, %while3A_404 : i32
    %while3A_406 = arith.addi %while3A_404, %while3A_405 : i32
    %while3A_407 = arith.constant 1 : i32
    %while3A_408 = arith.divsi %while3A_405, %while3A_407 : i32
    %while3A_409 = arith.muli %while3A_408, %while3A_407 : i32
    %while3A_410 = arith.addi %while3A_404, %while3A_409 : i32
    %while3A_411 = arith.constant 1 : i32
    %while3A_412 = scf.for %while3A_487 = %while3A_404 to %while3A_410 step %while3A_411 iter_args(%while3A_488 = %broadcast_in_dim3A_5) -> (vector<16xi32>)  : i32 {
      %get3A = arith.index_cast %while3A_487 : i32 to index
      %get3A_489 = tpu.vector_load %arg11[%get3A] {strides = array<i32>} : memref<272xi32, #tpu.memory_space<vmem>>, vector<16xi32>,
      %slice3A = vector.extract_strided_slice %get3A_489 {offsets = [0], sizes = [1], strides = [1]} : vector<16xi32> to vector<1xi32>
      %squeeze3A = vector.extract %slice3A[0] : i32 from vector<1xi32>
      %mul3A_490 = arith.constant 128 : i32
      %mul3A_491 = arith.muli %squeeze3A, %mul3A_490 : i32
      %add3A_492 = arith.constant 0 : i32
      %add3A_493 = arith.addi %mul3A_491, %add3A_492 : i32
      %get3A_494 = arith.index_cast %add3A_493 : i32 to index
      %get3A_495 = tpu.vector_load %arg5[%get3A_494] {strides = array<i32>} : memref<32768xf32, #tpu.memory_space<vmem>>, vector<16xf32>,
      %gt3A = arith.cmpf ogt, %get3A_495, %scan3A_388 : vector<16xf32>
      %select_n3A = arith.select %gt3A, %broadcast_in_dim3A_3, %broadcast_in_dim3A_5 : vector<16xi1>, vector<16xi32>
      %broadcast_in_dim3A_496 = arith.constant true
      %broadcast_in_dim3A_497 = vector.broadcast %broadcast_in_dim3A_496 : i1 to vector<16xi1>
      %masked_cumsum3A = tpu.scan <sum>, %select_n3A masked %broadcast_in_dim3A_497 : vector<16xi32>, vector<16xi1> -> vector<16xi32>
      %add3A_498 = arith.addi %while3A_488, %masked_cumsum3A : vector<16xi32>
      %sub3A_499 = arith.constant 1 : i32
      %sub3A_500 = vector.broadcast %sub3A_499 : i32 to vector<16xi32>
      %sub3A_501 = arith.subi %add3A_498, %sub3A_500 : vector<16xi32>
      %lt3A = arith.constant 8192 : i32
      %lt3A_502 = vector.broadcast %lt3A : i32 to vector<16xi32>
      %lt3A_503 = arith.cmpi slt, %sub3A_501, %lt3A_502 : vector<16xi32>
      %and3A = arith.andi %gt3A, %lt3A_503 : vector<16xi1>
      tpu.vector_store_idx %arg7[%sub3A_501], %get3A_495 masked %and3A : memref<8208xf32, #tpu.memory_space<vmem>>[vector<16xi32>], vector<16xf32>, vector<16xi1>
      %add3A_504 = vector.broadcast %add3A_493 : i32 to vector<16xi32>
      %add3A_505 = arith.addi %add3A_504, %iota3A : vector<16xi32>
      tpu.vector_store_idx %arg9[%sub3A_501], %add3A_505 masked %and3A : memref<8208xi32, #tpu.memory_space<vmem>>[vector<16xi32>], vector<16xi32>, vector<16xi1>
      %all_reduce_population_count3A = tpu.all_reduce %gt3A {dim = 0 : i64, kind = #tpu.reduction_kind<sum>} : vector<16xi1> -> vector<16xi32>
      %add3A_506 = arith.addi %while3A_488, %all_reduce_population_count3A : vector<16xi32>
      %add3A_507 = arith.constant 16 : i32
      %add3A_508 = arith.addi %mul3A_491, %add3A_507 : i32
      %get3A_509 = arith.index_cast %add3A_508 : i32 to index
      %get3A_510 = tpu.vector_load %arg5[%get3A_509] {strides = array<i32>} : memref<32768xf32, #tpu.memory_space<vmem>>, vector<16xf32>,
      %gt3A_511 = arith.cmpf ogt, %get3A_510, %scan3A_388 : vector<16xf32>
      %select_n3A_512 = arith.select %gt3A_511, %broadcast_in_dim3A_3, %broadcast_in_dim3A_5 : vector<16xi1>, vector<16xi32>
      %broadcast_in_dim3A_513 = arith.constant true
      %broadcast_in_dim3A_514 = vector.broadcast %broadcast_in_dim3A_513 : i1 to vector<16xi1>
      %masked_cumsum3A_515 = tpu.scan <sum>, %select_n3A_512 masked %broadcast_in_dim3A_514 : vector<16xi32>, vector<16xi1> -> vector<16xi32>
      %add3A_516 = arith.addi %add3A_506, %masked_cumsum3A_515 : vector<16xi32>
      %sub3A_517 = arith.constant 1 : i32
      %sub3A_518 = vector.broadcast %sub3A_517 : i32 to vector<16xi32>
      %sub3A_519 = arith.subi %add3A_516, %sub3A_518 : vector<16xi32>
      %lt3A_520 = arith.constant 8192 : i32
      %lt3A_521 = vector.broadcast %lt3A_520 : i32 to vector<16xi32>
      %lt3A_522 = arith.cmpi slt, %sub3A_519, %lt3A_521 : vector<16xi32>
      %and3A_523 = arith.andi %gt3A_511, %lt3A_522 : vector<16xi1>
      tpu.vector_store_idx %arg7[%sub3A_519], %get3A_510 masked %and3A_523 : memref<8208xf32, #tpu.memory_space<vmem>>[vector<16xi32>], vector<16xf32>, vector<16xi1>
      %add3A_524 = vector.broadcast %add3A_508 : i32 to vector<16xi32>
      %add3A_525 = arith.addi %add3A_524, %iota3A : vector<16xi32>
      tpu.vector_store_idx %arg9[%sub3A_519], %add3A_525 masked %and3A_523 : memref<8208xi32, #tpu.memory_space<vmem>>[vector<16xi32>], vector<16xi32>, vector<16xi1>
      %all_reduce_population_count3A_526 = tpu.all_reduce %gt3A_511 {dim = 0 : i64, kind = #tpu.reduction_kind<sum>} : vector<16xi1> -> vector<16xi32>
      %add3A_527 = arith.addi %add3A_506, %all_reduce_population_count3A_526 : vector<16xi32>
      %add3A_528 = arith.constant 32 : i32
      %add3A_529 = arith.addi %mul3A_491, %add3A_528 : i32
      %get3A_530 = arith.index_cast %add3A_529 : i32 to index
      %get3A_531 = tpu.vector_load %arg5[%get3A_530] {strides = array<i32>} : memref<32768xf32, #tpu.memory_space<vmem>>, vector<16xf32>,
      %gt3A_532 = arith.cmpf ogt, %get3A_531, %scan3A_388 : vector<16xf32>
      %select_n3A_533 = arith.select %gt3A_532, %broadcast_in_dim3A_3, %broadcast_in_dim3A_5 : vector<16xi1>, vector<16xi32>
      %broadcast_in_dim3A_534 = arith.constant true
      %broadcast_in_dim3A_535 = vector.broadcast %broadcast_in_dim3A_534 : i1 to vector<16xi1>
      %masked_cumsum3A_536 = tpu.scan <sum>, %select_n3A_533 masked %broadcast_in_dim3A_535 : vector<16xi32>, vector<16xi1> -> vector<16xi32>
      %add3A_537 = arith.addi %add3A_527, %masked_cumsum3A_536 : vector<16xi32>
      %sub3A_538 = arith.constant 1 : i32
      %sub3A_539 = vector.broadcast %sub3A_538 : i32 to vector<16xi32>
      %sub3A_540 = arith.subi %add3A_537, %sub3A_539 : vector<16xi32>
      %lt3A_541 = arith.constant 8192 : i32
      %lt3A_542 = vector.broadcast %lt3A_541 : i32 to vector<16xi32>
      %lt3A_543 = arith.cmpi slt, %sub3A_540, %lt3A_542 : vector<16xi32>
      %and3A_544 = arith.andi %gt3A_532, %lt3A_543 : vector<16xi1>
      tpu.vector_store_idx %arg7[%sub3A_540], %get3A_531 masked %and3A_544 : memref<8208xf32, #tpu.memory_space<vmem>>[vector<16xi32>], vector<16xf32>, vector<16xi1>
      %add3A_545 = vector.broadcast %add3A_529 : i32 to vector<16xi32>
      %add3A_546 = arith.addi %add3A_545, %iota3A : vector<16xi32>
      tpu.vector_store_idx %arg9[%sub3A_540], %add3A_546 masked %and3A_544 : memref<8208xi32, #tpu.memory_space<vmem>>[vector<16xi32>], vector<16xi32>, vector<16xi1>
      %all_reduce_population_count3A_547 = tpu.all_reduce %gt3A_532 {dim = 0 : i64, kind = #tpu.reduction_kind<sum>} : vector<16xi1> -> vector<16xi32>
      %add3A_548 = arith.addi %add3A_527, %all_reduce_population_count3A_547 : vector<16xi32>
      %add3A_549 = arith.constant 48 : i32
      %add3A_550 = arith.addi %mul3A_491, %add3A_549 : i32
      %get3A_551 = arith.index_cast %add3A_550 : i32 to index
      %get3A_552 = tpu.vector_load %arg5[%get3A_551] {strides = array<i32>} : memref<32768xf32, #tpu.memory_space<vmem>>, vector<16xf32>,
      %gt3A_553 = arith.cmpf ogt, %get3A_552, %scan3A_388 : vector<16xf32>
      %select_n3A_554 = arith.select %gt3A_553, %broadcast_in_dim3A_3, %broadcast_in_dim3A_5 : vector<16xi1>, vector<16xi32>
      %broadcast_in_dim3A_555 = arith.constant true
      %broadcast_in_dim3A_556 = vector.broadcast %broadcast_in_dim3A_555 : i1 to vector<16xi1>
      %masked_cumsum3A_557 = tpu.scan <sum>, %select_n3A_554 masked %broadcast_in_dim3A_556 : vector<16xi32>, vector<16xi1> -> vector<16xi32>
      %add3A_558 = arith.addi %add3A_548, %masked_cumsum3A_557 : vector<16xi32>
      %sub3A_559 = arith.constant 1 : i32
      %sub3A_560 = vector.broadcast %sub3A_559 : i32 to vector<16xi32>
      %sub3A_561 = arith.subi %add3A_558, %sub3A_560 : vector<16xi32>
      %lt3A_562 = arith.constant 8192 : i32
      %lt3A_563 = vector.broadcast %lt3A_562 : i32 to vector<16xi32>
      %lt3A_564 = arith.cmpi slt, %sub3A_561, %lt3A_563 : vector<16xi32>
      %and3A_565 = arith.andi %gt3A_553, %lt3A_564 : vector<16xi1>
      tpu.vector_store_idx %arg7[%sub3A_561], %get3A_552 masked %and3A_565 : memref<8208xf32, #tpu.memory_space<vmem>>[vector<16xi32>], vector<16xf32>, vector<16xi1>
      %add3A_566 = vector.broadcast %add3A_550 : i32 to vector<16xi32>
      %add3A_567 = arith.addi %add3A_566, %iota3A : vector<16xi32>
      tpu.vector_store_idx %arg9[%sub3A_561], %add3A_567 masked %and3A_565 : memref<8208xi32, #tpu.memory_space<vmem>>[vector<16xi32>], vector<16xi32>, vector<16xi1>
      %all_reduce_population_count3A_568 = tpu.all_reduce %gt3A_553 {dim = 0 : i64, kind = #tpu.reduction_kind<sum>} : vector<16xi1> -> vector<16xi32>
      %add3A_569 = arith.addi %add3A_548, %all_reduce_population_count3A_568 : vector<16xi32>
      %add3A_570 = arith.constant 64 : i32
      %add3A_571 = arith.addi %mul3A_491, %add3A_570 : i32
      %get3A_572 = arith.index_cast %add3A_571 : i32 to index
      %get3A_573 = tpu.vector_load %arg5[%get3A_572] {strides = array<i32>} : memref<32768xf32, #tpu.memory_space<vmem>>, vector<16xf32>,
      %gt3A_574 = arith.cmpf ogt, %get3A_573, %scan3A_388 : vector<16xf32>
      %select_n3A_575 = arith.select %gt3A_574, %broadcast_in_dim3A_3, %broadcast_in_dim3A_5 : vector<16xi1>, vector<16xi32>
      %broadcast_in_dim3A_576 = arith.constant true
      %broadcast_in_dim3A_577 = vector.broadcast %broadcast_in_dim3A_576 : i1 to vector<16xi1>
      %masked_cumsum3A_578 = tpu.scan <sum>, %select_n3A_575 masked %broadcast_in_dim3A_577 : vector<16xi32>, vector<16xi1> -> vector<16xi32>
      %add3A_579 = arith.addi %add3A_569, %masked_cumsum3A_578 : vector<16xi32>
      %sub3A_580 = arith.constant 1 : i32
      %sub3A_581 = vector.broadcast %sub3A_580 : i32 to vector<16xi32>
      %sub3A_582 = arith.subi %add3A_579, %sub3A_581 : vector<16xi32>
      %lt3A_583 = arith.constant 8192 : i32
      %lt3A_584 = vector.broadcast %lt3A_583 : i32 to vector<16xi32>
      %lt3A_585 = arith.cmpi slt, %sub3A_582, %lt3A_584 : vector<16xi32>
      %and3A_586 = arith.andi %gt3A_574, %lt3A_585 : vector<16xi1>
      tpu.vector_store_idx %arg7[%sub3A_582], %get3A_573 masked %and3A_586 : memref<8208xf32, #tpu.memory_space<vmem>>[vector<16xi32>], vector<16xf32>, vector<16xi1>
      %add3A_587 = vector.broadcast %add3A_571 : i32 to vector<16xi32>
      %add3A_588 = arith.addi %add3A_587, %iota3A : vector<16xi32>
      tpu.vector_store_idx %arg9[%sub3A_582], %add3A_588 masked %and3A_586 : memref<8208xi32, #tpu.memory_space<vmem>>[vector<16xi32>], vector<16xi32>, vector<16xi1>
      %all_reduce_population_count3A_589 = tpu.all_reduce %gt3A_574 {dim = 0 : i64, kind = #tpu.reduction_kind<sum>} : vector<16xi1> -> vector<16xi32>
      %add3A_590 = arith.addi %add3A_569, %all_reduce_population_count3A_589 : vector<16xi32>
      %add3A_591 = arith.constant 80 : i32
      %add3A_592 = arith.addi %mul3A_491, %add3A_591 : i32
      %get3A_593 = arith.index_cast %add3A_592 : i32 to index
      %get3A_594 = tpu.vector_load %arg5[%get3A_593] {strides = array<i32>} : memref<32768xf32, #tpu.memory_space<vmem>>, vector<16xf32>,
      %gt3A_595 = arith.cmpf ogt, %get3A_594, %scan3A_388 : vector<16xf32>
      %select_n3A_596 = arith.select %gt3A_595, %broadcast_in_dim3A_3, %broadcast_in_dim3A_5 : vector<16xi1>, vector<16xi32>
      %broadcast_in_dim3A_597 = arith.constant true
      %broadcast_in_dim3A_598 = vector.broadcast %broadcast_in_dim3A_597 : i1 to vector<16xi1>
      %masked_cumsum3A_599 = tpu.scan <sum>, %select_n3A_596 masked %broadcast_in_dim3A_598 : vector<16xi32>, vector<16xi1> -> vector<16xi32>
      %add3A_600 = arith.addi %add3A_590, %masked_cumsum3A_599 : vector<16xi32>
      %sub3A_601 = arith.constant 1 : i32
      %sub3A_602 = vector.broadcast %sub3A_601 : i32 to vector<16xi32>
      %sub3A_603 = arith.subi %add3A_600, %sub3A_602 : vector<16xi32>
      %lt3A_604 = arith.constant 8192 : i32
      %lt3A_605 = vector.broadcast %lt3A_604 : i32 to vector<16xi32>
      %lt3A_606 = arith.cmpi slt, %sub3A_603, %lt3A_605 : vector<16xi32>
      %and3A_607 = arith.andi %gt3A_595, %lt3A_606 : vector<16xi1>
      tpu.vector_store_idx %arg7[%sub3A_603], %get3A_594 masked %and3A_607 : memref<8208xf32, #tpu.memory_space<vmem>>[vector<16xi32>], vector<16xf32>, vector<16xi1>
      %add3A_608 = vector.broadcast %add3A_592 : i32 to vector<16xi32>
      %add3A_609 = arith.addi %add3A_608, %iota3A : vector<16xi32>
      tpu.vector_store_idx %arg9[%sub3A_603], %add3A_609 masked %and3A_607 : memref<8208xi32, #tpu.memory_space<vmem>>[vector<16xi32>], vector<16xi32>, vector<16xi1>
      %all_reduce_population_count3A_610 = tpu.all_reduce %gt3A_595 {dim = 0 : i64, kind = #tpu.reduction_kind<sum>} : vector<16xi1> -> vector<16xi32>
      %add3A_611 = arith.addi %add3A_590, %all_reduce_population_count3A_610 : vector<16xi32>
      %add3A_612 = arith.constant 96 : i32
      %add3A_613 = arith.addi %mul3A_491, %add3A_612 : i32
      %get3A_614 = arith.index_cast %add3A_613 : i32 to index
      %get3A_615 = tpu.vector_load %arg5[%get3A_614] {strides = array<i32>} : memref<32768xf32, #tpu.memory_space<vmem>>, vector<16xf32>,
      %gt3A_616 = arith.cmpf ogt, %get3A_615, %scan3A_388 : vector<16xf32>
      %select_n3A_617 = arith.select %gt3A_616, %broadcast_in_dim3A_3, %broadcast_in_dim3A_5 : vector<16xi1>, vector<16xi32>
      %broadcast_in_dim3A_618 = arith.constant true
      %broadcast_in_dim3A_619 = vector.broadcast %broadcast_in_dim3A_618 : i1 to vector<16xi1>
      %masked_cumsum3A_620 = tpu.scan <sum>, %select_n3A_617 masked %broadcast_in_dim3A_619 : vector<16xi32>, vector<16xi1> -> vector<16xi32>
      %add3A_621 = arith.addi %add3A_611, %masked_cumsum3A_620 : vector<16xi32>
      %sub3A_622 = arith.constant 1 : i32
      %sub3A_623 = vector.broadcast %sub3A_622 : i32 to vector<16xi32>
      %sub3A_624 = arith.subi %add3A_621, %sub3A_623 : vector<16xi32>
      %lt3A_625 = arith.constant 8192 : i32
      %lt3A_626 = vector.broadcast %lt3A_625 : i32 to vector<16xi32>
      %lt3A_627 = arith.cmpi slt, %sub3A_624, %lt3A_626 : vector<16xi32>
      %and3A_628 = arith.andi %gt3A_616, %lt3A_627 : vector<16xi1>
      tpu.vector_store_idx %arg7[%sub3A_624], %get3A_615 masked %and3A_628 : memref<8208xf32, #tpu.memory_space<vmem>>[vector<16xi32>], vector<16xf32>, vector<16xi1>
      %add3A_629 = vector.broadcast %add3A_613 : i32 to vector<16xi32>
      %add3A_630 = arith.addi %add3A_629, %iota3A : vector<16xi32>
      tpu.vector_store_idx %arg9[%sub3A_624], %add3A_630 masked %and3A_628 : memref<8208xi32, #tpu.memory_space<vmem>>[vector<16xi32>], vector<16xi32>, vector<16xi1>
      %all_reduce_population_count3A_631 = tpu.all_reduce %gt3A_616 {dim = 0 : i64, kind = #tpu.reduction_kind<sum>} : vector<16xi1> -> vector<16xi32>
      %add3A_632 = arith.addi %add3A_611, %all_reduce_population_count3A_631 : vector<16xi32>
      %add3A_633 = arith.constant 112 : i32
      %add3A_634 = arith.addi %mul3A_491, %add3A_633 : i32
      %get3A_635 = arith.index_cast %add3A_634 : i32 to index
      %get3A_636 = tpu.vector_load %arg5[%get3A_635] {strides = array<i32>} : memref<32768xf32, #tpu.memory_space<vmem>>, vector<16xf32>,
      %gt3A_637 = arith.cmpf ogt, %get3A_636, %scan3A_388 : vector<16xf32>
      %select_n3A_638 = arith.select %gt3A_637, %broadcast_in_dim3A_3, %broadcast_in_dim3A_5 : vector<16xi1>, vector<16xi32>
      %broadcast_in_dim3A_639 = arith.constant true
      %broadcast_in_dim3A_640 = vector.broadcast %broadcast_in_dim3A_639 : i1 to vector<16xi1>
      %masked_cumsum3A_641 = tpu.scan <sum>, %select_n3A_638 masked %broadcast_in_dim3A_640 : vector<16xi32>, vector<16xi1> -> vector<16xi32>
      %add3A_642 = arith.addi %add3A_632, %masked_cumsum3A_641 : vector<16xi32>
      %sub3A_643 = arith.constant 1 : i32
      %sub3A_644 = vector.broadcast %sub3A_643 : i32 to vector<16xi32>
      %sub3A_645 = arith.subi %add3A_642, %sub3A_644 : vector<16xi32>
      %lt3A_646 = arith.constant 8192 : i32
      %lt3A_647 = vector.broadcast %lt3A_646 : i32 to vector<16xi32>
      %lt3A_648 = arith.cmpi slt, %sub3A_645, %lt3A_647 : vector<16xi32>
      %and3A_649 = arith.andi %gt3A_637, %lt3A_648 : vector<16xi1>
      tpu.vector_store_idx %arg7[%sub3A_645], %get3A_636 masked %and3A_649 : memref<8208xf32, #tpu.memory_space<vmem>>[vector<16xi32>], vector<16xf32>, vector<16xi1>
      %add3A_650 = vector.broadcast %add3A_634 : i32 to vector<16xi32>
      %add3A_651 = arith.addi %add3A_650, %iota3A : vector<16xi32>
      tpu.vector_store_idx %arg9[%sub3A_645], %add3A_651 masked %and3A_649 : memref<8208xi32, #tpu.memory_space<vmem>>[vector<16xi32>], vector<16xi32>, vector<16xi1>
      %all_reduce_population_count3A_652 = tpu.all_reduce %gt3A_637 {dim = 0 : i64, kind = #tpu.reduction_kind<sum>} : vector<16xi1> -> vector<16xi32>
      %add3A_653 = arith.addi %add3A_632, %all_reduce_population_count3A_652 : vector<16xi32>
      scf.yield %add3A_653 : vector<16xi32>
    }
    %while3A_413 = arith.constant 1 : i32
    %while3A_414 = scf.for %while3A_487 = %while3A_410 to %while3A_406 step %while3A_413 iter_args(%while3A_488 = %while3A_412) -> (vector<16xi32>)  : i32 {
      %get3A = arith.index_cast %while3A_487 : i32 to index
      %get3A_489 = tpu.vector_load %arg11[%get3A] {strides = array<i32>} : memref<272xi32, #tpu.memory_space<vmem>>, vector<16xi32>,
      %slice3A = vector.extract_strided_slice %get3A_489 {offsets = [0], sizes = [1], strides = [1]} : vector<16xi32> to vector<1xi32>
      %squeeze3A = vector.extract %slice3A[0] : i32 from vector<1xi32>
      %mul3A_490 = arith.constant 128 : i32
      %mul3A_491 = arith.muli %squeeze3A, %mul3A_490 : i32
      %add3A_492 = arith.constant 0 : i32
      %add3A_493 = arith.addi %mul3A_491, %add3A_492 : i32
      %get3A_494 = arith.index_cast %add3A_493 : i32 to index
      %get3A_495 = tpu.vector_load %arg5[%get3A_494] {strides = array<i32>} : memref<32768xf32, #tpu.memory_space<vmem>>, vector<16xf32>,
      %gt3A = arith.cmpf ogt, %get3A_495, %scan3A_388 : vector<16xf32>
      %select_n3A = arith.select %gt3A, %broadcast_in_dim3A_3, %broadcast_in_dim3A_5 : vector<16xi1>, vector<16xi32>
      %broadcast_in_dim3A_496 = arith.constant true
      %broadcast_in_dim3A_497 = vector.broadcast %broadcast_in_dim3A_496 : i1 to vector<16xi1>
      %masked_cumsum3A = tpu.scan <sum>, %select_n3A masked %broadcast_in_dim3A_497 : vector<16xi32>, vector<16xi1> -> vector<16xi32>
      %add3A_498 = arith.addi %while3A_488, %masked_cumsum3A : vector<16xi32>
      %sub3A_499 = arith.constant 1 : i32
      %sub3A_500 = vector.broadcast %sub3A_499 : i32 to vector<16xi32>
      %sub3A_501 = arith.subi %add3A_498, %sub3A_500 : vector<16xi32>
      %lt3A = arith.constant 8192 : i32
      %lt3A_502 = vector.broadcast %lt3A : i32 to vector<16xi32>
      %lt3A_503 = arith.cmpi slt, %sub3A_501, %lt3A_502 : vector<16xi32>
      %and3A = arith.andi %gt3A, %lt3A_503 : vector<16xi1>
      tpu.vector_store_idx %arg7[%sub3A_501], %get3A_495 masked %and3A : memref<8208xf32, #tpu.memory_space<vmem>>[vector<16xi32>], vector<16xf32>, vector<16xi1>
      %add3A_504 = vector.broadcast %add3A_493 : i32 to vector<16xi32>
      %add3A_505 = arith.addi %add3A_504, %iota3A : vector<16xi32>
      tpu.vector_store_idx %arg9[%sub3A_501], %add3A_505 masked %and3A : memref<8208xi32, #tpu.memory_space<vmem>>[vector<16xi32>], vector<16xi32>, vector<16xi1>
      %all_reduce_population_count3A = tpu.all_reduce %gt3A {dim = 0 : i64, kind = #tpu.reduction_kind<sum>} : vector<16xi1> -> vector<16xi32>
      %add3A_506 = arith.addi %while3A_488, %all_reduce_population_count3A : vector<16xi32>
      %add3A_507 = arith.constant 16 : i32
      %add3A_508 = arith.addi %mul3A_491, %add3A_507 : i32
      %get3A_509 = arith.index_cast %add3A_508 : i32 to index
      %get3A_510 = tpu.vector_load %arg5[%get3A_509] {strides = array<i32>} : memref<32768xf32, #tpu.memory_space<vmem>>, vector<16xf32>,
      %gt3A_511 = arith.cmpf ogt, %get3A_510, %scan3A_388 : vector<16xf32>
      %select_n3A_512 = arith.select %gt3A_511, %broadcast_in_dim3A_3, %broadcast_in_dim3A_5 : vector<16xi1>, vector<16xi32>
      %broadcast_in_dim3A_513 = arith.constant true
      %broadcast_in_dim3A_514 = vector.broadcast %broadcast_in_dim3A_513 : i1 to vector<16xi1>
      %masked_cumsum3A_515 = tpu.scan <sum>, %select_n3A_512 masked %broadcast_in_dim3A_514 : vector<16xi32>, vector<16xi1> -> vector<16xi32>
      %add3A_516 = arith.addi %add3A_506, %masked_cumsum3A_515 : vector<16xi32>
      %sub3A_517 = arith.constant 1 : i32
      %sub3A_518 = vector.broadcast %sub3A_517 : i32 to vector<16xi32>
      %sub3A_519 = arith.subi %add3A_516, %sub3A_518 : vector<16xi32>
      %lt3A_520 = arith.constant 8192 : i32
      %lt3A_521 = vector.broadcast %lt3A_520 : i32 to vector<16xi32>
      %lt3A_522 = arith.cmpi slt, %sub3A_519, %lt3A_521 : vector<16xi32>
      %and3A_523 = arith.andi %gt3A_511, %lt3A_522 : vector<16xi1>
      tpu.vector_store_idx %arg7[%sub3A_519], %get3A_510 masked %and3A_523 : memref<8208xf32, #tpu.memory_space<vmem>>[vector<16xi32>], vector<16xf32>, vector<16xi1>
      %add3A_524 = vector.broadcast %add3A_508 : i32 to vector<16xi32>
      %add3A_525 = arith.addi %add3A_524, %iota3A : vector<16xi32>
      tpu.vector_store_idx %arg9[%sub3A_519], %add3A_525 masked %and3A_523 : memref<8208xi32, #tpu.memory_space<vmem>>[vector<16xi32>], vector<16xi32>, vector<16xi1>
      %all_reduce_population_count3A_526 = tpu.all_reduce %gt3A_511 {dim = 0 : i64, kind = #tpu.reduction_kind<sum>} : vector<16xi1> -> vector<16xi32>
      %add3A_527 = arith.addi %add3A_506, %all_reduce_population_count3A_526 : vector<16xi32>
      %add3A_528 = arith.constant 32 : i32
      %add3A_529 = arith.addi %mul3A_491, %add3A_528 : i32
      %get3A_530 = arith.index_cast %add3A_529 : i32 to index
      %get3A_531 = tpu.vector_load %arg5[%get3A_530] {strides = array<i32>} : memref<32768xf32, #tpu.memory_space<vmem>>, vector<16xf32>,
      %gt3A_532 = arith.cmpf ogt, %get3A_531, %scan3A_388 : vector<16xf32>
      %select_n3A_533 = arith.select %gt3A_532, %broadcast_in_dim3A_3, %broadcast_in_dim3A_5 : vector<16xi1>, vector<16xi32>
      %broadcast_in_dim3A_534 = arith.constant true
      %broadcast_in_dim3A_535 = vector.broadcast %broadcast_in_dim3A_534 : i1 to vector<16xi1>
      %masked_cumsum3A_536 = tpu.scan <sum>, %select_n3A_533 masked %broadcast_in_dim3A_535 : vector<16xi32>, vector<16xi1> -> vector<16xi32>
      %add3A_537 = arith.addi %add3A_527, %masked_cumsum3A_536 : vector<16xi32>
      %sub3A_538 = arith.constant 1 : i32
      %sub3A_539 = vector.broadcast %sub3A_538 : i32 to vector<16xi32>
      %sub3A_540 = arith.subi %add3A_537, %sub3A_539 : vector<16xi32>
      %lt3A_541 = arith.constant 8192 : i32
      %lt3A_542 = vector.broadcast %lt3A_541 : i32 to vector<16xi32>
      %lt3A_543 = arith.cmpi slt, %sub3A_540, %lt3A_542 : vector<16xi32>
      %and3A_544 = arith.andi %gt3A_532, %lt3A_543 : vector<16xi1>
      tpu.vector_store_idx %arg7[%sub3A_540], %get3A_531 masked %and3A_544 : memref<8208xf32, #tpu.memory_space<vmem>>[vector<16xi32>], vector<16xf32>, vector<16xi1>
      %add3A_545 = vector.broadcast %add3A_529 : i32 to vector<16xi32>
      %add3A_546 = arith.addi %add3A_545, %iota3A : vector<16xi32>
      tpu.vector_store_idx %arg9[%sub3A_540], %add3A_546 masked %and3A_544 : memref<8208xi32, #tpu.memory_space<vmem>>[vector<16xi32>], vector<16xi32>, vector<16xi1>
      %all_reduce_population_count3A_547 = tpu.all_reduce %gt3A_532 {dim = 0 : i64, kind = #tpu.reduction_kind<sum>} : vector<16xi1> -> vector<16xi32>
      %add3A_548 = arith.addi %add3A_527, %all_reduce_population_count3A_547 : vector<16xi32>
      %add3A_549 = arith.constant 48 : i32
      %add3A_550 = arith.addi %mul3A_491, %add3A_549 : i32
      %get3A_551 = arith.index_cast %add3A_550 : i32 to index
      %get3A_552 = tpu.vector_load %arg5[%get3A_551] {strides = array<i32>} : memref<32768xf32, #tpu.memory_space<vmem>>, vector<16xf32>,
      %gt3A_553 = arith.cmpf ogt, %get3A_552, %scan3A_388 : vector<16xf32>
      %select_n3A_554 = arith.select %gt3A_553, %broadcast_in_dim3A_3, %broadcast_in_dim3A_5 : vector<16xi1>, vector<16xi32>
      %broadcast_in_dim3A_555 = arith.constant true
      %broadcast_in_dim3A_556 = vector.broadcast %broadcast_in_dim3A_555 : i1 to vector<16xi1>
      %masked_cumsum3A_557 = tpu.scan <sum>, %select_n3A_554 masked %broadcast_in_dim3A_556 : vector<16xi32>, vector<16xi1> -> vector<16xi32>
      %add3A_558 = arith.addi %add3A_548, %masked_cumsum3A_557 : vector<16xi32>
      %sub3A_559 = arith.constant 1 : i32
      %sub3A_560 = vector.broadcast %sub3A_559 : i32 to vector<16xi32>
      %sub3A_561 = arith.subi %add3A_558, %sub3A_560 : vector<16xi32>
      %lt3A_562 = arith.constant 8192 : i32
      %lt3A_563 = vector.broadcast %lt3A_562 : i32 to vector<16xi32>
      %lt3A_564 = arith.cmpi slt, %sub3A_561, %lt3A_563 : vector<16xi32>
      %and3A_565 = arith.andi %gt3A_553, %lt3A_564 : vector<16xi1>
      tpu.vector_store_idx %arg7[%sub3A_561], %get3A_552 masked %and3A_565 : memref<8208xf32, #tpu.memory_space<vmem>>[vector<16xi32>], vector<16xf32>, vector<16xi1>
      %add3A_566 = vector.broadcast %add3A_550 : i32 to vector<16xi32>
      %add3A_567 = arith.addi %add3A_566, %iota3A : vector<16xi32>
      tpu.vector_store_idx %arg9[%sub3A_561], %add3A_567 masked %and3A_565 : memref<8208xi32, #tpu.memory_space<vmem>>[vector<16xi32>], vector<16xi32>, vector<16xi1>
      %all_reduce_population_count3A_568 = tpu.all_reduce %gt3A_553 {dim = 0 : i64, kind = #tpu.reduction_kind<sum>} : vector<16xi1> -> vector<16xi32>
      %add3A_569 = arith.addi %add3A_548, %all_reduce_population_count3A_568 : vector<16xi32>
      %add3A_570 = arith.constant 64 : i32
      %add3A_571 = arith.addi %mul3A_491, %add3A_570 : i32
      %get3A_572 = arith.index_cast %add3A_571 : i32 to index
      %get3A_573 = tpu.vector_load %arg5[%get3A_572] {strides = array<i32>} : memref<32768xf32, #tpu.memory_space<vmem>>, vector<16xf32>,
      %gt3A_574 = arith.cmpf ogt, %get3A_573, %scan3A_388 : vector<16xf32>
      %select_n3A_575 = arith.select %gt3A_574, %broadcast_in_dim3A_3, %broadcast_in_dim3A_5 : vector<16xi1>, vector<16xi32>
      %broadcast_in_dim3A_576 = arith.constant true
      %broadcast_in_dim3A_577 = vector.broadcast %broadcast_in_dim3A_576 : i1 to vector<16xi1>
      %masked_cumsum3A_578 = tpu.scan <sum>, %select_n3A_575 masked %broadcast_in_dim3A_577 : vector<16xi32>, vector<16xi1> -> vector<16xi32>
      %add3A_579 = arith.addi %add3A_569, %masked_cumsum3A_578 : vector<16xi32>
      %sub3A_580 = arith.constant 1 : i32
      %sub3A_581 = vector.broadcast %sub3A_580 : i32 to vector<16xi32>
      %sub3A_582 = arith.subi %add3A_579, %sub3A_581 : vector<16xi32>
      %lt3A_583 = arith.constant 8192 : i32
      %lt3A_584 = vector.broadcast %lt3A_583 : i32 to vector<16xi32>
      %lt3A_585 = arith.cmpi slt, %sub3A_582, %lt3A_584 : vector<16xi32>
      %and3A_586 = arith.andi %gt3A_574, %lt3A_585 : vector<16xi1>
      tpu.vector_store_idx %arg7[%sub3A_582], %get3A_573 masked %and3A_586 : memref<8208xf32, #tpu.memory_space<vmem>>[vector<16xi32>], vector<16xf32>, vector<16xi1>
      %add3A_587 = vector.broadcast %add3A_571 : i32 to vector<16xi32>
      %add3A_588 = arith.addi %add3A_587, %iota3A : vector<16xi32>
      tpu.vector_store_idx %arg9[%sub3A_582], %add3A_588 masked %and3A_586 : memref<8208xi32, #tpu.memory_space<vmem>>[vector<16xi32>], vector<16xi32>, vector<16xi1>
      %all_reduce_population_count3A_589 = tpu.all_reduce %gt3A_574 {dim = 0 : i64, kind = #tpu.reduction_kind<sum>} : vector<16xi1> -> vector<16xi32>
      %add3A_590 = arith.addi %add3A_569, %all_reduce_population_count3A_589 : vector<16xi32>
      %add3A_591 = arith.constant 80 : i32
      %add3A_592 = arith.addi %mul3A_491, %add3A_591 : i32
      %get3A_593 = arith.index_cast %add3A_592 : i32 to index
      %get3A_594 = tpu.vector_load %arg5[%get3A_593] {strides = array<i32>} : memref<32768xf32, #tpu.memory_space<vmem>>, vector<16xf32>,
      %gt3A_595 = arith.cmpf ogt, %get3A_594, %scan3A_388 : vector<16xf32>
      %select_n3A_596 = arith.select %gt3A_595, %broadcast_in_dim3A_3, %broadcast_in_dim3A_5 : vector<16xi1>, vector<16xi32>
      %broadcast_in_dim3A_597 = arith.constant true
      %broadcast_in_dim3A_598 = vector.broadcast %broadcast_in_dim3A_597 : i1 to vector<16xi1>
      %masked_cumsum3A_599 = tpu.scan <sum>, %select_n3A_596 masked %broadcast_in_dim3A_598 : vector<16xi32>, vector<16xi1> -> vector<16xi32>
      %add3A_600 = arith.addi %add3A_590, %masked_cumsum3A_599 : vector<16xi32>
      %sub3A_601 = arith.constant 1 : i32
      %sub3A_602 = vector.broadcast %sub3A_601 : i32 to vector<16xi32>
      %sub3A_603 = arith.subi %add3A_600, %sub3A_602 : vector<16xi32>
      %lt3A_604 = arith.constant 8192 : i32
      %lt3A_605 = vector.broadcast %lt3A_604 : i32 to vector<16xi32>
      %lt3A_606 = arith.cmpi slt, %sub3A_603, %lt3A_605 : vector<16xi32>
      %and3A_607 = arith.andi %gt3A_595, %lt3A_606 : vector<16xi1>
      tpu.vector_store_idx %arg7[%sub3A_603], %get3A_594 masked %and3A_607 : memref<8208xf32, #tpu.memory_space<vmem>>[vector<16xi32>], vector<16xf32>, vector<16xi1>
      %add3A_608 = vector.broadcast %add3A_592 : i32 to vector<16xi32>
      %add3A_609 = arith.addi %add3A_608, %iota3A : vector<16xi32>
      tpu.vector_store_idx %arg9[%sub3A_603], %add3A_609 masked %and3A_607 : memref<8208xi32, #tpu.memory_space<vmem>>[vector<16xi32>], vector<16xi32>, vector<16xi1>
      %all_reduce_population_count3A_610 = tpu.all_reduce %gt3A_595 {dim = 0 : i64, kind = #tpu.reduction_kind<sum>} : vector<16xi1> -> vector<16xi32>
      %add3A_611 = arith.addi %add3A_590, %all_reduce_population_count3A_610 : vector<16xi32>
      %add3A_612 = arith.constant 96 : i32
      %add3A_613 = arith.addi %mul3A_491, %add3A_612 : i32
      %get3A_614 = arith.index_cast %add3A_613 : i32 to index
      %get3A_615 = tpu.vector_load %arg5[%get3A_614] {strides = array<i32>} : memref<32768xf32, #tpu.memory_space<vmem>>, vector<16xf32>,
      %gt3A_616 = arith.cmpf ogt, %get3A_615, %scan3A_388 : vector<16xf32>
      %select_n3A_617 = arith.select %gt3A_616, %broadcast_in_dim3A_3, %broadcast_in_dim3A_5 : vector<16xi1>, vector<16xi32>
      %broadcast_in_dim3A_618 = arith.constant true
      %broadcast_in_dim3A_619 = vector.broadcast %broadcast_in_dim3A_618 : i1 to vector<16xi1>
      %masked_cumsum3A_620 = tpu.scan <sum>, %select_n3A_617 masked %broadcast_in_dim3A_619 : vector<16xi32>, vector<16xi1> -> vector<16xi32>
      %add3A_621 = arith.addi %add3A_611, %masked_cumsum3A_620 : vector<16xi32>
      %sub3A_622 = arith.constant 1 : i32
      %sub3A_623 = vector.broadcast %sub3A_622 : i32 to vector<16xi32>
      %sub3A_624 = arith.subi %add3A_621, %sub3A_623 : vector<16xi32>
      %lt3A_625 = arith.constant 8192 : i32
      %lt3A_626 = vector.broadcast %lt3A_625 : i32 to vector<16xi32>
      %lt3A_627 = arith.cmpi slt, %sub3A_624, %lt3A_626 : vector<16xi32>
      %and3A_628 = arith.andi %gt3A_616, %lt3A_627 : vector<16xi1>
      tpu.vector_store_idx %arg7[%sub3A_624], %get3A_615 masked %and3A_628 : memref<8208xf32, #tpu.memory_space<vmem>>[vector<16xi32>], vector<16xf32>, vector<16xi1>
      %add3A_629 = vector.broadcast %add3A_613 : i32 to vector<16xi32>
      %add3A_630 = arith.addi %add3A_629, %iota3A : vector<16xi32>
      tpu.vector_store_idx %arg9[%sub3A_624], %add3A_630 masked %and3A_628 : memref<8208xi32, #tpu.memory_space<vmem>>[vector<16xi32>], vector<16xi32>, vector<16xi1>
      %all_reduce_population_count3A_631 = tpu.all_reduce %gt3A_616 {dim = 0 : i64, kind = #tpu.reduction_kind<sum>} : vector<16xi1> -> vector<16xi32>
      %add3A_632 = arith.addi %add3A_611, %all_reduce_population_count3A_631 : vector<16xi32>
      %add3A_633 = arith.constant 112 : i32
      %add3A_634 = arith.addi %mul3A_491, %add3A_633 : i32
      %get3A_635 = arith.index_cast %add3A_634 : i32 to index
      %get3A_636 = tpu.vector_load %arg5[%get3A_635] {strides = array<i32>} : memref<32768xf32, #tpu.memory_space<vmem>>, vector<16xf32>,
      %gt3A_637 = arith.cmpf ogt, %get3A_636, %scan3A_388 : vector<16xf32>
      %select_n3A_638 = arith.select %gt3A_637, %broadcast_in_dim3A_3, %broadcast_in_dim3A_5 : vector<16xi1>, vector<16xi32>
      %broadcast_in_dim3A_639 = arith.constant true
      %broadcast_in_dim3A_640 = vector.broadcast %broadcast_in_dim3A_639 : i1 to vector<16xi1>
      %masked_cumsum3A_641 = tpu.scan <sum>, %select_n3A_638 masked %broadcast_in_dim3A_640 : vector<16xi32>, vector<16xi1> -> vector<16xi32>
      %add3A_642 = arith.addi %add3A_632, %masked_cumsum3A_641 : vector<16xi32>
      %sub3A_643 = arith.constant 1 : i32
      %sub3A_644 = vector.broadcast %sub3A_643 : i32 to vector<16xi32>
      %sub3A_645 = arith.subi %add3A_642, %sub3A_644 : vector<16xi32>
      %lt3A_646 = arith.constant 8192 : i32
      %lt3A_647 = vector.broadcast %lt3A_646 : i32 to vector<16xi32>
      %lt3A_648 = arith.cmpi slt, %sub3A_645, %lt3A_647 : vector<16xi32>
      %and3A_649 = arith.andi %gt3A_637, %lt3A_648 : vector<16xi1>
      tpu.vector_store_idx %arg7[%sub3A_645], %get3A_636 masked %and3A_649 : memref<8208xf32, #tpu.memory_space<vmem>>[vector<16xi32>], vector<16xf32>, vector<16xi1>
      %add3A_650 = vector.broadcast %add3A_634 : i32 to vector<16xi32>
      %add3A_651 = arith.addi %add3A_650, %iota3A : vector<16xi32>
      tpu.vector_store_idx %arg9[%sub3A_645], %add3A_651 masked %and3A_649 : memref<8208xi32, #tpu.memory_space<vmem>>[vector<16xi32>], vector<16xi32>, vector<16xi1>
      %all_reduce_population_count3A_652 = tpu.all_reduce %gt3A_637 {dim = 0 : i64, kind = #tpu.reduction_kind<sum>} : vector<16xi1> -> vector<16xi32>
      %add3A_653 = arith.addi %add3A_632, %all_reduce_population_count3A_652 : vector<16xi32>
      scf.yield %add3A_653 : vector<16xi32>
    }
    %reduce_max3A_415 = arith.constant true
    %reduce_max3A_416 = vector.broadcast %reduce_max3A_415 : i1 to vector<16xi1>
    %reduce_max3A_417 = arith.constant -2147483648 : i32
    %reduce_max3A_418 = vector.broadcast %reduce_max3A_417 : i32 to vector<16xi32>
    %reduce_max3A_419 = arith.xori %while3A_414, %reduce_max3A_418 : vector<16xi32>
    %reduce_max3A_420 = tpu.scan <max>, %reduce_max3A_419 masked %reduce_max3A_416 : vector<16xi32>, vector<16xi1> -> vector<16xi32>
    %reduce_max3A_421 = arith.xori %reduce_max3A_420, %reduce_max3A_418 : vector<16xi32>
    %reduce_max3A_422 = vector.extract %reduce_max3A_421[15] : i32 from vector<16xi32>
    %min3A_423 = arith.constant 8192 : i32
    %min3A_424 = arith.minsi %reduce_max3A_422, %min3A_423 : i32
    %add3A_425 = arith.addi %while3A_414, %iota3A : vector<16xi32>
    %min3A_426 = arith.constant 8207 : i32
    %min3A_427 = vector.broadcast %min3A_426 : i32 to vector<16xi32>
    %min3A_428 = arith.minsi %add3A_425, %min3A_427 : vector<16xi32>
    %broadcast_in_dim3A_429 = arith.constant -3.000000e+38 : f32
    %broadcast_in_dim3A_430 = vector.broadcast %broadcast_in_dim3A_429 : f32 to vector<16xf32>
    tpu.vector_store_idx %arg7[%min3A_428], %broadcast_in_dim3A_430 : memref<8208xf32, #tpu.memory_space<vmem>>[vector<16xi32>], vector<16xf32>,
    tpu.vector_store_idx %arg9[%min3A_428], %broadcast_in_dim3A_5 : memref<8208xi32, #tpu.memory_space<vmem>>[vector<16xi32>], vector<16xi32>,
    %add3A_431 = arith.constant 15 : i32
    %add3A_432 = arith.addi %min3A_424, %add3A_431 : i32
    %shift_right_logical3A_433 = arith.constant 4 : i32
    %shift_right_logical3A_434 = arith.shrui %add3A_432, %shift_right_logical3A_433 : i32
    %scan3A_435 = arith.constant 0 : i32
    %scan3A_436 = arith.constant 12 : i32
    %scan3A_437 = arith.addi %scan3A_435, %scan3A_436 : i32
    %scan3A_438 = arith.constant 1 : i32
    %scan3A_439 = scf.for %scan3A_487 = %scan3A_435 to %scan3A_437 step %scan3A_438 iter_args(%scan3A_488 = %scan3A_388) -> (vector<16xf32>)  : i32 {
      %while3A_489 = arith.constant 0 : i32
      %while3A_490 = arith.subi %shift_right_logical3A_434, %while3A_489 : i32
      %while3A_491 = arith.addi %while3A_489, %while3A_490 : i32
      %while3A_492 = arith.constant 1 : i32
      %while3A_493 = arith.divsi %while3A_490, %while3A_492 : i32
      %while3A_494 = arith.muli %while3A_493, %while3A_492 : i32
      %while3A_495 = arith.addi %while3A_489, %while3A_494 : i32
      %while3A_496 = arith.constant 1 : i32
      %while3A_497:2 = scf.for %while3A_512 = %while3A_489 to %while3A_495 step %while3A_496 iter_args(%while3A_513 = %broadcast_in_dim3A_1, %while3A_514 = %broadcast_in_dim3A_1) -> (vector<16xf32>, vector<16xf32>)  : i32 {
        %mul3A_515 = arith.constant 16 : i32
        %mul3A_516 = arith.muli %while3A_512, %mul3A_515 : i32
        %get3A = arith.index_cast %mul3A_516 : i32 to index
        %get3A_517 = tpu.vector_load %arg7[%get3A] {strides = array<i32>} : memref<8208xf32, #tpu.memory_space<vmem>>, vector<16xf32>,
        %gt3A = arith.cmpf ogt, %get3A_517, %scan3A_488 : vector<16xf32>
        %jit3A = arith.constant 0.000000e+00 : f32
        %broadcast_in_dim3A_518 = vector.broadcast %jit3A : f32 to vector<16xf32>
        %select_n3A = arith.select %gt3A, %get3A_517, %broadcast_in_dim3A_518 : vector<16xi1>, vector<16xf32>
        %add3A_519 = arith.addf %while3A_513, %select_n3A : vector<16xf32>
        %jit3A_520 = arith.constant 1.000000e+00 : f32
        %jit3A_521 = arith.constant 0.000000e+00 : f32
        %broadcast_in_dim3A_522 = vector.broadcast %jit3A_520 : f32 to vector<16xf32>
        %broadcast_in_dim3A_523 = vector.broadcast %jit3A_521 : f32 to vector<16xf32>
        %select_n3A_524 = arith.select %gt3A, %broadcast_in_dim3A_522, %broadcast_in_dim3A_523 : vector<16xi1>, vector<16xf32>
        %add3A_525 = arith.addf %while3A_514, %select_n3A_524 : vector<16xf32>
        scf.yield %add3A_519, %add3A_525 : vector<16xf32>, vector<16xf32>
      }
      %while3A_498 = arith.constant 1 : i32
      %while3A_499:2 = scf.for %while3A_512 = %while3A_495 to %while3A_491 step %while3A_498 iter_args(%while3A_513 = %while3A_497#0, %while3A_514 = %while3A_497#1) -> (vector<16xf32>, vector<16xf32>)  : i32 {
        %mul3A_515 = arith.constant 16 : i32
        %mul3A_516 = arith.muli %while3A_512, %mul3A_515 : i32
        %get3A = arith.index_cast %mul3A_516 : i32 to index
        %get3A_517 = tpu.vector_load %arg7[%get3A] {strides = array<i32>} : memref<8208xf32, #tpu.memory_space<vmem>>, vector<16xf32>,
        %gt3A = arith.cmpf ogt, %get3A_517, %scan3A_488 : vector<16xf32>
        %jit3A = arith.constant 0.000000e+00 : f32
        %broadcast_in_dim3A_518 = vector.broadcast %jit3A : f32 to vector<16xf32>
        %select_n3A = arith.select %gt3A, %get3A_517, %broadcast_in_dim3A_518 : vector<16xi1>, vector<16xf32>
        %add3A_519 = arith.addf %while3A_513, %select_n3A : vector<16xf32>
        %jit3A_520 = arith.constant 1.000000e+00 : f32
        %jit3A_521 = arith.constant 0.000000e+00 : f32
        %broadcast_in_dim3A_522 = vector.broadcast %jit3A_520 : f32 to vector<16xf32>
        %broadcast_in_dim3A_523 = vector.broadcast %jit3A_521 : f32 to vector<16xf32>
        %select_n3A_524 = arith.select %gt3A, %broadcast_in_dim3A_522, %broadcast_in_dim3A_523 : vector<16xi1>, vector<16xf32>
        %add3A_525 = arith.addf %while3A_514, %select_n3A_524 : vector<16xf32>
        scf.yield %add3A_519, %add3A_525 : vector<16xf32>, vector<16xf32>
      }
      %reduce_sum3A = arith.constant true
      %reduce_sum3A_500 = vector.broadcast %reduce_sum3A : i1 to vector<16xi1>
      %reduce_sum3A_501 = tpu.scan <sum>, %while3A_499#0 masked %reduce_sum3A_500 : vector<16xf32>, vector<16xi1> -> vector<16xf32>
      %reduce_sum3A_502 = vector.extract %reduce_sum3A_501[15] : f32 from vector<16xf32>
      %broadcast_in_dim3A_503 = vector.broadcast %reduce_sum3A_502 : f32 to vector<16xf32>
      %reduce_sum3A_504 = arith.constant true
      %reduce_sum3A_505 = vector.broadcast %reduce_sum3A_504 : i1 to vector<16xi1>
      %reduce_sum3A_506 = tpu.scan <sum>, %while3A_499#1 masked %reduce_sum3A_505 : vector<16xf32>, vector<16xi1> -> vector<16xf32>
      %reduce_sum3A_507 = vector.extract %reduce_sum3A_506[15] : f32 from vector<16xf32>
      %broadcast_in_dim3A_508 = vector.broadcast %reduce_sum3A_507 : f32 to vector<16xf32>
      %sub3A_509 = arith.constant 1.000000e+00 : f32
      %sub3A_510 = vector.broadcast %sub3A_509 : f32 to vector<16xf32>
      %sub3A_511 = arith.subf %broadcast_in_dim3A_503, %sub3A_510 : vector<16xf32>
      %div3A = arith.divf %sub3A_511, %broadcast_in_dim3A_508 : vector<16xf32>
      scf.yield %div3A : vector<16xf32>
    }
    %scan3A_440 = arith.constant 12 : i32
    %sub3A_441 = arith.constant 1 : i32
    %sub3A_442 = arith.subi %add3A_364, %sub3A_441 : i32
    %dma_wait3A_443 = arith.constant 0 : i32
    %dma_wait3A_444 = tpu.memref_slice %arg3[%sub3A_442, %dma_wait3A_443] : memref<128x32768xf32, #tpu.memory_space<hbm>> -> memref<1x32768xf32, #tpu.memory_space<hbm>>
    %dma_wait3A_445 = tpu.memref_squeeze %dma_wait3A_444 : memref<1x32768xf32, #tpu.memory_space<hbm>> -> memref<32768xf32, #tpu.memory_space<hbm>>
    %dma_wait3A_446 = arith.constant 0 : i32
    %dma_wait3A_447 = tpu.memref_slice %arg3[%sub3A_442, %dma_wait3A_446] : memref<128x32768xf32, #tpu.memory_space<hbm>> -> memref<1x32768xf32, #tpu.memory_space<hbm>>
    %dma_wait3A_448 = tpu.memref_squeeze %dma_wait3A_447 : memref<1x32768xf32, #tpu.memory_space<hbm>> -> memref<32768xf32, #tpu.memory_space<hbm>>
    tpu.wait_dma2 semaphore(%arg13 : memref<!tpu.dma_semaphore, #tpu.memory_space<semaphore_mem>>) src(%arg6 : memref<32768xf32, #tpu.memory_space<vmem>>) dst(%dma_wait3A_448 : memref<32768xf32, #tpu.memory_space<hbm>>)
    %while3A_449 = arith.constant 0 : i32
    %while3A_450 = arith.constant 0 : i32
    %while3A_451 = arith.subi %shift_right_logical3A_320, %while3A_450 : i32
    %while3A_452 = arith.addi %while3A_450, %while3A_451 : i32
    %while3A_453 = arith.constant 1 : i32
    %while3A_454 = arith.divsi %while3A_451, %while3A_453 : i32
    %while3A_455 = arith.muli %while3A_454, %while3A_453 : i32
    %while3A_456 = arith.addi %while3A_450, %while3A_455 : i32
    %while3A_457 = arith.constant 1 : i32
    scf.for %while3A_487 = %while3A_450 to %while3A_456 step %while3A_457  : i32 {
      %mul3A_488 = arith.constant 16 : i32
      %mul3A_489 = arith.muli %while3A_487, %mul3A_488 : i32
      %get3A = arith.index_cast %mul3A_489 : i32 to index
      %get3A_490 = tpu.vector_load %arg8[%get3A] {strides = array<i32>} : memref<8208xi32, #tpu.memory_space<vmem>>, vector<16xi32>,
      tpu.vector_store_idx %arg6[%get3A_490], %broadcast_in_dim3A_1 : memref<32768xf32, #tpu.memory_space<vmem>>[vector<16xi32>], vector<16xf32>,
    }
    %while3A_458 = arith.constant 1 : i32
    scf.for %while3A_487 = %while3A_456 to %while3A_452 step %while3A_458  : i32 {
      %mul3A_488 = arith.constant 16 : i32
      %mul3A_489 = arith.muli %while3A_487, %mul3A_488 : i32
      %get3A = arith.index_cast %mul3A_489 : i32 to index
      %get3A_490 = tpu.vector_load %arg8[%get3A] {strides = array<i32>} : memref<8208xi32, #tpu.memory_space<vmem>>, vector<16xi32>,
      tpu.vector_store_idx %arg6[%get3A_490], %broadcast_in_dim3A_1 : memref<32768xf32, #tpu.memory_space<vmem>>[vector<16xi32>], vector<16xf32>,
    }
    %while3A_459 = arith.constant 0 : i32
    %while3A_460 = arith.constant 0 : i32
    %while3A_461 = arith.subi %shift_right_logical3A_434, %while3A_460 : i32
    %while3A_462 = arith.addi %while3A_460, %while3A_461 : i32
    %while3A_463 = arith.constant 1 : i32
    %while3A_464 = arith.divsi %while3A_461, %while3A_463 : i32
    %while3A_465 = arith.muli %while3A_464, %while3A_463 : i32
    %while3A_466 = arith.addi %while3A_460, %while3A_465 : i32
    %while3A_467 = arith.constant 1 : i32
    scf.for %while3A_487 = %while3A_460 to %while3A_466 step %while3A_467  : i32 {
      %mul3A_488 = arith.constant 16 : i32
      %mul3A_489 = arith.muli %while3A_487, %mul3A_488 : i32
      %get3A = arith.index_cast %mul3A_489 : i32 to index
      %get3A_490 = tpu.vector_load %arg7[%get3A] {strides = array<i32>} : memref<8208xf32, #tpu.memory_space<vmem>>, vector<16xf32>,
      %mul3A_491 = arith.constant 16 : i32
      %mul3A_492 = arith.muli %while3A_487, %mul3A_491 : i32
      %get3A_493 = arith.index_cast %mul3A_492 : i32 to index
      %get3A_494 = tpu.vector_load %arg9[%get3A_493] {strides = array<i32>} : memref<8208xi32, #tpu.memory_space<vmem>>, vector<16xi32>,
      %sub3A_495 = arith.subf %get3A_490, %scan3A_439 : vector<16xf32>
      %max3A = arith.constant 0.000000e+00 : f32
      %max3A_496 = vector.broadcast %max3A : f32 to vector<16xf32>
      %max3A_497 = arith.maximumf %sub3A_495, %max3A_496 : vector<16xf32>
      %gt3A = arith.cmpf ogt, %get3A_490, %scan3A_439 : vector<16xf32>
      tpu.vector_store_idx %arg6[%get3A_494], %max3A_497 masked %gt3A : memref<32768xf32, #tpu.memory_space<vmem>>[vector<16xi32>], vector<16xf32>, vector<16xi1>
    }
    %while3A_468 = arith.constant 1 : i32
    scf.for %while3A_487 = %while3A_466 to %while3A_462 step %while3A_468  : i32 {
      %mul3A_488 = arith.constant 16 : i32
      %mul3A_489 = arith.muli %while3A_487, %mul3A_488 : i32
      %get3A = arith.index_cast %mul3A_489 : i32 to index
      %get3A_490 = tpu.vector_load %arg7[%get3A] {strides = array<i32>} : memref<8208xf32, #tpu.memory_space<vmem>>, vector<16xf32>,
      %mul3A_491 = arith.constant 16 : i32
      %mul3A_492 = arith.muli %while3A_487, %mul3A_491 : i32
      %get3A_493 = arith.index_cast %mul3A_492 : i32 to index
      %get3A_494 = tpu.vector_load %arg9[%get3A_493] {strides = array<i32>} : memref<8208xi32, #tpu.memory_space<vmem>>, vector<16xi32>,
      %sub3A_495 = arith.subf %get3A_490, %scan3A_439 : vector<16xf32>
      %max3A = arith.constant 0.000000e+00 : f32
      %max3A_496 = vector.broadcast %max3A : f32 to vector<16xf32>
      %max3A_497 = arith.maximumf %sub3A_495, %max3A_496 : vector<16xf32>
      %gt3A = arith.cmpf ogt, %get3A_490, %scan3A_439 : vector<16xf32>
      tpu.vector_store_idx %arg6[%get3A_494], %max3A_497 masked %gt3A : memref<32768xf32, #tpu.memory_space<vmem>>[vector<16xi32>], vector<16xf32>, vector<16xi1>
    }
    %dma_start3A_469 = arith.constant 0 : i32
    %dma_start3A_470 = tpu.memref_slice %arg3[%add3A_364, %dma_start3A_469] : memref<128x32768xf32, #tpu.memory_space<hbm>> -> memref<1x32768xf32, #tpu.memory_space<hbm>>
    %dma_start3A_471 = tpu.memref_squeeze %dma_start3A_470 : memref<1x32768xf32, #tpu.memory_space<hbm>> -> memref<32768xf32, #tpu.memory_space<hbm>>
    %dma_start3A_472 = arith.constant 0 : i32
    %dma_start3A_473 = tpu.memref_slice %arg3[%add3A_364, %dma_start3A_472] : memref<128x32768xf32, #tpu.memory_space<hbm>> -> memref<1x32768xf32, #tpu.memory_space<hbm>>
    %dma_start3A_474 = tpu.memref_squeeze %dma_start3A_473 : memref<1x32768xf32, #tpu.memory_space<hbm>> -> memref<32768xf32, #tpu.memory_space<hbm>>
    tpu.enqueue_dma source(%arg6 : memref<32768xf32, #tpu.memory_space<vmem>>) target(%dma_start3A_474 : memref<32768xf32, #tpu.memory_space<hbm>>) target_semaphore(%arg13 : memref<!tpu.dma_semaphore, #tpu.memory_space<semaphore_mem>>)
    %mul3A_475 = arith.constant 4 : i32
    %mul3A_476 = arith.muli %add3A, %mul3A_475 : i32
    %add3A_477 = arith.constant 4 : i32
    %add3A_478 = arith.addi %mul3A_476, %add3A_477 : i32
    %sub3A_479 = arith.constant 1 : i32
    %sub3A_480 = arith.subi %add3A_478, %sub3A_479 : i32
    %dma_wait3A_481 = arith.constant 0 : i32
    %dma_wait3A_482 = tpu.memref_slice %arg3[%sub3A_480, %dma_wait3A_481] : memref<128x32768xf32, #tpu.memory_space<hbm>> -> memref<1x32768xf32, #tpu.memory_space<hbm>>
    %dma_wait3A_483 = tpu.memref_squeeze %dma_wait3A_482 : memref<1x32768xf32, #tpu.memory_space<hbm>> -> memref<32768xf32, #tpu.memory_space<hbm>>
    %dma_wait3A_484 = arith.constant 0 : i32
    %dma_wait3A_485 = tpu.memref_slice %arg3[%sub3A_480, %dma_wait3A_484] : memref<128x32768xf32, #tpu.memory_space<hbm>> -> memref<1x32768xf32, #tpu.memory_space<hbm>>
    %dma_wait3A_486 = tpu.memref_squeeze %dma_wait3A_485 : memref<1x32768xf32, #tpu.memory_space<hbm>> -> memref<32768xf32, #tpu.memory_space<hbm>>
    tpu.wait_dma2 semaphore(%arg13 : memref<!tpu.dma_semaphore, #tpu.memory_space<semaphore_mem>>) src(%arg6 : memref<32768xf32, #tpu.memory_space<vmem>>) dst(%dma_wait3A_486 : memref<32768xf32, #tpu.memory_space<hbm>>)
    return
  }
}

</mosaic_0001>

<sc_bundles>
// kernel: kernel.3.cloned.1.call-start
scs
__scs_entry_jumppad:
0x0: {  	(pc) =	sbr.rel $0x88, $3  }
0x1: {  	(tag) =	ssettag $0x0;
	lr =	simm.s32 $0x1  }
0x2: {  	[smem:$0x3FA0] =	sst lr;
	_ =	strace $0xD0000000  }
0x3: {  	_ = 	snop  }
0x4: {  	_ = 	snop  }
0x5: {  	_ = 	snop  }
0x6: {  	_ = 	snop  }
0x7: {  	_ = 	snop  }
__scs_overlays_trampoline_lowered:
0x8: {  	[smem:$0x3FAF] =	sst s0  }
0x9: {  	[smem:$0x3FB0] =	sst s1  }
0xa: {  	[smem:$0x3FB1] =	sst s2  }
0xb: {  	[smem:$0x3FB2] =	sst s3  }
0xc: {  	[smem:$0x3FB3] =	sst s4  }
0xd: {  	[smem:$0x3FB4] =	sst s5  }
0xe: {  	[smem:$0x3FB5] =	sst s6  }
0xf: {  	[smem:$0x3FB6] =	sst s7  }
0x10: {  	[smem:$0x3FB7] =	sst s8  }
0x11: {  	[smem:$0x3FB8] =	sst s9;
	s0 =	simm.s32 @!p0 $0x0  }
0x12: {  	s1 =	sld [smem:$0x3F9E];
	s0 =	simm.s32 @p0 $0x1  }
0x13: {  	[smem:$0x3FB9] =	sst s0;
	s0 =	simm.s32 @!p1 $0x0  }
0x14: {  	s2 =	sld [smem:$0x3F9D];
	s0 =	simm.s32 @p1 $0x1  }
0x15: {  	[smem:$0x3FBA] =	sst s0;
	s0 =	simm.s32 @!p2 $0x0  }
0x16: {  	s3 =	sld [smem:$0x3FDB];
	s0 =	simm.s32 @p2 $0x1  }
0x17: {  	s4 =	simm.s32 $0x1BF5;
	[smem:$0x3FBC] =	sst s0  }
0x18: {  	s0 =	sld [smem:$0x3F9F];
	_ =	swait.ge [sflag:s4], $0x0  }
0x19: {  	s7 =	sld [smem:$0x3FA0]  }
0x1a: {  	s8 =	sadd.s32 $0xFFFFE003, lr  }
0x1b: {  	s9 =	sadd.s32 $0xFFFFFEF7, lr;
	s5 =	simm.s32 $0xFFFFFFFF;
	p2 =	slt.u32 s8, $0xFFFFF086  }
0x1c: {  	p1 =	slt.u32 s9, $0xF7A;
	s5 =	simm.s32 @!p2 $0x0  }
0x1d: {  	s5 =	simm.s32 @p1 $0x1;
	p0 =	seq.s32 s7, s2  }
0x1e: {  	s7 =	smul.u32 @!p0 $0xF7A, s2;
	p2 =	seq.s32 @!p0 s5, $0x0  }
0x1f: {  	s9 =	smul.u32 $0xF7A, s1;
	s8 =	simm.s32 @!p0 $0x1BF5;
	p2 =	por !p2, p0  }
0x20: {  	[sflag:s8] =	ssyncset.s32 @!p0 $0xFFFFF086;
	s6 =	sadd.s32 @!p0 s3, s7;
	s7 =	simm.s32 @!p0 $0x108  }
0x21: {  	s3 =	sadd.s32 s3, s9;
	s6 =	sadd.s32 @!p0 $0x88, s6;
	s7 =	simm.s32 @p2 $0x1082  }
0x22: {  	[simem:s7], [sflag:s8] =	dma.local @!p0 [hbm:s6], $0xF7A  }
0x23: {  	s9 =	sor.u32 $0xD0000000, s2;
	s6 =	simm.s32 $0x108;
	_ =	swait.ge @!p0 [sflag:s8], $0x0  }
0x24: {  	s3 =	sadd.s32 $0x88, s3;
	s6 =	simm.s32 @!p1 $0x1082;
	[sflag:s4] =	ssyncset.s32 $0xFFFFF086  }
0x25: {  	[simem:s6], [sflag:s4] =	dma.local [hbm:s3], $0xF7A  }
0x26: {  	[smem:$0x3FA0] =	sst s1;
	(tag) =	ssettag s2;
	_ =	strace s9  }
0x27: {  	s1 =	sld [smem:$0x3FB0]  }
0x28: {  	s2 =	sld [smem:$0x3FB1]  }
0x29: {  	s4 =	sld [smem:$0x3FB3]  }
0x2a: {  	p0 =	seq.s32 s5, $0x0;
	s5 =	sld [smem:$0x3FB4]  }
0x2b: {  	s6 =	sld [smem:$0x3FB5]  }
0x2c: {  	s7 =	sld [smem:$0x3FB6]  }
0x2d: {  	s3 =	simm.s32 $0x108;
	s8 =	sld [smem:$0x3FB7]  }
0x2e: {  	s3 =	simm.s32 @!p0 $0x1082;
	s9 =	sld [smem:$0x3FB8]  }
0x2f: {  	lr =	sadd.s32 s0, s3;
	s0 =	sld [smem:$0x3FAF]  }
0x30: {  	s3 =	sld [smem:$0x3FB2]  }
0x31: {  	[smem:$0x3FBB] =	sst s10  }
0x32: {  	s10 =	sld [smem:$0x3FB9];
	_ =	sdelay $0x3  }
0x33: {  	p0 =	seq.s32 s10, $0x1;
	s10 =	sld [smem:$0x3FBB];
	_ =	sdelay $0x3  }
0x34: {  	[smem:$0x3FBB] =	sst s10  }
0x35: {  	s10 =	sld [smem:$0x3FBA];
	_ =	sdelay $0x3  }
0x36: {  	p1 =	seq.s32 s10, $0x1;
	s10 =	sld [smem:$0x3FBB];
	_ =	sdelay $0x3  }
0x37: {  	[smem:$0x3FBB] =	sst s10  }
0x38: {  	s10 =	sld [smem:$0x3FBC]  }
0x39: {  	_ = 	snop;
	(pc) =	sbr.ind lr, $3  }
0x3a: {  	_ = 	snop  }
0x3b: {  	_ = 	snop  }
0x3c: {  	p2 =	seq.s32 s10, $0x1;
	s10 =	sld [smem:$0x3FBB]  }
0x3d: {  	_ =	shalt  }
0x3e: {  	_ =	shalt  }
0x3f: {  	_ =	shalt  }
0x40: {  	_ =	shalt  }
0x41: {  	_ =	shalt  }
0x42: {  	_ =	shalt  }
0x43: {  	_ =	shalt  }
0x44: {  	_ =	shalt  }
0x45: {  	_ =	shalt  }
0x46: {  	_ =	shalt  }
0x47: {  	_ =	shalt  }
0x48: {  	_ =	shalt  }
0x49: {  	_ =	shalt  }
0x4a: {  	_ =	shalt  }
0x4b: {  	_ =	shalt  }
0x4c: {  	_ =	shalt  }
0x4d: {  	_ =	shalt  }
0x4e: {  	_ =	shalt  }
0x4f: {  	_ =	shalt  }
0x50: {  	_ =	shalt  }
0x51: {  	_ =	shalt  }
0x52: {  	_ =	shalt  }
0x53: {  	_ =	shalt  }
0x54: {  	_ =	shalt  }
0x55: {  	_ =	shalt  }
0x56: {  	_ =	shalt  }
0x57: {  	_ =	shalt  }
0x58: {  	_ =	shalt  }
0x59: {  	_ =	shalt  }
0x5a: {  	_ =	shalt  }
0x5b: {  	_ =	shalt  }
0x5c: {  	_ =	shalt  }
0x5d: {  	_ =	shalt  }
0x5e: {  	_ =	shalt  }
0x5f: {  	_ =	shalt  }
0x60: {  	_ =	shalt  }
0x61: {  	_ =	shalt  }
0x62: {  	_ =	shalt  }
0x63: {  	_ =	shalt  }
0x64: {  	_ =	shalt  }
0x65: {  	_ =	shalt  }
0x66: {  	_ =	shalt  }
0x67: {  	_ =	shalt  }
0x68: {  	_ =	shalt  }
0x69: {  	_ =	shalt  }
0x6a: {  	_ =	shalt  }
0x6b: {  	_ =	shalt  }
0x6c: {  	_ =	shalt  }
0x6d: {  	_ =	shalt  }
0x6e: {  	_ =	shalt  }
0x6f: {  	_ =	shalt  }
0x70: {  	_ =	shalt  }
0x71: {  	_ =	shalt  }
0x72: {  	_ =	shalt  }
0x73: {  	_ =	shalt  }
0x74: {  	_ =	shalt  }
0x75: {  	_ =	shalt  }
0x76: {  	_ =	shalt  }
0x77: {  	_ =	shalt  }
0x78: {  	_ =	shalt  }
0x79: {  	_ =	shalt  }
0x7a: {  	_ =	shalt  }
0x7b: {  	_ =	shalt  }
0x7c: {  	_ =	shalt  }
0x7d: {  	_ =	shalt  }
0x7e: {  	_ =	shalt  }
0x7f: {  	_ =	shalt  }
0x80: {  	_ =	shalt  }
0x81: {  	_ =	shalt  }
0x82: {  	_ =	shalt  }
0x83: {  	_ =	shalt  }
0x84: {  	_ =	shalt  }
0x85: {  	_ =	shalt  }
0x86: {  	_ =	shalt  }
0x87: {  	_ =	shalt  }
.Lfunc_end0:
.L_simem_size_0:
called_computation_lowered:
.L_overlay_start_0:
0x88: {  	s2 =	sld [smem:$0x3FD9]  }
0x89: {  	s3 =	sld [smem:$0x3FFE];
	_ =	sdelay $0x1  }
0x8a: {  	s1 =	srdreg.scid  }
0x8b: {  	s0 =	sand.u32 $0x1, s1  }
0x8c: {  	s18 =	sshll.u32 s0, $0xA;
	s2 =	sadd.s32 s3, s2  }
0x8d: {  	s2 =	sadd.s32 s2, s18  }
0x8e: {  	[smem:$0x3FC7] =	sst s2  }
0x8f: {  	_ = 	snop  }
0x90: {  	s2 =	sld [smem:$0x3FC9]  }
0x91: {  	s19 =	sld [smem:$0x3FD0];
	(tm) =	ssettm $0x1  }
0x92: {  	s4 =	sld [smem:$0x3FFB];
	_ =	sdelay $0x3  }
0x93: {  	_ =	strace s4  }
0x94: {  	s4 =	sld [smem:$0x3FFC];
	_ =	sdelay $0x3  }
0x95: {  	_ =	strace s4  }
0x96: {  	s4 =	sld [smem:$0x3FFD];
	_ =	sdelay $0x3  }
0x97: {  	_ =	strace s4  }
0x98: {  	_ =	strace $0x8FFFFFFF  }
0x99: {  	s20 =	sld [smem:$0x3FDB];
	_ =	sdelay $0x1  }
0x9a: {  	s5 =	simm.s32 $_scs_section_size  }
0x9b: {  	s6 =	simm.s32 $_size__tile_overlayer_lowered;
	s7 =	simm.s32 $_tile_overlayer_lowered  }
0x9c: {  	s23 =	simm.s32 $0x1BFF;
	s22 =	sshll.u32 s7, $0x1;
	s4 =	sadd.s32 s5, s20  }
0x9d: {  	s8 =	simm.s32 $0x0;
	s21 =	sshll.u32 s6, $0x1;
	s6 =	sadd.s32 s22, s4  }
0x9e: {  	[timem:s8], [sflag:s23] =	dma.local [hbm:s6], s21  }
0x9f: {  	_ =	swait.ge [sflag:s23], s21  }
0xa0: {  	s5 =	ssub.s32 $0x0, s21;
	[sflag:s23] =	ssyncset.done $0x0  }
0xa1: {  	[sflag:s23] =	ssyncadd.s32 s5;
	_ =	sdelay $0x1  }
0xa2: {  	s24 =	simm.s32 $0x1B8B  }
0xa3: {  	_ =	swait.ge [sflag:s24], $0x1  }
0xa4: {  	[sflag:s24] =	ssyncset.done $0x0  }
0xa5: {  	s25 =	simm.s32 $0x1B8E;
	[sflag:s24] =	ssyncadd.s32 $0xFFFFFFFF  }
0xa6: {  	s26 =	simm.s32 $execute0_lowered;
	[smem:$0x3FD2] =	sst s25  }
0xa7: {  	s5 =	sshll.u32 s26, $0x1;
	_ =	strace $0x80000046;
	[dreg:$0x1] =	wrdreg $0xFFFFFFFF  }
0xa8: {  	s28 =	simm.s32 $_size_execute0_lowered;
	s4 =	sadd.s32 s4, s5;
	[dreg:$0x0] =	wrdreg $0x0  }
0xa9: {  	s5 =	sshll.u32 s28, $0x1;
	[dreg:$0x2] =	wrdreg s4  }
0xaa: {  	[dreg:$0x3] =	wrdreg s5  }
0xab: {  	[dreg:$0x4] =	wrdreg $0xC0  }
0xac: {  	_ =	task [dreg:s8], $0x5FFFF  }
0xad: {  	[dreg:$0x1] =	wrdreg $0xFFFFFFFF  }
0xae: {  	[dreg:$0x0] =	wrdreg $0x60  }
0xaf: {  	[dreg:$0x2] =	wrdreg s2  }
0xb0: {  	[dreg:$0x3] =	wrdreg s19  }
0xb1: {  	[dreg:$0x4] =	wrdreg $0x9  }
0xb2: {  	_ =	task.clear_ibuf [dreg:s8], $0x5FFFF;
	_ =	strace $0x90000046  }
0xb3: {  	s29 =	simm.s32 $0x9;
	_ =	strace $0x80000048  }
0xb4: {  	_ =	swait.ge [sflag:s29], $0x1  }
0xb5: {  	[sflag:s29] =	ssyncadd.s32 $0xFFFFFFFF  }
0xb6: {  	_ =	strace $0x90000048  }
0xb7: {  	_ =	sfence  }
0xb8: {  	s30 =	sld [smem:$0x0];
	_ =	sdelay $0x2  }
0xb9: {  	s31 =	sshll.u32 s1, $0xD;
	s1 =	sshrl.u32 s1, $0x2  }
0xba: {  	s3 =	sand.u32 $0x4000, s31;
	s1 =	sadd.s32 s1, s30  }
0xbb: {  	s0 =	sor.u32 s3, s0;
	s1 =	sshll.u32 s1, $0x11  }
0xbc: {  	s0 =	sor.u32 s1, s0  }
0xbd: {  	s0 =	sadd.s32 $0x8F2B, s0  }
0xbe: {  	[sflag:s0] =	ssyncadd.remote.s32 $0x1  }
0xbf: {  	_ =	sfence.sel $0xFFFF  }
0xc0: {  	[dreg:$0x0] =	wrdreg $0xFFFFFFFF;
	(pc) =	sbr.abs _section_cstart, $3  }
0xc1: {  	[dreg:$0x1] =	wrdreg $0xFFFFFFFF  }
0xc2: {  	_ =	task.clear_ibuf [dreg:s8], $0x2FFFF;
	_ =	strace $0x9FFFFFFF  }
0xc3: {  	(tm) =	ssettm $0x7FFFFFFF  }
tec
execute0_lowered:
.L_overlay_start_1:
0x0: {  	(tag) =	ssettag $0x1  }
0x1: {  	s8 =	rddreg [dreg:$0x0]  }
0x2: {  	s10 =	rddreg [dreg:$0x1]  }
0x3: {  	s0 =	rddreg [dreg:$0x2]  }
0x4: {  	s2 =	simm.s32 $0x0;
	s3 =	srdreg.scid;
	s1 =	stileid.u32  }
0x5: {  	s14 =	simm.s32 $0x1;
	s15 =	simm.s32 $0x8000;
	s16 =	simm.s32 $0x1E180  }
0x6: {  	s17 =	simm.s32 $0x1E280;
	s18 =	simm.s32 $0x18000;
	s19 =	simm.s32 $0x1A080  }
0x7: {  	s20 =	simm.s32 $0x10000;
	s21 =	simm.s32 $0x1C100;
	s3 =	sand.u32 $0x1, s3  }
0x8: {  	s22 =	simm.s32 $0x2;
	[smem:$0x7FF] =	sst s2;
	s4 =	ssub.s32 $0x2, s3  }
0x9: {  	s5 =	sshll.u32 s1, $0xF;
	s3 =	sshll.u32 s3, $0x6;
	s6 =	sshrl.u32 s4, $0x1  }
0xa: {  	_ =	strace $0x80000047;
	s9 =	sor.u32 s3, s5;
	s11 =	ssub.s32 s4, s6  }
.Ltmp0:
0xb: {  	s3 =	sadd.s32 s8, s9;
	s7 =	sor.u32 $0x10, s9;
	(pc) =	sbr.rel .LBB2_1-.Ltmp0, $4  }
0xc: {  	s5 =	sadd.s32 s10, s9;
	s12 =	sor.u32 $0x20, s9;
	s13 =	sor.u32 $0x30, s9  }
0xd: {  	s4 =	sadd.s32 s8, s7;
	s6 =	sadd.s32 s8, s12;
	s7 =	sadd.s32 s10, s7  }
0xe: {  	v0 =	vimm.f32 $0.0e+00;
	vm0 =	vcmask $0x3F3C;
	s8 =	sadd.s32 s8, s13;
	s9 =	sadd.s32 s10, s12;
	s10 =	sadd.s32 s10, s13  }
0xf: {  	v1 =	vimm.s32 $0x0;
	v2 =	vlaneseq.u32;
	v3 =	vimm.f32 $-3.000000010e+38;
	s11 =	smax.u32 s11, $0x1;
	s12 =	simm.s32 $0x80;
	s13 =	simm.s32 $0x400  }
.LBB2_95:
0x10: {  	s23 =	simm.s32 $0x1C100  }
.LBB2_102:
0x11: {  	s23 =	sadd.s32 @p0 $0x10, s23  }
0x12: {  	s24 =	smov.u32 @p0 s23  }
0x13: {  	v6 =	vld [tilespmem:s24+$0x0];
	_ =	sdelay $0x1  }
0x14: {  	vm1 =	vgt.f32 v5, v4;
	_ =	sdelay $0x2  }
0x15: {  	v4 =	vsub.f32 v5, v4;
	_ =	sdelay $0x1  }
0x16: {  	v4 =	vmax.f32 v4, $0.0e+00  }
0x17: {  	[tilespmem:v6+s20+$0x0] =	vst.idx.msk vm1, v4  }
.LBB2_103:
0x18: {  	s2 =	sadd.s32 $0x1, s2  }
0x19: {  	p0 =	sne.s32 s2, s11  }
.Ltmp1:
0x1a: {  	_ = 	snop;
	(pc) =	sbr.rel @!p0 .LBB2_104-.Ltmp1, $4  }
0x1b: {  	[hbm4b:s10+s12] =	stream.strided.scatter [tilespmem:s20], [sflag:$0x2], $0x8000, s13, s12, $0x38;
	[tilespmem:$0x1E400] =	vst v63  }
0x1c: {  	_ =	swait.ge [sflag:s22], $0x8000  }
0x1d: {  	[sflag:s22] =	ssyncset.done $0x0  }
0x1e: {  	[sflag:s22] =	ssyncadd.s32 $0xFFFF8000  }
.LBB2_1:
0x1f: {  	s23 =	simm.s32 $0x0;
	s24 =	simm.s32 $0x400  }
.LBB2_2:
0x20: {  	p0 =	sne.s32 s24, $0x1FC00;
	[tilespmem:s23+$0x100F0] =	vst v0  }
0x21: {  	[tilespmem:s23+$0x10000] =	vst v0  }
0x22: {  	[tilespmem:s23+$0x10010] =	vst v0  }
0x23: {  	[tilespmem:s23+$0x10020] =	vst v0  }
0x24: {  	[tilespmem:s23+$0x10030] =	vst v0  }
0x25: {  	[tilespmem:s23+$0x10040] =	vst v0  }
0x26: {  	[tilespmem:s23+$0x10050] =	vst v0  }
0x27: {  	[tilespmem:s23+$0x10060] =	vst v0  }
0x28: {  	[tilespmem:s23+$0x10070] =	vst v0  }
0x29: {  	[tilespmem:s23+$0x10080] =	vst v0  }
0x2a: {  	[tilespmem:s23+$0x10090] =	vst v0  }
.Ltmp2:
0x2b: {  	[tilespmem:s23+$0x100A0] =	vst v0;
	(pc) =	sbr.rel @p0 .LBB2_2-.Ltmp2, $4  }
0x2c: {  	[tilespmem:s23+$0x100B0] =	vst v0  }
0x2d: {  	[tilespmem:s23+$0x100C0] =	vst v0  }
0x2e: {  	[tilespmem:s23+$0x100D0] =	vst v0  }
0x2f: {  	[tilespmem:s23+$0x100E0] =	vst v0;
	s23 =	sshra.s32 s24, $0x2;
	s24 =	sadd.s32 $0x400, s24  }
0x30: {  	[tilespmem:s23+$0x100F0] =	vst v0  }
0x31: {  	[tilespmem:s23+$0x10000] =	vst v0  }
0x32: {  	[tilespmem:s23+$0x10010] =	vst v0  }
0x33: {  	[tilespmem:s23+$0x10020] =	vst v0  }
0x34: {  	[tilespmem:s23+$0x10030] =	vst v0  }
0x35: {  	[tilespmem:s23+$0x10040] =	vst v0  }
0x36: {  	[tilespmem:s23+$0x10050] =	vst v0  }
0x37: {  	[tilespmem:s23+$0x10060] =	vst v0  }
0x38: {  	[tilespmem:s23+$0x10070] =	vst v0  }
0x39: {  	[tilespmem:s23+$0x10080] =	vst v0  }
0x3a: {  	[tilespmem:s23+$0x10090] =	vst v0  }
0x3b: {  	[tilespmem:s23+$0x100A0] =	vst v0  }
0x3c: {  	[tilespmem:s23+$0x100B0] =	vst v0  }
0x3d: {  	[tilespmem:s23+$0x100C0] =	vst v0  }
0x3e: {  	[tilespmem:s23+$0x100D0] =	vst v0  }
0x3f: {  	[tilespmem:s23+$0x100E0] =	vst v0;
	s23 =	simm.s32 $0x0  }
0x40: {  	[tilespmem:s23], [sflag:$0x1] =	stream.strided.gather [hbm4b:s3+s12], $0x8000, s13, s12, $0x38;
	[tilespmem:$0x1E400] =	vst v63  }
0x41: {  	_ =	swait.ge [sflag:s14], $0x8000  }
0x42: {  	[sflag:s14] =	ssyncset.done $0x0  }
0x43: {  	s24 =	simm.s32 $0x100;
	[sflag:s14] =	ssyncadd.s32 $0xFFFF8000  }
0x44: {  	[tilespmem:s15], [sflag:$0x1] =	stream.strided.gather [hbm4b:s4+s12], $0x8000, s13, s12, $0x38;
	[tilespmem:$0x1E400] =	vst v63  }
0x45: {  	v4 =	vld [tilespmem:s24+$0xFFFFFF00]  }
0x46: {  	v5 =	vld [tilespmem:s24+$0xFFFFFF10]  }
0x47: {  	v6 =	vld [tilespmem:s24+$0xFFFFFF20]  }
0x48: {  	v8 =	vld [tilespmem:s24+$0xFFFFFF30]  }
0x49: {  	v7 =	vld [tilespmem:s24+$0xFFFFFF40]  }
0x4a: {  	v10 =	vld [tilespmem:s24+$0xFFFFFF50]  }
0x4b: {  	v11 =	vld [tilespmem:s24+$0xFFFFFF60]  }
0x4c: {  	v12 =	vld [tilespmem:s24+$0xFFFFFF70]  }
0x4d: {  	v13 =	vld [tilespmem:s24+$0xFFFFFF80]  }
0x4e: {  	v14 =	vld [tilespmem:s24+$0xFFFFFF90]  }
0x4f: {  	v15 =	vld [tilespmem:s24+$0xFFFFFFA0]  }
0x50: {  	v16 =	vld [tilespmem:s24+$0xFFFFFFB0]  }
0x51: {  	v17 =	vld [tilespmem:s24+$0xFFFFFFC0]  }
0x52: {  	v18 =	vld [tilespmem:s24+$0xFFFFFFD0]  }
0x53: {  	v19 =	vld [tilespmem:s24+$0xFFFFFFE0]  }
0x54: {  	v20 =	vld [tilespmem:s24+$0xFFFFFFF0]  }
0x55: {  	v21 =	vld [tilespmem:s24+$0x0]  }
0x56: {  	v22 =	vld [tilespmem:s24+$0x10]  }
0x57: {  	v23 =	vld [tilespmem:s24+$0x20]  }
0x58: {  	v24 =	vld [tilespmem:s24+$0x30]  }
0x59: {  	v25 =	vld [tilespmem:s24+$0x40]  }
0x5a: {  	v27 =	vld [tilespmem:s24+$0x50]  }
0x5b: {  	v26 =	vld [tilespmem:s24+$0x60]  }
0x5c: {  	v28 =	vld [tilespmem:s24+$0x70]  }
0x5d: {  	v29 =	vld [tilespmem:s24+$0x80]  }
0x5e: {  	v30 =	vld [tilespmem:s24+$0x90]  }
0x5f: {  	v31 =	vld [tilespmem:s24+$0xA0]  }
0x60: {  	v9 =	vimm.f32 $-3.000000010e+38;
	s25 =	simm.s32 $0x4;
	v32 =	vld [tilespmem:s24+$0xB0]  }
.LBB2_4:
0x61: {  	p0 =	slt.u32 s25, $0xFC;
	v33 =	vmov s23;
	s26 =	sadd.s32 $0x1, s23;
	v34 =	vld [tilespmem:s24+$0xC0]  }
0x62: {  	v33 =	vand.u32 $0xFFFFFFFC, v33;
	v35 =	vmov s26;
	s26 =	sadd.s32 $0x2, s23;
	v36 =	vld [tilespmem:s24+$0xD0]  }
0x63: {  	v33 =	vbroadcast v33, $0x0;
	v35 =	vand.u32 $0xFFFFFFFD, v35;
	v37 =	vmov s26;
	v38 =	vld [tilespmem:s24+$0xE0]  }
0x64: {  	v39 =	vmax.f32 v4, v5;
	v40 =	vmax.f32 v6, v8;
	v37 =	vand.u32 $0xFFFFFFFE, v37;
	v41 =	vld [tilespmem:s24+$0xF0];
	s24 =	sadd.s32 $0x200, s24  }
0x65: {  	v42 =	vmax.f32 v7, v10;
	v11 =	vmax.f32 v11, v12;
	v12 =	vmax.f32 v13, v14;
	v4 =	vld [tilespmem:s24+$0xFFFFFF00]  }
0x66: {  	v13 =	vmax.f32 v15, v16;
	v14 =	vmax.f32 v17, v18;
	v15 =	vmax.f32 v19, v20;
	v5 =	vld [tilespmem:s24+$0xFFFFFF10]  }
0x67: {  	v16 =	vmax.f32 v21, v22;
	v17 =	vmax.f32 v23, v24;
	v18 =	vmax.f32 v25, v27;
	v6 =	vld [tilespmem:s24+$0xFFFFFF20]  }
0x68: {  	v19 =	vmax.f32 v26, v28;
	v20 =	vmax.f32 v29, v30;
	v21 =	vmax.f32 v31, v32;
	v8 =	vld [tilespmem:s24+$0xFFFFFF30]  }
0x69: {  	v22 =	vmax.f32 v39, v40;
	v23 =	vmax.f32 v34, v36;
	v7 =	vld [tilespmem:s24+$0xFFFFFF40];
	v24 =	vmax.f32 v38, v41  }
0x6a: {  	v25 =	vmax.f32 v42, v11;
	v13 =	vmax.f32 v12, v13;
	v14 =	vmax.f32 v14, v15;
	v10 =	vld [tilespmem:s24+$0xFFFFFF50]  }
0x6b: {  	v16 =	vmax.f32 v16, v17;
	v17 =	vmax.f32 v18, v19;
	v15 =	vmax.f32 v22, v25;
	v11 =	vld [tilespmem:s24+$0xFFFFFF60]  }
0x6c: {  	v14 =	vmax.f32 v13, v14;
	v9 =	vmax.f32 v9, v15;
	v18 =	vmax.f32 v20, v21;
	v12 =	vld [tilespmem:s24+$0xFFFFFF70];
	(xrf0) =	vmax.scan.msk.f32 $0xffff, v15  }
0x6d: {  	v9 =	vmax.f32 v9, v14;
	v15 =	vmax.f32 v16, v17;
	v16 =	vmax.f32 v23, v24;
	v13 =	vld [tilespmem:s24+$0xFFFFFF80];
	(xrf0) =	vmax.scan.msk.f32 $0xffff, v14  }
0x6e: {  	v21 =	vbroadcast v35, $0x0;
	v9 =	vmax.f32 v9, v15;
	v16 =	vmax.f32 v18, v16;
	v14 =	vld [tilespmem:s24+$0xFFFFFF90];
	(xrf0) =	vmax.scan.msk.f32 $0xffff, v15  }
0x6f: {  	v22 =	vbroadcast v37, $0x0;
	v9 =	vmax.f32 v9, v16;
	v15 =	vld [tilespmem:s24+$0xFFFFFFA0];
	(xrf0) =	vmax.scan.msk.f32 $0xffff, v16  }
0x70: {  	s26 =	sadd.s32 $0x3, s23;
	s23 =	smov.u32 s25;
	v16 =	vld [tilespmem:s24+$0xFFFFFFB0]  }
0x71: {  	v23 =	vmov s26;
	v17 =	vld [tilespmem:s24+$0xFFFFFFC0]  }
0x72: {  	v18 =	vld [tilespmem:s24+$0xFFFFFFD0];
	v20, _, _ =	vpop (xrf0)  }
0x73: {  	v19 =	vld [tilespmem:s24+$0xFFFFFFE0];
	[tilespmem:v33+s16+$0x0] =	vst.idx.msk vm0, v20;
	v24, _, _ =	vpop (xrf0)  }
0x74: {  	v20 =	vld [tilespmem:s24+$0xFFFFFFF0];
	[tilespmem:v21+s16+$0x0] =	vst.idx.msk vm0, v24;
	v24, _, _ =	vpop (xrf0)  }
0x75: {  	v21 =	vld [tilespmem:s24+$0x0];
	[tilespmem:v22+s16+$0x0] =	vst.idx.msk vm0, v24;
	v24, _, _ =	vpop (xrf0)  }
0x76: {  	v22 =	vld [tilespmem:s24+$0x10];
	[tilespmem:v23+s16+$0x0] =	vst.idx.msk vm0, v24  }
0x77: {  	v23 =	vld [tilespmem:s24+$0x20]  }
0x78: {  	v24 =	vld [tilespmem:s24+$0x30]  }
0x79: {  	v25 =	vld [tilespmem:s24+$0x40]  }
0x7a: {  	v27 =	vld [tilespmem:s24+$0x50]  }
0x7b: {  	v26 =	vld [tilespmem:s24+$0x60]  }
.Ltmp3:
0x7c: {  	v28 =	vld [tilespmem:s24+$0x70];
	(pc) =	sbr.rel @p0 .LBB2_4-.Ltmp3, $4  }
0x7d: {  	v29 =	vld [tilespmem:s24+$0x80]  }
0x7e: {  	v30 =	vld [tilespmem:s24+$0x90]  }
0x7f: {  	v31 =	vld [tilespmem:s24+$0xA0]  }
0x80: {  	s25 =	sadd.s32 $0x4, s25;
	v32 =	vld [tilespmem:s24+$0xB0]  }
0x81: {  	v33 =	vld [tilespmem:s24+$0xC0];
	v4 =	vmax.f32 v4, v5;
	v5 =	vmax.f32 v6, v8  }
0x82: {  	v34 =	vld [tilespmem:s24+$0xD0];
	v7 =	vmax.f32 v7, v10;
	v8 =	vmax.f32 v11, v12;
	v10 =	vmax.f32 v13, v14  }
0x83: {  	v35 =	vld [tilespmem:s24+$0xE0];
	v11 =	vmax.f32 v15, v16;
	v12 =	vmax.f32 v17, v18;
	v13 =	vmax.f32 v19, v20  }
0x84: {  	v6 =	vld [tilespmem:s24+$0xF0];
	v14 =	vmax.f32 v21, v22;
	v15 =	vmax.f32 v23, v24;
	v16 =	vmax.f32 v25, v27  }
0x85: {  	v17 =	vmax.f32 v26, v28;
	v4 =	vmax.f32 v4, v5;
	v7 =	vmax.f32 v7, v8  }
0x86: {  	v8 =	vmax.f32 v10, v11;
	v10 =	vmax.f32 v12, v13;
	v11 =	vmax.f32 v16, v17  }
0x87: {  	v18 =	vmax.f32 v29, v30;
	v4 =	vmax.f32 v4, v7;
	v7 =	vmax.f32 v14, v15  }
0x88: {  	v8 =	vmax.f32 v8, v10;
	v9 =	vmax.f32 v9, v4;
	v7 =	vmax.f32 v7, v11  }
0x89: {  	(xrf0) =	vmax.scan.msk.f32 $0xffff, v4;
	v19 =	vmax.f32 v31, v32;
	v5 =	vmax.f32 v33, v34;
	v6 =	vmax.f32 v35, v6  }
0x8a: {  	v4 =	vmax.f32 v9, v8;
	(xrf0) =	vmax.scan.msk.f32 $0xffff, v8;
	v10 =	vmax.f32 v18, v19;
	v5 =	vmax.f32 v5, v6  }
0x8b: {  	v4 =	vmax.f32 v4, v7;
	(xrf0) =	vmax.scan.msk.f32 $0xffff, v7;
	v5 =	vmax.f32 v10, v5  }
0x8c: {  	v6 =	vmov s23;
	v4 =	vmax.f32 v4, v5;
	(xrf0) =	vmax.scan.msk.f32 $0xffff, v5  }
0x8d: {  	s28 =	sadd.s32 $0x1, s23;
	v5 =	vand.u32 $0xFFFFFFFC, v6;
	(xrf0) =	vmax.scan.msk.f32 $0xffff, v4  }
0x8e: {  	s29 =	sadd.s32 $0x2, s23;
	v6 =	vmov s28;
	v4 =	vbroadcast v5, $0x0  }
0x8f: {  	s30 =	sadd.s32 $0x3, s23;
	v5 =	vand.u32 $0xFFFFFFFD, v6;
	v6 =	vmov s29;
	v7, _, _ =	vpop (xrf0)  }
0x90: {  	v10 =	vmov s30;
	v6 =	vand.u32 $0xFFFFFFFE, v6;
	v5 =	vbroadcast v5, $0x0;
	v8, _, _ =	vpop (xrf0)  }
0x91: {  	v6 =	vbroadcast v6, $0x0;
	v9, _, _ =	vpop (xrf0)  }
0x92: {  	v11, _, _ =	vpop (xrf0)  }
0x93: {  	v12, _, _ =	vpop (xrf0)  }
0x94: {  	[tilespmem:v4+s16+$0x0] =	vst.idx.msk vm0, v7;
	(v2sf) =	vpush v12, $0xF  }
0x95: {  	[tilespmem:v10+s16+$0x0] =	vst.idx.msk vm0, v11  }
0x96: {  	[tilespmem:v5+s16+$0x0] =	vst.idx.msk vm0, v8  }
0x97: {  	[tilespmem:v6+s16+$0x0] =	vst.idx.msk vm0, v9  }
0x98: {  	v19 =	vld [tilespmem:$0x1E180]  }
0x99: {  	v18 =	vld [tilespmem:$0x1E190]  }
0x9a: {  	v17 =	vld [tilespmem:$0x1E1A0]  }
0x9b: {  	v16 =	vld [tilespmem:$0x1E1B0]  }
0x9c: {  	v15 =	vld [tilespmem:$0x1E1C0]  }
0x9d: {  	v14 =	vld [tilespmem:$0x1E1D0]  }
0x9e: {  	v13 =	vld [tilespmem:$0x1E1E0]  }
0x9f: {  	v12 =	vld [tilespmem:$0x1E1F0]  }
0xa0: {  	v11 =	vld [tilespmem:$0x1E200]  }
0xa1: {  	v10 =	vld [tilespmem:$0x1E210]  }
0xa2: {  	v9 =	vld [tilespmem:$0x1E220]  }
0xa3: {  	v8 =	vld [tilespmem:$0x1E230];
	s31 =	spop (v2sf)  }
0xa4: {  	v7 =	vld [tilespmem:$0x1E240];
	s23 =	sadd.f32 $-1.000000000e+00, s31  }
0xa5: {  	v4 =	vld [tilespmem:$0x1E250]  }
0xa6: {  	v5 =	vld [tilespmem:$0x1E260];
	v20 =	vmov s23  }
0xa7: {  	v6 =	vld [tilespmem:$0x1E270];
	v21 =	vadd.f32 $0.0e+00, v19;
	s23 =	simm.s32 $0x7;
	vm1 =	vgt.f32 v19, v20;
	vm2 =	vgt.f32 v18, v20  }
.LBB2_6:
0xa8: {  	p0 =	sne.s32 s23, $0x1;
	v22 =	vsel vm1, $0x3F800000, v0;
	v23 =	vsel vm2, $0x3F800000, v0  }
0xa9: {  	vm3 =	vgt.f32 v17, v20;
	v22 =	vadd.f32 v23, v22  }
0xaa: {  	v23 =	vsel vm3, $0x3F800000, v0  }
0xab: {  	vm4 =	vgt.f32 v16, v20;
	v22 =	vadd.f32 v23, v22  }
0xac: {  	v23 =	vsel vm4, $0x3F800000, v0  }
0xad: {  	vm5 =	vgt.f32 v15, v20;
	v22 =	vadd.f32 v23, v22  }
0xae: {  	v23 =	vsel vm5, $0x3F800000, v0  }
0xaf: {  	vm6 =	vgt.f32 v14, v20;
	v22 =	vadd.f32 v23, v22  }
0xb0: {  	v24 =	vnsel vm2, $0x0, v18;
	v25 =	vsel vm6, $0x3F800000, v0;
	v23 =	vnsel vm1, $0x0, v21  }
0xb1: {  	vm1 =	vgt.f32 v13, v20;
	v23 =	vadd.f32 v24, v23;
	v22 =	vadd.f32 v25, v22  }
0xb2: {  	v24 =	vnsel vm3, $0x0, v17;
	v25 =	vsel vm1, $0x3F800000, v0  }
0xb3: {  	vm2 =	vgt.f32 v12, v20;
	v23 =	vadd.f32 v24, v23;
	v22 =	vadd.f32 v25, v22  }
0xb4: {  	v24 =	vnsel vm4, $0x0, v16;
	v25 =	vsel vm2, $0x3F800000, v0  }
0xb5: {  	vm3 =	vgt.f32 v11, v20;
	v23 =	vadd.f32 v24, v23;
	v22 =	vadd.f32 v25, v22  }
0xb6: {  	v24 =	vnsel vm5, $0x0, v15;
	v25 =	vsel vm3, $0x3F800000, v0  }
0xb7: {  	vm4 =	vgt.f32 v10, v20;
	v23 =	vadd.f32 v24, v23;
	v22 =	vadd.f32 v25, v22  }
0xb8: {  	v24 =	vnsel vm6, $0x0, v14;
	v25 =	vsel vm4, $0x3F800000, v0  }
0xb9: {  	vm5 =	vgt.f32 v9, v20;
	v23 =	vadd.f32 v24, v23;
	v22 =	vadd.f32 v25, v22  }
0xba: {  	v24 =	vnsel vm1, $0x0, v13;
	v25 =	vsel vm5, $0x3F800000, v0  }
0xbb: {  	vm1 =	vgt.f32 v8, v20;
	v23 =	vadd.f32 v24, v23;
	v22 =	vadd.f32 v25, v22  }
0xbc: {  	v24 =	vnsel vm2, $0x0, v12;
	v25 =	vsel vm1, $0x3F800000, v0  }
0xbd: {  	vm2 =	vgt.f32 v7, v20;
	v23 =	vadd.f32 v24, v23;
	v22 =	vadd.f32 v25, v22  }
0xbe: {  	v24 =	vnsel vm3, $0x0, v11;
	v25 =	vsel vm2, $0x3F800000, v0  }
0xbf: {  	vm3 =	vgt.f32 v4, v20;
	v23 =	vadd.f32 v24, v23;
	v22 =	vadd.f32 v25, v22  }
0xc0: {  	v24 =	vnsel vm4, $0x0, v10;
	v25 =	vsel vm3, $0x3F800000, v0  }
0xc1: {  	vm4 =	vgt.f32 v5, v20;
	v23 =	vadd.f32 v24, v23;
	v22 =	vadd.f32 v25, v22  }
0xc2: {  	v24 =	vnsel vm5, $0x0, v9;
	v25 =	vsel vm4, $0x3F800000, v0  }
0xc3: {  	vm5 =	vgt.f32 v6, v20;
	v23 =	vadd.f32 v24, v23;
	v22 =	vadd.f32 v25, v22  }
0xc4: {  	v20 =	vnsel vm1, $0x0, v8;
	v24 =	vsel vm5, $0x3F800000, v0  }
0xc5: {  	v20 =	vadd.f32 v20, v23;
	v22 =	vadd.f32 v24, v22  }
0xc6: {  	v23 =	vnsel vm2, $0x0, v7  }
0xc7: {  	v20 =	vadd.f32 v23, v20;
	(xrf2) =	vadd.scan.msk.f32 $0xffff, v22  }
0xc8: {  	v22 =	vnsel vm3, $0x0, v4  }
0xc9: {  	v20 =	vadd.f32 v22, v20  }
0xca: {  	v22 =	vnsel vm4, $0x0, v5  }
0xcb: {  	v20 =	vadd.f32 v22, v20  }
0xcc: {  	v22 =	vnsel vm5, $0x0, v6  }
0xcd: {  	v20 =	vadd.f32 v22, v20;
	_ =	sdelay $0x1  }
0xce: {  	(xrf2) =	vadd.scan.msk.f32 $0xffff, v20;
	_ =	sdelay $0x1  }
0xcf: {  	v20, _, _ =	vpop (xrf2)  }
0xd0: {  	v20 =	vbroadcast v20, $0xF;
	_ =	sdelay $0x1  }
0xd1: {  	(erf) = vrcp.f32 v20;
	_ =	sdelay $0x4  }
0xd2: {  	v20, _, _ =	vpop (xrf2)  }
0xd3: {  	v20 =	vadd.f32 $-1.000000000e+00, v20;
	_ =	sdelay $0x1  }
.Ltmp4:
0xd4: {  	v20 =	vbroadcast v20, $0xF;
	(pc) =	sbr.rel @p0 .LBB2_6-.Ltmp4, $3  }
0xd5: {  	v22 =	vpop (erf)  }
0xd6: {  	v20 =	vmul.f32 v22, v20;
	_ =	sdelay $0x1  }
0xd7: {  	s23 =	sadd.s32 $0xFFFFFFFF, s23;
	vm1 =	vgt.f32 v19, v20;
	vm2 =	vgt.f32 v18, v20  }
0xd8: {  	v19 =	vsel vm1, $0x3F800000, v0;
	v22 =	vsel vm2, $0x3F800000, v0  }
0xd9: {  	vm3 =	vgt.f32 v17, v20;
	v19 =	vadd.f32 v22, v19  }
0xda: {  	v40 =	vsel vm3, $0x3F800000, v0  }
0xdb: {  	vm4 =	vgt.f32 v16, v20;
	v19 =	vadd.f32 v40, v19  }
0xdc: {  	v41 =	vsel vm4, $0x3F800000, v0  }
0xdd: {  	vm5 =	vgt.f32 v15, v20;
	v19 =	vadd.f32 v41, v19  }
0xde: {  	v42 =	vsel vm5, $0x3F800000, v0  }
0xdf: {  	vm6 =	vgt.f32 v14, v20;
	v19 =	vadd.f32 v42, v19  }
0xe0: {  	v21 =	vnsel vm1, $0x0, v21;
	v18 =	vnsel vm2, $0x0, v18;
	v43 =	vsel vm6, $0x3F800000, v0  }
0xe1: {  	vm1 =	vgt.f32 v13, v20;
	v18 =	vadd.f32 v18, v21;
	v19 =	vadd.f32 v43, v19  }
0xe2: {  	v17 =	vnsel vm3, $0x0, v17;
	v44 =	vsel vm1, $0x3F800000, v0  }
0xe3: {  	vm2 =	vgt.f32 v12, v20;
	v17 =	vadd.f32 v17, v18;
	v45 =	vadd.f32 v44, v19  }
0xe4: {  	v16 =	vnsel vm4, $0x0, v16;
	v46 =	vsel vm2, $0x3F800000, v0  }
0xe5: {  	vm3 =	vgt.f32 v11, v20;
	v16 =	vadd.f32 v16, v17;
	v47 =	vadd.f32 v46, v45  }
0xe6: {  	v15 =	vnsel vm5, $0x0, v15;
	v48 =	vsel vm3, $0x3F800000, v0  }
0xe7: {  	vm12 =	vgt.f32 v10, v20;
	v15 =	vadd.f32 v15, v16;
	v49 =	vadd.f32 v48, v47  }
0xe8: {  	v14 =	vnsel vm6, $0x0, v14;
	v50 =	vsel vm12, $0x3F800000, v0  }
0xe9: {  	vm13 =	vgt.f32 v9, v20;
	v14 =	vadd.f32 v14, v15;
	v51 =	vadd.f32 v50, v49  }
0xea: {  	v13 =	vnsel vm1, $0x0, v13;
	v52 =	vsel vm13, $0x3F800000, v0  }
0xeb: {  	vm1 =	vgt.f32 v8, v20;
	v13 =	vadd.f32 v13, v14;
	v53 =	vadd.f32 v52, v51  }
0xec: {  	v12 =	vnsel vm2, $0x0, v12;
	v54 =	vsel vm1, $0x3F800000, v0  }
0xed: {  	vm2 =	vgt.f32 v7, v20;
	v12 =	vadd.f32 v12, v13;
	v55 =	vadd.f32 v54, v53  }
0xee: {  	v11 =	vnsel vm3, $0x0, v11;
	v56 =	vsel vm2, $0x3F800000, v0  }
0xef: {  	vm3 =	vgt.f32 v4, v20;
	v11 =	vadd.f32 v11, v12;
	v57 =	vadd.f32 v56, v55  }
0xf0: {  	v10 =	vnsel vm12, $0x0, v10;
	v58 =	vsel vm3, $0x3F800000, v0  }
0xf1: {  	vm14 =	vgt.f32 v5, v20;
	v10 =	vadd.f32 v10, v11;
	v59 =	vadd.f32 v58, v57  }
0xf2: {  	v9 =	vnsel vm13, $0x0, v9;
	v60 =	vsel vm14, $0x3F800000, v0  }
0xf3: {  	vm15 =	vgt.f32 v6, v20;
	v9 =	vadd.f32 v9, v10;
	v61 =	vadd.f32 v60, v59  }
0xf4: {  	v62 =	vsel vm15, $0x3F800000, v0;
	v8 =	vnsel vm1, $0x0, v8  }
0xf5: {  	v8 =	vadd.f32 v8, v9;
	v63 =	vadd.f32 v62, v61  }
0xf6: {  	v7 =	vnsel vm2, $0x0, v7  }
0xf7: {  	v7 =	vadd.f32 v7, v8;
	(xrf2) =	vadd.scan.msk.f32 $0xffff, v63  }
0xf8: {  	v4 =	vnsel vm3, $0x0, v4  }
0xf9: {  	v4 =	vadd.f32 v4, v7  }
0xfa: {  	v5 =	vnsel vm14, $0x0, v5  }
0xfb: {  	v4 =	vadd.f32 v5, v4  }
0xfc: {  	v5 =	vnsel vm15, $0x0, v6  }
0xfd: {  	v4 =	vadd.f32 v5, v4;
	_ =	sdelay $0x1  }
0xfe: {  	(xrf2) =	vadd.scan.msk.f32 $0xffff, v4;
	_ =	sdelay $0x1  }
0xff: {  	v4, _, _ =	vpop (xrf2)  }
0x100: {  	v4 =	vbroadcast v4, $0xF;
	_ =	sdelay $0x1  }
0x101: {  	(erf) = vrcp.f32 v4;
	_ =	sdelay $0x4  }
0x102: {  	v4, _, _ =	vpop (xrf2)  }
0x103: {  	v4 =	vadd.f32 $-1.000000000e+00, v4;
	_ =	sdelay $0x1  }
0x104: {  	v4 =	vbroadcast v4, $0xF  }
0x105: {  	s23 =	simm.s32 $0x1E180;
	v5 =	vpop (erf)  }
0x106: {  	s24 =	simm.s32 $0x0;
	s25 =	simm.s32 $0x10;
	v7 =	vld [tilespmem:s23+$0x0];
	v6 =	vimm.s32 $0x0;
	v4 =	vmul.f32 v5, v4;
	v5 =	vimm.s32 $0x0  }
.LBB2_8:
0x107: {  	p0 =	sne.s32 s25, $0xF0;
	_ =	sdelay $0x3  }
0x108: {  	vm1 =	vgt.f32 v7, v4  }
0x109: {  	v7 =	vsel vm1, $0x1, v1;
	v8 =	vmpcnt.ones.xlane vm1  }
0x10a: {  	(xrf0) =	vadd.scan.msk.s32 $0xffff, v7  }
0x10b: {  	v6 =	vadd.s32 v6, v8;
	_ =	sdelay $0x4  }
0x10c: {  	v7, _, _ =	vpop (xrf0)  }
0x10d: {  	v7 =	vadd.s32 v7, v5;
	v5 =	vmov v6  }
0x10e: {  	v7 =	vadd.s32 $0xFFFFFFFF, v7;
	_ =	sdelay $0x1  }
.Ltmp5:
0x10f: {  	(pc) =	sbr.rel @p0 .LBB2_8-.Ltmp5, $4  }
0x110: {  	_ = 	snop  }
0x111: {  	v8 =	vor.u32 s24, v2;
	s24 =	smov.u32 s25  }
0x112: {  	s23 =	sadd.s32 $0x10, s23;
	[tilespmem:v7+s17+$0x0] =	vst.idx.msk vm1, v8  }
0x113: {  	s25 =	sadd.s32 $0x10, s25;
	v7 =	vld [tilespmem:s23+$0x0]  }
0x114: {  	_ =	sdelay $0x3  }
0x115: {  	vm1 =	vgt.f32 v7, v4  }
0x116: {  	v7 =	vmpcnt.ones.xlane vm1;
	_ =	sdelay $0x1  }
0x117: {  	v8 =	vsel vm1, $0x1, v1;
	v6 =	vadd.s32 v6, v7  }
0x118: {  	(xrf0) =	vadd.scan.msk.s32 $0xffff, v8;
	v6 =	vxor.u32 $0x80000000, v6  }
0x119: {  	(xrf0) =	vmax.scan.msk.u32 $0xffff, v6;
	_ =	sdelay $0x4  }
0x11a: {  	v6, _, _ =	vpop (xrf0)  }
0x11b: {  	v7, _, _ =	vpop (xrf0)  }
0x11c: {  	(v2sf) =	vpush v7, $0xF;
	_ =	sdelay $0xe  }
0x11d: {  	s23 =	spop (v2sf)  }
0x11e: {  	v5 =	vadd.s32 v6, v5;
	s23 =	sxor.u32 $0x80000000, s23  }
0x11f: {  	v5 =	vadd.s32 $0xFFFFFFFF, v5;
	p0 =	slt.s32 s23, $0x1  }
.Ltmp6:
0x120: {  	_ = 	snop;
	(pc) =	sbr.rel @p0 .LBB2_11-.Ltmp6, $3  }
0x121: {  	_ =	sdelay $0x1  }
0x122: {  	v6 =	vor.u32 s24, v2  }
0x123: {  	s24 =	simm.s32 $0x1E280;
	[tilespmem:v5+s17+$0x0] =	vst.idx.msk vm1, v6;
	v5 =	vimm.s32 $0x0  }
.LBB2_10:
0x124: {  	v6 =	vld [tilespmem:s24+$0x0];
	_ =	sdelay $0x4  }
0x125: {  	(v2sf) =	vpush v6, $0x0;
	_ =	sdelay $0xe  }
0x126: {  	s25 =	spop (v2sf)  }
0x127: {  	s26 =	sshll.u32 s25, $0x9  }
0x128: {  	s26 =	sshra.s32 s26, $0x2  }
0x129: {  	v6 =	vld [tilespmem:s26+$0x0];
	_ =	sdelay $0x4  }
0x12a: {  	vm1 =	vgt.f32 v6, v4  }
0x12b: {  	v7 =	vsel vm1, $0x1, v1  }
0x12c: {  	(xrf0) =	vadd.scan.msk.s32 $0xffff, v7;
	_ =	sdelay $0x5  }
0x12d: {  	v7, _, _ =	vpop (xrf0)  }
0x12e: {  	v7 =	vadd.s32 v7, v5  }
0x12f: {  	v7 =	vadd.s32 $0xFFFFFFFF, v7  }
0x130: {  	vm2 =	vlt.s32 v7, $0x2000  }
0x131: {  	vm2 =	vmand vm1, vm2;
	_ =	sdelay $0x4  }
0x132: {  	s25 =	sshll.u32 s25, $0x7  }
0x133: {  	[tilespmem:v7+s18+$0x0] =	vst.idx.msk vm2, v6;
	v6 =	vor.u32 s25, v2  }
0x134: {  	[tilespmem:v7+s19+$0x0] =	vst.idx.msk vm2, v6  }
0x135: {  	v6 =	vld [tilespmem:s26+$0x10];
	_ =	sdelay $0x4  }
0x136: {  	vm2 =	vgt.f32 v6, v4  }
0x137: {  	v7 =	vsel vm2, $0x1, v1  }
0x138: {  	(xrf0) =	vadd.scan.msk.s32 $0xffff, v7;
	_ =	sdelay $0x1  }
0x139: {  	v7 =	vmpcnt.ones.xlane vm1;
	_ =	sdelay $0x3  }
0x13a: {  	v5 =	vadd.s32 v5, v7;
	v7, _, _ =	vpop (xrf0)  }
0x13b: {  	v7 =	vadd.s32 v7, v5  }
0x13c: {  	v7 =	vadd.s32 $0xFFFFFFFF, v7  }
0x13d: {  	vm1 =	vlt.s32 v7, $0x2000  }
0x13e: {  	vm1 =	vmand vm2, vm1;
	_ =	sdelay $0x4  }
0x13f: {  	s28 =	sor.u32 $0x10, s25  }
0x140: {  	[tilespmem:v7+s18+$0x0] =	vst.idx.msk vm1, v6;
	v6 =	vor.u32 s28, v2  }
0x141: {  	[tilespmem:v7+s19+$0x0] =	vst.idx.msk vm1, v6  }
0x142: {  	v6 =	vld [tilespmem:s26+$0x20];
	_ =	sdelay $0x4  }
0x143: {  	vm1 =	vgt.f32 v6, v4  }
0x144: {  	v7 =	vsel vm1, $0x1, v1  }
0x145: {  	(xrf0) =	vadd.scan.msk.s32 $0xffff, v7;
	_ =	sdelay $0x1  }
0x146: {  	v7 =	vmpcnt.ones.xlane vm2;
	_ =	sdelay $0x3  }
0x147: {  	v5 =	vadd.s32 v5, v7;
	v7, _, _ =	vpop (xrf0)  }
0x148: {  	v7 =	vadd.s32 v7, v5  }
0x149: {  	v7 =	vadd.s32 $0xFFFFFFFF, v7  }
0x14a: {  	vm2 =	vlt.s32 v7, $0x2000  }
0x14b: {  	vm2 =	vmand vm1, vm2;
	_ =	sdelay $0x4  }
0x14c: {  	s30 =	sor.u32 $0x20, s25  }
0x14d: {  	[tilespmem:v7+s18+$0x0] =	vst.idx.msk vm2, v6;
	v6 =	vor.u32 s30, v2  }
0x14e: {  	[tilespmem:v7+s19+$0x0] =	vst.idx.msk vm2, v6  }
0x14f: {  	v6 =	vld [tilespmem:s26+$0x30];
	_ =	sdelay $0x4  }
0x150: {  	vm2 =	vgt.f32 v6, v4  }
0x151: {  	v7 =	vsel vm2, $0x1, v1  }
0x152: {  	(xrf0) =	vadd.scan.msk.s32 $0xffff, v7;
	_ =	sdelay $0x1  }
0x153: {  	v7 =	vmpcnt.ones.xlane vm1;
	_ =	sdelay $0x3  }
0x154: {  	v5 =	vadd.s32 v5, v7;
	v7, _, _ =	vpop (xrf0)  }
0x155: {  	v7 =	vadd.s32 v7, v5  }
0x156: {  	v7 =	vadd.s32 $0xFFFFFFFF, v7  }
0x157: {  	vm1 =	vlt.s32 v7, $0x2000  }
0x158: {  	vm1 =	vmand vm2, vm1;
	_ =	sdelay $0x4  }
0x159: {  	s31 =	sor.u32 $0x30, s25  }
0x15a: {  	[tilespmem:v7+s18+$0x0] =	vst.idx.msk vm1, v6;
	v6 =	vor.u32 s31, v2  }
0x15b: {  	[tilespmem:v7+s19+$0x0] =	vst.idx.msk vm1, v6  }
0x15c: {  	v6 =	vld [tilespmem:s26+$0x40];
	_ =	sdelay $0x4  }
0x15d: {  	vm1 =	vgt.f32 v6, v4  }
0x15e: {  	v7 =	vsel vm1, $0x1, v1  }
0x15f: {  	(xrf0) =	vadd.scan.msk.s32 $0xffff, v7;
	_ =	sdelay $0x1  }
0x160: {  	v7 =	vmpcnt.ones.xlane vm2;
	_ =	sdelay $0x3  }
0x161: {  	v5 =	vadd.s32 v5, v7;
	v7, _, _ =	vpop (xrf0)  }
0x162: {  	v7 =	vadd.s32 v7, v5  }
0x163: {  	v7 =	vadd.s32 $0xFFFFFFFF, v7  }
0x164: {  	vm2 =	vlt.s32 v7, $0x2000  }
0x165: {  	vm2 =	vmand vm1, vm2;
	_ =	sdelay $0x4  }
0x166: {  	s29 =	sor.u32 $0x40, s25  }
0x167: {  	[tilespmem:v7+s18+$0x0] =	vst.idx.msk vm2, v6;
	v6 =	vor.u32 s29, v2  }
0x168: {  	[tilespmem:v7+s19+$0x0] =	vst.idx.msk vm2, v6  }
0x169: {  	v6 =	vld [tilespmem:s26+$0x50];
	_ =	sdelay $0x4  }
0x16a: {  	vm2 =	vgt.f32 v6, v4  }
0x16b: {  	v7 =	vsel vm2, $0x1, v1  }
0x16c: {  	(xrf0) =	vadd.scan.msk.s32 $0xffff, v7;
	_ =	sdelay $0x1  }
0x16d: {  	v7 =	vmpcnt.ones.xlane vm1;
	_ =	sdelay $0x3  }
0x16e: {  	v5 =	vadd.s32 v5, v7;
	v7, _, _ =	vpop (xrf0)  }
0x16f: {  	v7 =	vadd.s32 v7, v5  }
0x170: {  	v7 =	vadd.s32 $0xFFFFFFFF, v7  }
0x171: {  	vm1 =	vlt.s32 v7, $0x2000  }
0x172: {  	vm1 =	vmand vm2, vm1;
	_ =	sdelay $0x4  }
0x173: {  	s30 =	sor.u32 $0x50, s25  }
0x174: {  	[tilespmem:v7+s18+$0x0] =	vst.idx.msk vm1, v6;
	v6 =	vor.u32 s30, v2  }
0x175: {  	[tilespmem:v7+s19+$0x0] =	vst.idx.msk vm1, v6  }
0x176: {  	v6 =	vld [tilespmem:s26+$0x60];
	_ =	sdelay $0x4  }
0x177: {  	vm1 =	vgt.f32 v6, v4  }
0x178: {  	v7 =	vsel vm1, $0x1, v1  }
0x179: {  	(xrf0) =	vadd.scan.msk.s32 $0xffff, v7;
	_ =	sdelay $0x1  }
0x17a: {  	v7 =	vmpcnt.ones.xlane vm2;
	_ =	sdelay $0x3  }
0x17b: {  	v5 =	vadd.s32 v5, v7;
	v7, _, _ =	vpop (xrf0)  }
0x17c: {  	v7 =	vadd.s32 v7, v5  }
0x17d: {  	v7 =	vadd.s32 $0xFFFFFFFF, v7  }
0x17e: {  	vm2 =	vlt.s32 v7, $0x2000  }
0x17f: {  	vm2 =	vmand vm1, vm2;
	_ =	sdelay $0x4  }
0x180: {  	s31 =	sor.u32 $0x60, s25  }
0x181: {  	[tilespmem:v7+s18+$0x0] =	vst.idx.msk vm2, v6;
	v6 =	vor.u32 s31, v2  }
0x182: {  	[tilespmem:v7+s19+$0x0] =	vst.idx.msk vm2, v6  }
0x183: {  	v6 =	vld [tilespmem:s26+$0x70];
	_ =	sdelay $0x4  }
0x184: {  	vm2 =	vgt.f32 v6, v4  }
0x185: {  	v7 =	vsel vm2, $0x1, v1  }
0x186: {  	(xrf0) =	vadd.scan.msk.s32 $0xffff, v7;
	_ =	sdelay $0x1  }
0x187: {  	v7 =	vmpcnt.ones.xlane vm1;
	_ =	sdelay $0x3  }
0x188: {  	v5 =	vadd.s32 v5, v7;
	v7, _, _ =	vpop (xrf0)  }
0x189: {  	v7 =	vadd.s32 v7, v5  }
0x18a: {  	v7 =	vadd.s32 $0xFFFFFFFF, v7  }
0x18b: {  	vm1 =	vlt.s32 v7, $0x2000  }
0x18c: {  	vm1 =	vmand vm2, vm1;
	_ =	sdelay $0x1  }
0x18d: {  	p0 =	sne.s32 s23, $0x1  }
.Ltmp7:
0x18e: {  	_ = 	snop;
	(pc) =	sbr.rel @p0 .LBB2_10-.Ltmp7, $4  }
0x18f: {  	_ = 	snop  }
0x190: {  	s25 =	sor.u32 $0x70, s25;
	v8 =	vmpcnt.ones.xlane vm2  }
0x191: {  	[tilespmem:v7+s18+$0x0] =	vst.idx.msk vm1, v6;
	v6 =	vor.u32 s25, v2  }
0x192: {  	s24 =	sadd.s32 $0x1, s24;
	s23 =	sadd.s32 $0xFFFFFFFF, s23;
	v5 =	vadd.s32 v5, v8;
	[tilespmem:v7+s19+$0x0] =	vst.idx.msk vm1, v6  }
.LBB2_11:
0x193: {  	v6 =	vxor.u32 $0x80000000, v5  }
0x194: {  	(xrf0) =	vmax.scan.msk.u32 $0xffff, v6;
	_ =	sdelay $0x5  }
0x195: {  	v6, _, _ =	vpop (xrf0)  }
0x196: {  	(v2sf) =	vpush v6, $0xF;
	_ =	sdelay $0xc  }
0x197: {  	v5 =	vadd.s32 v2, v5  }
0x198: {  	vm1 =	vlt.s32 v5, $0x200F  }
0x199: {  	v5 =	vnsel vm1, $0x200F, v5;
	s23 =	spop (v2sf)  }
0x19a: {  	s23 =	sxor.u32 $0x80000000, s23  }
.Ltmp8:
0x19b: {  	p0 =	slt.s32 s23, $0x2000;
	(pc) =	sbr.rel .LBB2_12-.Ltmp8, $4  }
0x19c: {  	s23 =	simm.s32 @!p0 $0x2000  }
0x19d: {  	s23 =	sadd.s32 $0xF, s23  }
0x19e: {  	[tilespmem:v5+s18+$0x0] =	vst.idx.msk $0xffff, v3;
	s24 =	sshrl.u32 s23, $0x4  }
0x19f: {  	[tilespmem:v5+s19+$0x0] =	vst.idx.msk $0xffff, v1;
	s23 =	simm.s32 $0x0;
	p0 =	seq.s32 s24, $0x0  }
.LBB2_13:
0x1a0: {  	v4 =	vimm.f32 $0.0e+00  }
.LBB2_20:
0x1a1: {  	(xrf2) =	vadd.scan.msk.f32 $0xffff, v5  }
0x1a2: {  	(xrf2) =	vadd.scan.msk.f32 $0xffff, v4;
	_ =	sdelay $0x8  }
0x1a3: {  	v4, _, _ =	vpop (xrf2)  }
0x1a4: {  	v5, _, _ =	vpop (xrf2)  }
0x1a5: {  	v5 =	vbroadcast v5, $0xF;
	_ =	sdelay $0x1  }
0x1a6: {  	(erf) = vrcp.f32 v5;
	_ =	sdelay $0x3  }
0x1a7: {  	s23 =	sadd.s32 $0x1, s23  }
0x1a8: {  	p1 =	seq.s32 s23, $0xC  }
.Ltmp9:
0x1a9: {  	v4 =	vadd.f32 $-1.000000000e+00, v4;
	(pc) =	sbr.rel @p1 .LBB2_14-.Ltmp9, $4  }
0x1aa: {  	_ = 	snop  }
0x1ab: {  	v4 =	vbroadcast v4, $0xF  }
0x1ac: {  	v5 =	vpop (erf)  }
0x1ad: {  	v4 =	vmul.f32 v5, v4  }
.LBB2_12:
.Ltmp10:
0x1ae: {  	(pc) =	sbr.rel @p0 .LBB2_13-.Ltmp10, $2  }
0x1af: {  	_ =	sdelay $0x2  }
0x1b0: {  	s26 =	simm.s32 $0x18000;
	v5 =	vimm.f32 $0.0e+00  }
0x1b1: {  	v6 =	vld [tilespmem:s26+$0x0];
	p1 =	sne.s32 s24, $0x1  }
.Ltmp11:
0x1b2: {  	_ = 	snop;
	(pc) =	sbr.rel @!p1 .LBB2_19-.Ltmp11, $2  }
0x1b3: {  	_ =	sdelay $0x2  }
0x1b4: {  	s25 =	sadd.s32 $0xFFFFFFFF, s24;
	s26 =	sadd.s32 $0x10, s26;
	v7 =	vimm.f32 $0.0e+00;
	vm1 =	vgt.f32 v6, v4  }
.LBB2_18:
0x1b5: {  	p1 =	sne.s32 s25, $0x1;
	s25 =	sadd.s32 $0xFFFFFFFF, s25;
	v8 =	vnsel vm1, $0x0, v6;
	v6 =	vld [tilespmem:s26+$0x0];
	v9 =	vsel vm1, $0x3F800000, v0  }
.Ltmp12:
0x1b6: {  	v5 =	vadd.f32 v8, v5;
	v7 =	vadd.f32 v9, v7;
	(pc) =	sbr.rel @p1 .LBB2_18-.Ltmp12, $2  }
0x1b7: {  	_ =	sdelay $0x2  }
0x1b8: {  	s26 =	sadd.s32 $0x10, s26;
	vm1 =	vgt.f32 v6, v4  }
.LBB2_19:
.Ltmp13:
0x1b9: {  	(pc) =	sbr.rel .LBB2_20-.Ltmp13, $4  }
0x1ba: {  	_ = 	snop  }
0x1bb: {  	v4 =	vnsel vm1, $0x0, v6  }
0x1bc: {  	v6 =	vsel vm1, $0x3F800000, v0;
	v5 =	vadd.f32 v4, v5  }
0x1bd: {  	v4 =	vadd.f32 v6, v7  }
.LBB2_14:
.Ltmp14:
0x1be: {  	(pc) =	sbr.rel @p0 .LBB2_25-.Ltmp14, $1  }
0x1bf: {  	_ =	sdelay $0x3  }
0x1c0: {  	p1 =	sne.s32 s24, $0x1  }
.Ltmp15:
0x1c1: {  	_ = 	snop;
	(pc) =	sbr.rel @!p1 .LBB2_16-.Ltmp15, $3  }
0x1c2: {  	_ =	sdelay $0x1  }
0x1c3: {  	s25 =	simm.s32 $0x18000  }
0x1c4: {  	s23 =	simm.s32 $0x1A080;
	p0 =	por $0x0, $0x0;
	v5 =	vld [tilespmem:s25+$0x0];
	s25 =	sadd.s32 $0xFFFFFFFF, s24  }
0x1c5: {  	_ =	sdelay $0x1  }
0x1c6: {  	v6 =	vld [tilespmem:s23+$0x0];
	_ =	sdelay $0x1  }
0x1c7: {  	vm1 =	vgt.f32 v5, v4;
	_ =	sdelay $0x1  }
0x1c8: {  	p1 =	sne.s32 s25, $0x1  }
.Ltmp16:
0x1c9: {  	v5 =	vsub.f32 v5, v4;
	(pc) =	sbr.rel @!p1 .LBB2_22-.Ltmp16, $4  }
0x1ca: {  	_ = 	snop  }
0x1cb: {  	v5 =	vmax.f32 v5, $0.0e+00  }
0x1cc: {  	s26 =	simm.s32 $0x18010;
	[tilespmem:v6+s20+$0x0] =	vst.idx.msk vm1, v5  }
0x1cd: {  	s28 =	sadd.s32 $0xFFFFFFFF, s25;
	p0 =	por $0x1, $0x1;
	s25 =	simm.s32 $0x1A080;
	v5 =	vld [tilespmem:s26+$0x0]  }
.LBB2_23:
0x1ce: {  	p1 =	sne.s32 s28, $0x1  }
0x1cf: {  	s25 =	sadd.s32 $0x10, s25  }
0x1d0: {  	v6 =	vld [tilespmem:s25+$0x0];
	_ =	sdelay $0x1  }
0x1d1: {  	vm1 =	vgt.f32 v5, v4;
	_ =	sdelay $0x2  }
.Ltmp17:
0x1d2: {  	v5 =	vsub.f32 v5, v4;
	(pc) =	sbr.rel @p1 .LBB2_23-.Ltmp17, $4  }
0x1d3: {  	_ = 	snop  }
0x1d4: {  	v5 =	vmax.f32 v5, $0.0e+00  }
0x1d5: {  	s26 =	sadd.s32 $0x10, s26;
	[tilespmem:v6+s20+$0x0] =	vst.idx.msk vm1, v5  }
0x1d6: {  	s28 =	sadd.s32 $0xFFFFFFFF, s28;
	v5 =	vld [tilespmem:s26+$0x0]  }
.LBB2_24:
0x1d7: {  	s25 =	sadd.s32 @p0 $0x10, s25  }
0x1d8: {  	s23 =	smov.u32 @p0 s25  }
0x1d9: {  	v6 =	vld [tilespmem:s23+$0x0];
	_ =	sdelay $0x1  }
0x1da: {  	vm1 =	vgt.f32 v5, v4;
	_ =	sdelay $0x2  }
0x1db: {  	v4 =	vsub.f32 v5, v4;
	_ =	sdelay $0x1  }
0x1dc: {  	v4 =	vmax.f32 v4, $0.0e+00  }
0x1dd: {  	[tilespmem:v6+s20+$0x0] =	vst.idx.msk vm1, v4  }
.LBB2_25:
0x1de: {  	[hbm4b:s5+s12] =	stream.strided.scatter [tilespmem:s20], [sflag:$0x2], $0x8000, s13, s12, $0x38;
	[tilespmem:$0x1E400] =	vst v63  }
0x1df: {  	_ =	swait.ge [sflag:s14], $0x8000  }
0x1e0: {  	[sflag:s14] =	ssyncset.done $0x0  }
0x1e1: {  	s23 =	simm.s32 $0x0;
	s25 =	simm.s32 $0x8100;
	[sflag:s14] =	ssyncadd.s32 $0xFFFF8000  }
0x1e2: {  	[tilespmem:s23], [sflag:$0x1] =	stream.strided.gather [hbm4b:s6+s12], $0x8000, s13, s12, $0x38;
	[tilespmem:$0x1E400] =	vst v63  }
0x1e3: {  	v4 =	vld [tilespmem:s25+$0xFFFFFF00]  }
0x1e4: {  	v5 =	vld [tilespmem:s25+$0xFFFFFF10]  }
0x1e5: {  	v6 =	vld [tilespmem:s25+$0xFFFFFF20]  }
0x1e6: {  	v8 =	vld [tilespmem:s25+$0xFFFFFF30]  }
0x1e7: {  	v7 =	vld [tilespmem:s25+$0xFFFFFF40]  }
0x1e8: {  	v10 =	vld [tilespmem:s25+$0xFFFFFF50]  }
0x1e9: {  	v11 =	vld [tilespmem:s25+$0xFFFFFF60]  }
0x1ea: {  	v12 =	vld [tilespmem:s25+$0xFFFFFF70]  }
0x1eb: {  	v13 =	vld [tilespmem:s25+$0xFFFFFF80]  }
0x1ec: {  	v14 =	vld [tilespmem:s25+$0xFFFFFF90]  }
0x1ed: {  	v15 =	vld [tilespmem:s25+$0xFFFFFFA0]  }
0x1ee: {  	v16 =	vld [tilespmem:s25+$0xFFFFFFB0]  }
0x1ef: {  	v17 =	vld [tilespmem:s25+$0xFFFFFFC0]  }
0x1f0: {  	v18 =	vld [tilespmem:s25+$0xFFFFFFD0]  }
0x1f1: {  	v19 =	vld [tilespmem:s25+$0xFFFFFFE0]  }
0x1f2: {  	v20 =	vld [tilespmem:s25+$0xFFFFFFF0]  }
0x1f3: {  	v21 =	vld [tilespmem:s25+$0x0]  }
0x1f4: {  	v22 =	vld [tilespmem:s25+$0x10]  }
0x1f5: {  	v23 =	vld [tilespmem:s25+$0x20]  }
0x1f6: {  	v24 =	vld [tilespmem:s25+$0x30]  }
0x1f7: {  	v25 =	vld [tilespmem:s25+$0x40]  }
0x1f8: {  	v27 =	vld [tilespmem:s25+$0x50]  }
0x1f9: {  	v26 =	vld [tilespmem:s25+$0x60]  }
0x1fa: {  	v28 =	vld [tilespmem:s25+$0x70]  }
0x1fb: {  	v29 =	vld [tilespmem:s25+$0x80]  }
0x1fc: {  	v30 =	vld [tilespmem:s25+$0x90]  }
0x1fd: {  	v31 =	vld [tilespmem:s25+$0xA0]  }
0x1fe: {  	v9 =	vimm.f32 $-3.000000010e+38;
	s26 =	simm.s32 $0x4;
	v32 =	vld [tilespmem:s25+$0xB0]  }
.LBB2_26:
0x1ff: {  	p0 =	slt.u32 s26, $0xFC;
	v33 =	vmov s23;
	s28 =	sadd.s32 $0x1, s23;
	v34 =	vld [tilespmem:s25+$0xC0]  }
0x200: {  	v33 =	vand.u32 $0xFFFFFFFC, v33;
	v35 =	vmov s28;
	s28 =	sadd.s32 $0x2, s23;
	v36 =	vld [tilespmem:s25+$0xD0]  }
0x201: {  	v33 =	vbroadcast v33, $0x0;
	v35 =	vand.u32 $0xFFFFFFFD, v35;
	v37 =	vmov s28;
	v38 =	vld [tilespmem:s25+$0xE0]  }
0x202: {  	v39 =	vmax.f32 v4, v5;
	v40 =	vmax.f32 v6, v8;
	v37 =	vand.u32 $0xFFFFFFFE, v37;
	v41 =	vld [tilespmem:s25+$0xF0];
	s25 =	sadd.s32 $0x200, s25  }
0x203: {  	v42 =	vmax.f32 v7, v10;
	v11 =	vmax.f32 v11, v12;
	v12 =	vmax.f32 v13, v14;
	v4 =	vld [tilespmem:s25+$0xFFFFFF00]  }
0x204: {  	v13 =	vmax.f32 v15, v16;
	v14 =	vmax.f32 v17, v18;
	v15 =	vmax.f32 v19, v20;
	v5 =	vld [tilespmem:s25+$0xFFFFFF10]  }
0x205: {  	v16 =	vmax.f32 v21, v22;
	v17 =	vmax.f32 v23, v24;
	v18 =	vmax.f32 v25, v27;
	v6 =	vld [tilespmem:s25+$0xFFFFFF20]  }
0x206: {  	v19 =	vmax.f32 v26, v28;
	v20 =	vmax.f32 v29, v30;
	v21 =	vmax.f32 v31, v32;
	v8 =	vld [tilespmem:s25+$0xFFFFFF30]  }
0x207: {  	v22 =	vmax.f32 v39, v40;
	v23 =	vmax.f32 v34, v36;
	v7 =	vld [tilespmem:s25+$0xFFFFFF40];
	v24 =	vmax.f32 v38, v41  }
0x208: {  	v25 =	vmax.f32 v42, v11;
	v13 =	vmax.f32 v12, v13;
	v14 =	vmax.f32 v14, v15;
	v10 =	vld [tilespmem:s25+$0xFFFFFF50]  }
0x209: {  	v16 =	vmax.f32 v16, v17;
	v17 =	vmax.f32 v18, v19;
	v15 =	vmax.f32 v22, v25;
	v11 =	vld [tilespmem:s25+$0xFFFFFF60]  }
0x20a: {  	v14 =	vmax.f32 v13, v14;
	v9 =	vmax.f32 v9, v15;
	v18 =	vmax.f32 v20, v21;
	v12 =	vld [tilespmem:s25+$0xFFFFFF70];
	(xrf0) =	vmax.scan.msk.f32 $0xffff, v15  }
0x20b: {  	v9 =	vmax.f32 v9, v14;
	v15 =	vmax.f32 v16, v17;
	v16 =	vmax.f32 v23, v24;
	v13 =	vld [tilespmem:s25+$0xFFFFFF80];
	(xrf0) =	vmax.scan.msk.f32 $0xffff, v14  }
0x20c: {  	v21 =	vbroadcast v35, $0x0;
	v9 =	vmax.f32 v9, v15;
	v16 =	vmax.f32 v18, v16;
	v14 =	vld [tilespmem:s25+$0xFFFFFF90];
	(xrf0) =	vmax.scan.msk.f32 $0xffff, v15  }
0x20d: {  	v22 =	vbroadcast v37, $0x0;
	v9 =	vmax.f32 v9, v16;
	v15 =	vld [tilespmem:s25+$0xFFFFFFA0];
	(xrf0) =	vmax.scan.msk.f32 $0xffff, v16  }
0x20e: {  	s28 =	sadd.s32 $0x3, s23;
	s23 =	smov.u32 s26;
	v16 =	vld [tilespmem:s25+$0xFFFFFFB0]  }
0x20f: {  	v23 =	vmov s28;
	v17 =	vld [tilespmem:s25+$0xFFFFFFC0]  }
0x210: {  	v18 =	vld [tilespmem:s25+$0xFFFFFFD0];
	v20, _, _ =	vpop (xrf0)  }
0x211: {  	v19 =	vld [tilespmem:s25+$0xFFFFFFE0];
	[tilespmem:v33+s16+$0x0] =	vst.idx.msk vm0, v20;
	v24, _, _ =	vpop (xrf0)  }
0x212: {  	v20 =	vld [tilespmem:s25+$0xFFFFFFF0];
	[tilespmem:v21+s16+$0x0] =	vst.idx.msk vm0, v24;
	v24, _, _ =	vpop (xrf0)  }
0x213: {  	v21 =	vld [tilespmem:s25+$0x0];
	[tilespmem:v22+s16+$0x0] =	vst.idx.msk vm0, v24;
	v24, _, _ =	vpop (xrf0)  }
0x214: {  	v22 =	vld [tilespmem:s25+$0x10];
	[tilespmem:v23+s16+$0x0] =	vst.idx.msk vm0, v24  }
0x215: {  	v23 =	vld [tilespmem:s25+$0x20]  }
0x216: {  	v24 =	vld [tilespmem:s25+$0x30]  }
0x217: {  	v25 =	vld [tilespmem:s25+$0x40]  }
0x218: {  	v27 =	vld [tilespmem:s25+$0x50]  }
0x219: {  	v26 =	vld [tilespmem:s25+$0x60]  }
.Ltmp18:
0x21a: {  	v28 =	vld [tilespmem:s25+$0x70];
	(pc) =	sbr.rel @p0 .LBB2_26-.Ltmp18, $4  }
0x21b: {  	v29 =	vld [tilespmem:s25+$0x80]  }
0x21c: {  	v30 =	vld [tilespmem:s25+$0x90]  }
0x21d: {  	v31 =	vld [tilespmem:s25+$0xA0]  }
0x21e: {  	s26 =	sadd.s32 $0x4, s26;
	v32 =	vld [tilespmem:s25+$0xB0]  }
0x21f: {  	v33 =	vld [tilespmem:s25+$0xC0];
	v4 =	vmax.f32 v4, v5;
	v5 =	vmax.f32 v6, v8  }
0x220: {  	v34 =	vld [tilespmem:s25+$0xD0];
	v7 =	vmax.f32 v7, v10;
	v8 =	vmax.f32 v11, v12;
	v10 =	vmax.f32 v13, v14  }
0x221: {  	v35 =	vld [tilespmem:s25+$0xE0];
	v11 =	vmax.f32 v15, v16;
	v12 =	vmax.f32 v17, v18;
	v13 =	vmax.f32 v19, v20  }
0x222: {  	v6 =	vld [tilespmem:s25+$0xF0];
	v14 =	vmax.f32 v21, v22;
	v15 =	vmax.f32 v23, v24;
	v16 =	vmax.f32 v25, v27  }
0x223: {  	v17 =	vmax.f32 v26, v28;
	v4 =	vmax.f32 v4, v5;
	v7 =	vmax.f32 v7, v8  }
0x224: {  	v8 =	vmax.f32 v10, v11;
	v10 =	vmax.f32 v12, v13;
	v11 =	vmax.f32 v16, v17  }
0x225: {  	v18 =	vmax.f32 v29, v30;
	v4 =	vmax.f32 v4, v7;
	v7 =	vmax.f32 v14, v15  }
0x226: {  	v8 =	vmax.f32 v8, v10;
	v9 =	vmax.f32 v9, v4;
	v7 =	vmax.f32 v7, v11  }
0x227: {  	(xrf0) =	vmax.scan.msk.f32 $0xffff, v4;
	v19 =	vmax.f32 v31, v32;
	v5 =	vmax.f32 v33, v34;
	v6 =	vmax.f32 v35, v6  }
0x228: {  	v4 =	vmax.f32 v9, v8;
	(xrf0) =	vmax.scan.msk.f32 $0xffff, v8;
	v10 =	vmax.f32 v18, v19;
	v5 =	vmax.f32 v5, v6  }
0x229: {  	v4 =	vmax.f32 v4, v7;
	(xrf0) =	vmax.scan.msk.f32 $0xffff, v7;
	v5 =	vmax.f32 v10, v5  }
0x22a: {  	v6 =	vmov s23;
	v4 =	vmax.f32 v4, v5;
	(xrf0) =	vmax.scan.msk.f32 $0xffff, v5  }
0x22b: {  	s28 =	sadd.s32 $0x1, s23;
	v5 =	vand.u32 $0xFFFFFFFC, v6;
	(xrf0) =	vmax.scan.msk.f32 $0xffff, v4  }
0x22c: {  	s29 =	sadd.s32 $0x2, s23;
	v6 =	vmov s28;
	v4 =	vbroadcast v5, $0x0  }
0x22d: {  	s30 =	sadd.s32 $0x3, s23;
	v5 =	vand.u32 $0xFFFFFFFD, v6;
	v6 =	vmov s29;
	v7, _, _ =	vpop (xrf0)  }
0x22e: {  	v10 =	vmov s30;
	v6 =	vand.u32 $0xFFFFFFFE, v6;
	v5 =	vbroadcast v5, $0x0;
	v8, _, _ =	vpop (xrf0)  }
0x22f: {  	v6 =	vbroadcast v6, $0x0;
	v9, _, _ =	vpop (xrf0)  }
0x230: {  	v11, _, _ =	vpop (xrf0)  }
0x231: {  	v12, _, _ =	vpop (xrf0)  }
0x232: {  	[tilespmem:v4+s16+$0x0] =	vst.idx.msk vm0, v7;
	(v2sf) =	vpush v12, $0xF  }
0x233: {  	[tilespmem:v10+s16+$0x0] =	vst.idx.msk vm0, v11  }
0x234: {  	[tilespmem:v5+s16+$0x0] =	vst.idx.msk vm0, v8  }
0x235: {  	[tilespmem:v6+s16+$0x0] =	vst.idx.msk vm0, v9  }
0x236: {  	v19 =	vld [tilespmem:$0x1E180]  }
0x237: {  	v18 =	vld [tilespmem:$0x1E190]  }
0x238: {  	v17 =	vld [tilespmem:$0x1E1A0]  }
0x239: {  	v16 =	vld [tilespmem:$0x1E1B0]  }
0x23a: {  	v15 =	vld [tilespmem:$0x1E1C0]  }
0x23b: {  	v14 =	vld [tilespmem:$0x1E1D0]  }
0x23c: {  	v13 =	vld [tilespmem:$0x1E1E0]  }
0x23d: {  	v12 =	vld [tilespmem:$0x1E1F0]  }
0x23e: {  	v11 =	vld [tilespmem:$0x1E200]  }
0x23f: {  	v10 =	vld [tilespmem:$0x1E210]  }
0x240: {  	v9 =	vld [tilespmem:$0x1E220]  }
0x241: {  	v8 =	vld [tilespmem:$0x1E230];
	s31 =	spop (v2sf)  }
0x242: {  	v7 =	vld [tilespmem:$0x1E240];
	s23 =	sadd.f32 $-1.000000000e+00, s31  }
0x243: {  	v4 =	vld [tilespmem:$0x1E250]  }
0x244: {  	v5 =	vld [tilespmem:$0x1E260];
	v20 =	vmov s23  }
0x245: {  	v6 =	vld [tilespmem:$0x1E270];
	v21 =	vadd.f32 $0.0e+00, v19;
	s23 =	simm.s32 $0x7;
	vm1 =	vgt.f32 v19, v20;
	vm2 =	vgt.f32 v18, v20  }
.LBB2_28:
0x246: {  	p0 =	sne.s32 s23, $0x1;
	v22 =	vsel vm1, $0x3F800000, v0;
	v23 =	vsel vm2, $0x3F800000, v0  }
0x247: {  	vm3 =	vgt.f32 v17, v20;
	v22 =	vadd.f32 v23, v22  }
0x248: {  	v23 =	vsel vm3, $0x3F800000, v0  }
0x249: {  	vm4 =	vgt.f32 v16, v20;
	v22 =	vadd.f32 v23, v22  }
0x24a: {  	v23 =	vsel vm4, $0x3F800000, v0  }
0x24b: {  	vm5 =	vgt.f32 v15, v20;
	v22 =	vadd.f32 v23, v22  }
0x24c: {  	v23 =	vsel vm5, $0x3F800000, v0  }
0x24d: {  	vm6 =	vgt.f32 v14, v20;
	v22 =	vadd.f32 v23, v22  }
0x24e: {  	v24 =	vnsel vm2, $0x0, v18;
	v25 =	vsel vm6, $0x3F800000, v0;
	v23 =	vnsel vm1, $0x0, v21  }
0x24f: {  	vm1 =	vgt.f32 v13, v20;
	v23 =	vadd.f32 v24, v23;
	v22 =	vadd.f32 v25, v22  }
0x250: {  	v24 =	vnsel vm3, $0x0, v17;
	v25 =	vsel vm1, $0x3F800000, v0  }
0x251: {  	vm2 =	vgt.f32 v12, v20;
	v23 =	vadd.f32 v24, v23;
	v22 =	vadd.f32 v25, v22  }
0x252: {  	v24 =	vnsel vm4, $0x0, v16;
	v25 =	vsel vm2, $0x3F800000, v0  }
0x253: {  	vm3 =	vgt.f32 v11, v20;
	v23 =	vadd.f32 v24, v23;
	v22 =	vadd.f32 v25, v22  }
0x254: {  	v24 =	vnsel vm5, $0x0, v15;
	v25 =	vsel vm3, $0x3F800000, v0  }
0x255: {  	vm4 =	vgt.f32 v10, v20;
	v23 =	vadd.f32 v24, v23;
	v22 =	vadd.f32 v25, v22  }
0x256: {  	v24 =	vnsel vm6, $0x0, v14;
	v25 =	vsel vm4, $0x3F800000, v0  }
0x257: {  	vm5 =	vgt.f32 v9, v20;
	v23 =	vadd.f32 v24, v23;
	v22 =	vadd.f32 v25, v22  }
0x258: {  	v24 =	vnsel vm1, $0x0, v13;
	v25 =	vsel vm5, $0x3F800000, v0  }
0x259: {  	vm1 =	vgt.f32 v8, v20;
	v23 =	vadd.f32 v24, v23;
	v22 =	vadd.f32 v25, v22  }
0x25a: {  	v24 =	vnsel vm2, $0x0, v12;
	v25 =	vsel vm1, $0x3F800000, v0  }
0x25b: {  	vm2 =	vgt.f32 v7, v20;
	v23 =	vadd.f32 v24, v23;
	v22 =	vadd.f32 v25, v22  }
0x25c: {  	v24 =	vnsel vm3, $0x0, v11;
	v25 =	vsel vm2, $0x3F800000, v0  }
0x25d: {  	vm3 =	vgt.f32 v4, v20;
	v23 =	vadd.f32 v24, v23;
	v22 =	vadd.f32 v25, v22  }
0x25e: {  	v24 =	vnsel vm4, $0x0, v10;
	v25 =	vsel vm3, $0x3F800000, v0  }
0x25f: {  	vm4 =	vgt.f32 v5, v20;
	v23 =	vadd.f32 v24, v23;
	v22 =	vadd.f32 v25, v22  }
0x260: {  	v24 =	vnsel vm5, $0x0, v9;
	v25 =	vsel vm4, $0x3F800000, v0  }
0x261: {  	vm5 =	vgt.f32 v6, v20;
	v23 =	vadd.f32 v24, v23;
	v22 =	vadd.f32 v25, v22  }
0x262: {  	v20 =	vnsel vm1, $0x0, v8;
	v24 =	vsel vm5, $0x3F800000, v0  }
0x263: {  	v20 =	vadd.f32 v20, v23;
	v22 =	vadd.f32 v24, v22  }
0x264: {  	v23 =	vnsel vm2, $0x0, v7  }
0x265: {  	v20 =	vadd.f32 v23, v20;
	(xrf2) =	vadd.scan.msk.f32 $0xffff, v22  }
0x266: {  	v22 =	vnsel vm3, $0x0, v4  }
0x267: {  	v20 =	vadd.f32 v22, v20  }
0x268: {  	v22 =	vnsel vm4, $0x0, v5  }
0x269: {  	v20 =	vadd.f32 v22, v20  }
0x26a: {  	v22 =	vnsel vm5, $0x0, v6  }
0x26b: {  	v20 =	vadd.f32 v22, v20;
	_ =	sdelay $0x1  }
0x26c: {  	(xrf2) =	vadd.scan.msk.f32 $0xffff, v20;
	_ =	sdelay $0x1  }
0x26d: {  	v20, _, _ =	vpop (xrf2)  }
0x26e: {  	v20 =	vbroadcast v20, $0xF;
	_ =	sdelay $0x1  }
0x26f: {  	(erf) = vrcp.f32 v20;
	_ =	sdelay $0x4  }
0x270: {  	v20, _, _ =	vpop (xrf2)  }
0x271: {  	v20 =	vadd.f32 $-1.000000000e+00, v20;
	_ =	sdelay $0x1  }
.Ltmp19:
0x272: {  	v20 =	vbroadcast v20, $0xF;
	(pc) =	sbr.rel @p0 .LBB2_28-.Ltmp19, $3  }
0x273: {  	v22 =	vpop (erf)  }
0x274: {  	v20 =	vmul.f32 v22, v20;
	_ =	sdelay $0x1  }
0x275: {  	s23 =	sadd.s32 $0xFFFFFFFF, s23;
	vm1 =	vgt.f32 v19, v20;
	vm2 =	vgt.f32 v18, v20  }
0x276: {  	v19 =	vsel vm1, $0x3F800000, v0;
	v22 =	vsel vm2, $0x3F800000, v0  }
0x277: {  	vm3 =	vgt.f32 v17, v20;
	v19 =	vadd.f32 v22, v19  }
0x278: {  	v40 =	vsel vm3, $0x3F800000, v0  }
0x279: {  	vm4 =	vgt.f32 v16, v20;
	v19 =	vadd.f32 v40, v19  }
0x27a: {  	v41 =	vsel vm4, $0x3F800000, v0  }
0x27b: {  	vm5 =	vgt.f32 v15, v20;
	v19 =	vadd.f32 v41, v19  }
0x27c: {  	v42 =	vsel vm5, $0x3F800000, v0  }
0x27d: {  	vm6 =	vgt.f32 v14, v20;
	v19 =	vadd.f32 v42, v19  }
0x27e: {  	v21 =	vnsel vm1, $0x0, v21;
	v18 =	vnsel vm2, $0x0, v18;
	v43 =	vsel vm6, $0x3F800000, v0  }
0x27f: {  	vm1 =	vgt.f32 v13, v20;
	v18 =	vadd.f32 v18, v21;
	v19 =	vadd.f32 v43, v19  }
0x280: {  	v17 =	vnsel vm3, $0x0, v17;
	v44 =	vsel vm1, $0x3F800000, v0  }
0x281: {  	vm2 =	vgt.f32 v12, v20;
	v17 =	vadd.f32 v17, v18;
	v45 =	vadd.f32 v44, v19  }
0x282: {  	v16 =	vnsel vm4, $0x0, v16;
	v46 =	vsel vm2, $0x3F800000, v0  }
0x283: {  	vm3 =	vgt.f32 v11, v20;
	v16 =	vadd.f32 v16, v17;
	v47 =	vadd.f32 v46, v45  }
0x284: {  	v15 =	vnsel vm5, $0x0, v15;
	v48 =	vsel vm3, $0x3F800000, v0  }
0x285: {  	vm12 =	vgt.f32 v10, v20;
	v15 =	vadd.f32 v15, v16;
	v49 =	vadd.f32 v48, v47  }
0x286: {  	v14 =	vnsel vm6, $0x0, v14;
	v50 =	vsel vm12, $0x3F800000, v0  }
0x287: {  	vm13 =	vgt.f32 v9, v20;
	v14 =	vadd.f32 v14, v15;
	v51 =	vadd.f32 v50, v49  }
0x288: {  	v13 =	vnsel vm1, $0x0, v13;
	v52 =	vsel vm13, $0x3F800000, v0  }
0x289: {  	vm1 =	vgt.f32 v8, v20;
	v13 =	vadd.f32 v13, v14;
	v53 =	vadd.f32 v52, v51  }
0x28a: {  	v12 =	vnsel vm2, $0x0, v12;
	v54 =	vsel vm1, $0x3F800000, v0  }
0x28b: {  	vm2 =	vgt.f32 v7, v20;
	v12 =	vadd.f32 v12, v13;
	v55 =	vadd.f32 v54, v53  }
0x28c: {  	v11 =	vnsel vm3, $0x0, v11;
	v56 =	vsel vm2, $0x3F800000, v0  }
0x28d: {  	vm3 =	vgt.f32 v4, v20;
	v11 =	vadd.f32 v11, v12;
	v57 =	vadd.f32 v56, v55  }
0x28e: {  	v10 =	vnsel vm12, $0x0, v10;
	v58 =	vsel vm3, $0x3F800000, v0  }
0x28f: {  	vm14 =	vgt.f32 v5, v20;
	v10 =	vadd.f32 v10, v11;
	v59 =	vadd.f32 v58, v57  }
0x290: {  	v9 =	vnsel vm13, $0x0, v9;
	v60 =	vsel vm14, $0x3F800000, v0  }
0x291: {  	vm15 =	vgt.f32 v6, v20;
	v9 =	vadd.f32 v9, v10;
	v61 =	vadd.f32 v60, v59  }
0x292: {  	v62 =	vsel vm15, $0x3F800000, v0;
	v8 =	vnsel vm1, $0x0, v8  }
0x293: {  	v8 =	vadd.f32 v8, v9;
	v63 =	vadd.f32 v62, v61  }
0x294: {  	v7 =	vnsel vm2, $0x0, v7  }
0x295: {  	v7 =	vadd.f32 v7, v8;
	(xrf2) =	vadd.scan.msk.f32 $0xffff, v63  }
0x296: {  	v4 =	vnsel vm3, $0x0, v4  }
0x297: {  	v4 =	vadd.f32 v4, v7  }
0x298: {  	v5 =	vnsel vm14, $0x0, v5  }
0x299: {  	v4 =	vadd.f32 v5, v4  }
0x29a: {  	v5 =	vnsel vm15, $0x0, v6  }
0x29b: {  	v4 =	vadd.f32 v5, v4;
	_ =	sdelay $0x1  }
0x29c: {  	(xrf2) =	vadd.scan.msk.f32 $0xffff, v4;
	_ =	sdelay $0x1  }
0x29d: {  	v4, _, _ =	vpop (xrf2)  }
0x29e: {  	v4 =	vbroadcast v4, $0xF;
	_ =	sdelay $0x1  }
0x29f: {  	(erf) = vrcp.f32 v4;
	_ =	sdelay $0x4  }
0x2a0: {  	v4, _, _ =	vpop (xrf2)  }
0x2a1: {  	v4 =	vadd.f32 $-1.000000000e+00, v4;
	_ =	sdelay $0x1  }
0x2a2: {  	v4 =	vbroadcast v4, $0xF  }
0x2a3: {  	s23 =	simm.s32 $0x1E180;
	v5 =	vpop (erf)  }
0x2a4: {  	s25 =	simm.s32 $0x0;
	s26 =	simm.s32 $0x10;
	v7 =	vld [tilespmem:s23+$0x0];
	v6 =	vimm.s32 $0x0;
	v4 =	vmul.f32 v5, v4;
	v5 =	vimm.s32 $0x0  }
.LBB2_30:
0x2a5: {  	p0 =	sne.s32 s26, $0xF0;
	_ =	sdelay $0x3  }
0x2a6: {  	vm1 =	vgt.f32 v7, v4  }
0x2a7: {  	v7 =	vsel vm1, $0x1, v1;
	v8 =	vmpcnt.ones.xlane vm1  }
0x2a8: {  	(xrf0) =	vadd.scan.msk.s32 $0xffff, v7  }
0x2a9: {  	v6 =	vadd.s32 v6, v8;
	_ =	sdelay $0x4  }
0x2aa: {  	v7, _, _ =	vpop (xrf0)  }
0x2ab: {  	v7 =	vadd.s32 v7, v5;
	v5 =	vmov v6  }
0x2ac: {  	v7 =	vadd.s32 $0xFFFFFFFF, v7;
	_ =	sdelay $0x1  }
.Ltmp20:
0x2ad: {  	(pc) =	sbr.rel @p0 .LBB2_30-.Ltmp20, $4  }
0x2ae: {  	_ = 	snop  }
0x2af: {  	v8 =	vor.u32 s25, v2;
	s25 =	smov.u32 s26  }
0x2b0: {  	s23 =	sadd.s32 $0x10, s23;
	[tilespmem:v7+s17+$0x0] =	vst.idx.msk vm1, v8  }
0x2b1: {  	s26 =	sadd.s32 $0x10, s26;
	v7 =	vld [tilespmem:s23+$0x0]  }
0x2b2: {  	_ =	sdelay $0x3  }
0x2b3: {  	vm1 =	vgt.f32 v7, v4  }
0x2b4: {  	v7 =	vmpcnt.ones.xlane vm1;
	_ =	sdelay $0x1  }
0x2b5: {  	v8 =	vsel vm1, $0x1, v1;
	v6 =	vadd.s32 v6, v7  }
0x2b6: {  	(xrf0) =	vadd.scan.msk.s32 $0xffff, v8;
	v6 =	vxor.u32 $0x80000000, v6  }
0x2b7: {  	(xrf0) =	vmax.scan.msk.u32 $0xffff, v6;
	_ =	sdelay $0x4  }
0x2b8: {  	v6, _, _ =	vpop (xrf0)  }
0x2b9: {  	v7, _, _ =	vpop (xrf0)  }
0x2ba: {  	(v2sf) =	vpush v7, $0xF;
	_ =	sdelay $0xe  }
0x2bb: {  	s23 =	spop (v2sf)  }
0x2bc: {  	v5 =	vadd.s32 v6, v5;
	s23 =	sxor.u32 $0x80000000, s23  }
0x2bd: {  	v5 =	vadd.s32 $0xFFFFFFFF, v5;
	p0 =	slt.s32 s23, $0x1  }
.Ltmp21:
0x2be: {  	_ = 	snop;
	(pc) =	sbr.rel @p0 .LBB2_33-.Ltmp21, $3  }
0x2bf: {  	_ =	sdelay $0x1  }
0x2c0: {  	v6 =	vor.u32 s25, v2  }
0x2c1: {  	s25 =	simm.s32 $0x1E280;
	[tilespmem:v5+s17+$0x0] =	vst.idx.msk vm1, v6;
	v5 =	vimm.s32 $0x0  }
.LBB2_32:
0x2c2: {  	v6 =	vld [tilespmem:s25+$0x0];
	_ =	sdelay $0x4  }
0x2c3: {  	(v2sf) =	vpush v6, $0x0;
	_ =	sdelay $0xe  }
0x2c4: {  	s26 =	spop (v2sf)  }
0x2c5: {  	s28 =	sshll.u32 s26, $0x9  }
0x2c6: {  	s28 =	sshra.s32 s28, $0x2  }
0x2c7: {  	v6 =	vld [tilespmem:s28+$0x8000];
	_ =	sdelay $0x4  }
0x2c8: {  	vm1 =	vgt.f32 v6, v4  }
0x2c9: {  	v7 =	vsel vm1, $0x1, v1  }
0x2ca: {  	(xrf0) =	vadd.scan.msk.s32 $0xffff, v7;
	_ =	sdelay $0x5  }
0x2cb: {  	v7, _, _ =	vpop (xrf0)  }
0x2cc: {  	v7 =	vadd.s32 v7, v5  }
0x2cd: {  	v7 =	vadd.s32 $0xFFFFFFFF, v7  }
0x2ce: {  	vm2 =	vlt.s32 v7, $0x2000  }
0x2cf: {  	vm2 =	vmand vm1, vm2;
	_ =	sdelay $0x4  }
0x2d0: {  	s26 =	sshll.u32 s26, $0x7  }
0x2d1: {  	[tilespmem:v7+s18+$0x0] =	vst.idx.msk vm2, v6;
	v6 =	vor.u32 s26, v2  }
0x2d2: {  	[tilespmem:v7+s21+$0x0] =	vst.idx.msk vm2, v6  }
0x2d3: {  	v6 =	vld [tilespmem:s28+$0x8010];
	_ =	sdelay $0x4  }
0x2d4: {  	vm2 =	vgt.f32 v6, v4  }
0x2d5: {  	v7 =	vsel vm2, $0x1, v1  }
0x2d6: {  	(xrf0) =	vadd.scan.msk.s32 $0xffff, v7;
	_ =	sdelay $0x1  }
0x2d7: {  	v7 =	vmpcnt.ones.xlane vm1;
	_ =	sdelay $0x3  }
0x2d8: {  	v5 =	vadd.s32 v5, v7;
	v7, _, _ =	vpop (xrf0)  }
0x2d9: {  	v7 =	vadd.s32 v7, v5  }
0x2da: {  	v7 =	vadd.s32 $0xFFFFFFFF, v7  }
0x2db: {  	vm1 =	vlt.s32 v7, $0x2000  }
0x2dc: {  	vm1 =	vmand vm2, vm1;
	_ =	sdelay $0x4  }
0x2dd: {  	s29 =	sor.u32 $0x10, s26  }
0x2de: {  	[tilespmem:v7+s18+$0x0] =	vst.idx.msk vm1, v6;
	v6 =	vor.u32 s29, v2  }
0x2df: {  	[tilespmem:v7+s21+$0x0] =	vst.idx.msk vm1, v6  }
0x2e0: {  	v6 =	vld [tilespmem:s28+$0x8020];
	_ =	sdelay $0x4  }
0x2e1: {  	vm1 =	vgt.f32 v6, v4  }
0x2e2: {  	v7 =	vsel vm1, $0x1, v1  }
0x2e3: {  	(xrf0) =	vadd.scan.msk.s32 $0xffff, v7;
	_ =	sdelay $0x1  }
0x2e4: {  	v7 =	vmpcnt.ones.xlane vm2;
	_ =	sdelay $0x3  }
0x2e5: {  	v5 =	vadd.s32 v5, v7;
	v7, _, _ =	vpop (xrf0)  }
0x2e6: {  	v7 =	vadd.s32 v7, v5  }
0x2e7: {  	v7 =	vadd.s32 $0xFFFFFFFF, v7  }
0x2e8: {  	vm2 =	vlt.s32 v7, $0x2000  }
0x2e9: {  	vm2 =	vmand vm1, vm2;
	_ =	sdelay $0x4  }
0x2ea: {  	s31 =	sor.u32 $0x20, s26  }
0x2eb: {  	[tilespmem:v7+s18+$0x0] =	vst.idx.msk vm2, v6;
	v6 =	vor.u32 s31, v2  }
0x2ec: {  	[tilespmem:v7+s21+$0x0] =	vst.idx.msk vm2, v6  }
0x2ed: {  	v6 =	vld [tilespmem:s28+$0x8030];
	_ =	sdelay $0x4  }
0x2ee: {  	vm2 =	vgt.f32 v6, v4  }
0x2ef: {  	v7 =	vsel vm2, $0x1, v1  }
0x2f0: {  	(xrf0) =	vadd.scan.msk.s32 $0xffff, v7;
	_ =	sdelay $0x1  }
0x2f1: {  	v7 =	vmpcnt.ones.xlane vm1;
	_ =	sdelay $0x3  }
0x2f2: {  	v5 =	vadd.s32 v5, v7;
	v7, _, _ =	vpop (xrf0)  }
0x2f3: {  	v7 =	vadd.s32 v7, v5  }
0x2f4: {  	v7 =	vadd.s32 $0xFFFFFFFF, v7  }
0x2f5: {  	vm1 =	vlt.s32 v7, $0x2000  }
0x2f6: {  	vm1 =	vmand vm2, vm1;
	_ =	sdelay $0x4  }
0x2f7: {  	s30 =	sor.u32 $0x30, s26  }
0x2f8: {  	[tilespmem:v7+s18+$0x0] =	vst.idx.msk vm1, v6;
	v6 =	vor.u32 s30, v2  }
0x2f9: {  	[tilespmem:v7+s21+$0x0] =	vst.idx.msk vm1, v6  }
0x2fa: {  	v6 =	vld [tilespmem:s28+$0x8040];
	_ =	sdelay $0x4  }
0x2fb: {  	vm1 =	vgt.f32 v6, v4  }
0x2fc: {  	v7 =	vsel vm1, $0x1, v1  }
0x2fd: {  	(xrf0) =	vadd.scan.msk.s32 $0xffff, v7;
	_ =	sdelay $0x1  }
0x2fe: {  	v7 =	vmpcnt.ones.xlane vm2;
	_ =	sdelay $0x3  }
0x2ff: {  	v5 =	vadd.s32 v5, v7;
	v7, _, _ =	vpop (xrf0)  }
0x300: {  	v7 =	vadd.s32 v7, v5  }
0x301: {  	v7 =	vadd.s32 $0xFFFFFFFF, v7  }
0x302: {  	vm2 =	vlt.s32 v7, $0x2000  }
0x303: {  	vm2 =	vmand vm1, vm2;
	_ =	sdelay $0x4  }
0x304: {  	s31 =	sor.u32 $0x40, s26  }
0x305: {  	[tilespmem:v7+s18+$0x0] =	vst.idx.msk vm2, v6;
	v6 =	vor.u32 s31, v2  }
0x306: {  	[tilespmem:v7+s21+$0x0] =	vst.idx.msk vm2, v6  }
0x307: {  	v6 =	vld [tilespmem:s28+$0x8050];
	_ =	sdelay $0x4  }
0x308: {  	vm2 =	vgt.f32 v6, v4  }
0x309: {  	v7 =	vsel vm2, $0x1, v1  }
0x30a: {  	(xrf0) =	vadd.scan.msk.s32 $0xffff, v7;
	_ =	sdelay $0x1  }
0x30b: {  	v7 =	vmpcnt.ones.xlane vm1;
	_ =	sdelay $0x3  }
0x30c: {  	v5 =	vadd.s32 v5, v7;
	v7, _, _ =	vpop (xrf0)  }
0x30d: {  	v7 =	vadd.s32 v7, v5  }
0x30e: {  	v7 =	vadd.s32 $0xFFFFFFFF, v7  }
0x30f: {  	vm1 =	vlt.s32 v7, $0x2000  }
0x310: {  	vm1 =	vmand vm2, vm1;
	_ =	sdelay $0x4  }
0x311: {  	s30 =	sor.u32 $0x50, s26  }
0x312: {  	[tilespmem:v7+s18+$0x0] =	vst.idx.msk vm1, v6;
	v6 =	vor.u32 s30, v2  }
0x313: {  	[tilespmem:v7+s21+$0x0] =	vst.idx.msk vm1, v6  }
0x314: {  	v6 =	vld [tilespmem:s28+$0x8060];
	_ =	sdelay $0x4  }
0x315: {  	vm1 =	vgt.f32 v6, v4  }
0x316: {  	v7 =	vsel vm1, $0x1, v1  }
0x317: {  	(xrf0) =	vadd.scan.msk.s32 $0xffff, v7;
	_ =	sdelay $0x1  }
0x318: {  	v7 =	vmpcnt.ones.xlane vm2;
	_ =	sdelay $0x3  }
0x319: {  	v5 =	vadd.s32 v5, v7;
	v7, _, _ =	vpop (xrf0)  }
0x31a: {  	v7 =	vadd.s32 v7, v5  }
0x31b: {  	v7 =	vadd.s32 $0xFFFFFFFF, v7  }
0x31c: {  	vm2 =	vlt.s32 v7, $0x2000  }
0x31d: {  	vm2 =	vmand vm1, vm2;
	_ =	sdelay $0x4  }
0x31e: {  	s31 =	sor.u32 $0x60, s26  }
0x31f: {  	[tilespmem:v7+s18+$0x0] =	vst.idx.msk vm2, v6;
	v6 =	vor.u32 s31, v2  }
0x320: {  	[tilespmem:v7+s21+$0x0] =	vst.idx.msk vm2, v6  }
0x321: {  	v6 =	vld [tilespmem:s28+$0x8070];
	_ =	sdelay $0x4  }
0x322: {  	vm2 =	vgt.f32 v6, v4  }
0x323: {  	v7 =	vsel vm2, $0x1, v1  }
0x324: {  	(xrf0) =	vadd.scan.msk.s32 $0xffff, v7;
	_ =	sdelay $0x1  }
0x325: {  	v7 =	vmpcnt.ones.xlane vm1;
	_ =	sdelay $0x3  }
0x326: {  	v5 =	vadd.s32 v5, v7;
	v7, _, _ =	vpop (xrf0)  }
0x327: {  	v7 =	vadd.s32 v7, v5  }
0x328: {  	v7 =	vadd.s32 $0xFFFFFFFF, v7  }
0x329: {  	vm1 =	vlt.s32 v7, $0x2000  }
0x32a: {  	vm1 =	vmand vm2, vm1;
	_ =	sdelay $0x1  }
0x32b: {  	p0 =	sne.s32 s23, $0x1  }
.Ltmp22:
0x32c: {  	_ = 	snop;
	(pc) =	sbr.rel @p0 .LBB2_32-.Ltmp22, $4  }
0x32d: {  	_ = 	snop  }
0x32e: {  	s26 =	sor.u32 $0x70, s26;
	v8 =	vmpcnt.ones.xlane vm2  }
0x32f: {  	[tilespmem:v7+s18+$0x0] =	vst.idx.msk vm1, v6;
	v6 =	vor.u32 s26, v2  }
0x330: {  	s25 =	sadd.s32 $0x1, s25;
	s23 =	sadd.s32 $0xFFFFFFFF, s23;
	v5 =	vadd.s32 v5, v8;
	[tilespmem:v7+s21+$0x0] =	vst.idx.msk vm1, v6  }
.LBB2_33:
0x331: {  	v6 =	vxor.u32 $0x80000000, v5  }
0x332: {  	(xrf0) =	vmax.scan.msk.u32 $0xffff, v6;
	_ =	sdelay $0x5  }
0x333: {  	v6, _, _ =	vpop (xrf0)  }
0x334: {  	(v2sf) =	vpush v6, $0xF;
	_ =	sdelay $0xc  }
0x335: {  	v5 =	vadd.s32 v2, v5  }
0x336: {  	vm1 =	vlt.s32 v5, $0x200F  }
0x337: {  	v5 =	vnsel vm1, $0x200F, v5;
	s23 =	spop (v2sf)  }
0x338: {  	s23 =	sxor.u32 $0x80000000, s23  }
.Ltmp23:
0x339: {  	p0 =	slt.s32 s23, $0x2000;
	(pc) =	sbr.rel .LBB2_34-.Ltmp23, $4  }
0x33a: {  	s23 =	simm.s32 @!p0 $0x2000  }
0x33b: {  	s23 =	sadd.s32 $0xF, s23  }
0x33c: {  	[tilespmem:v5+s18+$0x0] =	vst.idx.msk $0xffff, v3;
	s23 =	sshrl.u32 s23, $0x4  }
0x33d: {  	s25 =	simm.s32 $0x0;
	[tilespmem:v5+s21+$0x0] =	vst.idx.msk $0xffff, v1;
	p0 =	seq.s32 s23, $0x0  }
.LBB2_35:
0x33e: {  	v4 =	vimm.f32 $0.0e+00  }
.LBB2_39:
0x33f: {  	(xrf2) =	vadd.scan.msk.f32 $0xffff, v5  }
0x340: {  	(xrf2) =	vadd.scan.msk.f32 $0xffff, v4;
	_ =	sdelay $0x8  }
0x341: {  	v4, _, _ =	vpop (xrf2)  }
0x342: {  	v5, _, _ =	vpop (xrf2)  }
0x343: {  	v5 =	vbroadcast v5, $0xF;
	_ =	sdelay $0x1  }
0x344: {  	(erf) = vrcp.f32 v5;
	_ =	sdelay $0x3  }
0x345: {  	s25 =	sadd.s32 $0x1, s25  }
0x346: {  	p1 =	sne.s32 s25, $0xC  }
.Ltmp24:
0x347: {  	v4 =	vadd.f32 $-1.000000000e+00, v4;
	(pc) =	sbr.rel @!p1 .LBB2_40-.Ltmp24, $4  }
0x348: {  	_ = 	snop  }
0x349: {  	v4 =	vbroadcast v4, $0xF  }
0x34a: {  	v5 =	vpop (erf)  }
0x34b: {  	v4 =	vmul.f32 v5, v4  }
.LBB2_34:
.Ltmp25:
0x34c: {  	(pc) =	sbr.rel @p0 .LBB2_35-.Ltmp25, $2  }
0x34d: {  	_ =	sdelay $0x2  }
0x34e: {  	s28 =	simm.s32 $0x18000;
	v5 =	vimm.f32 $0.0e+00  }
0x34f: {  	v6 =	vld [tilespmem:s28+$0x0];
	p1 =	sne.s32 s23, $0x1  }
.Ltmp26:
0x350: {  	_ = 	snop;
	(pc) =	sbr.rel @!p1 .LBB2_38-.Ltmp26, $2  }
0x351: {  	_ =	sdelay $0x2  }
0x352: {  	s26 =	sadd.s32 $0xFFFFFFFF, s23;
	s28 =	sadd.s32 $0x10, s28;
	v7 =	vimm.f32 $0.0e+00;
	vm1 =	vgt.f32 v6, v4  }
.LBB2_37:
0x353: {  	p1 =	sne.s32 s26, $0x1;
	s26 =	sadd.s32 $0xFFFFFFFF, s26;
	v8 =	vnsel vm1, $0x0, v6;
	v6 =	vld [tilespmem:s28+$0x0];
	v9 =	vsel vm1, $0x3F800000, v0  }
.Ltmp27:
0x354: {  	v5 =	vadd.f32 v8, v5;
	v7 =	vadd.f32 v9, v7;
	(pc) =	sbr.rel @p1 .LBB2_37-.Ltmp27, $2  }
0x355: {  	_ =	sdelay $0x2  }
0x356: {  	s28 =	sadd.s32 $0x10, s28;
	vm1 =	vgt.f32 v6, v4  }
.LBB2_38:
.Ltmp28:
0x357: {  	(pc) =	sbr.rel .LBB2_39-.Ltmp28, $4  }
0x358: {  	_ = 	snop  }
0x359: {  	v4 =	vnsel vm1, $0x0, v6  }
0x35a: {  	v6 =	vsel vm1, $0x3F800000, v0;
	v5 =	vadd.f32 v4, v5  }
0x35b: {  	v4 =	vadd.f32 v6, v7  }
.LBB2_40:
0x35c: {  	p1 =	sne.s32 s24, $0x0  }
.Ltmp29:
0x35d: {  	_ = 	snop;
	(pc) =	sbr.rel @!p1 .LBB2_41-.Ltmp29, $4  }
0x35e: {  	_ = 	snop  }
0x35f: {  	_ =	swait.ge [sflag:s22], $0x8000  }
0x360: {  	[sflag:s22] =	ssyncset.done $0x0  }
0x361: {  	s25 =	simm.s32 $0x1A080;
	[sflag:s22] =	ssyncadd.s32 $0xFFFF8000  }
0x362: {  	p1 =	seq.s32 s24, $0x1  }
.Ltmp30:
0x363: {  	_ = 	snop;
	(pc) =	sbr.rel @p1 .LBB2_46-.Ltmp30, $2  }
0x364: {  	_ =	sdelay $0x2  }
0x365: {  	v5 =	vld [tilespmem:s25+$0x0];
	s24 =	sadd.s32 $0xFFFFFFFF, s24  }
.LBB2_45:
0x366: {  	p1 =	seq.s32 s24, $0x1;
	_ =	sdelay $0x3  }
.Ltmp31:
0x367: {  	(pc) =	sbr.rel @!p1 .LBB2_45-.Ltmp31, $3  }
0x368: {  	_ =	sdelay $0x1  }
0x369: {  	s25 =	sadd.s32 $0x10, s25;
	[tilespmem:v5+s20+$0x0] =	vst.idx.msk $0xffff, v0  }
0x36a: {  	s24 =	sadd.s32 $0xFFFFFFFF, s24;
	v5 =	vld [tilespmem:s25+$0x0]  }
.LBB2_46:
0x36b: {  	_ =	sdelay $0x7  }
0x36c: {  	[tilespmem:v5+s20+$0x0] =	vst.idx.msk $0xffff, v0  }
.LBB2_41:
.Ltmp32:
0x36d: {  	(pc) =	sbr.rel @p0 .LBB2_51-.Ltmp32, $1  }
0x36e: {  	_ =	sdelay $0x3  }
0x36f: {  	p1 =	sne.s32 s23, $0x1  }
.Ltmp33:
0x370: {  	_ = 	snop;
	(pc) =	sbr.rel @!p1 .LBB2_43-.Ltmp33, $3  }
0x371: {  	_ =	sdelay $0x1  }
0x372: {  	s25 =	simm.s32 $0x18000  }
0x373: {  	s24 =	simm.s32 $0x1C100;
	p0 =	por $0x0, $0x0;
	v5 =	vld [tilespmem:s25+$0x0];
	s25 =	sadd.s32 $0xFFFFFFFF, s23  }
0x374: {  	_ =	sdelay $0x1  }
0x375: {  	v6 =	vld [tilespmem:s24+$0x0];
	_ =	sdelay $0x1  }
0x376: {  	vm1 =	vgt.f32 v5, v4;
	_ =	sdelay $0x1  }
0x377: {  	p1 =	sne.s32 s25, $0x1  }
.Ltmp34:
0x378: {  	v5 =	vsub.f32 v5, v4;
	(pc) =	sbr.rel @!p1 .LBB2_48-.Ltmp34, $4  }
0x379: {  	_ = 	snop  }
0x37a: {  	v5 =	vmax.f32 v5, $0.0e+00  }
0x37b: {  	s26 =	simm.s32 $0x18010;
	[tilespmem:v6+s20+$0x0] =	vst.idx.msk vm1, v5  }
0x37c: {  	s28 =	sadd.s32 $0xFFFFFFFF, s25;
	p0 =	por $0x1, $0x1;
	s25 =	simm.s32 $0x1C100;
	v5 =	vld [tilespmem:s26+$0x0]  }
.LBB2_49:
0x37d: {  	p1 =	sne.s32 s28, $0x1  }
0x37e: {  	s25 =	sadd.s32 $0x10, s25  }
0x37f: {  	v6 =	vld [tilespmem:s25+$0x0];
	_ =	sdelay $0x1  }
0x380: {  	vm1 =	vgt.f32 v5, v4;
	_ =	sdelay $0x2  }
.Ltmp35:
0x381: {  	v5 =	vsub.f32 v5, v4;
	(pc) =	sbr.rel @p1 .LBB2_49-.Ltmp35, $4  }
0x382: {  	_ = 	snop  }
0x383: {  	v5 =	vmax.f32 v5, $0.0e+00  }
0x384: {  	s26 =	sadd.s32 $0x10, s26;
	[tilespmem:v6+s20+$0x0] =	vst.idx.msk vm1, v5  }
0x385: {  	s28 =	sadd.s32 $0xFFFFFFFF, s28;
	v5 =	vld [tilespmem:s26+$0x0]  }
.LBB2_50:
0x386: {  	s25 =	sadd.s32 @p0 $0x10, s25  }
0x387: {  	s24 =	smov.u32 @p0 s25  }
0x388: {  	v6 =	vld [tilespmem:s24+$0x0];
	_ =	sdelay $0x1  }
0x389: {  	vm1 =	vgt.f32 v5, v4;
	_ =	sdelay $0x2  }
0x38a: {  	v4 =	vsub.f32 v5, v4;
	_ =	sdelay $0x1  }
0x38b: {  	v4 =	vmax.f32 v4, $0.0e+00  }
0x38c: {  	[tilespmem:v6+s20+$0x0] =	vst.idx.msk vm1, v4  }
.LBB2_51:
0x38d: {  	[hbm4b:s7+s12] =	stream.strided.scatter [tilespmem:s20], [sflag:$0x2], $0x8000, s13, s12, $0x38;
	[tilespmem:$0x1E400] =	vst v63  }
0x38e: {  	_ =	swait.ge [sflag:s14], $0x8000  }
0x38f: {  	[sflag:s14] =	ssyncset.done $0x0  }
0x390: {  	s25 =	simm.s32 $0x100;
	[sflag:s14] =	ssyncadd.s32 $0xFFFF8000  }
0x391: {  	[tilespmem:s15], [sflag:$0x1] =	stream.strided.gather [hbm4b:s8+s12], $0x8000, s13, s12, $0x38;
	[tilespmem:$0x1E400] =	vst v63  }
0x392: {  	v4 =	vld [tilespmem:s25+$0xFFFFFF00]  }
0x393: {  	v5 =	vld [tilespmem:s25+$0xFFFFFF10]  }
0x394: {  	v6 =	vld [tilespmem:s25+$0xFFFFFF20]  }
0x395: {  	v8 =	vld [tilespmem:s25+$0xFFFFFF30]  }
0x396: {  	v7 =	vld [tilespmem:s25+$0xFFFFFF40]  }
0x397: {  	v10 =	vld [tilespmem:s25+$0xFFFFFF50]  }
0x398: {  	v11 =	vld [tilespmem:s25+$0xFFFFFF60]  }
0x399: {  	v12 =	vld [tilespmem:s25+$0xFFFFFF70]  }
0x39a: {  	v13 =	vld [tilespmem:s25+$0xFFFFFF80]  }
0x39b: {  	v14 =	vld [tilespmem:s25+$0xFFFFFF90]  }
0x39c: {  	v15 =	vld [tilespmem:s25+$0xFFFFFFA0]  }
0x39d: {  	v16 =	vld [tilespmem:s25+$0xFFFFFFB0]  }
0x39e: {  	v17 =	vld [tilespmem:s25+$0xFFFFFFC0]  }
0x39f: {  	v18 =	vld [tilespmem:s25+$0xFFFFFFD0]  }
0x3a0: {  	v19 =	vld [tilespmem:s25+$0xFFFFFFE0]  }
0x3a1: {  	v20 =	vld [tilespmem:s25+$0xFFFFFFF0]  }
0x3a2: {  	v21 =	vld [tilespmem:s25+$0x0]  }
0x3a3: {  	v22 =	vld [tilespmem:s25+$0x10]  }
0x3a4: {  	v23 =	vld [tilespmem:s25+$0x20]  }
0x3a5: {  	v24 =	vld [tilespmem:s25+$0x30]  }
0x3a6: {  	v25 =	vld [tilespmem:s25+$0x40]  }
0x3a7: {  	v27 =	vld [tilespmem:s25+$0x50]  }
0x3a8: {  	v26 =	vld [tilespmem:s25+$0x60]  }
0x3a9: {  	v28 =	vld [tilespmem:s25+$0x70]  }
0x3aa: {  	v29 =	vld [tilespmem:s25+$0x80]  }
0x3ab: {  	v30 =	vld [tilespmem:s25+$0x90]  }
0x3ac: {  	v31 =	vld [tilespmem:s25+$0xA0]  }
0x3ad: {  	s24 =	simm.s32 $0x0;
	v9 =	vimm.f32 $-3.000000010e+38;
	s26 =	simm.s32 $0x4;
	v32 =	vld [tilespmem:s25+$0xB0]  }
.LBB2_52:
0x3ae: {  	p0 =	slt.u32 s26, $0xFC;
	v33 =	vmov s24;
	s28 =	sadd.s32 $0x1, s24;
	v34 =	vld [tilespmem:s25+$0xC0]  }
0x3af: {  	v33 =	vand.u32 $0xFFFFFFFC, v33;
	v35 =	vmov s28;
	s28 =	sadd.s32 $0x2, s24;
	v36 =	vld [tilespmem:s25+$0xD0]  }
0x3b0: {  	v33 =	vbroadcast v33, $0x0;
	v35 =	vand.u32 $0xFFFFFFFD, v35;
	v37 =	vmov s28;
	v38 =	vld [tilespmem:s25+$0xE0]  }
0x3b1: {  	v39 =	vmax.f32 v4, v5;
	v40 =	vmax.f32 v6, v8;
	v37 =	vand.u32 $0xFFFFFFFE, v37;
	v41 =	vld [tilespmem:s25+$0xF0];
	s25 =	sadd.s32 $0x200, s25  }
0x3b2: {  	v42 =	vmax.f32 v7, v10;
	v11 =	vmax.f32 v11, v12;
	v12 =	vmax.f32 v13, v14;
	v4 =	vld [tilespmem:s25+$0xFFFFFF00]  }
0x3b3: {  	v13 =	vmax.f32 v15, v16;
	v14 =	vmax.f32 v17, v18;
	v15 =	vmax.f32 v19, v20;
	v5 =	vld [tilespmem:s25+$0xFFFFFF10]  }
0x3b4: {  	v16 =	vmax.f32 v21, v22;
	v17 =	vmax.f32 v23, v24;
	v18 =	vmax.f32 v25, v27;
	v6 =	vld [tilespmem:s25+$0xFFFFFF20]  }
0x3b5: {  	v19 =	vmax.f32 v26, v28;
	v20 =	vmax.f32 v29, v30;
	v21 =	vmax.f32 v31, v32;
	v8 =	vld [tilespmem:s25+$0xFFFFFF30]  }
0x3b6: {  	v22 =	vmax.f32 v39, v40;
	v23 =	vmax.f32 v34, v36;
	v7 =	vld [tilespmem:s25+$0xFFFFFF40];
	v24 =	vmax.f32 v38, v41  }
0x3b7: {  	v25 =	vmax.f32 v42, v11;
	v13 =	vmax.f32 v12, v13;
	v14 =	vmax.f32 v14, v15;
	v10 =	vld [tilespmem:s25+$0xFFFFFF50]  }
0x3b8: {  	v16 =	vmax.f32 v16, v17;
	v17 =	vmax.f32 v18, v19;
	v15 =	vmax.f32 v22, v25;
	v11 =	vld [tilespmem:s25+$0xFFFFFF60]  }
0x3b9: {  	v14 =	vmax.f32 v13, v14;
	v9 =	vmax.f32 v9, v15;
	v18 =	vmax.f32 v20, v21;
	v12 =	vld [tilespmem:s25+$0xFFFFFF70];
	(xrf0) =	vmax.scan.msk.f32 $0xffff, v15  }
0x3ba: {  	v9 =	vmax.f32 v9, v14;
	v15 =	vmax.f32 v16, v17;
	v16 =	vmax.f32 v23, v24;
	v13 =	vld [tilespmem:s25+$0xFFFFFF80];
	(xrf0) =	vmax.scan.msk.f32 $0xffff, v14  }
0x3bb: {  	v21 =	vbroadcast v35, $0x0;
	v9 =	vmax.f32 v9, v15;
	v16 =	vmax.f32 v18, v16;
	v14 =	vld [tilespmem:s25+$0xFFFFFF90];
	(xrf0) =	vmax.scan.msk.f32 $0xffff, v15  }
0x3bc: {  	v22 =	vbroadcast v37, $0x0;
	v9 =	vmax.f32 v9, v16;
	v15 =	vld [tilespmem:s25+$0xFFFFFFA0];
	(xrf0) =	vmax.scan.msk.f32 $0xffff, v16  }
0x3bd: {  	s28 =	sadd.s32 $0x3, s24;
	s24 =	smov.u32 s26;
	v16 =	vld [tilespmem:s25+$0xFFFFFFB0]  }
0x3be: {  	v23 =	vmov s28;
	v17 =	vld [tilespmem:s25+$0xFFFFFFC0]  }
0x3bf: {  	v18 =	vld [tilespmem:s25+$0xFFFFFFD0];
	v20, _, _ =	vpop (xrf0)  }
0x3c0: {  	v19 =	vld [tilespmem:s25+$0xFFFFFFE0];
	[tilespmem:v33+s16+$0x0] =	vst.idx.msk vm0, v20;
	v24, _, _ =	vpop (xrf0)  }
0x3c1: {  	v20 =	vld [tilespmem:s25+$0xFFFFFFF0];
	[tilespmem:v21+s16+$0x0] =	vst.idx.msk vm0, v24;
	v24, _, _ =	vpop (xrf0)  }
0x3c2: {  	v21 =	vld [tilespmem:s25+$0x0];
	[tilespmem:v22+s16+$0x0] =	vst.idx.msk vm0, v24;
	v24, _, _ =	vpop (xrf0)  }
0x3c3: {  	v22 =	vld [tilespmem:s25+$0x10];
	[tilespmem:v23+s16+$0x0] =	vst.idx.msk vm0, v24  }
0x3c4: {  	v23 =	vld [tilespmem:s25+$0x20]  }
0x3c5: {  	v24 =	vld [tilespmem:s25+$0x30]  }
0x3c6: {  	v25 =	vld [tilespmem:s25+$0x40]  }
0x3c7: {  	v27 =	vld [tilespmem:s25+$0x50]  }
0x3c8: {  	v26 =	vld [tilespmem:s25+$0x60]  }
.Ltmp36:
0x3c9: {  	v28 =	vld [tilespmem:s25+$0x70];
	(pc) =	sbr.rel @p0 .LBB2_52-.Ltmp36, $4  }
0x3ca: {  	v29 =	vld [tilespmem:s25+$0x80]  }
0x3cb: {  	v30 =	vld [tilespmem:s25+$0x90]  }
0x3cc: {  	v31 =	vld [tilespmem:s25+$0xA0]  }
0x3cd: {  	s26 =	sadd.s32 $0x4, s26;
	v32 =	vld [tilespmem:s25+$0xB0]  }
0x3ce: {  	v33 =	vld [tilespmem:s25+$0xC0];
	v4 =	vmax.f32 v4, v5;
	v5 =	vmax.f32 v6, v8  }
0x3cf: {  	v34 =	vld [tilespmem:s25+$0xD0];
	v7 =	vmax.f32 v7, v10;
	v8 =	vmax.f32 v11, v12;
	v10 =	vmax.f32 v13, v14  }
0x3d0: {  	v35 =	vld [tilespmem:s25+$0xE0];
	v11 =	vmax.f32 v15, v16;
	v12 =	vmax.f32 v17, v18;
	v13 =	vmax.f32 v19, v20  }
0x3d1: {  	v6 =	vld [tilespmem:s25+$0xF0];
	v14 =	vmax.f32 v21, v22;
	v15 =	vmax.f32 v23, v24;
	v16 =	vmax.f32 v25, v27  }
0x3d2: {  	v17 =	vmax.f32 v26, v28;
	v4 =	vmax.f32 v4, v5;
	v7 =	vmax.f32 v7, v8  }
0x3d3: {  	v8 =	vmax.f32 v10, v11;
	v10 =	vmax.f32 v12, v13;
	v11 =	vmax.f32 v16, v17  }
0x3d4: {  	v18 =	vmax.f32 v29, v30;
	v4 =	vmax.f32 v4, v7;
	v7 =	vmax.f32 v14, v15  }
0x3d5: {  	v8 =	vmax.f32 v8, v10;
	v9 =	vmax.f32 v9, v4;
	v7 =	vmax.f32 v7, v11  }
0x3d6: {  	(xrf0) =	vmax.scan.msk.f32 $0xffff, v4;
	v19 =	vmax.f32 v31, v32;
	v5 =	vmax.f32 v33, v34;
	v6 =	vmax.f32 v35, v6  }
0x3d7: {  	v4 =	vmax.f32 v9, v8;
	(xrf0) =	vmax.scan.msk.f32 $0xffff, v8;
	v10 =	vmax.f32 v18, v19;
	v5 =	vmax.f32 v5, v6  }
0x3d8: {  	v4 =	vmax.f32 v4, v7;
	(xrf0) =	vmax.scan.msk.f32 $0xffff, v7;
	v5 =	vmax.f32 v10, v5  }
0x3d9: {  	v6 =	vmov s24;
	v4 =	vmax.f32 v4, v5;
	(xrf0) =	vmax.scan.msk.f32 $0xffff, v5  }
0x3da: {  	s28 =	sadd.s32 $0x1, s24;
	v5 =	vand.u32 $0xFFFFFFFC, v6;
	(xrf0) =	vmax.scan.msk.f32 $0xffff, v4  }
0x3db: {  	s29 =	sadd.s32 $0x2, s24;
	v6 =	vmov s28;
	v4 =	vbroadcast v5, $0x0  }
0x3dc: {  	s30 =	sadd.s32 $0x3, s24;
	v5 =	vand.u32 $0xFFFFFFFD, v6;
	v6 =	vmov s29;
	v7, _, _ =	vpop (xrf0)  }
0x3dd: {  	v10 =	vmov s30;
	v6 =	vand.u32 $0xFFFFFFFE, v6;
	v5 =	vbroadcast v5, $0x0;
	v8, _, _ =	vpop (xrf0)  }
0x3de: {  	v6 =	vbroadcast v6, $0x0;
	v9, _, _ =	vpop (xrf0)  }
0x3df: {  	v11, _, _ =	vpop (xrf0)  }
0x3e0: {  	v12, _, _ =	vpop (xrf0)  }
0x3e1: {  	[tilespmem:v4+s16+$0x0] =	vst.idx.msk vm0, v7;
	(v2sf) =	vpush v12, $0xF  }
0x3e2: {  	[tilespmem:v10+s16+$0x0] =	vst.idx.msk vm0, v11  }
0x3e3: {  	[tilespmem:v5+s16+$0x0] =	vst.idx.msk vm0, v8  }
0x3e4: {  	[tilespmem:v6+s16+$0x0] =	vst.idx.msk vm0, v9  }
0x3e5: {  	v19 =	vld [tilespmem:$0x1E180]  }
0x3e6: {  	v18 =	vld [tilespmem:$0x1E190]  }
0x3e7: {  	v17 =	vld [tilespmem:$0x1E1A0]  }
0x3e8: {  	v16 =	vld [tilespmem:$0x1E1B0]  }
0x3e9: {  	v15 =	vld [tilespmem:$0x1E1C0]  }
0x3ea: {  	v14 =	vld [tilespmem:$0x1E1D0]  }
0x3eb: {  	v13 =	vld [tilespmem:$0x1E1E0]  }
0x3ec: {  	v12 =	vld [tilespmem:$0x1E1F0]  }
0x3ed: {  	v11 =	vld [tilespmem:$0x1E200]  }
0x3ee: {  	v10 =	vld [tilespmem:$0x1E210]  }
0x3ef: {  	v9 =	vld [tilespmem:$0x1E220]  }
0x3f0: {  	v8 =	vld [tilespmem:$0x1E230];
	s31 =	spop (v2sf)  }
0x3f1: {  	v7 =	vld [tilespmem:$0x1E240];
	s24 =	sadd.f32 $-1.000000000e+00, s31  }
0x3f2: {  	v4 =	vld [tilespmem:$0x1E250]  }
0x3f3: {  	v5 =	vld [tilespmem:$0x1E260];
	v20 =	vmov s24  }
0x3f4: {  	v6 =	vld [tilespmem:$0x1E270];
	v21 =	vadd.f32 $0.0e+00, v19;
	s24 =	simm.s32 $0x7;
	vm1 =	vgt.f32 v19, v20;
	vm2 =	vgt.f32 v18, v20  }
.LBB2_54:
0x3f5: {  	p0 =	sne.s32 s24, $0x1;
	v22 =	vsel vm1, $0x3F800000, v0;
	v23 =	vsel vm2, $0x3F800000, v0  }
0x3f6: {  	vm3 =	vgt.f32 v17, v20;
	v22 =	vadd.f32 v23, v22  }
0x3f7: {  	v23 =	vsel vm3, $0x3F800000, v0  }
0x3f8: {  	vm4 =	vgt.f32 v16, v20;
	v22 =	vadd.f32 v23, v22  }
0x3f9: {  	v23 =	vsel vm4, $0x3F800000, v0  }
0x3fa: {  	vm5 =	vgt.f32 v15, v20;
	v22 =	vadd.f32 v23, v22  }
0x3fb: {  	v23 =	vsel vm5, $0x3F800000, v0  }
0x3fc: {  	vm6 =	vgt.f32 v14, v20;
	v22 =	vadd.f32 v23, v22  }
0x3fd: {  	v24 =	vnsel vm2, $0x0, v18;
	v25 =	vsel vm6, $0x3F800000, v0;
	v23 =	vnsel vm1, $0x0, v21  }
0x3fe: {  	vm1 =	vgt.f32 v13, v20;
	v23 =	vadd.f32 v24, v23;
	v22 =	vadd.f32 v25, v22  }
0x3ff: {  	v24 =	vnsel vm3, $0x0, v17;
	v25 =	vsel vm1, $0x3F800000, v0  }
0x400: {  	vm2 =	vgt.f32 v12, v20;
	v23 =	vadd.f32 v24, v23;
	v22 =	vadd.f32 v25, v22  }
0x401: {  	v24 =	vnsel vm4, $0x0, v16;
	v25 =	vsel vm2, $0x3F800000, v0  }
0x402: {  	vm3 =	vgt.f32 v11, v20;
	v23 =	vadd.f32 v24, v23;
	v22 =	vadd.f32 v25, v22  }
0x403: {  	v24 =	vnsel vm5, $0x0, v15;
	v25 =	vsel vm3, $0x3F800000, v0  }
0x404: {  	vm4 =	vgt.f32 v10, v20;
	v23 =	vadd.f32 v24, v23;
	v22 =	vadd.f32 v25, v22  }
0x405: {  	v24 =	vnsel vm6, $0x0, v14;
	v25 =	vsel vm4, $0x3F800000, v0  }
0x406: {  	vm5 =	vgt.f32 v9, v20;
	v23 =	vadd.f32 v24, v23;
	v22 =	vadd.f32 v25, v22  }
0x407: {  	v24 =	vnsel vm1, $0x0, v13;
	v25 =	vsel vm5, $0x3F800000, v0  }
0x408: {  	vm1 =	vgt.f32 v8, v20;
	v23 =	vadd.f32 v24, v23;
	v22 =	vadd.f32 v25, v22  }
0x409: {  	v24 =	vnsel vm2, $0x0, v12;
	v25 =	vsel vm1, $0x3F800000, v0  }
0x40a: {  	vm2 =	vgt.f32 v7, v20;
	v23 =	vadd.f32 v24, v23;
	v22 =	vadd.f32 v25, v22  }
0x40b: {  	v24 =	vnsel vm3, $0x0, v11;
	v25 =	vsel vm2, $0x3F800000, v0  }
0x40c: {  	vm3 =	vgt.f32 v4, v20;
	v23 =	vadd.f32 v24, v23;
	v22 =	vadd.f32 v25, v22  }
0x40d: {  	v24 =	vnsel vm4, $0x0, v10;
	v25 =	vsel vm3, $0x3F800000, v0  }
0x40e: {  	vm4 =	vgt.f32 v5, v20;
	v23 =	vadd.f32 v24, v23;
	v22 =	vadd.f32 v25, v22  }
0x40f: {  	v24 =	vnsel vm5, $0x0, v9;
	v25 =	vsel vm4, $0x3F800000, v0  }
0x410: {  	vm5 =	vgt.f32 v6, v20;
	v23 =	vadd.f32 v24, v23;
	v22 =	vadd.f32 v25, v22  }
0x411: {  	v20 =	vnsel vm1, $0x0, v8;
	v24 =	vsel vm5, $0x3F800000, v0  }
0x412: {  	v20 =	vadd.f32 v20, v23;
	v22 =	vadd.f32 v24, v22  }
0x413: {  	v23 =	vnsel vm2, $0x0, v7  }
0x414: {  	v20 =	vadd.f32 v23, v20;
	(xrf2) =	vadd.scan.msk.f32 $0xffff, v22  }
0x415: {  	v22 =	vnsel vm3, $0x0, v4  }
0x416: {  	v20 =	vadd.f32 v22, v20  }
0x417: {  	v22 =	vnsel vm4, $0x0, v5  }
0x418: {  	v20 =	vadd.f32 v22, v20  }
0x419: {  	v22 =	vnsel vm5, $0x0, v6  }
0x41a: {  	v20 =	vadd.f32 v22, v20;
	_ =	sdelay $0x1  }
0x41b: {  	(xrf2) =	vadd.scan.msk.f32 $0xffff, v20;
	_ =	sdelay $0x1  }
0x41c: {  	v20, _, _ =	vpop (xrf2)  }
0x41d: {  	v20 =	vbroadcast v20, $0xF;
	_ =	sdelay $0x1  }
0x41e: {  	(erf) = vrcp.f32 v20;
	_ =	sdelay $0x4  }
0x41f: {  	v20, _, _ =	vpop (xrf2)  }
0x420: {  	v20 =	vadd.f32 $-1.000000000e+00, v20;
	_ =	sdelay $0x1  }
.Ltmp37:
0x421: {  	v20 =	vbroadcast v20, $0xF;
	(pc) =	sbr.rel @p0 .LBB2_54-.Ltmp37, $3  }
0x422: {  	v22 =	vpop (erf)  }
0x423: {  	v20 =	vmul.f32 v22, v20;
	_ =	sdelay $0x1  }
0x424: {  	s24 =	sadd.s32 $0xFFFFFFFF, s24;
	vm1 =	vgt.f32 v19, v20;
	vm2 =	vgt.f32 v18, v20  }
0x425: {  	v19 =	vsel vm1, $0x3F800000, v0;
	v22 =	vsel vm2, $0x3F800000, v0  }
0x426: {  	vm3 =	vgt.f32 v17, v20;
	v19 =	vadd.f32 v22, v19  }
0x427: {  	v40 =	vsel vm3, $0x3F800000, v0  }
0x428: {  	vm4 =	vgt.f32 v16, v20;
	v19 =	vadd.f32 v40, v19  }
0x429: {  	v41 =	vsel vm4, $0x3F800000, v0  }
0x42a: {  	vm5 =	vgt.f32 v15, v20;
	v19 =	vadd.f32 v41, v19  }
0x42b: {  	v42 =	vsel vm5, $0x3F800000, v0  }
0x42c: {  	vm6 =	vgt.f32 v14, v20;
	v19 =	vadd.f32 v42, v19  }
0x42d: {  	v21 =	vnsel vm1, $0x0, v21;
	v18 =	vnsel vm2, $0x0, v18;
	v43 =	vsel vm6, $0x3F800000, v0  }
0x42e: {  	vm1 =	vgt.f32 v13, v20;
	v18 =	vadd.f32 v18, v21;
	v19 =	vadd.f32 v43, v19  }
0x42f: {  	v17 =	vnsel vm3, $0x0, v17;
	v44 =	vsel vm1, $0x3F800000, v0  }
0x430: {  	vm2 =	vgt.f32 v12, v20;
	v17 =	vadd.f32 v17, v18;
	v45 =	vadd.f32 v44, v19  }
0x431: {  	v16 =	vnsel vm4, $0x0, v16;
	v46 =	vsel vm2, $0x3F800000, v0  }
0x432: {  	vm3 =	vgt.f32 v11, v20;
	v16 =	vadd.f32 v16, v17;
	v47 =	vadd.f32 v46, v45  }
0x433: {  	v15 =	vnsel vm5, $0x0, v15;
	v48 =	vsel vm3, $0x3F800000, v0  }
0x434: {  	vm12 =	vgt.f32 v10, v20;
	v15 =	vadd.f32 v15, v16;
	v49 =	vadd.f32 v48, v47  }
0x435: {  	v14 =	vnsel vm6, $0x0, v14;
	v50 =	vsel vm12, $0x3F800000, v0  }
0x436: {  	vm13 =	vgt.f32 v9, v20;
	v14 =	vadd.f32 v14, v15;
	v51 =	vadd.f32 v50, v49  }
0x437: {  	v13 =	vnsel vm1, $0x0, v13;
	v52 =	vsel vm13, $0x3F800000, v0  }
0x438: {  	vm1 =	vgt.f32 v8, v20;
	v13 =	vadd.f32 v13, v14;
	v53 =	vadd.f32 v52, v51  }
0x439: {  	v12 =	vnsel vm2, $0x0, v12;
	v54 =	vsel vm1, $0x3F800000, v0  }
0x43a: {  	vm2 =	vgt.f32 v7, v20;
	v12 =	vadd.f32 v12, v13;
	v55 =	vadd.f32 v54, v53  }
0x43b: {  	v11 =	vnsel vm3, $0x0, v11;
	v56 =	vsel vm2, $0x3F800000, v0  }
0x43c: {  	vm3 =	vgt.f32 v4, v20;
	v11 =	vadd.f32 v11, v12;
	v57 =	vadd.f32 v56, v55  }
0x43d: {  	v10 =	vnsel vm12, $0x0, v10;
	v58 =	vsel vm3, $0x3F800000, v0  }
0x43e: {  	vm14 =	vgt.f32 v5, v20;
	v10 =	vadd.f32 v10, v11;
	v59 =	vadd.f32 v58, v57  }
0x43f: {  	v9 =	vnsel vm13, $0x0, v9;
	v60 =	vsel vm14, $0x3F800000, v0  }
0x440: {  	vm15 =	vgt.f32 v6, v20;
	v9 =	vadd.f32 v9, v10;
	v61 =	vadd.f32 v60, v59  }
0x441: {  	v62 =	vsel vm15, $0x3F800000, v0;
	v8 =	vnsel vm1, $0x0, v8  }
0x442: {  	v8 =	vadd.f32 v8, v9;
	v63 =	vadd.f32 v62, v61  }
0x443: {  	v7 =	vnsel vm2, $0x0, v7  }
0x444: {  	v7 =	vadd.f32 v7, v8;
	(xrf2) =	vadd.scan.msk.f32 $0xffff, v63  }
0x445: {  	v4 =	vnsel vm3, $0x0, v4  }
0x446: {  	v4 =	vadd.f32 v4, v7  }
0x447: {  	v5 =	vnsel vm14, $0x0, v5  }
0x448: {  	v4 =	vadd.f32 v5, v4  }
0x449: {  	v5 =	vnsel vm15, $0x0, v6  }
0x44a: {  	v4 =	vadd.f32 v5, v4;
	_ =	sdelay $0x1  }
0x44b: {  	(xrf2) =	vadd.scan.msk.f32 $0xffff, v4;
	_ =	sdelay $0x1  }
0x44c: {  	v4, _, _ =	vpop (xrf2)  }
0x44d: {  	v4 =	vbroadcast v4, $0xF;
	_ =	sdelay $0x1  }
0x44e: {  	(erf) = vrcp.f32 v4;
	_ =	sdelay $0x4  }
0x44f: {  	v4, _, _ =	vpop (xrf2)  }
0x450: {  	v4 =	vadd.f32 $-1.000000000e+00, v4;
	_ =	sdelay $0x1  }
0x451: {  	v4 =	vbroadcast v4, $0xF  }
0x452: {  	s24 =	simm.s32 $0x1E180;
	v5 =	vpop (erf)  }
0x453: {  	s25 =	simm.s32 $0x0;
	s26 =	simm.s32 $0x10;
	v7 =	vld [tilespmem:s24+$0x0];
	v6 =	vimm.s32 $0x0;
	v4 =	vmul.f32 v5, v4;
	v5 =	vimm.s32 $0x0  }
.LBB2_56:
0x454: {  	p0 =	sne.s32 s26, $0xF0;
	_ =	sdelay $0x3  }
0x455: {  	vm1 =	vgt.f32 v7, v4  }
0x456: {  	v7 =	vsel vm1, $0x1, v1;
	v8 =	vmpcnt.ones.xlane vm1  }
0x457: {  	(xrf0) =	vadd.scan.msk.s32 $0xffff, v7  }
0x458: {  	v6 =	vadd.s32 v6, v8;
	_ =	sdelay $0x4  }
0x459: {  	v7, _, _ =	vpop (xrf0)  }
0x45a: {  	v7 =	vadd.s32 v7, v5;
	v5 =	vmov v6  }
0x45b: {  	v7 =	vadd.s32 $0xFFFFFFFF, v7;
	_ =	sdelay $0x1  }
.Ltmp38:
0x45c: {  	(pc) =	sbr.rel @p0 .LBB2_56-.Ltmp38, $4  }
0x45d: {  	_ = 	snop  }
0x45e: {  	v8 =	vor.u32 s25, v2;
	s25 =	smov.u32 s26  }
0x45f: {  	s24 =	sadd.s32 $0x10, s24;
	[tilespmem:v7+s17+$0x0] =	vst.idx.msk vm1, v8  }
0x460: {  	s26 =	sadd.s32 $0x10, s26;
	v7 =	vld [tilespmem:s24+$0x0]  }
0x461: {  	_ =	sdelay $0x3  }
0x462: {  	vm1 =	vgt.f32 v7, v4  }
0x463: {  	v7 =	vmpcnt.ones.xlane vm1;
	_ =	sdelay $0x1  }
0x464: {  	v8 =	vsel vm1, $0x1, v1;
	v6 =	vadd.s32 v6, v7  }
0x465: {  	(xrf0) =	vadd.scan.msk.s32 $0xffff, v8;
	v6 =	vxor.u32 $0x80000000, v6  }
0x466: {  	(xrf0) =	vmax.scan.msk.u32 $0xffff, v6;
	_ =	sdelay $0x4  }
0x467: {  	v6, _, _ =	vpop (xrf0)  }
0x468: {  	v7, _, _ =	vpop (xrf0)  }
0x469: {  	(v2sf) =	vpush v7, $0xF;
	_ =	sdelay $0xe  }
0x46a: {  	s24 =	spop (v2sf)  }
0x46b: {  	v5 =	vadd.s32 v6, v5;
	s24 =	sxor.u32 $0x80000000, s24  }
0x46c: {  	v5 =	vadd.s32 $0xFFFFFFFF, v5;
	p0 =	slt.s32 s24, $0x1  }
.Ltmp39:
0x46d: {  	_ = 	snop;
	(pc) =	sbr.rel @p0 .LBB2_59-.Ltmp39, $3  }
0x46e: {  	_ =	sdelay $0x1  }
0x46f: {  	v6 =	vor.u32 s25, v2  }
0x470: {  	s25 =	simm.s32 $0x1E280;
	[tilespmem:v5+s17+$0x0] =	vst.idx.msk vm1, v6;
	v5 =	vimm.s32 $0x0  }
.LBB2_58:
0x471: {  	v6 =	vld [tilespmem:s25+$0x0];
	_ =	sdelay $0x4  }
0x472: {  	(v2sf) =	vpush v6, $0x0;
	_ =	sdelay $0xe  }
0x473: {  	s26 =	spop (v2sf)  }
0x474: {  	s28 =	sshll.u32 s26, $0x9  }
0x475: {  	s28 =	sshra.s32 s28, $0x2  }
0x476: {  	v6 =	vld [tilespmem:s28+$0x0];
	_ =	sdelay $0x4  }
0x477: {  	vm1 =	vgt.f32 v6, v4  }
0x478: {  	v7 =	vsel vm1, $0x1, v1  }
0x479: {  	(xrf0) =	vadd.scan.msk.s32 $0xffff, v7;
	_ =	sdelay $0x5  }
0x47a: {  	v7, _, _ =	vpop (xrf0)  }
0x47b: {  	v7 =	vadd.s32 v7, v5  }
0x47c: {  	v7 =	vadd.s32 $0xFFFFFFFF, v7  }
0x47d: {  	vm2 =	vlt.s32 v7, $0x2000  }
0x47e: {  	vm2 =	vmand vm1, vm2;
	_ =	sdelay $0x4  }
0x47f: {  	s26 =	sshll.u32 s26, $0x7  }
0x480: {  	[tilespmem:v7+s18+$0x0] =	vst.idx.msk vm2, v6;
	v6 =	vor.u32 s26, v2  }
0x481: {  	[tilespmem:v7+s19+$0x0] =	vst.idx.msk vm2, v6  }
0x482: {  	v6 =	vld [tilespmem:s28+$0x10];
	_ =	sdelay $0x4  }
0x483: {  	vm2 =	vgt.f32 v6, v4  }
0x484: {  	v7 =	vsel vm2, $0x1, v1  }
0x485: {  	(xrf0) =	vadd.scan.msk.s32 $0xffff, v7;
	_ =	sdelay $0x1  }
0x486: {  	v7 =	vmpcnt.ones.xlane vm1;
	_ =	sdelay $0x3  }
0x487: {  	v5 =	vadd.s32 v5, v7;
	v7, _, _ =	vpop (xrf0)  }
0x488: {  	v7 =	vadd.s32 v7, v5  }
0x489: {  	v7 =	vadd.s32 $0xFFFFFFFF, v7  }
0x48a: {  	vm1 =	vlt.s32 v7, $0x2000  }
0x48b: {  	vm1 =	vmand vm2, vm1;
	_ =	sdelay $0x4  }
0x48c: {  	s29 =	sor.u32 $0x10, s26  }
0x48d: {  	[tilespmem:v7+s18+$0x0] =	vst.idx.msk vm1, v6;
	v6 =	vor.u32 s29, v2  }
0x48e: {  	[tilespmem:v7+s19+$0x0] =	vst.idx.msk vm1, v6  }
0x48f: {  	v6 =	vld [tilespmem:s28+$0x20];
	_ =	sdelay $0x4  }
0x490: {  	vm1 =	vgt.f32 v6, v4  }
0x491: {  	v7 =	vsel vm1, $0x1, v1  }
0x492: {  	(xrf0) =	vadd.scan.msk.s32 $0xffff, v7;
	_ =	sdelay $0x1  }
0x493: {  	v7 =	vmpcnt.ones.xlane vm2;
	_ =	sdelay $0x3  }
0x494: {  	v5 =	vadd.s32 v5, v7;
	v7, _, _ =	vpop (xrf0)  }
0x495: {  	v7 =	vadd.s32 v7, v5  }
0x496: {  	v7 =	vadd.s32 $0xFFFFFFFF, v7  }
0x497: {  	vm2 =	vlt.s32 v7, $0x2000  }
0x498: {  	vm2 =	vmand vm1, vm2;
	_ =	sdelay $0x4  }
0x499: {  	s31 =	sor.u32 $0x20, s26  }
0x49a: {  	[tilespmem:v7+s18+$0x0] =	vst.idx.msk vm2, v6;
	v6 =	vor.u32 s31, v2  }
0x49b: {  	[tilespmem:v7+s19+$0x0] =	vst.idx.msk vm2, v6  }
0x49c: {  	v6 =	vld [tilespmem:s28+$0x30];
	_ =	sdelay $0x4  }
0x49d: {  	vm2 =	vgt.f32 v6, v4  }
0x49e: {  	v7 =	vsel vm2, $0x1, v1  }
0x49f: {  	(xrf0) =	vadd.scan.msk.s32 $0xffff, v7;
	_ =	sdelay $0x1  }
0x4a0: {  	v7 =	vmpcnt.ones.xlane vm1;
	_ =	sdelay $0x3  }
0x4a1: {  	v5 =	vadd.s32 v5, v7;
	v7, _, _ =	vpop (xrf0)  }
0x4a2: {  	v7 =	vadd.s32 v7, v5  }
0x4a3: {  	v7 =	vadd.s32 $0xFFFFFFFF, v7  }
0x4a4: {  	vm1 =	vlt.s32 v7, $0x2000  }
0x4a5: {  	vm1 =	vmand vm2, vm1;
	_ =	sdelay $0x4  }
0x4a6: {  	s30 =	sor.u32 $0x30, s26  }
0x4a7: {  	[tilespmem:v7+s18+$0x0] =	vst.idx.msk vm1, v6;
	v6 =	vor.u32 s30, v2  }
0x4a8: {  	[tilespmem:v7+s19+$0x0] =	vst.idx.msk vm1, v6  }
0x4a9: {  	v6 =	vld [tilespmem:s28+$0x40];
	_ =	sdelay $0x4  }
0x4aa: {  	vm1 =	vgt.f32 v6, v4  }
0x4ab: {  	v7 =	vsel vm1, $0x1, v1  }
0x4ac: {  	(xrf0) =	vadd.scan.msk.s32 $0xffff, v7;
	_ =	sdelay $0x1  }
0x4ad: {  	v7 =	vmpcnt.ones.xlane vm2;
	_ =	sdelay $0x3  }
0x4ae: {  	v5 =	vadd.s32 v5, v7;
	v7, _, _ =	vpop (xrf0)  }
0x4af: {  	v7 =	vadd.s32 v7, v5  }
0x4b0: {  	v7 =	vadd.s32 $0xFFFFFFFF, v7  }
0x4b1: {  	vm2 =	vlt.s32 v7, $0x2000  }
0x4b2: {  	vm2 =	vmand vm1, vm2;
	_ =	sdelay $0x4  }
0x4b3: {  	s31 =	sor.u32 $0x40, s26  }
0x4b4: {  	[tilespmem:v7+s18+$0x0] =	vst.idx.msk vm2, v6;
	v6 =	vor.u32 s31, v2  }
0x4b5: {  	[tilespmem:v7+s19+$0x0] =	vst.idx.msk vm2, v6  }
0x4b6: {  	v6 =	vld [tilespmem:s28+$0x50];
	_ =	sdelay $0x4  }
0x4b7: {  	vm2 =	vgt.f32 v6, v4  }
0x4b8: {  	v7 =	vsel vm2, $0x1, v1  }
0x4b9: {  	(xrf0) =	vadd.scan.msk.s32 $0xffff, v7;
	_ =	sdelay $0x1  }
0x4ba: {  	v7 =	vmpcnt.ones.xlane vm1;
	_ =	sdelay $0x3  }
0x4bb: {  	v5 =	vadd.s32 v5, v7;
	v7, _, _ =	vpop (xrf0)  }
0x4bc: {  	v7 =	vadd.s32 v7, v5  }
0x4bd: {  	v7 =	vadd.s32 $0xFFFFFFFF, v7  }
0x4be: {  	vm1 =	vlt.s32 v7, $0x2000  }
0x4bf: {  	vm1 =	vmand vm2, vm1;
	_ =	sdelay $0x4  }
0x4c0: {  	s30 =	sor.u32 $0x50, s26  }
0x4c1: {  	[tilespmem:v7+s18+$0x0] =	vst.idx.msk vm1, v6;
	v6 =	vor.u32 s30, v2  }
0x4c2: {  	[tilespmem:v7+s19+$0x0] =	vst.idx.msk vm1, v6  }
0x4c3: {  	v6 =	vld [tilespmem:s28+$0x60];
	_ =	sdelay $0x4  }
0x4c4: {  	vm1 =	vgt.f32 v6, v4  }
0x4c5: {  	v7 =	vsel vm1, $0x1, v1  }
0x4c6: {  	(xrf0) =	vadd.scan.msk.s32 $0xffff, v7;
	_ =	sdelay $0x1  }
0x4c7: {  	v7 =	vmpcnt.ones.xlane vm2;
	_ =	sdelay $0x3  }
0x4c8: {  	v5 =	vadd.s32 v5, v7;
	v7, _, _ =	vpop (xrf0)  }
0x4c9: {  	v7 =	vadd.s32 v7, v5  }
0x4ca: {  	v7 =	vadd.s32 $0xFFFFFFFF, v7  }
0x4cb: {  	vm2 =	vlt.s32 v7, $0x2000  }
0x4cc: {  	vm2 =	vmand vm1, vm2;
	_ =	sdelay $0x4  }
0x4cd: {  	s31 =	sor.u32 $0x60, s26  }
0x4ce: {  	[tilespmem:v7+s18+$0x0] =	vst.idx.msk vm2, v6;
	v6 =	vor.u32 s31, v2  }
0x4cf: {  	[tilespmem:v7+s19+$0x0] =	vst.idx.msk vm2, v6  }
0x4d0: {  	v6 =	vld [tilespmem:s28+$0x70];
	_ =	sdelay $0x4  }
0x4d1: {  	vm2 =	vgt.f32 v6, v4  }
0x4d2: {  	v7 =	vsel vm2, $0x1, v1  }
0x4d3: {  	(xrf0) =	vadd.scan.msk.s32 $0xffff, v7;
	_ =	sdelay $0x1  }
0x4d4: {  	v7 =	vmpcnt.ones.xlane vm1;
	_ =	sdelay $0x3  }
0x4d5: {  	v5 =	vadd.s32 v5, v7;
	v7, _, _ =	vpop (xrf0)  }
0x4d6: {  	v7 =	vadd.s32 v7, v5  }
0x4d7: {  	v7 =	vadd.s32 $0xFFFFFFFF, v7  }
0x4d8: {  	vm1 =	vlt.s32 v7, $0x2000  }
0x4d9: {  	vm1 =	vmand vm2, vm1;
	_ =	sdelay $0x1  }
0x4da: {  	p0 =	sne.s32 s24, $0x1  }
.Ltmp40:
0x4db: {  	_ = 	snop;
	(pc) =	sbr.rel @p0 .LBB2_58-.Ltmp40, $4  }
0x4dc: {  	_ = 	snop  }
0x4dd: {  	s26 =	sor.u32 $0x70, s26;
	v8 =	vmpcnt.ones.xlane vm2  }
0x4de: {  	[tilespmem:v7+s18+$0x0] =	vst.idx.msk vm1, v6;
	v6 =	vor.u32 s26, v2  }
0x4df: {  	s25 =	sadd.s32 $0x1, s25;
	s24 =	sadd.s32 $0xFFFFFFFF, s24;
	v5 =	vadd.s32 v5, v8;
	[tilespmem:v7+s19+$0x0] =	vst.idx.msk vm1, v6  }
.LBB2_59:
0x4e0: {  	v6 =	vxor.u32 $0x80000000, v5  }
0x4e1: {  	(xrf0) =	vmax.scan.msk.u32 $0xffff, v6;
	_ =	sdelay $0x5  }
0x4e2: {  	v6, _, _ =	vpop (xrf0)  }
0x4e3: {  	(v2sf) =	vpush v6, $0xF;
	_ =	sdelay $0xc  }
0x4e4: {  	v5 =	vadd.s32 v2, v5  }
0x4e5: {  	vm1 =	vlt.s32 v5, $0x200F  }
0x4e6: {  	v5 =	vnsel vm1, $0x200F, v5;
	s24 =	spop (v2sf)  }
0x4e7: {  	s24 =	sxor.u32 $0x80000000, s24  }
.Ltmp41:
0x4e8: {  	p0 =	slt.s32 s24, $0x2000;
	(pc) =	sbr.rel .LBB2_60-.Ltmp41, $4  }
0x4e9: {  	s24 =	simm.s32 @!p0 $0x2000  }
0x4ea: {  	s24 =	sadd.s32 $0xF, s24  }
0x4eb: {  	[tilespmem:v5+s18+$0x0] =	vst.idx.msk $0xffff, v3;
	s24 =	sshrl.u32 s24, $0x4  }
0x4ec: {  	s25 =	simm.s32 $0x0;
	[tilespmem:v5+s19+$0x0] =	vst.idx.msk $0xffff, v1;
	p0 =	seq.s32 s24, $0x0  }
.LBB2_61:
0x4ed: {  	v4 =	vimm.f32 $0.0e+00  }
.LBB2_65:
0x4ee: {  	(xrf2) =	vadd.scan.msk.f32 $0xffff, v5  }
0x4ef: {  	(xrf2) =	vadd.scan.msk.f32 $0xffff, v4;
	_ =	sdelay $0x8  }
0x4f0: {  	v4, _, _ =	vpop (xrf2)  }
0x4f1: {  	v5, _, _ =	vpop (xrf2)  }
0x4f2: {  	v5 =	vbroadcast v5, $0xF;
	_ =	sdelay $0x1  }
0x4f3: {  	(erf) = vrcp.f32 v5;
	_ =	sdelay $0x3  }
0x4f4: {  	s25 =	sadd.s32 $0x1, s25  }
0x4f5: {  	p1 =	sne.s32 s25, $0xC  }
.Ltmp42:
0x4f6: {  	v4 =	vadd.f32 $-1.000000000e+00, v4;
	(pc) =	sbr.rel @!p1 .LBB2_66-.Ltmp42, $4  }
0x4f7: {  	_ = 	snop  }
0x4f8: {  	v4 =	vbroadcast v4, $0xF  }
0x4f9: {  	v5 =	vpop (erf)  }
0x4fa: {  	v4 =	vmul.f32 v5, v4  }
.LBB2_60:
.Ltmp43:
0x4fb: {  	(pc) =	sbr.rel @p0 .LBB2_61-.Ltmp43, $2  }
0x4fc: {  	_ =	sdelay $0x2  }
0x4fd: {  	s28 =	simm.s32 $0x18000;
	v5 =	vimm.f32 $0.0e+00  }
0x4fe: {  	v6 =	vld [tilespmem:s28+$0x0];
	p1 =	sne.s32 s24, $0x1  }
.Ltmp44:
0x4ff: {  	_ = 	snop;
	(pc) =	sbr.rel @!p1 .LBB2_64-.Ltmp44, $2  }
0x500: {  	_ =	sdelay $0x2  }
0x501: {  	s26 =	sadd.s32 $0xFFFFFFFF, s24;
	s28 =	sadd.s32 $0x10, s28;
	v7 =	vimm.f32 $0.0e+00;
	vm1 =	vgt.f32 v6, v4  }
.LBB2_63:
0x502: {  	p1 =	sne.s32 s26, $0x1;
	s26 =	sadd.s32 $0xFFFFFFFF, s26;
	v8 =	vnsel vm1, $0x0, v6;
	v6 =	vld [tilespmem:s28+$0x0];
	v9 =	vsel vm1, $0x3F800000, v0  }
.Ltmp45:
0x503: {  	v5 =	vadd.f32 v8, v5;
	v7 =	vadd.f32 v9, v7;
	(pc) =	sbr.rel @p1 .LBB2_63-.Ltmp45, $2  }
0x504: {  	_ =	sdelay $0x2  }
0x505: {  	s28 =	sadd.s32 $0x10, s28;
	vm1 =	vgt.f32 v6, v4  }
.LBB2_64:
.Ltmp46:
0x506: {  	(pc) =	sbr.rel .LBB2_65-.Ltmp46, $4  }
0x507: {  	_ = 	snop  }
0x508: {  	v4 =	vnsel vm1, $0x0, v6  }
0x509: {  	v6 =	vsel vm1, $0x3F800000, v0;
	v5 =	vadd.f32 v4, v5  }
0x50a: {  	v4 =	vadd.f32 v6, v7  }
.LBB2_66:
0x50b: {  	p1 =	sne.s32 s23, $0x0  }
.Ltmp47:
0x50c: {  	_ = 	snop;
	(pc) =	sbr.rel @!p1 .LBB2_67-.Ltmp47, $4  }
0x50d: {  	_ = 	snop  }
0x50e: {  	_ =	swait.ge [sflag:s22], $0x8000  }
0x50f: {  	[sflag:s22] =	ssyncset.done $0x0  }
0x510: {  	s25 =	simm.s32 $0x1C100;
	[sflag:s22] =	ssyncadd.s32 $0xFFFF8000  }
0x511: {  	p1 =	seq.s32 s23, $0x1  }
.Ltmp48:
0x512: {  	_ = 	snop;
	(pc) =	sbr.rel @p1 .LBB2_72-.Ltmp48, $2  }
0x513: {  	_ =	sdelay $0x2  }
0x514: {  	v5 =	vld [tilespmem:s25+$0x0];
	s23 =	sadd.s32 $0xFFFFFFFF, s23  }
.LBB2_71:
0x515: {  	p1 =	seq.s32 s23, $0x1;
	_ =	sdelay $0x3  }
.Ltmp49:
0x516: {  	(pc) =	sbr.rel @!p1 .LBB2_71-.Ltmp49, $3  }
0x517: {  	_ =	sdelay $0x1  }
0x518: {  	s25 =	sadd.s32 $0x10, s25;
	[tilespmem:v5+s20+$0x0] =	vst.idx.msk $0xffff, v0  }
0x519: {  	s23 =	sadd.s32 $0xFFFFFFFF, s23;
	v5 =	vld [tilespmem:s25+$0x0]  }
.LBB2_72:
0x51a: {  	_ =	sdelay $0x7  }
0x51b: {  	[tilespmem:v5+s20+$0x0] =	vst.idx.msk $0xffff, v0  }
.LBB2_67:
.Ltmp50:
0x51c: {  	(pc) =	sbr.rel @p0 .LBB2_77-.Ltmp50, $1  }
0x51d: {  	_ =	sdelay $0x3  }
0x51e: {  	p1 =	sne.s32 s24, $0x1  }
.Ltmp51:
0x51f: {  	_ = 	snop;
	(pc) =	sbr.rel @!p1 .LBB2_69-.Ltmp51, $3  }
0x520: {  	_ =	sdelay $0x1  }
0x521: {  	s25 =	simm.s32 $0x18000  }
0x522: {  	s23 =	simm.s32 $0x1A080;
	p0 =	por $0x0, $0x0;
	v5 =	vld [tilespmem:s25+$0x0];
	s25 =	sadd.s32 $0xFFFFFFFF, s24  }
0x523: {  	_ =	sdelay $0x1  }
0x524: {  	v6 =	vld [tilespmem:s23+$0x0];
	_ =	sdelay $0x1  }
0x525: {  	vm1 =	vgt.f32 v5, v4;
	_ =	sdelay $0x1  }
0x526: {  	p1 =	sne.s32 s25, $0x1  }
.Ltmp52:
0x527: {  	v5 =	vsub.f32 v5, v4;
	(pc) =	sbr.rel @!p1 .LBB2_74-.Ltmp52, $4  }
0x528: {  	_ = 	snop  }
0x529: {  	v5 =	vmax.f32 v5, $0.0e+00  }
0x52a: {  	s26 =	simm.s32 $0x18010;
	[tilespmem:v6+s20+$0x0] =	vst.idx.msk vm1, v5  }
0x52b: {  	s28 =	sadd.s32 $0xFFFFFFFF, s25;
	p0 =	por $0x1, $0x1;
	s25 =	simm.s32 $0x1A080;
	v5 =	vld [tilespmem:s26+$0x0]  }
.LBB2_75:
0x52c: {  	p1 =	sne.s32 s28, $0x1  }
0x52d: {  	s25 =	sadd.s32 $0x10, s25  }
0x52e: {  	v6 =	vld [tilespmem:s25+$0x0];
	_ =	sdelay $0x1  }
0x52f: {  	vm1 =	vgt.f32 v5, v4;
	_ =	sdelay $0x2  }
.Ltmp53:
0x530: {  	v5 =	vsub.f32 v5, v4;
	(pc) =	sbr.rel @p1 .LBB2_75-.Ltmp53, $4  }
0x531: {  	_ = 	snop  }
0x532: {  	v5 =	vmax.f32 v5, $0.0e+00  }
0x533: {  	s26 =	sadd.s32 $0x10, s26;
	[tilespmem:v6+s20+$0x0] =	vst.idx.msk vm1, v5  }
0x534: {  	s28 =	sadd.s32 $0xFFFFFFFF, s28;
	v5 =	vld [tilespmem:s26+$0x0]  }
.LBB2_76:
0x535: {  	s25 =	sadd.s32 @p0 $0x10, s25  }
0x536: {  	s23 =	smov.u32 @p0 s25  }
0x537: {  	v6 =	vld [tilespmem:s23+$0x0];
	_ =	sdelay $0x1  }
0x538: {  	vm1 =	vgt.f32 v5, v4;
	_ =	sdelay $0x2  }
0x539: {  	v4 =	vsub.f32 v5, v4;
	_ =	sdelay $0x1  }
0x53a: {  	v4 =	vmax.f32 v4, $0.0e+00  }
0x53b: {  	[tilespmem:v6+s20+$0x0] =	vst.idx.msk vm1, v4  }
.LBB2_77:
0x53c: {  	[hbm4b:s9+s12] =	stream.strided.scatter [tilespmem:s20], [sflag:$0x2], $0x8000, s13, s12, $0x38;
	[tilespmem:$0x1E400] =	vst v63  }
0x53d: {  	_ =	swait.ge [sflag:s14], $0x8000  }
0x53e: {  	[sflag:s14] =	ssyncset.done $0x0  }
0x53f: {  	s25 =	simm.s32 $0x8100;
	[sflag:s14] =	ssyncadd.s32 $0xFFFF8000  }
0x540: {  	v4 =	vld [tilespmem:s25+$0xFFFFFF00]  }
0x541: {  	v5 =	vld [tilespmem:s25+$0xFFFFFF10]  }
0x542: {  	v6 =	vld [tilespmem:s25+$0xFFFFFF20]  }
0x543: {  	v8 =	vld [tilespmem:s25+$0xFFFFFF30]  }
0x544: {  	v7 =	vld [tilespmem:s25+$0xFFFFFF40]  }
0x545: {  	v10 =	vld [tilespmem:s25+$0xFFFFFF50]  }
0x546: {  	v11 =	vld [tilespmem:s25+$0xFFFFFF60]  }
0x547: {  	v12 =	vld [tilespmem:s25+$0xFFFFFF70]  }
0x548: {  	v13 =	vld [tilespmem:s25+$0xFFFFFF80]  }
0x549: {  	v14 =	vld [tilespmem:s25+$0xFFFFFF90]  }
0x54a: {  	v15 =	vld [tilespmem:s25+$0xFFFFFFA0]  }
0x54b: {  	v16 =	vld [tilespmem:s25+$0xFFFFFFB0]  }
0x54c: {  	v17 =	vld [tilespmem:s25+$0xFFFFFFC0]  }
0x54d: {  	v18 =	vld [tilespmem:s25+$0xFFFFFFD0]  }
0x54e: {  	v19 =	vld [tilespmem:s25+$0xFFFFFFE0]  }
0x54f: {  	v20 =	vld [tilespmem:s25+$0xFFFFFFF0]  }
0x550: {  	v21 =	vld [tilespmem:s25+$0x0]  }
0x551: {  	v22 =	vld [tilespmem:s25+$0x10]  }
0x552: {  	v23 =	vld [tilespmem:s25+$0x20]  }
0x553: {  	v24 =	vld [tilespmem:s25+$0x30]  }
0x554: {  	v25 =	vld [tilespmem:s25+$0x40]  }
0x555: {  	v27 =	vld [tilespmem:s25+$0x50]  }
0x556: {  	v26 =	vld [tilespmem:s25+$0x60]  }
0x557: {  	v28 =	vld [tilespmem:s25+$0x70]  }
0x558: {  	v29 =	vld [tilespmem:s25+$0x80]  }
0x559: {  	v30 =	vld [tilespmem:s25+$0x90]  }
0x55a: {  	v31 =	vld [tilespmem:s25+$0xA0]  }
0x55b: {  	s23 =	simm.s32 $0x0;
	v9 =	vimm.f32 $-3.000000010e+38;
	s26 =	simm.s32 $0x4;
	v32 =	vld [tilespmem:s25+$0xB0]  }
.LBB2_78:
0x55c: {  	p0 =	slt.u32 s26, $0xFC;
	v33 =	vmov s23;
	s28 =	sadd.s32 $0x1, s23;
	v34 =	vld [tilespmem:s25+$0xC0]  }
0x55d: {  	v33 =	vand.u32 $0xFFFFFFFC, v33;
	v35 =	vmov s28;
	s28 =	sadd.s32 $0x2, s23;
	v36 =	vld [tilespmem:s25+$0xD0]  }
0x55e: {  	v33 =	vbroadcast v33, $0x0;
	v35 =	vand.u32 $0xFFFFFFFD, v35;
	v37 =	vmov s28;
	v38 =	vld [tilespmem:s25+$0xE0]  }
0x55f: {  	v39 =	vmax.f32 v4, v5;
	v40 =	vmax.f32 v6, v8;
	v37 =	vand.u32 $0xFFFFFFFE, v37;
	v41 =	vld [tilespmem:s25+$0xF0];
	s25 =	sadd.s32 $0x200, s25  }
0x560: {  	v42 =	vmax.f32 v7, v10;
	v11 =	vmax.f32 v11, v12;
	v12 =	vmax.f32 v13, v14;
	v4 =	vld [tilespmem:s25+$0xFFFFFF00]  }
0x561: {  	v13 =	vmax.f32 v15, v16;
	v14 =	vmax.f32 v17, v18;
	v15 =	vmax.f32 v19, v20;
	v5 =	vld [tilespmem:s25+$0xFFFFFF10]  }
0x562: {  	v16 =	vmax.f32 v21, v22;
	v17 =	vmax.f32 v23, v24;
	v18 =	vmax.f32 v25, v27;
	v6 =	vld [tilespmem:s25+$0xFFFFFF20]  }
0x563: {  	v19 =	vmax.f32 v26, v28;
	v20 =	vmax.f32 v29, v30;
	v21 =	vmax.f32 v31, v32;
	v8 =	vld [tilespmem:s25+$0xFFFFFF30]  }
0x564: {  	v22 =	vmax.f32 v39, v40;
	v23 =	vmax.f32 v34, v36;
	v7 =	vld [tilespmem:s25+$0xFFFFFF40];
	v24 =	vmax.f32 v38, v41  }
0x565: {  	v25 =	vmax.f32 v42, v11;
	v13 =	vmax.f32 v12, v13;
	v14 =	vmax.f32 v14, v15;
	v10 =	vld [tilespmem:s25+$0xFFFFFF50]  }
0x566: {  	v16 =	vmax.f32 v16, v17;
	v17 =	vmax.f32 v18, v19;
	v15 =	vmax.f32 v22, v25;
	v11 =	vld [tilespmem:s25+$0xFFFFFF60]  }
0x567: {  	v14 =	vmax.f32 v13, v14;
	v9 =	vmax.f32 v9, v15;
	v18 =	vmax.f32 v20, v21;
	v12 =	vld [tilespmem:s25+$0xFFFFFF70];
	(xrf0) =	vmax.scan.msk.f32 $0xffff, v15  }
0x568: {  	v9 =	vmax.f32 v9, v14;
	v15 =	vmax.f32 v16, v17;
	v16 =	vmax.f32 v23, v24;
	v13 =	vld [tilespmem:s25+$0xFFFFFF80];
	(xrf0) =	vmax.scan.msk.f32 $0xffff, v14  }
0x569: {  	v21 =	vbroadcast v35, $0x0;
	v9 =	vmax.f32 v9, v15;
	v16 =	vmax.f32 v18, v16;
	v14 =	vld [tilespmem:s25+$0xFFFFFF90];
	(xrf0) =	vmax.scan.msk.f32 $0xffff, v15  }
0x56a: {  	v22 =	vbroadcast v37, $0x0;
	v9 =	vmax.f32 v9, v16;
	v15 =	vld [tilespmem:s25+$0xFFFFFFA0];
	(xrf0) =	vmax.scan.msk.f32 $0xffff, v16  }
0x56b: {  	s28 =	sadd.s32 $0x3, s23;
	s23 =	smov.u32 s26;
	v16 =	vld [tilespmem:s25+$0xFFFFFFB0]  }
0x56c: {  	v23 =	vmov s28;
	v17 =	vld [tilespmem:s25+$0xFFFFFFC0]  }
0x56d: {  	v18 =	vld [tilespmem:s25+$0xFFFFFFD0];
	v20, _, _ =	vpop (xrf0)  }
0x56e: {  	v19 =	vld [tilespmem:s25+$0xFFFFFFE0];
	[tilespmem:v33+s16+$0x0] =	vst.idx.msk vm0, v20;
	v24, _, _ =	vpop (xrf0)  }
0x56f: {  	v20 =	vld [tilespmem:s25+$0xFFFFFFF0];
	[tilespmem:v21+s16+$0x0] =	vst.idx.msk vm0, v24;
	v24, _, _ =	vpop (xrf0)  }
0x570: {  	v21 =	vld [tilespmem:s25+$0x0];
	[tilespmem:v22+s16+$0x0] =	vst.idx.msk vm0, v24;
	v24, _, _ =	vpop (xrf0)  }
0x571: {  	v22 =	vld [tilespmem:s25+$0x10];
	[tilespmem:v23+s16+$0x0] =	vst.idx.msk vm0, v24  }
0x572: {  	v23 =	vld [tilespmem:s25+$0x20]  }
0x573: {  	v24 =	vld [tilespmem:s25+$0x30]  }
0x574: {  	v25 =	vld [tilespmem:s25+$0x40]  }
0x575: {  	v27 =	vld [tilespmem:s25+$0x50]  }
0x576: {  	v26 =	vld [tilespmem:s25+$0x60]  }
.Ltmp54:
0x577: {  	v28 =	vld [tilespmem:s25+$0x70];
	(pc) =	sbr.rel @p0 .LBB2_78-.Ltmp54, $4  }
0x578: {  	v29 =	vld [tilespmem:s25+$0x80]  }
0x579: {  	v30 =	vld [tilespmem:s25+$0x90]  }
0x57a: {  	v31 =	vld [tilespmem:s25+$0xA0]  }
0x57b: {  	s26 =	sadd.s32 $0x4, s26;
	v32 =	vld [tilespmem:s25+$0xB0]  }
0x57c: {  	v33 =	vld [tilespmem:s25+$0xC0];
	v4 =	vmax.f32 v4, v5;
	v5 =	vmax.f32 v6, v8  }
0x57d: {  	v34 =	vld [tilespmem:s25+$0xD0];
	v7 =	vmax.f32 v7, v10;
	v8 =	vmax.f32 v11, v12;
	v10 =	vmax.f32 v13, v14  }
0x57e: {  	v35 =	vld [tilespmem:s25+$0xE0];
	v11 =	vmax.f32 v15, v16;
	v12 =	vmax.f32 v17, v18;
	v13 =	vmax.f32 v19, v20  }
0x57f: {  	v6 =	vld [tilespmem:s25+$0xF0];
	v14 =	vmax.f32 v21, v22;
	v15 =	vmax.f32 v23, v24;
	v16 =	vmax.f32 v25, v27  }
0x580: {  	v17 =	vmax.f32 v26, v28;
	v4 =	vmax.f32 v4, v5;
	v7 =	vmax.f32 v7, v8  }
0x581: {  	v8 =	vmax.f32 v10, v11;
	v10 =	vmax.f32 v12, v13;
	v11 =	vmax.f32 v16, v17  }
0x582: {  	v18 =	vmax.f32 v29, v30;
	v4 =	vmax.f32 v4, v7;
	v7 =	vmax.f32 v14, v15  }
0x583: {  	v8 =	vmax.f32 v8, v10;
	v9 =	vmax.f32 v9, v4;
	v7 =	vmax.f32 v7, v11  }
0x584: {  	(xrf0) =	vmax.scan.msk.f32 $0xffff, v4;
	v19 =	vmax.f32 v31, v32;
	v5 =	vmax.f32 v33, v34;
	v6 =	vmax.f32 v35, v6  }
0x585: {  	v4 =	vmax.f32 v9, v8;
	(xrf0) =	vmax.scan.msk.f32 $0xffff, v8;
	v10 =	vmax.f32 v18, v19;
	v5 =	vmax.f32 v5, v6  }
0x586: {  	v4 =	vmax.f32 v4, v7;
	(xrf0) =	vmax.scan.msk.f32 $0xffff, v7;
	v5 =	vmax.f32 v10, v5  }
0x587: {  	v6 =	vmov s23;
	v4 =	vmax.f32 v4, v5;
	(xrf0) =	vmax.scan.msk.f32 $0xffff, v5  }
0x588: {  	s28 =	sadd.s32 $0x1, s23;
	v5 =	vand.u32 $0xFFFFFFFC, v6;
	(xrf0) =	vmax.scan.msk.f32 $0xffff, v4  }
0x589: {  	s29 =	sadd.s32 $0x2, s23;
	v6 =	vmov s28;
	v4 =	vbroadcast v5, $0x0  }
0x58a: {  	s30 =	sadd.s32 $0x3, s23;
	v5 =	vand.u32 $0xFFFFFFFD, v6;
	v6 =	vmov s29;
	v7, _, _ =	vpop (xrf0)  }
0x58b: {  	v10 =	vmov s30;
	v6 =	vand.u32 $0xFFFFFFFE, v6;
	v5 =	vbroadcast v5, $0x0;
	v8, _, _ =	vpop (xrf0)  }
0x58c: {  	v6 =	vbroadcast v6, $0x0;
	v9, _, _ =	vpop (xrf0)  }
0x58d: {  	v11, _, _ =	vpop (xrf0)  }
0x58e: {  	v12, _, _ =	vpop (xrf0)  }
0x58f: {  	[tilespmem:v4+s16+$0x0] =	vst.idx.msk vm0, v7;
	(v2sf) =	vpush v12, $0xF  }
0x590: {  	[tilespmem:v10+s16+$0x0] =	vst.idx.msk vm0, v11  }
0x591: {  	[tilespmem:v5+s16+$0x0] =	vst.idx.msk vm0, v8  }
0x592: {  	[tilespmem:v6+s16+$0x0] =	vst.idx.msk vm0, v9  }
0x593: {  	v19 =	vld [tilespmem:$0x1E180]  }
0x594: {  	v18 =	vld [tilespmem:$0x1E190]  }
0x595: {  	v17 =	vld [tilespmem:$0x1E1A0]  }
0x596: {  	v16 =	vld [tilespmem:$0x1E1B0]  }
0x597: {  	v15 =	vld [tilespmem:$0x1E1C0]  }
0x598: {  	v14 =	vld [tilespmem:$0x1E1D0]  }
0x599: {  	v13 =	vld [tilespmem:$0x1E1E0]  }
0x59a: {  	v12 =	vld [tilespmem:$0x1E1F0]  }
0x59b: {  	v11 =	vld [tilespmem:$0x1E200]  }
0x59c: {  	v10 =	vld [tilespmem:$0x1E210]  }
0x59d: {  	v9 =	vld [tilespmem:$0x1E220]  }
0x59e: {  	v8 =	vld [tilespmem:$0x1E230];
	s31 =	spop (v2sf)  }
0x59f: {  	v7 =	vld [tilespmem:$0x1E240];
	s23 =	sadd.f32 $-1.000000000e+00, s31  }
0x5a0: {  	v4 =	vld [tilespmem:$0x1E250]  }
0x5a1: {  	v5 =	vld [tilespmem:$0x1E260];
	v20 =	vmov s23  }
0x5a2: {  	v6 =	vld [tilespmem:$0x1E270];
	v21 =	vadd.f32 $0.0e+00, v19;
	s23 =	simm.s32 $0x7;
	vm1 =	vgt.f32 v19, v20;
	vm2 =	vgt.f32 v18, v20  }
.LBB2_80:
0x5a3: {  	p0 =	sne.s32 s23, $0x1;
	v22 =	vsel vm1, $0x3F800000, v0;
	v23 =	vsel vm2, $0x3F800000, v0  }
0x5a4: {  	vm3 =	vgt.f32 v17, v20;
	v22 =	vadd.f32 v23, v22  }
0x5a5: {  	v23 =	vsel vm3, $0x3F800000, v0  }
0x5a6: {  	vm4 =	vgt.f32 v16, v20;
	v22 =	vadd.f32 v23, v22  }
0x5a7: {  	v23 =	vsel vm4, $0x3F800000, v0  }
0x5a8: {  	vm5 =	vgt.f32 v15, v20;
	v22 =	vadd.f32 v23, v22  }
0x5a9: {  	v23 =	vsel vm5, $0x3F800000, v0  }
0x5aa: {  	vm6 =	vgt.f32 v14, v20;
	v22 =	vadd.f32 v23, v22  }
0x5ab: {  	v24 =	vnsel vm2, $0x0, v18;
	v25 =	vsel vm6, $0x3F800000, v0;
	v23 =	vnsel vm1, $0x0, v21  }
0x5ac: {  	vm1 =	vgt.f32 v13, v20;
	v23 =	vadd.f32 v24, v23;
	v22 =	vadd.f32 v25, v22  }
0x5ad: {  	v24 =	vnsel vm3, $0x0, v17;
	v25 =	vsel vm1, $0x3F800000, v0  }
0x5ae: {  	vm2 =	vgt.f32 v12, v20;
	v23 =	vadd.f32 v24, v23;
	v22 =	vadd.f32 v25, v22  }
0x5af: {  	v24 =	vnsel vm4, $0x0, v16;
	v25 =	vsel vm2, $0x3F800000, v0  }
0x5b0: {  	vm3 =	vgt.f32 v11, v20;
	v23 =	vadd.f32 v24, v23;
	v22 =	vadd.f32 v25, v22  }
0x5b1: {  	v24 =	vnsel vm5, $0x0, v15;
	v25 =	vsel vm3, $0x3F800000, v0  }
0x5b2: {  	vm4 =	vgt.f32 v10, v20;
	v23 =	vadd.f32 v24, v23;
	v22 =	vadd.f32 v25, v22  }
0x5b3: {  	v24 =	vnsel vm6, $0x0, v14;
	v25 =	vsel vm4, $0x3F800000, v0  }
0x5b4: {  	vm5 =	vgt.f32 v9, v20;
	v23 =	vadd.f32 v24, v23;
	v22 =	vadd.f32 v25, v22  }
0x5b5: {  	v24 =	vnsel vm1, $0x0, v13;
	v25 =	vsel vm5, $0x3F800000, v0  }
0x5b6: {  	vm1 =	vgt.f32 v8, v20;
	v23 =	vadd.f32 v24, v23;
	v22 =	vadd.f32 v25, v22  }
0x5b7: {  	v24 =	vnsel vm2, $0x0, v12;
	v25 =	vsel vm1, $0x3F800000, v0  }
0x5b8: {  	vm2 =	vgt.f32 v7, v20;
	v23 =	vadd.f32 v24, v23;
	v22 =	vadd.f32 v25, v22  }
0x5b9: {  	v24 =	vnsel vm3, $0x0, v11;
	v25 =	vsel vm2, $0x3F800000, v0  }
0x5ba: {  	vm3 =	vgt.f32 v4, v20;
	v23 =	vadd.f32 v24, v23;
	v22 =	vadd.f32 v25, v22  }
0x5bb: {  	v24 =	vnsel vm4, $0x0, v10;
	v25 =	vsel vm3, $0x3F800000, v0  }
0x5bc: {  	vm4 =	vgt.f32 v5, v20;
	v23 =	vadd.f32 v24, v23;
	v22 =	vadd.f32 v25, v22  }
0x5bd: {  	v24 =	vnsel vm5, $0x0, v9;
	v25 =	vsel vm4, $0x3F800000, v0  }
0x5be: {  	vm5 =	vgt.f32 v6, v20;
	v23 =	vadd.f32 v24, v23;
	v22 =	vadd.f32 v25, v22  }
0x5bf: {  	v20 =	vnsel vm1, $0x0, v8;
	v24 =	vsel vm5, $0x3F800000, v0  }
0x5c0: {  	v20 =	vadd.f32 v20, v23;
	v22 =	vadd.f32 v24, v22  }
0x5c1: {  	v23 =	vnsel vm2, $0x0, v7  }
0x5c2: {  	v20 =	vadd.f32 v23, v20;
	(xrf2) =	vadd.scan.msk.f32 $0xffff, v22  }
0x5c3: {  	v22 =	vnsel vm3, $0x0, v4  }
0x5c4: {  	v20 =	vadd.f32 v22, v20  }
0x5c5: {  	v22 =	vnsel vm4, $0x0, v5  }
0x5c6: {  	v20 =	vadd.f32 v22, v20  }
0x5c7: {  	v22 =	vnsel vm5, $0x0, v6  }
0x5c8: {  	v20 =	vadd.f32 v22, v20;
	_ =	sdelay $0x1  }
0x5c9: {  	(xrf2) =	vadd.scan.msk.f32 $0xffff, v20;
	_ =	sdelay $0x1  }
0x5ca: {  	v20, _, _ =	vpop (xrf2)  }
0x5cb: {  	v20 =	vbroadcast v20, $0xF;
	_ =	sdelay $0x1  }
0x5cc: {  	(erf) = vrcp.f32 v20;
	_ =	sdelay $0x4  }
0x5cd: {  	v20, _, _ =	vpop (xrf2)  }
0x5ce: {  	v20 =	vadd.f32 $-1.000000000e+00, v20;
	_ =	sdelay $0x1  }
.Ltmp55:
0x5cf: {  	v20 =	vbroadcast v20, $0xF;
	(pc) =	sbr.rel @p0 .LBB2_80-.Ltmp55, $3  }
0x5d0: {  	v22 =	vpop (erf)  }
0x5d1: {  	v20 =	vmul.f32 v22, v20;
	_ =	sdelay $0x1  }
0x5d2: {  	s23 =	sadd.s32 $0xFFFFFFFF, s23;
	vm1 =	vgt.f32 v19, v20;
	vm2 =	vgt.f32 v18, v20  }
0x5d3: {  	v19 =	vsel vm1, $0x3F800000, v0;
	v22 =	vsel vm2, $0x3F800000, v0  }
0x5d4: {  	vm3 =	vgt.f32 v17, v20;
	v19 =	vadd.f32 v22, v19  }
0x5d5: {  	v40 =	vsel vm3, $0x3F800000, v0  }
0x5d6: {  	vm4 =	vgt.f32 v16, v20;
	v19 =	vadd.f32 v40, v19  }
0x5d7: {  	v41 =	vsel vm4, $0x3F800000, v0  }
0x5d8: {  	vm5 =	vgt.f32 v15, v20;
	v19 =	vadd.f32 v41, v19  }
0x5d9: {  	v42 =	vsel vm5, $0x3F800000, v0  }
0x5da: {  	vm6 =	vgt.f32 v14, v20;
	v19 =	vadd.f32 v42, v19  }
0x5db: {  	v21 =	vnsel vm1, $0x0, v21;
	v18 =	vnsel vm2, $0x0, v18;
	v43 =	vsel vm6, $0x3F800000, v0  }
0x5dc: {  	vm1 =	vgt.f32 v13, v20;
	v18 =	vadd.f32 v18, v21;
	v19 =	vadd.f32 v43, v19  }
0x5dd: {  	v17 =	vnsel vm3, $0x0, v17;
	v44 =	vsel vm1, $0x3F800000, v0  }
0x5de: {  	vm2 =	vgt.f32 v12, v20;
	v17 =	vadd.f32 v17, v18;
	v45 =	vadd.f32 v44, v19  }
0x5df: {  	v16 =	vnsel vm4, $0x0, v16;
	v46 =	vsel vm2, $0x3F800000, v0  }
0x5e0: {  	vm3 =	vgt.f32 v11, v20;
	v16 =	vadd.f32 v16, v17;
	v47 =	vadd.f32 v46, v45  }
0x5e1: {  	v15 =	vnsel vm5, $0x0, v15;
	v48 =	vsel vm3, $0x3F800000, v0  }
0x5e2: {  	vm12 =	vgt.f32 v10, v20;
	v15 =	vadd.f32 v15, v16;
	v49 =	vadd.f32 v48, v47  }
0x5e3: {  	v14 =	vnsel vm6, $0x0, v14;
	v50 =	vsel vm12, $0x3F800000, v0  }
0x5e4: {  	vm13 =	vgt.f32 v9, v20;
	v14 =	vadd.f32 v14, v15;
	v51 =	vadd.f32 v50, v49  }
0x5e5: {  	v13 =	vnsel vm1, $0x0, v13;
	v52 =	vsel vm13, $0x3F800000, v0  }
0x5e6: {  	vm1 =	vgt.f32 v8, v20;
	v13 =	vadd.f32 v13, v14;
	v53 =	vadd.f32 v52, v51  }
0x5e7: {  	v12 =	vnsel vm2, $0x0, v12;
	v54 =	vsel vm1, $0x3F800000, v0  }
0x5e8: {  	vm2 =	vgt.f32 v7, v20;
	v12 =	vadd.f32 v12, v13;
	v55 =	vadd.f32 v54, v53  }
0x5e9: {  	v11 =	vnsel vm3, $0x0, v11;
	v56 =	vsel vm2, $0x3F800000, v0  }
0x5ea: {  	vm3 =	vgt.f32 v4, v20;
	v11 =	vadd.f32 v11, v12;
	v57 =	vadd.f32 v56, v55  }
0x5eb: {  	v10 =	vnsel vm12, $0x0, v10;
	v58 =	vsel vm3, $0x3F800000, v0  }
0x5ec: {  	vm14 =	vgt.f32 v5, v20;
	v10 =	vadd.f32 v10, v11;
	v59 =	vadd.f32 v58, v57  }
0x5ed: {  	v9 =	vnsel vm13, $0x0, v9;
	v60 =	vsel vm14, $0x3F800000, v0  }
0x5ee: {  	vm15 =	vgt.f32 v6, v20;
	v9 =	vadd.f32 v9, v10;
	v61 =	vadd.f32 v60, v59  }
0x5ef: {  	v62 =	vsel vm15, $0x3F800000, v0;
	v8 =	vnsel vm1, $0x0, v8  }
0x5f0: {  	v8 =	vadd.f32 v8, v9;
	v63 =	vadd.f32 v62, v61  }
0x5f1: {  	v7 =	vnsel vm2, $0x0, v7  }
0x5f2: {  	v7 =	vadd.f32 v7, v8;
	(xrf2) =	vadd.scan.msk.f32 $0xffff, v63  }
0x5f3: {  	v4 =	vnsel vm3, $0x0, v4  }
0x5f4: {  	v4 =	vadd.f32 v4, v7  }
0x5f5: {  	v5 =	vnsel vm14, $0x0, v5  }
0x5f6: {  	v4 =	vadd.f32 v5, v4  }
0x5f7: {  	v5 =	vnsel vm15, $0x0, v6  }
0x5f8: {  	v4 =	vadd.f32 v5, v4;
	_ =	sdelay $0x1  }
0x5f9: {  	(xrf2) =	vadd.scan.msk.f32 $0xffff, v4;
	_ =	sdelay $0x1  }
0x5fa: {  	v4, _, _ =	vpop (xrf2)  }
0x5fb: {  	v4 =	vbroadcast v4, $0xF;
	_ =	sdelay $0x1  }
0x5fc: {  	(erf) = vrcp.f32 v4;
	_ =	sdelay $0x4  }
0x5fd: {  	v4, _, _ =	vpop (xrf2)  }
0x5fe: {  	v4 =	vadd.f32 $-1.000000000e+00, v4;
	_ =	sdelay $0x1  }
0x5ff: {  	v4 =	vbroadcast v4, $0xF  }
0x600: {  	s23 =	simm.s32 $0x1E180;
	v5 =	vpop (erf)  }
0x601: {  	s25 =	simm.s32 $0x0;
	s26 =	simm.s32 $0x10;
	v7 =	vld [tilespmem:s23+$0x0];
	v6 =	vimm.s32 $0x0;
	v4 =	vmul.f32 v5, v4;
	v5 =	vimm.s32 $0x0  }
.LBB2_82:
0x602: {  	p0 =	sne.s32 s26, $0xF0;
	_ =	sdelay $0x3  }
0x603: {  	vm1 =	vgt.f32 v7, v4  }
0x604: {  	v7 =	vsel vm1, $0x1, v1;
	v8 =	vmpcnt.ones.xlane vm1  }
0x605: {  	(xrf0) =	vadd.scan.msk.s32 $0xffff, v7  }
0x606: {  	v6 =	vadd.s32 v6, v8;
	_ =	sdelay $0x4  }
0x607: {  	v7, _, _ =	vpop (xrf0)  }
0x608: {  	v7 =	vadd.s32 v7, v5;
	v5 =	vmov v6  }
0x609: {  	v7 =	vadd.s32 $0xFFFFFFFF, v7;
	_ =	sdelay $0x1  }
.Ltmp56:
0x60a: {  	(pc) =	sbr.rel @p0 .LBB2_82-.Ltmp56, $4  }
0x60b: {  	_ = 	snop  }
0x60c: {  	v8 =	vor.u32 s25, v2;
	s25 =	smov.u32 s26  }
0x60d: {  	s23 =	sadd.s32 $0x10, s23;
	[tilespmem:v7+s17+$0x0] =	vst.idx.msk vm1, v8  }
0x60e: {  	s26 =	sadd.s32 $0x10, s26;
	v7 =	vld [tilespmem:s23+$0x0]  }
0x60f: {  	_ =	sdelay $0x3  }
0x610: {  	vm1 =	vgt.f32 v7, v4  }
0x611: {  	v7 =	vmpcnt.ones.xlane vm1;
	_ =	sdelay $0x1  }
0x612: {  	v8 =	vsel vm1, $0x1, v1;
	v6 =	vadd.s32 v6, v7  }
0x613: {  	(xrf0) =	vadd.scan.msk.s32 $0xffff, v8;
	v6 =	vxor.u32 $0x80000000, v6  }
0x614: {  	(xrf0) =	vmax.scan.msk.u32 $0xffff, v6;
	_ =	sdelay $0x4  }
0x615: {  	v6, _, _ =	vpop (xrf0)  }
0x616: {  	v7, _, _ =	vpop (xrf0)  }
0x617: {  	(v2sf) =	vpush v7, $0xF;
	_ =	sdelay $0xe  }
0x618: {  	s23 =	spop (v2sf)  }
0x619: {  	v5 =	vadd.s32 v6, v5;
	s23 =	sxor.u32 $0x80000000, s23  }
0x61a: {  	v5 =	vadd.s32 $0xFFFFFFFF, v5;
	p0 =	slt.s32 s23, $0x1  }
.Ltmp57:
0x61b: {  	_ = 	snop;
	(pc) =	sbr.rel @p0 .LBB2_85-.Ltmp57, $3  }
0x61c: {  	_ =	sdelay $0x1  }
0x61d: {  	v6 =	vor.u32 s25, v2  }
0x61e: {  	s25 =	simm.s32 $0x1E280;
	[tilespmem:v5+s17+$0x0] =	vst.idx.msk vm1, v6;
	v5 =	vimm.s32 $0x0  }
.LBB2_84:
0x61f: {  	v6 =	vld [tilespmem:s25+$0x0];
	_ =	sdelay $0x4  }
0x620: {  	(v2sf) =	vpush v6, $0x0;
	_ =	sdelay $0xe  }
0x621: {  	s26 =	spop (v2sf)  }
0x622: {  	s28 =	sshll.u32 s26, $0x9  }
0x623: {  	s28 =	sshra.s32 s28, $0x2  }
0x624: {  	v6 =	vld [tilespmem:s28+$0x8000];
	_ =	sdelay $0x4  }
0x625: {  	vm1 =	vgt.f32 v6, v4  }
0x626: {  	v7 =	vsel vm1, $0x1, v1  }
0x627: {  	(xrf0) =	vadd.scan.msk.s32 $0xffff, v7;
	_ =	sdelay $0x5  }
0x628: {  	v7, _, _ =	vpop (xrf0)  }
0x629: {  	v7 =	vadd.s32 v7, v5  }
0x62a: {  	v7 =	vadd.s32 $0xFFFFFFFF, v7  }
0x62b: {  	vm2 =	vlt.s32 v7, $0x2000  }
0x62c: {  	vm2 =	vmand vm1, vm2;
	_ =	sdelay $0x4  }
0x62d: {  	s26 =	sshll.u32 s26, $0x7  }
0x62e: {  	[tilespmem:v7+s18+$0x0] =	vst.idx.msk vm2, v6;
	v6 =	vor.u32 s26, v2  }
0x62f: {  	[tilespmem:v7+s21+$0x0] =	vst.idx.msk vm2, v6  }
0x630: {  	v6 =	vld [tilespmem:s28+$0x8010];
	_ =	sdelay $0x4  }
0x631: {  	vm2 =	vgt.f32 v6, v4  }
0x632: {  	v7 =	vsel vm2, $0x1, v1  }
0x633: {  	(xrf0) =	vadd.scan.msk.s32 $0xffff, v7;
	_ =	sdelay $0x1  }
0x634: {  	v7 =	vmpcnt.ones.xlane vm1;
	_ =	sdelay $0x3  }
0x635: {  	v5 =	vadd.s32 v5, v7;
	v7, _, _ =	vpop (xrf0)  }
0x636: {  	v7 =	vadd.s32 v7, v5  }
0x637: {  	v7 =	vadd.s32 $0xFFFFFFFF, v7  }
0x638: {  	vm1 =	vlt.s32 v7, $0x2000  }
0x639: {  	vm1 =	vmand vm2, vm1;
	_ =	sdelay $0x4  }
0x63a: {  	s29 =	sor.u32 $0x10, s26  }
0x63b: {  	[tilespmem:v7+s18+$0x0] =	vst.idx.msk vm1, v6;
	v6 =	vor.u32 s29, v2  }
0x63c: {  	[tilespmem:v7+s21+$0x0] =	vst.idx.msk vm1, v6  }
0x63d: {  	v6 =	vld [tilespmem:s28+$0x8020];
	_ =	sdelay $0x4  }
0x63e: {  	vm1 =	vgt.f32 v6, v4  }
0x63f: {  	v7 =	vsel vm1, $0x1, v1  }
0x640: {  	(xrf0) =	vadd.scan.msk.s32 $0xffff, v7;
	_ =	sdelay $0x1  }
0x641: {  	v7 =	vmpcnt.ones.xlane vm2;
	_ =	sdelay $0x3  }
0x642: {  	v5 =	vadd.s32 v5, v7;
	v7, _, _ =	vpop (xrf0)  }
0x643: {  	v7 =	vadd.s32 v7, v5  }
0x644: {  	v7 =	vadd.s32 $0xFFFFFFFF, v7  }
0x645: {  	vm2 =	vlt.s32 v7, $0x2000  }
0x646: {  	vm2 =	vmand vm1, vm2;
	_ =	sdelay $0x4  }
0x647: {  	s31 =	sor.u32 $0x20, s26  }
0x648: {  	[tilespmem:v7+s18+$0x0] =	vst.idx.msk vm2, v6;
	v6 =	vor.u32 s31, v2  }
0x649: {  	[tilespmem:v7+s21+$0x0] =	vst.idx.msk vm2, v6  }
0x64a: {  	v6 =	vld [tilespmem:s28+$0x8030];
	_ =	sdelay $0x4  }
0x64b: {  	vm2 =	vgt.f32 v6, v4  }
0x64c: {  	v7 =	vsel vm2, $0x1, v1  }
0x64d: {  	(xrf0) =	vadd.scan.msk.s32 $0xffff, v7;
	_ =	sdelay $0x1  }
0x64e: {  	v7 =	vmpcnt.ones.xlane vm1;
	_ =	sdelay $0x3  }
0x64f: {  	v5 =	vadd.s32 v5, v7;
	v7, _, _ =	vpop (xrf0)  }
0x650: {  	v7 =	vadd.s32 v7, v5  }
0x651: {  	v7 =	vadd.s32 $0xFFFFFFFF, v7  }
0x652: {  	vm1 =	vlt.s32 v7, $0x2000  }
0x653: {  	vm1 =	vmand vm2, vm1;
	_ =	sdelay $0x4  }
0x654: {  	s30 =	sor.u32 $0x30, s26  }
0x655: {  	[tilespmem:v7+s18+$0x0] =	vst.idx.msk vm1, v6;
	v6 =	vor.u32 s30, v2  }
0x656: {  	[tilespmem:v7+s21+$0x0] =	vst.idx.msk vm1, v6  }
0x657: {  	v6 =	vld [tilespmem:s28+$0x8040];
	_ =	sdelay $0x4  }
0x658: {  	vm1 =	vgt.f32 v6, v4  }
0x659: {  	v7 =	vsel vm1, $0x1, v1  }
0x65a: {  	(xrf0) =	vadd.scan.msk.s32 $0xffff, v7;
	_ =	sdelay $0x1  }
0x65b: {  	v7 =	vmpcnt.ones.xlane vm2;
	_ =	sdelay $0x3  }
0x65c: {  	v5 =	vadd.s32 v5, v7;
	v7, _, _ =	vpop (xrf0)  }
0x65d: {  	v7 =	vadd.s32 v7, v5  }
0x65e: {  	v7 =	vadd.s32 $0xFFFFFFFF, v7  }
0x65f: {  	vm2 =	vlt.s32 v7, $0x2000  }
0x660: {  	vm2 =	vmand vm1, vm2;
	_ =	sdelay $0x4  }
0x661: {  	s31 =	sor.u32 $0x40, s26  }
0x662: {  	[tilespmem:v7+s18+$0x0] =	vst.idx.msk vm2, v6;
	v6 =	vor.u32 s31, v2  }
0x663: {  	[tilespmem:v7+s21+$0x0] =	vst.idx.msk vm2, v6  }
0x664: {  	v6 =	vld [tilespmem:s28+$0x8050];
	_ =	sdelay $0x4  }
0x665: {  	vm2 =	vgt.f32 v6, v4  }
0x666: {  	v7 =	vsel vm2, $0x1, v1  }
0x667: {  	(xrf0) =	vadd.scan.msk.s32 $0xffff, v7;
	_ =	sdelay $0x1  }
0x668: {  	v7 =	vmpcnt.ones.xlane vm1;
	_ =	sdelay $0x3  }
0x669: {  	v5 =	vadd.s32 v5, v7;
	v7, _, _ =	vpop (xrf0)  }
0x66a: {  	v7 =	vadd.s32 v7, v5  }
0x66b: {  	v7 =	vadd.s32 $0xFFFFFFFF, v7  }
0x66c: {  	vm1 =	vlt.s32 v7, $0x2000  }
0x66d: {  	vm1 =	vmand vm2, vm1;
	_ =	sdelay $0x4  }
0x66e: {  	s30 =	sor.u32 $0x50, s26  }
0x66f: {  	[tilespmem:v7+s18+$0x0] =	vst.idx.msk vm1, v6;
	v6 =	vor.u32 s30, v2  }
0x670: {  	[tilespmem:v7+s21+$0x0] =	vst.idx.msk vm1, v6  }
0x671: {  	v6 =	vld [tilespmem:s28+$0x8060];
	_ =	sdelay $0x4  }
0x672: {  	vm1 =	vgt.f32 v6, v4  }
0x673: {  	v7 =	vsel vm1, $0x1, v1  }
0x674: {  	(xrf0) =	vadd.scan.msk.s32 $0xffff, v7;
	_ =	sdelay $0x1  }
0x675: {  	v7 =	vmpcnt.ones.xlane vm2;
	_ =	sdelay $0x3  }
0x676: {  	v5 =	vadd.s32 v5, v7;
	v7, _, _ =	vpop (xrf0)  }
0x677: {  	v7 =	vadd.s32 v7, v5  }
0x678: {  	v7 =	vadd.s32 $0xFFFFFFFF, v7  }
0x679: {  	vm2 =	vlt.s32 v7, $0x2000  }
0x67a: {  	vm2 =	vmand vm1, vm2;
	_ =	sdelay $0x4  }
0x67b: {  	s31 =	sor.u32 $0x60, s26  }
0x67c: {  	[tilespmem:v7+s18+$0x0] =	vst.idx.msk vm2, v6;
	v6 =	vor.u32 s31, v2  }
0x67d: {  	[tilespmem:v7+s21+$0x0] =	vst.idx.msk vm2, v6  }
0x67e: {  	v6 =	vld [tilespmem:s28+$0x8070];
	_ =	sdelay $0x4  }
0x67f: {  	vm2 =	vgt.f32 v6, v4  }
0x680: {  	v7 =	vsel vm2, $0x1, v1  }
0x681: {  	(xrf0) =	vadd.scan.msk.s32 $0xffff, v7;
	_ =	sdelay $0x1  }
0x682: {  	v7 =	vmpcnt.ones.xlane vm1;
	_ =	sdelay $0x3  }
0x683: {  	v5 =	vadd.s32 v5, v7;
	v7, _, _ =	vpop (xrf0)  }
0x684: {  	v7 =	vadd.s32 v7, v5  }
0x685: {  	v7 =	vadd.s32 $0xFFFFFFFF, v7  }
0x686: {  	vm1 =	vlt.s32 v7, $0x2000  }
0x687: {  	vm1 =	vmand vm2, vm1;
	_ =	sdelay $0x1  }
0x688: {  	p0 =	sne.s32 s23, $0x1  }
.Ltmp58:
0x689: {  	_ = 	snop;
	(pc) =	sbr.rel @p0 .LBB2_84-.Ltmp58, $4  }
0x68a: {  	_ = 	snop  }
0x68b: {  	s26 =	sor.u32 $0x70, s26;
	v8 =	vmpcnt.ones.xlane vm2  }
0x68c: {  	[tilespmem:v7+s18+$0x0] =	vst.idx.msk vm1, v6;
	v6 =	vor.u32 s26, v2  }
0x68d: {  	s25 =	sadd.s32 $0x1, s25;
	s23 =	sadd.s32 $0xFFFFFFFF, s23;
	v5 =	vadd.s32 v5, v8;
	[tilespmem:v7+s21+$0x0] =	vst.idx.msk vm1, v6  }
.LBB2_85:
0x68e: {  	v6 =	vxor.u32 $0x80000000, v5  }
0x68f: {  	(xrf0) =	vmax.scan.msk.u32 $0xffff, v6;
	_ =	sdelay $0x5  }
0x690: {  	v6, _, _ =	vpop (xrf0)  }
0x691: {  	(v2sf) =	vpush v6, $0xF;
	_ =	sdelay $0xc  }
0x692: {  	v5 =	vadd.s32 v2, v5  }
0x693: {  	vm1 =	vlt.s32 v5, $0x200F  }
0x694: {  	v5 =	vnsel vm1, $0x200F, v5;
	s23 =	spop (v2sf)  }
0x695: {  	s23 =	sxor.u32 $0x80000000, s23  }
.Ltmp59:
0x696: {  	p0 =	slt.s32 s23, $0x2000;
	(pc) =	sbr.rel .LBB2_86-.Ltmp59, $4  }
0x697: {  	s23 =	simm.s32 @!p0 $0x2000  }
0x698: {  	s23 =	sadd.s32 $0xF, s23  }
0x699: {  	[tilespmem:v5+s18+$0x0] =	vst.idx.msk $0xffff, v3;
	s23 =	sshrl.u32 s23, $0x4  }
0x69a: {  	s25 =	simm.s32 $0x0;
	[tilespmem:v5+s21+$0x0] =	vst.idx.msk $0xffff, v1;
	p0 =	seq.s32 s23, $0x0  }
.LBB2_87:
0x69b: {  	v4 =	vimm.f32 $0.0e+00  }
.LBB2_91:
0x69c: {  	(xrf2) =	vadd.scan.msk.f32 $0xffff, v5  }
0x69d: {  	(xrf2) =	vadd.scan.msk.f32 $0xffff, v4;
	_ =	sdelay $0x8  }
0x69e: {  	v4, _, _ =	vpop (xrf2)  }
0x69f: {  	v5, _, _ =	vpop (xrf2)  }
0x6a0: {  	v5 =	vbroadcast v5, $0xF;
	_ =	sdelay $0x1  }
0x6a1: {  	(erf) = vrcp.f32 v5;
	_ =	sdelay $0x3  }
0x6a2: {  	s25 =	sadd.s32 $0x1, s25  }
0x6a3: {  	p1 =	sne.s32 s25, $0xC  }
.Ltmp60:
0x6a4: {  	v4 =	vadd.f32 $-1.000000000e+00, v4;
	(pc) =	sbr.rel @!p1 .LBB2_92-.Ltmp60, $4  }
0x6a5: {  	_ = 	snop  }
0x6a6: {  	v4 =	vbroadcast v4, $0xF  }
0x6a7: {  	v5 =	vpop (erf)  }
0x6a8: {  	v4 =	vmul.f32 v5, v4  }
.LBB2_86:
.Ltmp61:
0x6a9: {  	(pc) =	sbr.rel @p0 .LBB2_87-.Ltmp61, $2  }
0x6aa: {  	_ =	sdelay $0x2  }
0x6ab: {  	s28 =	simm.s32 $0x18000;
	v5 =	vimm.f32 $0.0e+00  }
0x6ac: {  	v6 =	vld [tilespmem:s28+$0x0];
	p1 =	sne.s32 s23, $0x1  }
.Ltmp62:
0x6ad: {  	_ = 	snop;
	(pc) =	sbr.rel @!p1 .LBB2_90-.Ltmp62, $2  }
0x6ae: {  	_ =	sdelay $0x2  }
0x6af: {  	s26 =	sadd.s32 $0xFFFFFFFF, s23;
	s28 =	sadd.s32 $0x10, s28;
	v7 =	vimm.f32 $0.0e+00;
	vm1 =	vgt.f32 v6, v4  }
.LBB2_89:
0x6b0: {  	p1 =	sne.s32 s26, $0x1;
	s26 =	sadd.s32 $0xFFFFFFFF, s26;
	v8 =	vnsel vm1, $0x0, v6;
	v6 =	vld [tilespmem:s28+$0x0];
	v9 =	vsel vm1, $0x3F800000, v0  }
.Ltmp63:
0x6b1: {  	v5 =	vadd.f32 v8, v5;
	v7 =	vadd.f32 v9, v7;
	(pc) =	sbr.rel @p1 .LBB2_89-.Ltmp63, $2  }
0x6b2: {  	_ =	sdelay $0x2  }
0x6b3: {  	s28 =	sadd.s32 $0x10, s28;
	vm1 =	vgt.f32 v6, v4  }
.LBB2_90:
.Ltmp64:
0x6b4: {  	(pc) =	sbr.rel .LBB2_91-.Ltmp64, $4  }
0x6b5: {  	_ = 	snop  }
0x6b6: {  	v4 =	vnsel vm1, $0x0, v6  }
0x6b7: {  	v6 =	vsel vm1, $0x3F800000, v0;
	v5 =	vadd.f32 v4, v5  }
0x6b8: {  	v4 =	vadd.f32 v6, v7  }
.LBB2_92:
0x6b9: {  	p1 =	sne.s32 s24, $0x0  }
.Ltmp65:
0x6ba: {  	_ = 	snop;
	(pc) =	sbr.rel @!p1 .LBB2_93-.Ltmp65, $4  }
0x6bb: {  	_ = 	snop  }
0x6bc: {  	_ =	swait.ge [sflag:s22], $0x8000  }
0x6bd: {  	[sflag:s22] =	ssyncset.done $0x0  }
0x6be: {  	s25 =	simm.s32 $0x1A080;
	[sflag:s22] =	ssyncadd.s32 $0xFFFF8000  }
0x6bf: {  	p1 =	seq.s32 s24, $0x1  }
.Ltmp66:
0x6c0: {  	_ = 	snop;
	(pc) =	sbr.rel @p1 .LBB2_98-.Ltmp66, $2  }
0x6c1: {  	_ =	sdelay $0x2  }
0x6c2: {  	v5 =	vld [tilespmem:s25+$0x0];
	s24 =	sadd.s32 $0xFFFFFFFF, s24  }
.LBB2_97:
0x6c3: {  	p1 =	seq.s32 s24, $0x1;
	_ =	sdelay $0x3  }
.Ltmp67:
0x6c4: {  	(pc) =	sbr.rel @!p1 .LBB2_97-.Ltmp67, $3  }
0x6c5: {  	_ =	sdelay $0x1  }
0x6c6: {  	s25 =	sadd.s32 $0x10, s25;
	[tilespmem:v5+s20+$0x0] =	vst.idx.msk $0xffff, v0  }
0x6c7: {  	s24 =	sadd.s32 $0xFFFFFFFF, s24;
	v5 =	vld [tilespmem:s25+$0x0]  }
.LBB2_98:
0x6c8: {  	_ =	sdelay $0x7  }
0x6c9: {  	[tilespmem:v5+s20+$0x0] =	vst.idx.msk $0xffff, v0  }
.LBB2_93:
.Ltmp68:
0x6ca: {  	(pc) =	sbr.rel @p0 .LBB2_103-.Ltmp68, $1  }
0x6cb: {  	_ =	sdelay $0x3  }
0x6cc: {  	p1 =	sne.s32 s23, $0x1  }
.Ltmp69:
0x6cd: {  	_ = 	snop;
	(pc) =	sbr.rel @!p1 .LBB2_95-.Ltmp69, $3  }
0x6ce: {  	_ =	sdelay $0x1  }
0x6cf: {  	s25 =	simm.s32 $0x18000  }
0x6d0: {  	s24 =	simm.s32 $0x1C100;
	s23 =	sadd.s32 $0xFFFFFFFF, s23;
	p0 =	por $0x0, $0x0;
	v5 =	vld [tilespmem:s25+$0x0]  }
0x6d1: {  	_ =	sdelay $0x1  }
0x6d2: {  	v6 =	vld [tilespmem:s24+$0x0];
	_ =	sdelay $0x1  }
0x6d3: {  	vm1 =	vgt.f32 v5, v4;
	_ =	sdelay $0x1  }
0x6d4: {  	p1 =	sne.s32 s23, $0x1  }
.Ltmp70:
0x6d5: {  	v5 =	vsub.f32 v5, v4;
	(pc) =	sbr.rel @!p1 .LBB2_100-.Ltmp70, $4  }
0x6d6: {  	_ = 	snop  }
0x6d7: {  	v5 =	vmax.f32 v5, $0.0e+00  }
0x6d8: {  	s25 =	simm.s32 $0x18010;
	[tilespmem:v6+s20+$0x0] =	vst.idx.msk vm1, v5  }
0x6d9: {  	s26 =	sadd.s32 $0xFFFFFFFF, s23;
	p0 =	por $0x1, $0x1;
	s23 =	simm.s32 $0x1C100;
	v5 =	vld [tilespmem:s25+$0x0]  }
.LBB2_101:
0x6da: {  	p1 =	sne.s32 s26, $0x1  }
0x6db: {  	s23 =	sadd.s32 $0x10, s23  }
0x6dc: {  	v6 =	vld [tilespmem:s23+$0x0];
	_ =	sdelay $0x1  }
0x6dd: {  	vm1 =	vgt.f32 v5, v4;
	_ =	sdelay $0x2  }
.Ltmp71:
0x6de: {  	v5 =	vsub.f32 v5, v4;
	(pc) =	sbr.rel @p1 .LBB2_101-.Ltmp71, $4  }
0x6df: {  	_ = 	snop  }
0x6e0: {  	v5 =	vmax.f32 v5, $0.0e+00  }
0x6e1: {  	s25 =	sadd.s32 $0x10, s25;
	[tilespmem:v6+s20+$0x0] =	vst.idx.msk vm1, v5  }
0x6e2: {  	s26 =	sadd.s32 $0xFFFFFFFF, s26;
	v5 =	vld [tilespmem:s25+$0x0]  }
.Ltmp72:
0x6e3: {  	_ = 	snop;
	(pc) =	sbr.rel .LBB2_102-.Ltmp72, $1  }
0x6e4: {  	_ =	sdelay $0x3  }
.LBB2_16:
.Ltmp73:
0x6e5: {  	(pc) =	sbr.rel .LBB2_24-.Ltmp73, $2  }
0x6e6: {  	_ =	sdelay $0x2  }
0x6e7: {  	s25 =	simm.s32 $0x1A080  }
.LBB2_43:
.Ltmp74:
0x6e8: {  	(pc) =	sbr.rel .LBB2_50-.Ltmp74, $2  }
0x6e9: {  	_ =	sdelay $0x2  }
0x6ea: {  	s25 =	simm.s32 $0x1C100  }
.LBB2_69:
.Ltmp75:
0x6eb: {  	(pc) =	sbr.rel .LBB2_76-.Ltmp75, $2  }
0x6ec: {  	_ =	sdelay $0x2  }
0x6ed: {  	s25 =	simm.s32 $0x1A080  }
.LBB2_22:
.Ltmp76:
0x6ee: {  	(pc) =	sbr.rel .LBB2_24-.Ltmp76, $2  }
0x6ef: {  	_ =	sdelay $0x2  }
0x6f0: {  	s25 =	simm.s32 $0x1A080  }
.LBB2_48:
.Ltmp77:
0x6f1: {  	(pc) =	sbr.rel .LBB2_50-.Ltmp77, $2  }
0x6f2: {  	_ =	sdelay $0x2  }
0x6f3: {  	s25 =	simm.s32 $0x1C100  }
.LBB2_74:
.Ltmp78:
0x6f4: {  	(pc) =	sbr.rel .LBB2_76-.Ltmp78, $2  }
0x6f5: {  	_ =	sdelay $0x2  }
0x6f6: {  	s25 =	simm.s32 $0x1A080  }
.LBB2_100:
.Ltmp79:
0x6f7: {  	(pc) =	sbr.rel .LBB2_102-.Ltmp79, $2  }
0x6f8: {  	_ =	sdelay $0x2  }
0x6f9: {  	s23 =	simm.s32 $0x1C100  }
.LBB2_104:
0x6fa: {  	_ =	sfence.sel $0x180000  }
0x6fb: {  	[bflag:$0x0] =	sbarrier.arrive $0xFFFF  }
0x6fc: {  	p0 =	sne.s32 s1, $0x0;
	_ =	strace $0x90000047  }
0x6fd: {  	s0 =	sadd.s32 @!p0 $0x100000, s0;
	[bflag:$0x2] =	sbarrier.arrive $0xFFFF  }
0x6fe: {  	[sflag:s0] =	ssyncadd.tile.s32 @!p0 $0x1;
	_ =	shalt  }
.Lfunc_end2:
_tile_overlayer_lowered:
.L_overlay_start_2:
0x6ff: {  	(tag) =	ssettag $0x2  }
0x700: {  	s0 =	rddreg [dreg:$0x0];
	s2 =	stileid.u32  }
0x701: {  	s1 =	rddreg [dreg:$0x1];
	p0 =	sne.s32 s2, $0x0  }
0x702: {  	s3 =	rddreg [dreg:$0x2];
	[bflag:$0x3] =	sbarrier.arrive $0xFFFF;
	s2 =	simm.s32 @!p0 $0x1C03  }
0x703: {  	[timem:s3], [sflag:s2] =	dma.local @!p0 [hbm:s0], s1  }
0x704: {  	s0 =	simm.s32 @!p0 $0x3  }
0x705: {  	_ =	swait.ge @!p0 [sflag:s0], s1  }
0x706: {  	s1 =	ssub.s32 @!p0 $0x0, s1;
	[sflag:s0] =	ssyncset.done @!p0 $0x0  }
0x707: {  	[sflag:s0] =	ssyncadd.s32 @!p0 s1  }
0x708: {  	[bflag:$0x3] =	sbarrier.arrive $0xFFFF  }
0x709: {  	_ =	shalt  }

</sc_bundles>
